<compile_context>
chip_gen: v7x
topology: tpu7x:2x2x1
jax: 0.10.2.dev20260603
libtpu: 0.0.44.dev20260713+nightly
codegen_flags: <defaults>
</compile_context>

<pallas_src>
import functools

import jax
import jax.numpy as jnp
from jax import lax
from jax.experimental import pallas as pl
from jax.experimental.pallas import tpu as pltpu
from jax.experimental.pallas import tpu_sc as plsc

VOCAB = 1000000
D = 64
A = 4096
S = 200
B = A * S

_info = plsc.get_sparse_core_info()
NC, NS = _info.num_cores, _info.num_subcores
NW = NC * NS

SB = 256
NFULL = VOCAB // SB
TAIL = VOCAB - NFULL * SB
NPAIR = (NFULL // NW) // 2

UNITS = (S * (A // 128))
UPC = UNITS // NW


def _iota16():
    return lax.iota(jnp.int32, 16)


@functools.partial(
    pl.kernel,
    mesh=plsc.VectorSubcoreMesh(core_axis_name="c", subcore_axis_name="s"),
    out_type=jax.ShapeDtypeStruct((VOCAB // 2, 128), jnp.float32),
    compiler_params=pltpu.CompilerParams(needs_layout_passes=False),
    scratch_types=[
        pltpu.VMEM((64, SB), jnp.float32),
        pltpu.VMEM((64, SB), jnp.float32),
        pltpu.VMEM((128, 128), jnp.float32),
        pltpu.VMEM((128, 128), jnp.float32),
        pltpu.SemaphoreType.DMA,
        pltpu.SemaphoreType.DMA,
        pltpu.SemaphoreType.DMA,
        pltpu.SemaphoreType.DMA,
    ],
)
def _convert_kernel(tt_hbm, tail_hbm, tc_hbm, tin0, tin1, ro0, ro1,
                    r0, r1, w0, w1):
    wid = lax.axis_index("s") * NC + lax.axis_index("c")
    iota = _iota16()

    def fire_reads(u, tin, sem):
        for ct in range(8):
            pltpu.async_copy(
                tt_hbm.at[pl.ds(8 * ct, 8), pl.ds(u * SB, SB)],
                tin.at[pl.ds(8 * ct, 8), :], sem)

    def wait_reads(u, tin, sem):
        for ct in range(8):
            pltpu.make_async_copy(
                tt_hbm.at[pl.ds(8 * ct, 8), pl.ds(u * SB, SB)],
                tin.at[pl.ds(8 * ct, 8), :], sem).wait()

    rotv = [(iota + d) & 15 for d in range(16)]

    def transpose(tin, ro):
        @plsc.parallel_loop(0, 64, unroll=2)
        def body(i):
            l0 = (i // 4) * 16
            c0 = (i % 4) * 16
            cvec = c0 + iota
            for d in range(16):
                lvec = l0 + rotv[d]
                vals = plsc.load_gather(tin, [cvec, lvec])
                pvec = lvec >> 1
                qvec = ((lvec & 1) << 6) + cvec
                plsc.store_scatter(ro, [pvec, qvec], vals)

    def wdesc(u, ro, wsem):
        return pltpu.make_async_copy(
            ro, tc_hbm.at[pl.ds(u * 128, 128), :], wsem)

    def full_block(g, u, tin, ro, rsem, wsem):
        wait_reads(u, tin, rsem)

        @pl.when(g > 0)
        def _():
            wdesc(u - 2 * NW, ro, wsem).wait()
        transpose(tin, ro)
        pltpu.async_copy(ro, tc_hbm.at[pl.ds(u * 128, 128), :], wsem)

    fire_reads(wid, tin0, r0)

    def pair(g, carry):
        u0 = wid + NW * (2 * g)
        u1 = wid + NW * (2 * g + 1)
        fire_reads(u1, tin1, r1)
        full_block(g, u0, tin0, ro0, r0, w0)

        @pl.when(jnp.logical_or(g < NPAIR - 1, wid < 2))
        def _():
            fire_reads(wid + NW * (2 * g + 2), tin0, r0)
        full_block(g, u1, tin1, ro1, r1, w1)
        return carry

    lax.fori_loop(0, NPAIR, pair, None)

    @pl.when(wid < 2)
    def _():
        u = wid + NW * (2 * NPAIR)
        wait_reads(u, tin0, r0)
        wdesc(u - 2 * NW, ro0, w0).wait()
        transpose(tin0, ro0)
        pltpu.async_copy(ro0, tc_hbm.at[pl.ds(u * 128, 128), :], w0)
        wdesc(u, ro0, w0).wait()

    @pl.when(wid >= 2)
    def _():
        wdesc(wid + NW * (2 * NPAIR - 2), ro0, w0).wait()
    wdesc(wid + NW * (2 * NPAIR - 1), ro1, w1).wait()

    @pl.when(wid == 2)
    def _():
        pltpu.sync_copy(tail_hbm, ro0.at[pl.ds(0, TAIL // 2), :])
        pltpu.sync_copy(ro0.at[pl.ds(0, TAIL // 2), :],
                        tc_hbm.at[pl.ds(NFULL * 128, TAIL // 2), :])


@functools.partial(
    pl.kernel,
    mesh=plsc.VectorSubcoreMesh(core_axis_name="c", subcore_axis_name="s"),
    out_type=jax.ShapeDtypeStruct((S, D, A), jnp.float32),
    compiler_params=pltpu.CompilerParams(
        use_tc_tiling_on_sc=False, needs_layout_passes=False),
    scratch_types=[
        pltpu.VMEM((128,), jnp.int32),
        pltpu.VMEM((128,), jnp.int32),
        pltpu.VMEM((128, D), jnp.float32),
        pltpu.VMEM((128, D), jnp.float32),
        pltpu.VMEM((D, 128), jnp.float32),
        pltpu.VMEM((D, 128), jnp.float32),
        pltpu.SemaphoreType.DMA,
        pltpu.SemaphoreType.DMA,
        pltpu.SemaphoreType.DMA,
        pltpu.SemaphoreType.DMA,
        pltpu.SemaphoreType.DMA,
        pltpu.SemaphoreType.DMA,
    ],
)
def _gather_kernel(xt_hbm, tbl_hbm, out_hbm,
                   idx0, idx1, rows0, rows1, ot0, ot1,
                   g0, g1, w0, w1, i0, i1):
    wid = lax.axis_index("s") * NC + lax.axis_index("c")
    base = wid * UPC
    iota = _iota16()

    def out_slice(k):
        u = base + k
        b = u // (A // 128)
        t = u % (A // 128)
        return out_hbm.at[b, :, pl.ds(t * 128, 128)]

    def idx_desc(k, idxv, sem):
        return pltpu.make_async_copy(
            xt_hbm.at[pl.ds((base + k) * 128, 128)], idxv, sem)

    def fire_gather(idxv, rows, sem):
        pltpu.async_copy(tbl_hbm.at[idxv], rows, sem)

    rotv = [(iota + d) & 15 for d in range(16)]

    def step(k, idxv, rows, ot, gsem, wsem, isem):
        pltpu.make_async_copy(tbl_hbm.at[idxv], rows, gsem).wait()

        @pl.when(k + 2 < UPC)
        def _():
            idx_desc(k + 2, idxv, isem).start()

        @pl.when(k >= 2)
        def _():
            pltpu.make_async_copy(ot, out_slice(k - 2), wsem).wait()

        @plsc.parallel_loop(0, 32, unroll=2)
        def body(i):
            c0 = (i // 8) * 16
            l0 = (i % 8) * 16
            cvec = c0 + iota
            for d in range(16):
                lvec = l0 + rotv[d]
                vals = plsc.load_gather(rows, [lvec, cvec])
                plsc.store_scatter(ot, [cvec, lvec], vals)

        pltpu.async_copy(ot, out_slice(k), wsem)

        @pl.when(k + 2 < UPC)
        def _():
            idx_desc(k + 2, idxv, isem).wait()
            fire_gather(idxv, rows, gsem)

    idx_desc(0, idx0, i0).start()
    idx_desc(0, idx0, i0).wait()
    fire_gather(idx0, rows0, g0)
    idx_desc(1, idx1, i1).start()
    idx_desc(1, idx1, i1).wait()
    fire_gather(idx1, rows1, g1)

    def pair(g, carry):
        step(2 * g, idx0, rows0, ot0, g0, w0, i0)
        step(2 * g + 1, idx1, rows1, ot1, g1, w1, i1)
        return carry

    lax.fori_loop(0, UPC // 2, pair, None)

    pltpu.make_async_copy(ot0, out_slice(UPC - 2), w0).wait()
    pltpu.make_async_copy(ot1, out_slice(UPC - 1), w1).wait()


def kernel(x, table):
    tail = table[NFULL * SB:].reshape(TAIL // 2, 128)
    table_c = _convert_kernel(table.T, tail)
    xt = x.T.reshape(-1)
    out_p = _gather_kernel(xt, table_c.reshape(VOCAB, D))
    return out_p.transpose(2, 0, 1)

# --- scband reference (transcript-rebuilt; emitter-appended) ---
"""Pipeline reference for scband-input-embeddings-16630113370581 (READ-ONLY COPY).

The authoritative reference and input builder live on the scoring server;
editing this copy changes nothing except your own understanding.
"""

import jax, jax.numpy as jnp
import numpy as np

VOCAB = 1000000
D_MODEL = 64

def setup_inputs(seed: int = 0) -> dict:
    key = jax.random.key(seed)
    k1, k2 = jax.random.split(key)
    x = jax.random.randint(k1, (4096, 200), 0, VOCAB, dtype=jnp.int64 if jax.config.jax_enable_x64 else jnp.int32)
    table = jax.random.normal(k2, (VOCAB, D_MODEL), dtype=jnp.float32)
    return {"x": x, "table": table}

def reference(x, table):
    # nn.Embedding lookup: gather rows of the embedding table
    return jnp.take(table, x, axis=0)

if __name__ == "__main__":
    import jax
    _d = setup_inputs()
    print(jax.jit(kernel)(*tuple(_d.values())))

</pallas_src>

<mosaic_0001>
#map = affine_map<(d0, d1) -> (0, 0)>
module attributes {stable_mosaic.version = 14 : i64} {
  func.func @_convert_kernel(%arg0: i32, %arg1: i32, %arg2: memref<64x1000000xf32, #tpu.memory_space<hbm>>, %arg3: memref<32x128xf32, #tpu.memory_space<hbm>>, %arg4: memref<500000x128xf32, #tpu.memory_space<hbm>>, %arg5: memref<64x256xf32, #tpu.memory_space<vmem>>, %arg6: memref<64x256xf32, #tpu.memory_space<vmem>>, %arg7: memref<128x128xf32, #tpu.memory_space<vmem>>, %arg8: memref<128x128xf32, #tpu.memory_space<vmem>>, %arg9: memref<!tpu.dma_semaphore, #tpu.memory_space<semaphore_mem>>, %arg10: memref<!tpu.dma_semaphore, #tpu.memory_space<semaphore_mem>>, %arg11: memref<!tpu.dma_semaphore, #tpu.memory_space<semaphore_mem>>, %arg12: memref<!tpu.dma_semaphore, #tpu.memory_space<semaphore_mem>>) attributes {dimension_semantics = [#tpu.dimension_semantics<core_parallel>, #tpu.dimension_semantics<subcore_parallel>], iteration_bounds = array<i64: 2, 16>, scalar_prefetch = 0 : i64, scratch_operands = 8 : i64, tpu.core_type = #tpu.core_type<sc_vector_subcore>, window_params = [{transform_indices = #map}, {transform_indices = #map}, {transform_indices = #map}]} {
    %mul3A = arith.constant 2 : i32
    %mul3A_0 = arith.muli %arg1, %mul3A : i32
    %add3A = arith.addi %mul3A_0, %arg0 : i32
    %iota3A = tpu.iota {dimensions = array<i32: 0>} : vector<16xi32>
    %add3A_1 = arith.constant 0 : i32
    %add3A_2 = vector.broadcast %add3A_1 : i32 to vector<16xi32>
    %add3A_3 = arith.addi %iota3A, %add3A_2 : vector<16xi32>
    %and3A = arith.constant 15 : i32
    %and3A_4 = vector.broadcast %and3A : i32 to vector<16xi32>
    %and3A_5 = arith.andi %add3A_3, %and3A_4 : vector<16xi32>
    %add3A_6 = arith.constant 1 : i32
    %add3A_7 = vector.broadcast %add3A_6 : i32 to vector<16xi32>
    %add3A_8 = arith.addi %iota3A, %add3A_7 : vector<16xi32>
    %and3A_9 = arith.constant 15 : i32
    %and3A_10 = vector.broadcast %and3A_9 : i32 to vector<16xi32>
    %and3A_11 = arith.andi %add3A_8, %and3A_10 : vector<16xi32>
    %add3A_12 = arith.constant 2 : i32
    %add3A_13 = vector.broadcast %add3A_12 : i32 to vector<16xi32>
    %add3A_14 = arith.addi %iota3A, %add3A_13 : vector<16xi32>
    %and3A_15 = arith.constant 15 : i32
    %and3A_16 = vector.broadcast %and3A_15 : i32 to vector<16xi32>
    %and3A_17 = arith.andi %add3A_14, %and3A_16 : vector<16xi32>
    %add3A_18 = arith.constant 3 : i32
    %add3A_19 = vector.broadcast %add3A_18 : i32 to vector<16xi32>
    %add3A_20 = arith.addi %iota3A, %add3A_19 : vector<16xi32>
    %and3A_21 = arith.constant 15 : i32
    %and3A_22 = vector.broadcast %and3A_21 : i32 to vector<16xi32>
    %and3A_23 = arith.andi %add3A_20, %and3A_22 : vector<16xi32>
    %add3A_24 = arith.constant 4 : i32
    %add3A_25 = vector.broadcast %add3A_24 : i32 to vector<16xi32>
    %add3A_26 = arith.addi %iota3A, %add3A_25 : vector<16xi32>
    %and3A_27 = arith.constant 15 : i32
    %and3A_28 = vector.broadcast %and3A_27 : i32 to vector<16xi32>
    %and3A_29 = arith.andi %add3A_26, %and3A_28 : vector<16xi32>
    %add3A_30 = arith.constant 5 : i32
    %add3A_31 = vector.broadcast %add3A_30 : i32 to vector<16xi32>
    %add3A_32 = arith.addi %iota3A, %add3A_31 : vector<16xi32>
    %and3A_33 = arith.constant 15 : i32
    %and3A_34 = vector.broadcast %and3A_33 : i32 to vector<16xi32>
    %and3A_35 = arith.andi %add3A_32, %and3A_34 : vector<16xi32>
    %add3A_36 = arith.constant 6 : i32
    %add3A_37 = vector.broadcast %add3A_36 : i32 to vector<16xi32>
    %add3A_38 = arith.addi %iota3A, %add3A_37 : vector<16xi32>
    %and3A_39 = arith.constant 15 : i32
    %and3A_40 = vector.broadcast %and3A_39 : i32 to vector<16xi32>
    %and3A_41 = arith.andi %add3A_38, %and3A_40 : vector<16xi32>
    %add3A_42 = arith.constant 7 : i32
    %add3A_43 = vector.broadcast %add3A_42 : i32 to vector<16xi32>
    %add3A_44 = arith.addi %iota3A, %add3A_43 : vector<16xi32>
    %and3A_45 = arith.constant 15 : i32
    %and3A_46 = vector.broadcast %and3A_45 : i32 to vector<16xi32>
    %and3A_47 = arith.andi %add3A_44, %and3A_46 : vector<16xi32>
    %add3A_48 = arith.constant 8 : i32
    %add3A_49 = vector.broadcast %add3A_48 : i32 to vector<16xi32>
    %add3A_50 = arith.addi %iota3A, %add3A_49 : vector<16xi32>
    %and3A_51 = arith.constant 15 : i32
    %and3A_52 = vector.broadcast %and3A_51 : i32 to vector<16xi32>
    %and3A_53 = arith.andi %add3A_50, %and3A_52 : vector<16xi32>
    %add3A_54 = arith.constant 9 : i32
    %add3A_55 = vector.broadcast %add3A_54 : i32 to vector<16xi32>
    %add3A_56 = arith.addi %iota3A, %add3A_55 : vector<16xi32>
    %and3A_57 = arith.constant 15 : i32
    %and3A_58 = vector.broadcast %and3A_57 : i32 to vector<16xi32>
    %and3A_59 = arith.andi %add3A_56, %and3A_58 : vector<16xi32>
    %add3A_60 = arith.constant 10 : i32
    %add3A_61 = vector.broadcast %add3A_60 : i32 to vector<16xi32>
    %add3A_62 = arith.addi %iota3A, %add3A_61 : vector<16xi32>
    %and3A_63 = arith.constant 15 : i32
    %and3A_64 = vector.broadcast %and3A_63 : i32 to vector<16xi32>
    %and3A_65 = arith.andi %add3A_62, %and3A_64 : vector<16xi32>
    %add3A_66 = arith.constant 11 : i32
    %add3A_67 = vector.broadcast %add3A_66 : i32 to vector<16xi32>
    %add3A_68 = arith.addi %iota3A, %add3A_67 : vector<16xi32>
    %and3A_69 = arith.constant 15 : i32
    %and3A_70 = vector.broadcast %and3A_69 : i32 to vector<16xi32>
    %and3A_71 = arith.andi %add3A_68, %and3A_70 : vector<16xi32>
    %add3A_72 = arith.constant 12 : i32
    %add3A_73 = vector.broadcast %add3A_72 : i32 to vector<16xi32>
    %add3A_74 = arith.addi %iota3A, %add3A_73 : vector<16xi32>
    %and3A_75 = arith.constant 15 : i32
    %and3A_76 = vector.broadcast %and3A_75 : i32 to vector<16xi32>
    %and3A_77 = arith.andi %add3A_74, %and3A_76 : vector<16xi32>
    %add3A_78 = arith.constant 13 : i32
    %add3A_79 = vector.broadcast %add3A_78 : i32 to vector<16xi32>
    %add3A_80 = arith.addi %iota3A, %add3A_79 : vector<16xi32>
    %and3A_81 = arith.constant 15 : i32
    %and3A_82 = vector.broadcast %and3A_81 : i32 to vector<16xi32>
    %and3A_83 = arith.andi %add3A_80, %and3A_82 : vector<16xi32>
    %add3A_84 = arith.constant 14 : i32
    %add3A_85 = vector.broadcast %add3A_84 : i32 to vector<16xi32>
    %add3A_86 = arith.addi %iota3A, %add3A_85 : vector<16xi32>
    %and3A_87 = arith.constant 15 : i32
    %and3A_88 = vector.broadcast %and3A_87 : i32 to vector<16xi32>
    %and3A_89 = arith.andi %add3A_86, %and3A_88 : vector<16xi32>
    %add3A_90 = arith.constant 15 : i32
    %add3A_91 = vector.broadcast %add3A_90 : i32 to vector<16xi32>
    %add3A_92 = arith.addi %iota3A, %add3A_91 : vector<16xi32>
    %and3A_93 = arith.constant 15 : i32
    %and3A_94 = vector.broadcast %and3A_93 : i32 to vector<16xi32>
    %and3A_95 = arith.andi %add3A_92, %and3A_94 : vector<16xi32>
    %mul3A_96 = arith.constant 256 : i32
    %mul3A_97 = arith.muli %add3A, %mul3A_96 : i32
    %dma_start3A = arith.constant 0 : i32
    %dma_start3A_98 = arith.constant 0 : i32
    %dma_start3A_99 = tpu.memref_slice %arg5[%dma_start3A, %dma_start3A_98] : memref<64x256xf32, #tpu.memory_space<vmem>> -> memref<8x256xf32, #tpu.memory_space<vmem>>
    %dma_start3A_100 = arith.constant 0 : i32
    %dma_start3A_101 = tpu.memref_slice %arg2[%dma_start3A_100, %mul3A_97] : memref<64x1000000xf32, #tpu.memory_space<hbm>> -> memref<8x256xf32, #tpu.memory_space<hbm>>
    %dma_start3A_102 = arith.constant 0 : i32
    %dma_start3A_103 = arith.constant 0 : i32
    %dma_start3A_104 = tpu.memref_slice %arg5[%dma_start3A_102, %dma_start3A_103] : memref<64x256xf32, #tpu.memory_space<vmem>> -> memref<8x256xf32, #tpu.memory_space<vmem>>
    %dma_start3A_105 = arith.constant 0 : i32
    %dma_start3A_106 = tpu.memref_slice %arg2[%dma_start3A_105, %mul3A_97] : memref<64x1000000xf32, #tpu.memory_space<hbm>> -> memref<8x256xf32, #tpu.memory_space<hbm>>
    tpu.enqueue_dma source(%dma_start3A_106 : memref<8x256xf32, #tpu.memory_space<hbm>>) target(%dma_start3A_104 : memref<8x256xf32, #tpu.memory_space<vmem>>) target_semaphore(%arg9 : memref<!tpu.dma_semaphore, #tpu.memory_space<semaphore_mem>>)
    %mul3A_107 = arith.constant 256 : i32
    %mul3A_108 = arith.muli %add3A, %mul3A_107 : i32
    %dma_start3A_109 = arith.constant 8 : i32
    %dma_start3A_110 = arith.constant 0 : i32
    %dma_start3A_111 = tpu.memref_slice %arg5[%dma_start3A_109, %dma_start3A_110] : memref<64x256xf32, #tpu.memory_space<vmem>> -> memref<8x256xf32, #tpu.memory_space<vmem>>
    %dma_start3A_112 = arith.constant 8 : i32
    %dma_start3A_113 = tpu.memref_slice %arg2[%dma_start3A_112, %mul3A_108] : memref<64x1000000xf32, #tpu.memory_space<hbm>> -> memref<8x256xf32, #tpu.memory_space<hbm>>
    %dma_start3A_114 = arith.constant 8 : i32
    %dma_start3A_115 = arith.constant 0 : i32
    %dma_start3A_116 = tpu.memref_slice %arg5[%dma_start3A_114, %dma_start3A_115] : memref<64x256xf32, #tpu.memory_space<vmem>> -> memref<8x256xf32, #tpu.memory_space<vmem>>
    %dma_start3A_117 = arith.constant 8 : i32
    %dma_start3A_118 = tpu.memref_slice %arg2[%dma_start3A_117, %mul3A_108] : memref<64x1000000xf32, #tpu.memory_space<hbm>> -> memref<8x256xf32, #tpu.memory_space<hbm>>
    tpu.enqueue_dma source(%dma_start3A_118 : memref<8x256xf32, #tpu.memory_space<hbm>>) target(%dma_start3A_116 : memref<8x256xf32, #tpu.memory_space<vmem>>) target_semaphore(%arg9 : memref<!tpu.dma_semaphore, #tpu.memory_space<semaphore_mem>>)
    %mul3A_119 = arith.constant 256 : i32
    %mul3A_120 = arith.muli %add3A, %mul3A_119 : i32
    %dma_start3A_121 = arith.constant 16 : i32
    %dma_start3A_122 = arith.constant 0 : i32
    %dma_start3A_123 = tpu.memref_slice %arg5[%dma_start3A_121, %dma_start3A_122] : memref<64x256xf32, #tpu.memory_space<vmem>> -> memref<8x256xf32, #tpu.memory_space<vmem>>
    %dma_start3A_124 = arith.constant 16 : i32
    %dma_start3A_125 = tpu.memref_slice %arg2[%dma_start3A_124, %mul3A_120] : memref<64x1000000xf32, #tpu.memory_space<hbm>> -> memref<8x256xf32, #tpu.memory_space<hbm>>
    %dma_start3A_126 = arith.constant 16 : i32
    %dma_start3A_127 = arith.constant 0 : i32
    %dma_start3A_128 = tpu.memref_slice %arg5[%dma_start3A_126, %dma_start3A_127] : memref<64x256xf32, #tpu.memory_space<vmem>> -> memref<8x256xf32, #tpu.memory_space<vmem>>
    %dma_start3A_129 = arith.constant 16 : i32
    %dma_start3A_130 = tpu.memref_slice %arg2[%dma_start3A_129, %mul3A_120] : memref<64x1000000xf32, #tpu.memory_space<hbm>> -> memref<8x256xf32, #tpu.memory_space<hbm>>
    tpu.enqueue_dma source(%dma_start3A_130 : memref<8x256xf32, #tpu.memory_space<hbm>>) target(%dma_start3A_128 : memref<8x256xf32, #tpu.memory_space<vmem>>) target_semaphore(%arg9 : memref<!tpu.dma_semaphore, #tpu.memory_space<semaphore_mem>>)
    %mul3A_131 = arith.constant 256 : i32
    %mul3A_132 = arith.muli %add3A, %mul3A_131 : i32
    %dma_start3A_133 = arith.constant 24 : i32
    %dma_start3A_134 = arith.constant 0 : i32
    %dma_start3A_135 = tpu.memref_slice %arg5[%dma_start3A_133, %dma_start3A_134] : memref<64x256xf32, #tpu.memory_space<vmem>> -> memref<8x256xf32, #tpu.memory_space<vmem>>
    %dma_start3A_136 = arith.constant 24 : i32
    %dma_start3A_137 = tpu.memref_slice %arg2[%dma_start3A_136, %mul3A_132] : memref<64x1000000xf32, #tpu.memory_space<hbm>> -> memref<8x256xf32, #tpu.memory_space<hbm>>
    %dma_start3A_138 = arith.constant 24 : i32
    %dma_start3A_139 = arith.constant 0 : i32
    %dma_start3A_140 = tpu.memref_slice %arg5[%dma_start3A_138, %dma_start3A_139] : memref<64x256xf32, #tpu.memory_space<vmem>> -> memref<8x256xf32, #tpu.memory_space<vmem>>
    %dma_start3A_141 = arith.constant 24 : i32
    %dma_start3A_142 = tpu.memref_slice %arg2[%dma_start3A_141, %mul3A_132] : memref<64x1000000xf32, #tpu.memory_space<hbm>> -> memref<8x256xf32, #tpu.memory_space<hbm>>
    tpu.enqueue_dma source(%dma_start3A_142 : memref<8x256xf32, #tpu.memory_space<hbm>>) target(%dma_start3A_140 : memref<8x256xf32, #tpu.memory_space<vmem>>) target_semaphore(%arg9 : memref<!tpu.dma_semaphore, #tpu.memory_space<semaphore_mem>>)
    %mul3A_143 = arith.constant 256 : i32
    %mul3A_144 = arith.muli %add3A, %mul3A_143 : i32
    %dma_start3A_145 = arith.constant 32 : i32
    %dma_start3A_146 = arith.constant 0 : i32
    %dma_start3A_147 = tpu.memref_slice %arg5[%dma_start3A_145, %dma_start3A_146] : memref<64x256xf32, #tpu.memory_space<vmem>> -> memref<8x256xf32, #tpu.memory_space<vmem>>
    %dma_start3A_148 = arith.constant 32 : i32
    %dma_start3A_149 = tpu.memref_slice %arg2[%dma_start3A_148, %mul3A_144] : memref<64x1000000xf32, #tpu.memory_space<hbm>> -> memref<8x256xf32, #tpu.memory_space<hbm>>
    %dma_start3A_150 = arith.constant 32 : i32
    %dma_start3A_151 = arith.constant 0 : i32
    %dma_start3A_152 = tpu.memref_slice %arg5[%dma_start3A_150, %dma_start3A_151] : memref<64x256xf32, #tpu.memory_space<vmem>> -> memref<8x256xf32, #tpu.memory_space<vmem>>
    %dma_start3A_153 = arith.constant 32 : i32
    %dma_start3A_154 = tpu.memref_slice %arg2[%dma_start3A_153, %mul3A_144] : memref<64x1000000xf32, #tpu.memory_space<hbm>> -> memref<8x256xf32, #tpu.memory_space<hbm>>
    tpu.enqueue_dma source(%dma_start3A_154 : memref<8x256xf32, #tpu.memory_space<hbm>>) target(%dma_start3A_152 : memref<8x256xf32, #tpu.memory_space<vmem>>) target_semaphore(%arg9 : memref<!tpu.dma_semaphore, #tpu.memory_space<semaphore_mem>>)
    %mul3A_155 = arith.constant 256 : i32
    %mul3A_156 = arith.muli %add3A, %mul3A_155 : i32
    %dma_start3A_157 = arith.constant 40 : i32
    %dma_start3A_158 = arith.constant 0 : i32
    %dma_start3A_159 = tpu.memref_slice %arg5[%dma_start3A_157, %dma_start3A_158] : memref<64x256xf32, #tpu.memory_space<vmem>> -> memref<8x256xf32, #tpu.memory_space<vmem>>
    %dma_start3A_160 = arith.constant 40 : i32
    %dma_start3A_161 = tpu.memref_slice %arg2[%dma_start3A_160, %mul3A_156] : memref<64x1000000xf32, #tpu.memory_space<hbm>> -> memref<8x256xf32, #tpu.memory_space<hbm>>
    %dma_start3A_162 = arith.constant 40 : i32
    %dma_start3A_163 = arith.constant 0 : i32
    %dma_start3A_164 = tpu.memref_slice %arg5[%dma_start3A_162, %dma_start3A_163] : memref<64x256xf32, #tpu.memory_space<vmem>> -> memref<8x256xf32, #tpu.memory_space<vmem>>
    %dma_start3A_165 = arith.constant 40 : i32
    %dma_start3A_166 = tpu.memref_slice %arg2[%dma_start3A_165, %mul3A_156] : memref<64x1000000xf32, #tpu.memory_space<hbm>> -> memref<8x256xf32, #tpu.memory_space<hbm>>
    tpu.enqueue_dma source(%dma_start3A_166 : memref<8x256xf32, #tpu.memory_space<hbm>>) target(%dma_start3A_164 : memref<8x256xf32, #tpu.memory_space<vmem>>) target_semaphore(%arg9 : memref<!tpu.dma_semaphore, #tpu.memory_space<semaphore_mem>>)
    %mul3A_167 = arith.constant 256 : i32
    %mul3A_168 = arith.muli %add3A, %mul3A_167 : i32
    %dma_start3A_169 = arith.constant 48 : i32
    %dma_start3A_170 = arith.constant 0 : i32
    %dma_start3A_171 = tpu.memref_slice %arg5[%dma_start3A_169, %dma_start3A_170] : memref<64x256xf32, #tpu.memory_space<vmem>> -> memref<8x256xf32, #tpu.memory_space<vmem>>
    %dma_start3A_172 = arith.constant 48 : i32
    %dma_start3A_173 = tpu.memref_slice %arg2[%dma_start3A_172, %mul3A_168] : memref<64x1000000xf32, #tpu.memory_space<hbm>> -> memref<8x256xf32, #tpu.memory_space<hbm>>
    %dma_start3A_174 = arith.constant 48 : i32
    %dma_start3A_175 = arith.constant 0 : i32
    %dma_start3A_176 = tpu.memref_slice %arg5[%dma_start3A_174, %dma_start3A_175] : memref<64x256xf32, #tpu.memory_space<vmem>> -> memref<8x256xf32, #tpu.memory_space<vmem>>
    %dma_start3A_177 = arith.constant 48 : i32
    %dma_start3A_178 = tpu.memref_slice %arg2[%dma_start3A_177, %mul3A_168] : memref<64x1000000xf32, #tpu.memory_space<hbm>> -> memref<8x256xf32, #tpu.memory_space<hbm>>
    tpu.enqueue_dma source(%dma_start3A_178 : memref<8x256xf32, #tpu.memory_space<hbm>>) target(%dma_start3A_176 : memref<8x256xf32, #tpu.memory_space<vmem>>) target_semaphore(%arg9 : memref<!tpu.dma_semaphore, #tpu.memory_space<semaphore_mem>>)
    %mul3A_179 = arith.constant 256 : i32
    %mul3A_180 = arith.muli %add3A, %mul3A_179 : i32
    %dma_start3A_181 = arith.constant 56 : i32
    %dma_start3A_182 = arith.constant 0 : i32
    %dma_start3A_183 = tpu.memref_slice %arg5[%dma_start3A_181, %dma_start3A_182] : memref<64x256xf32, #tpu.memory_space<vmem>> -> memref<8x256xf32, #tpu.memory_space<vmem>>
    %dma_start3A_184 = arith.constant 56 : i32
    %dma_start3A_185 = tpu.memref_slice %arg2[%dma_start3A_184, %mul3A_180] : memref<64x1000000xf32, #tpu.memory_space<hbm>> -> memref<8x256xf32, #tpu.memory_space<hbm>>
    %dma_start3A_186 = arith.constant 56 : i32
    %dma_start3A_187 = arith.constant 0 : i32
    %dma_start3A_188 = tpu.memref_slice %arg5[%dma_start3A_186, %dma_start3A_187] : memref<64x256xf32, #tpu.memory_space<vmem>> -> memref<8x256xf32, #tpu.memory_space<vmem>>
    %dma_start3A_189 = arith.constant 56 : i32
    %dma_start3A_190 = tpu.memref_slice %arg2[%dma_start3A_189, %mul3A_180] : memref<64x1000000xf32, #tpu.memory_space<hbm>> -> memref<8x256xf32, #tpu.memory_space<hbm>>
    tpu.enqueue_dma source(%dma_start3A_190 : memref<8x256xf32, #tpu.memory_space<hbm>>) target(%dma_start3A_188 : memref<8x256xf32, #tpu.memory_space<vmem>>) target_semaphore(%arg9 : memref<!tpu.dma_semaphore, #tpu.memory_space<semaphore_mem>>)
    %scan3A = arith.constant 0 : i32
    %scan3A_191 = arith.constant 61 : i32
    %scan3A_192 = arith.addi %scan3A, %scan3A_191 : i32
    %scan3A_193 = arith.constant 1 : i32
    scf.for %scan3A_212 = %scan3A to %scan3A_192 step %scan3A_193  : i32 {
      %mul3A_213 = arith.constant 2 : i32
      %mul3A_214 = arith.muli %mul3A_213, %scan3A_212 : i32
      %mul3A_215 = arith.constant 32 : i32
      %mul3A_216 = arith.muli %mul3A_215, %mul3A_214 : i32
      %add3A_217 = arith.addi %add3A, %mul3A_216 : i32
      %mul3A_218 = arith.constant 2 : i32
      %mul3A_219 = arith.muli %mul3A_218, %scan3A_212 : i32
      %add3A_220 = arith.constant 1 : i32
      %add3A_221 = arith.addi %mul3A_219, %add3A_220 : i32
      %mul3A_222 = arith.constant 32 : i32
      %mul3A_223 = arith.muli %mul3A_222, %add3A_221 : i32
      %add3A_224 = arith.addi %add3A, %mul3A_223 : i32
      %mul3A_225 = arith.constant 256 : i32
      %mul3A_226 = arith.muli %add3A_224, %mul3A_225 : i32
      %dma_start3A_227 = arith.constant 0 : i32
      %dma_start3A_228 = arith.constant 0 : i32
      %dma_start3A_229 = tpu.memref_slice %arg6[%dma_start3A_227, %dma_start3A_228] : memref<64x256xf32, #tpu.memory_space<vmem>> -> memref<8x256xf32, #tpu.memory_space<vmem>>
      %dma_start3A_230 = arith.constant 0 : i32
      %dma_start3A_231 = tpu.memref_slice %arg2[%dma_start3A_230, %mul3A_226] : memref<64x1000000xf32, #tpu.memory_space<hbm>> -> memref<8x256xf32, #tpu.memory_space<hbm>>
      %dma_start3A_232 = arith.constant 0 : i32
      %dma_start3A_233 = arith.constant 0 : i32
      %dma_start3A_234 = tpu.memref_slice %arg6[%dma_start3A_232, %dma_start3A_233] : memref<64x256xf32, #tpu.memory_space<vmem>> -> memref<8x256xf32, #tpu.memory_space<vmem>>
      %dma_start3A_235 = arith.constant 0 : i32
      %dma_start3A_236 = tpu.memref_slice %arg2[%dma_start3A_235, %mul3A_226] : memref<64x1000000xf32, #tpu.memory_space<hbm>> -> memref<8x256xf32, #tpu.memory_space<hbm>>
      tpu.enqueue_dma source(%dma_start3A_236 : memref<8x256xf32, #tpu.memory_space<hbm>>) target(%dma_start3A_234 : memref<8x256xf32, #tpu.memory_space<vmem>>) target_semaphore(%arg10 : memref<!tpu.dma_semaphore, #tpu.memory_space<semaphore_mem>>)
      %mul3A_237 = arith.constant 256 : i32
      %mul3A_238 = arith.muli %add3A_224, %mul3A_237 : i32
      %dma_start3A_239 = arith.constant 8 : i32
      %dma_start3A_240 = arith.constant 0 : i32
      %dma_start3A_241 = tpu.memref_slice %arg6[%dma_start3A_239, %dma_start3A_240] : memref<64x256xf32, #tpu.memory_space<vmem>> -> memref<8x256xf32, #tpu.memory_space<vmem>>
      %dma_start3A_242 = arith.constant 8 : i32
      %dma_start3A_243 = tpu.memref_slice %arg2[%dma_start3A_242, %mul3A_238] : memref<64x1000000xf32, #tpu.memory_space<hbm>> -> memref<8x256xf32, #tpu.memory_space<hbm>>
      %dma_start3A_244 = arith.constant 8 : i32
      %dma_start3A_245 = arith.constant 0 : i32
      %dma_start3A_246 = tpu.memref_slice %arg6[%dma_start3A_244, %dma_start3A_245] : memref<64x256xf32, #tpu.memory_space<vmem>> -> memref<8x256xf32, #tpu.memory_space<vmem>>
      %dma_start3A_247 = arith.constant 8 : i32
      %dma_start3A_248 = tpu.memref_slice %arg2[%dma_start3A_247, %mul3A_238] : memref<64x1000000xf32, #tpu.memory_space<hbm>> -> memref<8x256xf32, #tpu.memory_space<hbm>>
      tpu.enqueue_dma source(%dma_start3A_248 : memref<8x256xf32, #tpu.memory_space<hbm>>) target(%dma_start3A_246 : memref<8x256xf32, #tpu.memory_space<vmem>>) target_semaphore(%arg10 : memref<!tpu.dma_semaphore, #tpu.memory_space<semaphore_mem>>)
      %mul3A_249 = arith.constant 256 : i32
      %mul3A_250 = arith.muli %add3A_224, %mul3A_249 : i32
      %dma_start3A_251 = arith.constant 16 : i32
      %dma_start3A_252 = arith.constant 0 : i32
      %dma_start3A_253 = tpu.memref_slice %arg6[%dma_start3A_251, %dma_start3A_252] : memref<64x256xf32, #tpu.memory_space<vmem>> -> memref<8x256xf32, #tpu.memory_space<vmem>>
      %dma_start3A_254 = arith.constant 16 : i32
      %dma_start3A_255 = tpu.memref_slice %arg2[%dma_start3A_254, %mul3A_250] : memref<64x1000000xf32, #tpu.memory_space<hbm>> -> memref<8x256xf32, #tpu.memory_space<hbm>>
      %dma_start3A_256 = arith.constant 16 : i32
      %dma_start3A_257 = arith.constant 0 : i32
      %dma_start3A_258 = tpu.memref_slice %arg6[%dma_start3A_256, %dma_start3A_257] : memref<64x256xf32, #tpu.memory_space<vmem>> -> memref<8x256xf32, #tpu.memory_space<vmem>>
      %dma_start3A_259 = arith.constant 16 : i32
      %dma_start3A_260 = tpu.memref_slice %arg2[%dma_start3A_259, %mul3A_250] : memref<64x1000000xf32, #tpu.memory_space<hbm>> -> memref<8x256xf32, #tpu.memory_space<hbm>>
      tpu.enqueue_dma source(%dma_start3A_260 : memref<8x256xf32, #tpu.memory_space<hbm>>) target(%dma_start3A_258 : memref<8x256xf32, #tpu.memory_space<vmem>>) target_semaphore(%arg10 : memref<!tpu.dma_semaphore, #tpu.memory_space<semaphore_mem>>)
      %mul3A_261 = arith.constant 256 : i32
      %mul3A_262 = arith.muli %add3A_224, %mul3A_261 : i32
      %dma_start3A_263 = arith.constant 24 : i32
      %dma_start3A_264 = arith.constant 0 : i32
      %dma_start3A_265 = tpu.memref_slice %arg6[%dma_start3A_263, %dma_start3A_264] : memref<64x256xf32, #tpu.memory_space<vmem>> -> memref<8x256xf32, #tpu.memory_space<vmem>>
      %dma_start3A_266 = arith.constant 24 : i32
      %dma_start3A_267 = tpu.memref_slice %arg2[%dma_start3A_266, %mul3A_262] : memref<64x1000000xf32, #tpu.memory_space<hbm>> -> memref<8x256xf32, #tpu.memory_space<hbm>>
      %dma_start3A_268 = arith.constant 24 : i32
      %dma_start3A_269 = arith.constant 0 : i32
      %dma_start3A_270 = tpu.memref_slice %arg6[%dma_start3A_268, %dma_start3A_269] : memref<64x256xf32, #tpu.memory_space<vmem>> -> memref<8x256xf32, #tpu.memory_space<vmem>>
      %dma_start3A_271 = arith.constant 24 : i32
      %dma_start3A_272 = tpu.memref_slice %arg2[%dma_start3A_271, %mul3A_262] : memref<64x1000000xf32, #tpu.memory_space<hbm>> -> memref<8x256xf32, #tpu.memory_space<hbm>>
      tpu.enqueue_dma source(%dma_start3A_272 : memref<8x256xf32, #tpu.memory_space<hbm>>) target(%dma_start3A_270 : memref<8x256xf32, #tpu.memory_space<vmem>>) target_semaphore(%arg10 : memref<!tpu.dma_semaphore, #tpu.memory_space<semaphore_mem>>)
      %mul3A_273 = arith.constant 256 : i32
      %mul3A_274 = arith.muli %add3A_224, %mul3A_273 : i32
      %dma_start3A_275 = arith.constant 32 : i32
      %dma_start3A_276 = arith.constant 0 : i32
      %dma_start3A_277 = tpu.memref_slice %arg6[%dma_start3A_275, %dma_start3A_276] : memref<64x256xf32, #tpu.memory_space<vmem>> -> memref<8x256xf32, #tpu.memory_space<vmem>>
      %dma_start3A_278 = arith.constant 32 : i32
      %dma_start3A_279 = tpu.memref_slice %arg2[%dma_start3A_278, %mul3A_274] : memref<64x1000000xf32, #tpu.memory_space<hbm>> -> memref<8x256xf32, #tpu.memory_space<hbm>>
      %dma_start3A_280 = arith.constant 32 : i32
      %dma_start3A_281 = arith.constant 0 : i32
      %dma_start3A_282 = tpu.memref_slice %arg6[%dma_start3A_280, %dma_start3A_281] : memref<64x256xf32, #tpu.memory_space<vmem>> -> memref<8x256xf32, #tpu.memory_space<vmem>>
      %dma_start3A_283 = arith.constant 32 : i32
      %dma_start3A_284 = tpu.memref_slice %arg2[%dma_start3A_283, %mul3A_274] : memref<64x1000000xf32, #tpu.memory_space<hbm>> -> memref<8x256xf32, #tpu.memory_space<hbm>>
      tpu.enqueue_dma source(%dma_start3A_284 : memref<8x256xf32, #tpu.memory_space<hbm>>) target(%dma_start3A_282 : memref<8x256xf32, #tpu.memory_space<vmem>>) target_semaphore(%arg10 : memref<!tpu.dma_semaphore, #tpu.memory_space<semaphore_mem>>)
      %mul3A_285 = arith.constant 256 : i32
      %mul3A_286 = arith.muli %add3A_224, %mul3A_285 : i32
      %dma_start3A_287 = arith.constant 40 : i32
      %dma_start3A_288 = arith.constant 0 : i32
      %dma_start3A_289 = tpu.memref_slice %arg6[%dma_start3A_287, %dma_start3A_288] : memref<64x256xf32, #tpu.memory_space<vmem>> -> memref<8x256xf32, #tpu.memory_space<vmem>>
      %dma_start3A_290 = arith.constant 40 : i32
      %dma_start3A_291 = tpu.memref_slice %arg2[%dma_start3A_290, %mul3A_286] : memref<64x1000000xf32, #tpu.memory_space<hbm>> -> memref<8x256xf32, #tpu.memory_space<hbm>>
      %dma_start3A_292 = arith.constant 40 : i32
      %dma_start3A_293 = arith.constant 0 : i32
      %dma_start3A_294 = tpu.memref_slice %arg6[%dma_start3A_292, %dma_start3A_293] : memref<64x256xf32, #tpu.memory_space<vmem>> -> memref<8x256xf32, #tpu.memory_space<vmem>>
      %dma_start3A_295 = arith.constant 40 : i32
      %dma_start3A_296 = tpu.memref_slice %arg2[%dma_start3A_295, %mul3A_286] : memref<64x1000000xf32, #tpu.memory_space<hbm>> -> memref<8x256xf32, #tpu.memory_space<hbm>>
      tpu.enqueue_dma source(%dma_start3A_296 : memref<8x256xf32, #tpu.memory_space<hbm>>) target(%dma_start3A_294 : memref<8x256xf32, #tpu.memory_space<vmem>>) target_semaphore(%arg10 : memref<!tpu.dma_semaphore, #tpu.memory_space<semaphore_mem>>)
      %mul3A_297 = arith.constant 256 : i32
      %mul3A_298 = arith.muli %add3A_224, %mul3A_297 : i32
      %dma_start3A_299 = arith.constant 48 : i32
      %dma_start3A_300 = arith.constant 0 : i32
      %dma_start3A_301 = tpu.memref_slice %arg6[%dma_start3A_299, %dma_start3A_300] : memref<64x256xf32, #tpu.memory_space<vmem>> -> memref<8x256xf32, #tpu.memory_space<vmem>>
      %dma_start3A_302 = arith.constant 48 : i32
      %dma_start3A_303 = tpu.memref_slice %arg2[%dma_start3A_302, %mul3A_298] : memref<64x1000000xf32, #tpu.memory_space<hbm>> -> memref<8x256xf32, #tpu.memory_space<hbm>>
      %dma_start3A_304 = arith.constant 48 : i32
      %dma_start3A_305 = arith.constant 0 : i32
      %dma_start3A_306 = tpu.memref_slice %arg6[%dma_start3A_304, %dma_start3A_305] : memref<64x256xf32, #tpu.memory_space<vmem>> -> memref<8x256xf32, #tpu.memory_space<vmem>>
      %dma_start3A_307 = arith.constant 48 : i32
      %dma_start3A_308 = tpu.memref_slice %arg2[%dma_start3A_307, %mul3A_298] : memref<64x1000000xf32, #tpu.memory_space<hbm>> -> memref<8x256xf32, #tpu.memory_space<hbm>>
      tpu.enqueue_dma source(%dma_start3A_308 : memref<8x256xf32, #tpu.memory_space<hbm>>) target(%dma_start3A_306 : memref<8x256xf32, #tpu.memory_space<vmem>>) target_semaphore(%arg10 : memref<!tpu.dma_semaphore, #tpu.memory_space<semaphore_mem>>)
      %mul3A_309 = arith.constant 256 : i32
      %mul3A_310 = arith.muli %add3A_224, %mul3A_309 : i32
      %dma_start3A_311 = arith.constant 56 : i32
      %dma_start3A_312 = arith.constant 0 : i32
      %dma_start3A_313 = tpu.memref_slice %arg6[%dma_start3A_311, %dma_start3A_312] : memref<64x256xf32, #tpu.memory_space<vmem>> -> memref<8x256xf32, #tpu.memory_space<vmem>>
      %dma_start3A_314 = arith.constant 56 : i32
      %dma_start3A_315 = tpu.memref_slice %arg2[%dma_start3A_314, %mul3A_310] : memref<64x1000000xf32, #tpu.memory_space<hbm>> -> memref<8x256xf32, #tpu.memory_space<hbm>>
      %dma_start3A_316 = arith.constant 56 : i32
      %dma_start3A_317 = arith.constant 0 : i32
      %dma_start3A_318 = tpu.memref_slice %arg6[%dma_start3A_316, %dma_start3A_317] : memref<64x256xf32, #tpu.memory_space<vmem>> -> memref<8x256xf32, #tpu.memory_space<vmem>>
      %dma_start3A_319 = arith.constant 56 : i32
      %dma_start3A_320 = tpu.memref_slice %arg2[%dma_start3A_319, %mul3A_310] : memref<64x1000000xf32, #tpu.memory_space<hbm>> -> memref<8x256xf32, #tpu.memory_space<hbm>>
      tpu.enqueue_dma source(%dma_start3A_320 : memref<8x256xf32, #tpu.memory_space<hbm>>) target(%dma_start3A_318 : memref<8x256xf32, #tpu.memory_space<vmem>>) target_semaphore(%arg10 : memref<!tpu.dma_semaphore, #tpu.memory_space<semaphore_mem>>)
      %mul3A_321 = arith.constant 256 : i32
      %mul3A_322 = arith.muli %add3A_217, %mul3A_321 : i32
      %dma_wait3A_323 = arith.constant 0 : i32
      %dma_wait3A_324 = arith.constant 0 : i32
      %dma_wait3A_325 = tpu.memref_slice %arg5[%dma_wait3A_323, %dma_wait3A_324] : memref<64x256xf32, #tpu.memory_space<vmem>> -> memref<8x256xf32, #tpu.memory_space<vmem>>
      %dma_wait3A_326 = arith.constant 0 : i32
      %dma_wait3A_327 = tpu.memref_slice %arg2[%dma_wait3A_326, %mul3A_322] : memref<64x1000000xf32, #tpu.memory_space<hbm>> -> memref<8x256xf32, #tpu.memory_space<hbm>>
      %dma_wait3A_328 = arith.constant 0 : i32
      %dma_wait3A_329 = arith.constant 0 : i32
      %dma_wait3A_330 = tpu.memref_slice %arg5[%dma_wait3A_328, %dma_wait3A_329] : memref<64x256xf32, #tpu.memory_space<vmem>> -> memref<8x256xf32, #tpu.memory_space<vmem>>
      %dma_wait3A_331 = arith.constant 0 : i32
      %dma_wait3A_332 = tpu.memref_slice %arg2[%dma_wait3A_331, %mul3A_322] : memref<64x1000000xf32, #tpu.memory_space<hbm>> -> memref<8x256xf32, #tpu.memory_space<hbm>>
      tpu.wait_dma2 semaphore(%arg9 : memref<!tpu.dma_semaphore, #tpu.memory_space<semaphore_mem>>) src(%dma_wait3A_332 : memref<8x256xf32, #tpu.memory_space<hbm>>) dst(%dma_wait3A_330 : memref<8x256xf32, #tpu.memory_space<vmem>>)
      %mul3A_333 = arith.constant 256 : i32
      %mul3A_334 = arith.muli %add3A_217, %mul3A_333 : i32
      %dma_wait3A_335 = arith.constant 8 : i32
      %dma_wait3A_336 = arith.constant 0 : i32
      %dma_wait3A_337 = tpu.memref_slice %arg5[%dma_wait3A_335, %dma_wait3A_336] : memref<64x256xf32, #tpu.memory_space<vmem>> -> memref<8x256xf32, #tpu.memory_space<vmem>>
      %dma_wait3A_338 = arith.constant 8 : i32
      %dma_wait3A_339 = tpu.memref_slice %arg2[%dma_wait3A_338, %mul3A_334] : memref<64x1000000xf32, #tpu.memory_space<hbm>> -> memref<8x256xf32, #tpu.memory_space<hbm>>
      %dma_wait3A_340 = arith.constant 8 : i32
      %dma_wait3A_341 = arith.constant 0 : i32
      %dma_wait3A_342 = tpu.memref_slice %arg5[%dma_wait3A_340, %dma_wait3A_341] : memref<64x256xf32, #tpu.memory_space<vmem>> -> memref<8x256xf32, #tpu.memory_space<vmem>>
      %dma_wait3A_343 = arith.constant 8 : i32
      %dma_wait3A_344 = tpu.memref_slice %arg2[%dma_wait3A_343, %mul3A_334] : memref<64x1000000xf32, #tpu.memory_space<hbm>> -> memref<8x256xf32, #tpu.memory_space<hbm>>
      tpu.wait_dma2 semaphore(%arg9 : memref<!tpu.dma_semaphore, #tpu.memory_space<semaphore_mem>>) src(%dma_wait3A_344 : memref<8x256xf32, #tpu.memory_space<hbm>>) dst(%dma_wait3A_342 : memref<8x256xf32, #tpu.memory_space<vmem>>)
      %mul3A_345 = arith.constant 256 : i32
      %mul3A_346 = arith.muli %add3A_217, %mul3A_345 : i32
      %dma_wait3A_347 = arith.constant 16 : i32
      %dma_wait3A_348 = arith.constant 0 : i32
      %dma_wait3A_349 = tpu.memref_slice %arg5[%dma_wait3A_347, %dma_wait3A_348] : memref<64x256xf32, #tpu.memory_space<vmem>> -> memref<8x256xf32, #tpu.memory_space<vmem>>
      %dma_wait3A_350 = arith.constant 16 : i32
      %dma_wait3A_351 = tpu.memref_slice %arg2[%dma_wait3A_350, %mul3A_346] : memref<64x1000000xf32, #tpu.memory_space<hbm>> -> memref<8x256xf32, #tpu.memory_space<hbm>>
      %dma_wait3A_352 = arith.constant 16 : i32
      %dma_wait3A_353 = arith.constant 0 : i32
      %dma_wait3A_354 = tpu.memref_slice %arg5[%dma_wait3A_352, %dma_wait3A_353] : memref<64x256xf32, #tpu.memory_space<vmem>> -> memref<8x256xf32, #tpu.memory_space<vmem>>
      %dma_wait3A_355 = arith.constant 16 : i32
      %dma_wait3A_356 = tpu.memref_slice %arg2[%dma_wait3A_355, %mul3A_346] : memref<64x1000000xf32, #tpu.memory_space<hbm>> -> memref<8x256xf32, #tpu.memory_space<hbm>>
      tpu.wait_dma2 semaphore(%arg9 : memref<!tpu.dma_semaphore, #tpu.memory_space<semaphore_mem>>) src(%dma_wait3A_356 : memref<8x256xf32, #tpu.memory_space<hbm>>) dst(%dma_wait3A_354 : memref<8x256xf32, #tpu.memory_space<vmem>>)
      %mul3A_357 = arith.constant 256 : i32
      %mul3A_358 = arith.muli %add3A_217, %mul3A_357 : i32
      %dma_wait3A_359 = arith.constant 24 : i32
      %dma_wait3A_360 = arith.constant 0 : i32
      %dma_wait3A_361 = tpu.memref_slice %arg5[%dma_wait3A_359, %dma_wait3A_360] : memref<64x256xf32, #tpu.memory_space<vmem>> -> memref<8x256xf32, #tpu.memory_space<vmem>>
      %dma_wait3A_362 = arith.constant 24 : i32
      %dma_wait3A_363 = tpu.memref_slice %arg2[%dma_wait3A_362, %mul3A_358] : memref<64x1000000xf32, #tpu.memory_space<hbm>> -> memref<8x256xf32, #tpu.memory_space<hbm>>
      %dma_wait3A_364 = arith.constant 24 : i32
      %dma_wait3A_365 = arith.constant 0 : i32
      %dma_wait3A_366 = tpu.memref_slice %arg5[%dma_wait3A_364, %dma_wait3A_365] : memref<64x256xf32, #tpu.memory_space<vmem>> -> memref<8x256xf32, #tpu.memory_space<vmem>>
      %dma_wait3A_367 = arith.constant 24 : i32
      %dma_wait3A_368 = tpu.memref_slice %arg2[%dma_wait3A_367, %mul3A_358] : memref<64x1000000xf32, #tpu.memory_space<hbm>> -> memref<8x256xf32, #tpu.memory_space<hbm>>
      tpu.wait_dma2 semaphore(%arg9 : memref<!tpu.dma_semaphore, #tpu.memory_space<semaphore_mem>>) src(%dma_wait3A_368 : memref<8x256xf32, #tpu.memory_space<hbm>>) dst(%dma_wait3A_366 : memref<8x256xf32, #tpu.memory_space<vmem>>)
      %mul3A_369 = arith.constant 256 : i32
      %mul3A_370 = arith.muli %add3A_217, %mul3A_369 : i32
      %dma_wait3A_371 = arith.constant 32 : i32
      %dma_wait3A_372 = arith.constant 0 : i32
      %dma_wait3A_373 = tpu.memref_slice %arg5[%dma_wait3A_371, %dma_wait3A_372] : memref<64x256xf32, #tpu.memory_space<vmem>> -> memref<8x256xf32, #tpu.memory_space<vmem>>
      %dma_wait3A_374 = arith.constant 32 : i32
      %dma_wait3A_375 = tpu.memref_slice %arg2[%dma_wait3A_374, %mul3A_370] : memref<64x1000000xf32, #tpu.memory_space<hbm>> -> memref<8x256xf32, #tpu.memory_space<hbm>>
      %dma_wait3A_376 = arith.constant 32 : i32
      %dma_wait3A_377 = arith.constant 0 : i32
      %dma_wait3A_378 = tpu.memref_slice %arg5[%dma_wait3A_376, %dma_wait3A_377] : memref<64x256xf32, #tpu.memory_space<vmem>> -> memref<8x256xf32, #tpu.memory_space<vmem>>
      %dma_wait3A_379 = arith.constant 32 : i32
      %dma_wait3A_380 = tpu.memref_slice %arg2[%dma_wait3A_379, %mul3A_370] : memref<64x1000000xf32, #tpu.memory_space<hbm>> -> memref<8x256xf32, #tpu.memory_space<hbm>>
      tpu.wait_dma2 semaphore(%arg9 : memref<!tpu.dma_semaphore, #tpu.memory_space<semaphore_mem>>) src(%dma_wait3A_380 : memref<8x256xf32, #tpu.memory_space<hbm>>) dst(%dma_wait3A_378 : memref<8x256xf32, #tpu.memory_space<vmem>>)
      %mul3A_381 = arith.constant 256 : i32
      %mul3A_382 = arith.muli %add3A_217, %mul3A_381 : i32
      %dma_wait3A_383 = arith.constant 40 : i32
      %dma_wait3A_384 = arith.constant 0 : i32
      %dma_wait3A_385 = tpu.memref_slice %arg5[%dma_wait3A_383, %dma_wait3A_384] : memref<64x256xf32, #tpu.memory_space<vmem>> -> memref<8x256xf32, #tpu.memory_space<vmem>>
      %dma_wait3A_386 = arith.constant 40 : i32
      %dma_wait3A_387 = tpu.memref_slice %arg2[%dma_wait3A_386, %mul3A_382] : memref<64x1000000xf32, #tpu.memory_space<hbm>> -> memref<8x256xf32, #tpu.memory_space<hbm>>
      %dma_wait3A_388 = arith.constant 40 : i32
      %dma_wait3A_389 = arith.constant 0 : i32
      %dma_wait3A_390 = tpu.memref_slice %arg5[%dma_wait3A_388, %dma_wait3A_389] : memref<64x256xf32, #tpu.memory_space<vmem>> -> memref<8x256xf32, #tpu.memory_space<vmem>>
      %dma_wait3A_391 = arith.constant 40 : i32
      %dma_wait3A_392 = tpu.memref_slice %arg2[%dma_wait3A_391, %mul3A_382] : memref<64x1000000xf32, #tpu.memory_space<hbm>> -> memref<8x256xf32, #tpu.memory_space<hbm>>
      tpu.wait_dma2 semaphore(%arg9 : memref<!tpu.dma_semaphore, #tpu.memory_space<semaphore_mem>>) src(%dma_wait3A_392 : memref<8x256xf32, #tpu.memory_space<hbm>>) dst(%dma_wait3A_390 : memref<8x256xf32, #tpu.memory_space<vmem>>)
      %mul3A_393 = arith.constant 256 : i32
      %mul3A_394 = arith.muli %add3A_217, %mul3A_393 : i32
      %dma_wait3A_395 = arith.constant 48 : i32
      %dma_wait3A_396 = arith.constant 0 : i32
      %dma_wait3A_397 = tpu.memref_slice %arg5[%dma_wait3A_395, %dma_wait3A_396] : memref<64x256xf32, #tpu.memory_space<vmem>> -> memref<8x256xf32, #tpu.memory_space<vmem>>
      %dma_wait3A_398 = arith.constant 48 : i32
      %dma_wait3A_399 = tpu.memref_slice %arg2[%dma_wait3A_398, %mul3A_394] : memref<64x1000000xf32, #tpu.memory_space<hbm>> -> memref<8x256xf32, #tpu.memory_space<hbm>>
      %dma_wait3A_400 = arith.constant 48 : i32
      %dma_wait3A_401 = arith.constant 0 : i32
      %dma_wait3A_402 = tpu.memref_slice %arg5[%dma_wait3A_400, %dma_wait3A_401] : memref<64x256xf32, #tpu.memory_space<vmem>> -> memref<8x256xf32, #tpu.memory_space<vmem>>
      %dma_wait3A_403 = arith.constant 48 : i32
      %dma_wait3A_404 = tpu.memref_slice %arg2[%dma_wait3A_403, %mul3A_394] : memref<64x1000000xf32, #tpu.memory_space<hbm>> -> memref<8x256xf32, #tpu.memory_space<hbm>>
      tpu.wait_dma2 semaphore(%arg9 : memref<!tpu.dma_semaphore, #tpu.memory_space<semaphore_mem>>) src(%dma_wait3A_404 : memref<8x256xf32, #tpu.memory_space<hbm>>) dst(%dma_wait3A_402 : memref<8x256xf32, #tpu.memory_space<vmem>>)
      %mul3A_405 = arith.constant 256 : i32
      %mul3A_406 = arith.muli %add3A_217, %mul3A_405 : i32
      %dma_wait3A_407 = arith.constant 56 : i32
      %dma_wait3A_408 = arith.constant 0 : i32
      %dma_wait3A_409 = tpu.memref_slice %arg5[%dma_wait3A_407, %dma_wait3A_408] : memref<64x256xf32, #tpu.memory_space<vmem>> -> memref<8x256xf32, #tpu.memory_space<vmem>>
      %dma_wait3A_410 = arith.constant 56 : i32
      %dma_wait3A_411 = tpu.memref_slice %arg2[%dma_wait3A_410, %mul3A_406] : memref<64x1000000xf32, #tpu.memory_space<hbm>> -> memref<8x256xf32, #tpu.memory_space<hbm>>
      %dma_wait3A_412 = arith.constant 56 : i32
      %dma_wait3A_413 = arith.constant 0 : i32
      %dma_wait3A_414 = tpu.memref_slice %arg5[%dma_wait3A_412, %dma_wait3A_413] : memref<64x256xf32, #tpu.memory_space<vmem>> -> memref<8x256xf32, #tpu.memory_space<vmem>>
      %dma_wait3A_415 = arith.constant 56 : i32
      %dma_wait3A_416 = tpu.memref_slice %arg2[%dma_wait3A_415, %mul3A_406] : memref<64x1000000xf32, #tpu.memory_space<hbm>> -> memref<8x256xf32, #tpu.memory_space<hbm>>
      tpu.wait_dma2 semaphore(%arg9 : memref<!tpu.dma_semaphore, #tpu.memory_space<semaphore_mem>>) src(%dma_wait3A_416 : memref<8x256xf32, #tpu.memory_space<hbm>>) dst(%dma_wait3A_414 : memref<8x256xf32, #tpu.memory_space<vmem>>)
      %gt3A = arith.constant 0 : i32
      %gt3A_417 = arith.cmpi sgt, %scan3A_212, %gt3A : i32
      %convert_element_type3A_418 = arith.extui %gt3A_417 : i1 to i32
      %cond3A_419 = arith.constant 0 : i32
      %cond3A_420 = arith.cmpi ne, %convert_element_type3A_418, %cond3A_419 : i32
      scf.if %cond3A_420 {
        %sub3A = arith.constant 64 : i32
        %sub3A_546 = arith.subi %add3A_217, %sub3A : i32
        %mul3A_547 = arith.constant 128 : i32
        %mul3A_548 = arith.muli %sub3A_546, %mul3A_547 : i32
        %dma_wait3A_549 = arith.constant 0 : i32
        %dma_wait3A_550 = tpu.memref_slice %arg4[%mul3A_548, %dma_wait3A_549] : memref<500000x128xf32, #tpu.memory_space<hbm>> -> memref<128x128xf32, #tpu.memory_space<hbm>>
        %dma_wait3A_551 = arith.constant 0 : i32
        %dma_wait3A_552 = tpu.memref_slice %arg4[%mul3A_548, %dma_wait3A_551] : memref<500000x128xf32, #tpu.memory_space<hbm>> -> memref<128x128xf32, #tpu.memory_space<hbm>>
        tpu.wait_dma2 semaphore(%arg11 : memref<!tpu.dma_semaphore, #tpu.memory_space<semaphore_mem>>) src(%arg7 : memref<128x128xf32, #tpu.memory_space<vmem>>) dst(%dma_wait3A_552 : memref<128x128xf32, #tpu.memory_space<hbm>>)
      } else {
      }
      %parallel_loop3A = arith.constant 0 : i32
      %parallel_loop3A_421 = arith.constant 64 : i32
      %parallel_loop3A_422 = arith.constant 1 : i32
      scf.for %parallel_loop3A_546 = %parallel_loop3A to %parallel_loop3A_421 step %parallel_loop3A_422  : i32 {
        %parallel_loop3A_547 = arith.constant 4 : i32
        %parallel_loop3A_548 = arith.divsi %parallel_loop3A_546, %parallel_loop3A_547 : i32
        %parallel_loop3A_549 = arith.constant 0 : i32
        %parallel_loop3A_550 = arith.cmpi sgt, %parallel_loop3A_546, %parallel_loop3A_549 : i32
        %parallel_loop3A_551 = arith.extui %parallel_loop3A_550 : i1 to i32
        %parallel_loop3A_552 = arith.constant 0 : i32
        %parallel_loop3A_553 = arith.cmpi slt, %parallel_loop3A_546, %parallel_loop3A_552 : i32
        %parallel_loop3A_554 = arith.extui %parallel_loop3A_553 : i1 to i32
        %parallel_loop3A_555 = arith.subi %parallel_loop3A_551, %parallel_loop3A_554 : i32
        %parallel_loop3A_556 = arith.constant 0 : i32
        %parallel_loop3A_557 = arith.cmpi sgt, %parallel_loop3A_547, %parallel_loop3A_556 : i32
        %parallel_loop3A_558 = arith.extui %parallel_loop3A_557 : i1 to i32
        %parallel_loop3A_559 = arith.constant 0 : i32
        %parallel_loop3A_560 = arith.cmpi slt, %parallel_loop3A_547, %parallel_loop3A_559 : i32
        %parallel_loop3A_561 = arith.extui %parallel_loop3A_560 : i1 to i32
        %parallel_loop3A_562 = arith.subi %parallel_loop3A_558, %parallel_loop3A_561 : i32
        %parallel_loop3A_563 = arith.cmpi ne, %parallel_loop3A_555, %parallel_loop3A_562 : i32
        %parallel_loop3A_564 = arith.remsi %parallel_loop3A_546, %parallel_loop3A_547 : i32
        %parallel_loop3A_565 = arith.constant 0 : i32
        %parallel_loop3A_566 = arith.cmpi ne, %parallel_loop3A_564, %parallel_loop3A_565 : i32
        %parallel_loop3A_567 = arith.andi %parallel_loop3A_563, %parallel_loop3A_566 : i1
        %parallel_loop3A_568 = arith.constant 1 : i32
        %parallel_loop3A_569 = arith.subi %parallel_loop3A_548, %parallel_loop3A_568 : i32
        %parallel_loop3A_570 = arith.select %parallel_loop3A_567, %parallel_loop3A_569, %parallel_loop3A_548 : i32
        %parallel_loop3A_571 = arith.constant 16 : i32
        %parallel_loop3A_572 = arith.muli %parallel_loop3A_570, %parallel_loop3A_571 : i32
        %parallel_loop3A_573 = arith.constant 4 : i32
        %parallel_loop3A_574 = arith.constant 0 : i32
        %parallel_loop3A_575 = arith.cmpi eq, %parallel_loop3A_573, %parallel_loop3A_574 : i32
        %parallel_loop3A_576 = arith.constant 1 : i32
        %parallel_loop3A_577 = arith.select %parallel_loop3A_575, %parallel_loop3A_576, %parallel_loop3A_573 : i32
        %parallel_loop3A_578 = arith.remsi %parallel_loop3A_546, %parallel_loop3A_577 : i32
        %parallel_loop3A_579 = arith.constant 0 : i32
        %parallel_loop3A_580 = arith.cmpi ne, %parallel_loop3A_578, %parallel_loop3A_579 : i32
        %parallel_loop3A_581 = arith.constant 0 : i32
        %parallel_loop3A_582 = arith.cmpi slt, %parallel_loop3A_578, %parallel_loop3A_581 : i32
        %parallel_loop3A_583 = arith.constant 0 : i32
        %parallel_loop3A_584 = arith.cmpi slt, %parallel_loop3A_577, %parallel_loop3A_583 : i32
        %parallel_loop3A_585 = arith.xori %parallel_loop3A_582, %parallel_loop3A_584 : i1
        %parallel_loop3A_586 = arith.andi %parallel_loop3A_585, %parallel_loop3A_580 : i1
        %parallel_loop3A_587 = arith.addi %parallel_loop3A_578, %parallel_loop3A_577 : i32
        %parallel_loop3A_588 = arith.select %parallel_loop3A_586, %parallel_loop3A_587, %parallel_loop3A_578 : i32
        %parallel_loop3A_589 = arith.constant 16 : i32
        %parallel_loop3A_590 = arith.muli %parallel_loop3A_588, %parallel_loop3A_589 : i32
        %parallel_loop3A_591 = vector.broadcast %parallel_loop3A_590 : i32 to vector<16xi32>
        %parallel_loop3A_592 = arith.addi %parallel_loop3A_591, %iota3A : vector<16xi32>
        %parallel_loop3A_593 = vector.broadcast %parallel_loop3A_572 : i32 to vector<16xi32>
        %parallel_loop3A_594 = arith.addi %parallel_loop3A_593, %and3A_5 : vector<16xi32>
        %parallel_loop3A_595 = tpu.vector_load_idx %arg5[%parallel_loop3A_592, %parallel_loop3A_594] : memref<64x256xf32, #tpu.memory_space<vmem>>[vector<16xi32>, vector<16xi32>], vector<16xf32>,
        %parallel_loop3A_596 = arith.constant 1 : i32
        %parallel_loop3A_597 = vector.broadcast %parallel_loop3A_596 : i32 to vector<16xi32>
        %parallel_loop3A_598 = arith.shrsi %parallel_loop3A_594, %parallel_loop3A_597 : vector<16xi32>
        %parallel_loop3A_599 = arith.constant 1 : i32
        %parallel_loop3A_600 = vector.broadcast %parallel_loop3A_599 : i32 to vector<16xi32>
        %parallel_loop3A_601 = arith.andi %parallel_loop3A_594, %parallel_loop3A_600 : vector<16xi32>
        %parallel_loop3A_602 = arith.constant 6 : i32
        %parallel_loop3A_603 = vector.broadcast %parallel_loop3A_602 : i32 to vector<16xi32>
        %parallel_loop3A_604 = arith.shli %parallel_loop3A_601, %parallel_loop3A_603 : vector<16xi32>
        %parallel_loop3A_605 = arith.addi %parallel_loop3A_604, %parallel_loop3A_592 : vector<16xi32>
        tpu.vector_store_idx %arg7[%parallel_loop3A_598, %parallel_loop3A_605], %parallel_loop3A_595 : memref<128x128xf32, #tpu.memory_space<vmem>>[vector<16xi32>, vector<16xi32>], vector<16xf32>,
        %parallel_loop3A_606 = vector.broadcast %parallel_loop3A_572 : i32 to vector<16xi32>
        %parallel_loop3A_607 = arith.addi %parallel_loop3A_606, %and3A_11 : vector<16xi32>
        %parallel_loop3A_608 = tpu.vector_load_idx %arg5[%parallel_loop3A_592, %parallel_loop3A_607] : memref<64x256xf32, #tpu.memory_space<vmem>>[vector<16xi32>, vector<16xi32>], vector<16xf32>,
        %parallel_loop3A_609 = arith.constant 1 : i32
        %parallel_loop3A_610 = vector.broadcast %parallel_loop3A_609 : i32 to vector<16xi32>
        %parallel_loop3A_611 = arith.shrsi %parallel_loop3A_607, %parallel_loop3A_610 : vector<16xi32>
        %parallel_loop3A_612 = arith.constant 1 : i32
        %parallel_loop3A_613 = vector.broadcast %parallel_loop3A_612 : i32 to vector<16xi32>
        %parallel_loop3A_614 = arith.andi %parallel_loop3A_607, %parallel_loop3A_613 : vector<16xi32>
        %parallel_loop3A_615 = arith.constant 6 : i32
        %parallel_loop3A_616 = vector.broadcast %parallel_loop3A_615 : i32 to vector<16xi32>
        %parallel_loop3A_617 = arith.shli %parallel_loop3A_614, %parallel_loop3A_616 : vector<16xi32>
        %parallel_loop3A_618 = arith.addi %parallel_loop3A_617, %parallel_loop3A_592 : vector<16xi32>
        tpu.vector_store_idx %arg7[%parallel_loop3A_611, %parallel_loop3A_618], %parallel_loop3A_608 : memref<128x128xf32, #tpu.memory_space<vmem>>[vector<16xi32>, vector<16xi32>], vector<16xf32>,
        %parallel_loop3A_619 = vector.broadcast %parallel_loop3A_572 : i32 to vector<16xi32>
        %parallel_loop3A_620 = arith.addi %parallel_loop3A_619, %and3A_17 : vector<16xi32>
        %parallel_loop3A_621 = tpu.vector_load_idx %arg5[%parallel_loop3A_592, %parallel_loop3A_620] : memref<64x256xf32, #tpu.memory_space<vmem>>[vector<16xi32>, vector<16xi32>], vector<16xf32>,
        %parallel_loop3A_622 = arith.constant 1 : i32
        %parallel_loop3A_623 = vector.broadcast %parallel_loop3A_622 : i32 to vector<16xi32>
        %parallel_loop3A_624 = arith.shrsi %parallel_loop3A_620, %parallel_loop3A_623 : vector<16xi32>
        %parallel_loop3A_625 = arith.constant 1 : i32
        %parallel_loop3A_626 = vector.broadcast %parallel_loop3A_625 : i32 to vector<16xi32>
        %parallel_loop3A_627 = arith.andi %parallel_loop3A_620, %parallel_loop3A_626 : vector<16xi32>
        %parallel_loop3A_628 = arith.constant 6 : i32
        %parallel_loop3A_629 = vector.broadcast %parallel_loop3A_628 : i32 to vector<16xi32>
        %parallel_loop3A_630 = arith.shli %parallel_loop3A_627, %parallel_loop3A_629 : vector<16xi32>
        %parallel_loop3A_631 = arith.addi %parallel_loop3A_630, %parallel_loop3A_592 : vector<16xi32>
        tpu.vector_store_idx %arg7[%parallel_loop3A_624, %parallel_loop3A_631], %parallel_loop3A_621 : memref<128x128xf32, #tpu.memory_space<vmem>>[vector<16xi32>, vector<16xi32>], vector<16xf32>,
        %parallel_loop3A_632 = vector.broadcast %parallel_loop3A_572 : i32 to vector<16xi32>
        %parallel_loop3A_633 = arith.addi %parallel_loop3A_632, %and3A_23 : vector<16xi32>
        %parallel_loop3A_634 = tpu.vector_load_idx %arg5[%parallel_loop3A_592, %parallel_loop3A_633] : memref<64x256xf32, #tpu.memory_space<vmem>>[vector<16xi32>, vector<16xi32>], vector<16xf32>,
        %parallel_loop3A_635 = arith.constant 1 : i32
        %parallel_loop3A_636 = vector.broadcast %parallel_loop3A_635 : i32 to vector<16xi32>
        %parallel_loop3A_637 = arith.shrsi %parallel_loop3A_633, %parallel_loop3A_636 : vector<16xi32>
        %parallel_loop3A_638 = arith.constant 1 : i32
        %parallel_loop3A_639 = vector.broadcast %parallel_loop3A_638 : i32 to vector<16xi32>
        %parallel_loop3A_640 = arith.andi %parallel_loop3A_633, %parallel_loop3A_639 : vector<16xi32>
        %parallel_loop3A_641 = arith.constant 6 : i32
        %parallel_loop3A_642 = vector.broadcast %parallel_loop3A_641 : i32 to vector<16xi32>
        %parallel_loop3A_643 = arith.shli %parallel_loop3A_640, %parallel_loop3A_642 : vector<16xi32>
        %parallel_loop3A_644 = arith.addi %parallel_loop3A_643, %parallel_loop3A_592 : vector<16xi32>
        tpu.vector_store_idx %arg7[%parallel_loop3A_637, %parallel_loop3A_644], %parallel_loop3A_634 : memref<128x128xf32, #tpu.memory_space<vmem>>[vector<16xi32>, vector<16xi32>], vector<16xf32>,
        %parallel_loop3A_645 = vector.broadcast %parallel_loop3A_572 : i32 to vector<16xi32>
        %parallel_loop3A_646 = arith.addi %parallel_loop3A_645, %and3A_29 : vector<16xi32>
        %parallel_loop3A_647 = tpu.vector_load_idx %arg5[%parallel_loop3A_592, %parallel_loop3A_646] : memref<64x256xf32, #tpu.memory_space<vmem>>[vector<16xi32>, vector<16xi32>], vector<16xf32>,
        %parallel_loop3A_648 = arith.constant 1 : i32
        %parallel_loop3A_649 = vector.broadcast %parallel_loop3A_648 : i32 to vector<16xi32>
        %parallel_loop3A_650 = arith.shrsi %parallel_loop3A_646, %parallel_loop3A_649 : vector<16xi32>
        %parallel_loop3A_651 = arith.constant 1 : i32
        %parallel_loop3A_652 = vector.broadcast %parallel_loop3A_651 : i32 to vector<16xi32>
        %parallel_loop3A_653 = arith.andi %parallel_loop3A_646, %parallel_loop3A_652 : vector<16xi32>
        %parallel_loop3A_654 = arith.constant 6 : i32
        %parallel_loop3A_655 = vector.broadcast %parallel_loop3A_654 : i32 to vector<16xi32>
        %parallel_loop3A_656 = arith.shli %parallel_loop3A_653, %parallel_loop3A_655 : vector<16xi32>
        %parallel_loop3A_657 = arith.addi %parallel_loop3A_656, %parallel_loop3A_592 : vector<16xi32>
        tpu.vector_store_idx %arg7[%parallel_loop3A_650, %parallel_loop3A_657], %parallel_loop3A_647 : memref<128x128xf32, #tpu.memory_space<vmem>>[vector<16xi32>, vector<16xi32>], vector<16xf32>,
        %parallel_loop3A_658 = vector.broadcast %parallel_loop3A_572 : i32 to vector<16xi32>
        %parallel_loop3A_659 = arith.addi %parallel_loop3A_658, %and3A_35 : vector<16xi32>
        %parallel_loop3A_660 = tpu.vector_load_idx %arg5[%parallel_loop3A_592, %parallel_loop3A_659] : memref<64x256xf32, #tpu.memory_space<vmem>>[vector<16xi32>, vector<16xi32>], vector<16xf32>,
        %parallel_loop3A_661 = arith.constant 1 : i32
        %parallel_loop3A_662 = vector.broadcast %parallel_loop3A_661 : i32 to vector<16xi32>
        %parallel_loop3A_663 = arith.shrsi %parallel_loop3A_659, %parallel_loop3A_662 : vector<16xi32>
        %parallel_loop3A_664 = arith.constant 1 : i32
        %parallel_loop3A_665 = vector.broadcast %parallel_loop3A_664 : i32 to vector<16xi32>
        %parallel_loop3A_666 = arith.andi %parallel_loop3A_659, %parallel_loop3A_665 : vector<16xi32>
        %parallel_loop3A_667 = arith.constant 6 : i32
        %parallel_loop3A_668 = vector.broadcast %parallel_loop3A_667 : i32 to vector<16xi32>
        %parallel_loop3A_669 = arith.shli %parallel_loop3A_666, %parallel_loop3A_668 : vector<16xi32>
        %parallel_loop3A_670 = arith.addi %parallel_loop3A_669, %parallel_loop3A_592 : vector<16xi32>
        tpu.vector_store_idx %arg7[%parallel_loop3A_663, %parallel_loop3A_670], %parallel_loop3A_660 : memref<128x128xf32, #tpu.memory_space<vmem>>[vector<16xi32>, vector<16xi32>], vector<16xf32>,
        %parallel_loop3A_671 = vector.broadcast %parallel_loop3A_572 : i32 to vector<16xi32>
        %parallel_loop3A_672 = arith.addi %parallel_loop3A_671, %and3A_41 : vector<16xi32>
        %parallel_loop3A_673 = tpu.vector_load_idx %arg5[%parallel_loop3A_592, %parallel_loop3A_672] : memref<64x256xf32, #tpu.memory_space<vmem>>[vector<16xi32>, vector<16xi32>], vector<16xf32>,
        %parallel_loop3A_674 = arith.constant 1 : i32
        %parallel_loop3A_675 = vector.broadcast %parallel_loop3A_674 : i32 to vector<16xi32>
        %parallel_loop3A_676 = arith.shrsi %parallel_loop3A_672, %parallel_loop3A_675 : vector<16xi32>
        %parallel_loop3A_677 = arith.constant 1 : i32
        %parallel_loop3A_678 = vector.broadcast %parallel_loop3A_677 : i32 to vector<16xi32>
        %parallel_loop3A_679 = arith.andi %parallel_loop3A_672, %parallel_loop3A_678 : vector<16xi32>
        %parallel_loop3A_680 = arith.constant 6 : i32
        %parallel_loop3A_681 = vector.broadcast %parallel_loop3A_680 : i32 to vector<16xi32>
        %parallel_loop3A_682 = arith.shli %parallel_loop3A_679, %parallel_loop3A_681 : vector<16xi32>
        %parallel_loop3A_683 = arith.addi %parallel_loop3A_682, %parallel_loop3A_592 : vector<16xi32>
        tpu.vector_store_idx %arg7[%parallel_loop3A_676, %parallel_loop3A_683], %parallel_loop3A_673 : memref<128x128xf32, #tpu.memory_space<vmem>>[vector<16xi32>, vector<16xi32>], vector<16xf32>,
        %parallel_loop3A_684 = vector.broadcast %parallel_loop3A_572 : i32 to vector<16xi32>
        %parallel_loop3A_685 = arith.addi %parallel_loop3A_684, %and3A_47 : vector<16xi32>
        %parallel_loop3A_686 = tpu.vector_load_idx %arg5[%parallel_loop3A_592, %parallel_loop3A_685] : memref<64x256xf32, #tpu.memory_space<vmem>>[vector<16xi32>, vector<16xi32>], vector<16xf32>,
        %parallel_loop3A_687 = arith.constant 1 : i32
        %parallel_loop3A_688 = vector.broadcast %parallel_loop3A_687 : i32 to vector<16xi32>
        %parallel_loop3A_689 = arith.shrsi %parallel_loop3A_685, %parallel_loop3A_688 : vector<16xi32>
        %parallel_loop3A_690 = arith.constant 1 : i32
        %parallel_loop3A_691 = vector.broadcast %parallel_loop3A_690 : i32 to vector<16xi32>
        %parallel_loop3A_692 = arith.andi %parallel_loop3A_685, %parallel_loop3A_691 : vector<16xi32>
        %parallel_loop3A_693 = arith.constant 6 : i32
        %parallel_loop3A_694 = vector.broadcast %parallel_loop3A_693 : i32 to vector<16xi32>
        %parallel_loop3A_695 = arith.shli %parallel_loop3A_692, %parallel_loop3A_694 : vector<16xi32>
        %parallel_loop3A_696 = arith.addi %parallel_loop3A_695, %parallel_loop3A_592 : vector<16xi32>
        tpu.vector_store_idx %arg7[%parallel_loop3A_689, %parallel_loop3A_696], %parallel_loop3A_686 : memref<128x128xf32, #tpu.memory_space<vmem>>[vector<16xi32>, vector<16xi32>], vector<16xf32>,
        %parallel_loop3A_697 = vector.broadcast %parallel_loop3A_572 : i32 to vector<16xi32>
        %parallel_loop3A_698 = arith.addi %parallel_loop3A_697, %and3A_53 : vector<16xi32>
        %parallel_loop3A_699 = tpu.vector_load_idx %arg5[%parallel_loop3A_592, %parallel_loop3A_698] : memref<64x256xf32, #tpu.memory_space<vmem>>[vector<16xi32>, vector<16xi32>], vector<16xf32>,
        %parallel_loop3A_700 = arith.constant 1 : i32
        %parallel_loop3A_701 = vector.broadcast %parallel_loop3A_700 : i32 to vector<16xi32>
        %parallel_loop3A_702 = arith.shrsi %parallel_loop3A_698, %parallel_loop3A_701 : vector<16xi32>
        %parallel_loop3A_703 = arith.constant 1 : i32
        %parallel_loop3A_704 = vector.broadcast %parallel_loop3A_703 : i32 to vector<16xi32>
        %parallel_loop3A_705 = arith.andi %parallel_loop3A_698, %parallel_loop3A_704 : vector<16xi32>
        %parallel_loop3A_706 = arith.constant 6 : i32
        %parallel_loop3A_707 = vector.broadcast %parallel_loop3A_706 : i32 to vector<16xi32>
        %parallel_loop3A_708 = arith.shli %parallel_loop3A_705, %parallel_loop3A_707 : vector<16xi32>
        %parallel_loop3A_709 = arith.addi %parallel_loop3A_708, %parallel_loop3A_592 : vector<16xi32>
        tpu.vector_store_idx %arg7[%parallel_loop3A_702, %parallel_loop3A_709], %parallel_loop3A_699 : memref<128x128xf32, #tpu.memory_space<vmem>>[vector<16xi32>, vector<16xi32>], vector<16xf32>,
        %parallel_loop3A_710 = vector.broadcast %parallel_loop3A_572 : i32 to vector<16xi32>
        %parallel_loop3A_711 = arith.addi %parallel_loop3A_710, %and3A_59 : vector<16xi32>
        %parallel_loop3A_712 = tpu.vector_load_idx %arg5[%parallel_loop3A_592, %parallel_loop3A_711] : memref<64x256xf32, #tpu.memory_space<vmem>>[vector<16xi32>, vector<16xi32>], vector<16xf32>,
        %parallel_loop3A_713 = arith.constant 1 : i32
        %parallel_loop3A_714 = vector.broadcast %parallel_loop3A_713 : i32 to vector<16xi32>
        %parallel_loop3A_715 = arith.shrsi %parallel_loop3A_711, %parallel_loop3A_714 : vector<16xi32>
        %parallel_loop3A_716 = arith.constant 1 : i32
        %parallel_loop3A_717 = vector.broadcast %parallel_loop3A_716 : i32 to vector<16xi32>
        %parallel_loop3A_718 = arith.andi %parallel_loop3A_711, %parallel_loop3A_717 : vector<16xi32>
        %parallel_loop3A_719 = arith.constant 6 : i32
        %parallel_loop3A_720 = vector.broadcast %parallel_loop3A_719 : i32 to vector<16xi32>
        %parallel_loop3A_721 = arith.shli %parallel_loop3A_718, %parallel_loop3A_720 : vector<16xi32>
        %parallel_loop3A_722 = arith.addi %parallel_loop3A_721, %parallel_loop3A_592 : vector<16xi32>
        tpu.vector_store_idx %arg7[%parallel_loop3A_715, %parallel_loop3A_722], %parallel_loop3A_712 : memref<128x128xf32, #tpu.memory_space<vmem>>[vector<16xi32>, vector<16xi32>], vector<16xf32>,
        %parallel_loop3A_723 = vector.broadcast %parallel_loop3A_572 : i32 to vector<16xi32>
        %parallel_loop3A_724 = arith.addi %parallel_loop3A_723, %and3A_65 : vector<16xi32>
        %parallel_loop3A_725 = tpu.vector_load_idx %arg5[%parallel_loop3A_592, %parallel_loop3A_724] : memref<64x256xf32, #tpu.memory_space<vmem>>[vector<16xi32>, vector<16xi32>], vector<16xf32>,
        %parallel_loop3A_726 = arith.constant 1 : i32
        %parallel_loop3A_727 = vector.broadcast %parallel_loop3A_726 : i32 to vector<16xi32>
        %parallel_loop3A_728 = arith.shrsi %parallel_loop3A_724, %parallel_loop3A_727 : vector<16xi32>
        %parallel_loop3A_729 = arith.constant 1 : i32
        %parallel_loop3A_730 = vector.broadcast %parallel_loop3A_729 : i32 to vector<16xi32>
        %parallel_loop3A_731 = arith.andi %parallel_loop3A_724, %parallel_loop3A_730 : vector<16xi32>
        %parallel_loop3A_732 = arith.constant 6 : i32
        %parallel_loop3A_733 = vector.broadcast %parallel_loop3A_732 : i32 to vector<16xi32>
        %parallel_loop3A_734 = arith.shli %parallel_loop3A_731, %parallel_loop3A_733 : vector<16xi32>
        %parallel_loop3A_735 = arith.addi %parallel_loop3A_734, %parallel_loop3A_592 : vector<16xi32>
        tpu.vector_store_idx %arg7[%parallel_loop3A_728, %parallel_loop3A_735], %parallel_loop3A_725 : memref<128x128xf32, #tpu.memory_space<vmem>>[vector<16xi32>, vector<16xi32>], vector<16xf32>,
        %parallel_loop3A_736 = vector.broadcast %parallel_loop3A_572 : i32 to vector<16xi32>
        %parallel_loop3A_737 = arith.addi %parallel_loop3A_736, %and3A_71 : vector<16xi32>
        %parallel_loop3A_738 = tpu.vector_load_idx %arg5[%parallel_loop3A_592, %parallel_loop3A_737] : memref<64x256xf32, #tpu.memory_space<vmem>>[vector<16xi32>, vector<16xi32>], vector<16xf32>,
        %parallel_loop3A_739 = arith.constant 1 : i32
        %parallel_loop3A_740 = vector.broadcast %parallel_loop3A_739 : i32 to vector<16xi32>
        %parallel_loop3A_741 = arith.shrsi %parallel_loop3A_737, %parallel_loop3A_740 : vector<16xi32>
        %parallel_loop3A_742 = arith.constant 1 : i32
        %parallel_loop3A_743 = vector.broadcast %parallel_loop3A_742 : i32 to vector<16xi32>
        %parallel_loop3A_744 = arith.andi %parallel_loop3A_737, %parallel_loop3A_743 : vector<16xi32>
        %parallel_loop3A_745 = arith.constant 6 : i32
        %parallel_loop3A_746 = vector.broadcast %parallel_loop3A_745 : i32 to vector<16xi32>
        %parallel_loop3A_747 = arith.shli %parallel_loop3A_744, %parallel_loop3A_746 : vector<16xi32>
        %parallel_loop3A_748 = arith.addi %parallel_loop3A_747, %parallel_loop3A_592 : vector<16xi32>
        tpu.vector_store_idx %arg7[%parallel_loop3A_741, %parallel_loop3A_748], %parallel_loop3A_738 : memref<128x128xf32, #tpu.memory_space<vmem>>[vector<16xi32>, vector<16xi32>], vector<16xf32>,
        %parallel_loop3A_749 = vector.broadcast %parallel_loop3A_572 : i32 to vector<16xi32>
        %parallel_loop3A_750 = arith.addi %parallel_loop3A_749, %and3A_77 : vector<16xi32>
        %parallel_loop3A_751 = tpu.vector_load_idx %arg5[%parallel_loop3A_592, %parallel_loop3A_750] : memref<64x256xf32, #tpu.memory_space<vmem>>[vector<16xi32>, vector<16xi32>], vector<16xf32>,
        %parallel_loop3A_752 = arith.constant 1 : i32
        %parallel_loop3A_753 = vector.broadcast %parallel_loop3A_752 : i32 to vector<16xi32>
        %parallel_loop3A_754 = arith.shrsi %parallel_loop3A_750, %parallel_loop3A_753 : vector<16xi32>
        %parallel_loop3A_755 = arith.constant 1 : i32
        %parallel_loop3A_756 = vector.broadcast %parallel_loop3A_755 : i32 to vector<16xi32>
        %parallel_loop3A_757 = arith.andi %parallel_loop3A_750, %parallel_loop3A_756 : vector<16xi32>
        %parallel_loop3A_758 = arith.constant 6 : i32
        %parallel_loop3A_759 = vector.broadcast %parallel_loop3A_758 : i32 to vector<16xi32>
        %parallel_loop3A_760 = arith.shli %parallel_loop3A_757, %parallel_loop3A_759 : vector<16xi32>
        %parallel_loop3A_761 = arith.addi %parallel_loop3A_760, %parallel_loop3A_592 : vector<16xi32>
        tpu.vector_store_idx %arg7[%parallel_loop3A_754, %parallel_loop3A_761], %parallel_loop3A_751 : memref<128x128xf32, #tpu.memory_space<vmem>>[vector<16xi32>, vector<16xi32>], vector<16xf32>,
        %parallel_loop3A_762 = vector.broadcast %parallel_loop3A_572 : i32 to vector<16xi32>
        %parallel_loop3A_763 = arith.addi %parallel_loop3A_762, %and3A_83 : vector<16xi32>
        %parallel_loop3A_764 = tpu.vector_load_idx %arg5[%parallel_loop3A_592, %parallel_loop3A_763] : memref<64x256xf32, #tpu.memory_space<vmem>>[vector<16xi32>, vector<16xi32>], vector<16xf32>,
        %parallel_loop3A_765 = arith.constant 1 : i32
        %parallel_loop3A_766 = vector.broadcast %parallel_loop3A_765 : i32 to vector<16xi32>
        %parallel_loop3A_767 = arith.shrsi %parallel_loop3A_763, %parallel_loop3A_766 : vector<16xi32>
        %parallel_loop3A_768 = arith.constant 1 : i32
        %parallel_loop3A_769 = vector.broadcast %parallel_loop3A_768 : i32 to vector<16xi32>
        %parallel_loop3A_770 = arith.andi %parallel_loop3A_763, %parallel_loop3A_769 : vector<16xi32>
        %parallel_loop3A_771 = arith.constant 6 : i32
        %parallel_loop3A_772 = vector.broadcast %parallel_loop3A_771 : i32 to vector<16xi32>
        %parallel_loop3A_773 = arith.shli %parallel_loop3A_770, %parallel_loop3A_772 : vector<16xi32>
        %parallel_loop3A_774 = arith.addi %parallel_loop3A_773, %parallel_loop3A_592 : vector<16xi32>
        tpu.vector_store_idx %arg7[%parallel_loop3A_767, %parallel_loop3A_774], %parallel_loop3A_764 : memref<128x128xf32, #tpu.memory_space<vmem>>[vector<16xi32>, vector<16xi32>], vector<16xf32>,
        %parallel_loop3A_775 = vector.broadcast %parallel_loop3A_572 : i32 to vector<16xi32>
        %parallel_loop3A_776 = arith.addi %parallel_loop3A_775, %and3A_89 : vector<16xi32>
        %parallel_loop3A_777 = tpu.vector_load_idx %arg5[%parallel_loop3A_592, %parallel_loop3A_776] : memref<64x256xf32, #tpu.memory_space<vmem>>[vector<16xi32>, vector<16xi32>], vector<16xf32>,
        %parallel_loop3A_778 = arith.constant 1 : i32
        %parallel_loop3A_779 = vector.broadcast %parallel_loop3A_778 : i32 to vector<16xi32>
        %parallel_loop3A_780 = arith.shrsi %parallel_loop3A_776, %parallel_loop3A_779 : vector<16xi32>
        %parallel_loop3A_781 = arith.constant 1 : i32
        %parallel_loop3A_782 = vector.broadcast %parallel_loop3A_781 : i32 to vector<16xi32>
        %parallel_loop3A_783 = arith.andi %parallel_loop3A_776, %parallel_loop3A_782 : vector<16xi32>
        %parallel_loop3A_784 = arith.constant 6 : i32
        %parallel_loop3A_785 = vector.broadcast %parallel_loop3A_784 : i32 to vector<16xi32>
        %parallel_loop3A_786 = arith.shli %parallel_loop3A_783, %parallel_loop3A_785 : vector<16xi32>
        %parallel_loop3A_787 = arith.addi %parallel_loop3A_786, %parallel_loop3A_592 : vector<16xi32>
        tpu.vector_store_idx %arg7[%parallel_loop3A_780, %parallel_loop3A_787], %parallel_loop3A_777 : memref<128x128xf32, #tpu.memory_space<vmem>>[vector<16xi32>, vector<16xi32>], vector<16xf32>,
        %parallel_loop3A_788 = vector.broadcast %parallel_loop3A_572 : i32 to vector<16xi32>
        %parallel_loop3A_789 = arith.addi %parallel_loop3A_788, %and3A_95 : vector<16xi32>
        %parallel_loop3A_790 = tpu.vector_load_idx %arg5[%parallel_loop3A_592, %parallel_loop3A_789] : memref<64x256xf32, #tpu.memory_space<vmem>>[vector<16xi32>, vector<16xi32>], vector<16xf32>,
        %parallel_loop3A_791 = arith.constant 1 : i32
        %parallel_loop3A_792 = vector.broadcast %parallel_loop3A_791 : i32 to vector<16xi32>
        %parallel_loop3A_793 = arith.shrsi %parallel_loop3A_789, %parallel_loop3A_792 : vector<16xi32>
        %parallel_loop3A_794 = arith.constant 1 : i32
        %parallel_loop3A_795 = vector.broadcast %parallel_loop3A_794 : i32 to vector<16xi32>
        %parallel_loop3A_796 = arith.andi %parallel_loop3A_789, %parallel_loop3A_795 : vector<16xi32>
        %parallel_loop3A_797 = arith.constant 6 : i32
        %parallel_loop3A_798 = vector.broadcast %parallel_loop3A_797 : i32 to vector<16xi32>
        %parallel_loop3A_799 = arith.shli %parallel_loop3A_796, %parallel_loop3A_798 : vector<16xi32>
        %parallel_loop3A_800 = arith.addi %parallel_loop3A_799, %parallel_loop3A_592 : vector<16xi32>
        tpu.vector_store_idx %arg7[%parallel_loop3A_793, %parallel_loop3A_800], %parallel_loop3A_790 : memref<128x128xf32, #tpu.memory_space<vmem>>[vector<16xi32>, vector<16xi32>], vector<16xf32>,
      } {sc.loop_unroll_factor = 2 : i64, sc.parallel_access}
      %mul3A_423 = arith.constant 128 : i32
      %mul3A_424 = arith.muli %add3A_217, %mul3A_423 : i32
      %dma_start3A_425 = arith.constant 0 : i32
      %dma_start3A_426 = tpu.memref_slice %arg4[%mul3A_424, %dma_start3A_425] : memref<500000x128xf32, #tpu.memory_space<hbm>> -> memref<128x128xf32, #tpu.memory_space<hbm>>
      %dma_start3A_427 = arith.constant 0 : i32
      %dma_start3A_428 = tpu.memref_slice %arg4[%mul3A_424, %dma_start3A_427] : memref<500000x128xf32, #tpu.memory_space<hbm>> -> memref<128x128xf32, #tpu.memory_space<hbm>>
      tpu.enqueue_dma source(%arg7 : memref<128x128xf32, #tpu.memory_space<vmem>>) target(%dma_start3A_428 : memref<128x128xf32, #tpu.memory_space<hbm>>) target_semaphore(%arg11 : memref<!tpu.dma_semaphore, #tpu.memory_space<semaphore_mem>>)
      %lt3A_429 = arith.constant 60 : i32
      %lt3A_430 = arith.cmpi slt, %scan3A_212, %lt3A_429 : i32
      %lt3A_431 = arith.constant 2 : i32
      %lt3A_432 = arith.cmpi slt, %add3A, %lt3A_431 : i32
      %or3A = arith.ori %lt3A_430, %lt3A_432 : i1
      %convert_element_type3A_433 = arith.extui %or3A : i1 to i32
      %cond3A_434 = arith.constant 0 : i32
      %cond3A_435 = arith.cmpi ne, %convert_element_type3A_433, %cond3A_434 : i32
      scf.if %cond3A_435 {
        %mul3A_546 = arith.constant 2 : i32
        %mul3A_547 = arith.muli %mul3A_546, %scan3A_212 : i32
        %add3A_548 = arith.constant 2 : i32
        %add3A_549 = arith.addi %mul3A_547, %add3A_548 : i32
        %mul3A_550 = arith.constant 32 : i32
        %mul3A_551 = arith.muli %mul3A_550, %add3A_549 : i32
        %add3A_552 = arith.addi %add3A, %mul3A_551 : i32
        %mul3A_553 = arith.constant 256 : i32
        %mul3A_554 = arith.muli %add3A_552, %mul3A_553 : i32
        %dma_start3A_555 = arith.constant 0 : i32
        %dma_start3A_556 = arith.constant 0 : i32
        %dma_start3A_557 = tpu.memref_slice %arg5[%dma_start3A_555, %dma_start3A_556] : memref<64x256xf32, #tpu.memory_space<vmem>> -> memref<8x256xf32, #tpu.memory_space<vmem>>
        %dma_start3A_558 = arith.constant 0 : i32
        %dma_start3A_559 = tpu.memref_slice %arg2[%dma_start3A_558, %mul3A_554] : memref<64x1000000xf32, #tpu.memory_space<hbm>> -> memref<8x256xf32, #tpu.memory_space<hbm>>
        %dma_start3A_560 = arith.constant 0 : i32
        %dma_start3A_561 = arith.constant 0 : i32
        %dma_start3A_562 = tpu.memref_slice %arg5[%dma_start3A_560, %dma_start3A_561] : memref<64x256xf32, #tpu.memory_space<vmem>> -> memref<8x256xf32, #tpu.memory_space<vmem>>
        %dma_start3A_563 = arith.constant 0 : i32
        %dma_start3A_564 = tpu.memref_slice %arg2[%dma_start3A_563, %mul3A_554] : memref<64x1000000xf32, #tpu.memory_space<hbm>> -> memref<8x256xf32, #tpu.memory_space<hbm>>
        tpu.enqueue_dma source(%dma_start3A_564 : memref<8x256xf32, #tpu.memory_space<hbm>>) target(%dma_start3A_562 : memref<8x256xf32, #tpu.memory_space<vmem>>) target_semaphore(%arg9 : memref<!tpu.dma_semaphore, #tpu.memory_space<semaphore_mem>>)
        %mul3A_565 = arith.constant 256 : i32
        %mul3A_566 = arith.muli %add3A_552, %mul3A_565 : i32
        %dma_start3A_567 = arith.constant 8 : i32
        %dma_start3A_568 = arith.constant 0 : i32
        %dma_start3A_569 = tpu.memref_slice %arg5[%dma_start3A_567, %dma_start3A_568] : memref<64x256xf32, #tpu.memory_space<vmem>> -> memref<8x256xf32, #tpu.memory_space<vmem>>
        %dma_start3A_570 = arith.constant 8 : i32
        %dma_start3A_571 = tpu.memref_slice %arg2[%dma_start3A_570, %mul3A_566] : memref<64x1000000xf32, #tpu.memory_space<hbm>> -> memref<8x256xf32, #tpu.memory_space<hbm>>
        %dma_start3A_572 = arith.constant 8 : i32
        %dma_start3A_573 = arith.constant 0 : i32
        %dma_start3A_574 = tpu.memref_slice %arg5[%dma_start3A_572, %dma_start3A_573] : memref<64x256xf32, #tpu.memory_space<vmem>> -> memref<8x256xf32, #tpu.memory_space<vmem>>
        %dma_start3A_575 = arith.constant 8 : i32
        %dma_start3A_576 = tpu.memref_slice %arg2[%dma_start3A_575, %mul3A_566] : memref<64x1000000xf32, #tpu.memory_space<hbm>> -> memref<8x256xf32, #tpu.memory_space<hbm>>
        tpu.enqueue_dma source(%dma_start3A_576 : memref<8x256xf32, #tpu.memory_space<hbm>>) target(%dma_start3A_574 : memref<8x256xf32, #tpu.memory_space<vmem>>) target_semaphore(%arg9 : memref<!tpu.dma_semaphore, #tpu.memory_space<semaphore_mem>>)
        %mul3A_577 = arith.constant 256 : i32
        %mul3A_578 = arith.muli %add3A_552, %mul3A_577 : i32
        %dma_start3A_579 = arith.constant 16 : i32
        %dma_start3A_580 = arith.constant 0 : i32
        %dma_start3A_581 = tpu.memref_slice %arg5[%dma_start3A_579, %dma_start3A_580] : memref<64x256xf32, #tpu.memory_space<vmem>> -> memref<8x256xf32, #tpu.memory_space<vmem>>
        %dma_start3A_582 = arith.constant 16 : i32
        %dma_start3A_583 = tpu.memref_slice %arg2[%dma_start3A_582, %mul3A_578] : memref<64x1000000xf32, #tpu.memory_space<hbm>> -> memref<8x256xf32, #tpu.memory_space<hbm>>
        %dma_start3A_584 = arith.constant 16 : i32
        %dma_start3A_585 = arith.constant 0 : i32
        %dma_start3A_586 = tpu.memref_slice %arg5[%dma_start3A_584, %dma_start3A_585] : memref<64x256xf32, #tpu.memory_space<vmem>> -> memref<8x256xf32, #tpu.memory_space<vmem>>
        %dma_start3A_587 = arith.constant 16 : i32
        %dma_start3A_588 = tpu.memref_slice %arg2[%dma_start3A_587, %mul3A_578] : memref<64x1000000xf32, #tpu.memory_space<hbm>> -> memref<8x256xf32, #tpu.memory_space<hbm>>
        tpu.enqueue_dma source(%dma_start3A_588 : memref<8x256xf32, #tpu.memory_space<hbm>>) target(%dma_start3A_586 : memref<8x256xf32, #tpu.memory_space<vmem>>) target_semaphore(%arg9 : memref<!tpu.dma_semaphore, #tpu.memory_space<semaphore_mem>>)
        %mul3A_589 = arith.constant 256 : i32
        %mul3A_590 = arith.muli %add3A_552, %mul3A_589 : i32
        %dma_start3A_591 = arith.constant 24 : i32
        %dma_start3A_592 = arith.constant 0 : i32
        %dma_start3A_593 = tpu.memref_slice %arg5[%dma_start3A_591, %dma_start3A_592] : memref<64x256xf32, #tpu.memory_space<vmem>> -> memref<8x256xf32, #tpu.memory_space<vmem>>
        %dma_start3A_594 = arith.constant 24 : i32
        %dma_start3A_595 = tpu.memref_slice %arg2[%dma_start3A_594, %mul3A_590] : memref<64x1000000xf32, #tpu.memory_space<hbm>> -> memref<8x256xf32, #tpu.memory_space<hbm>>
        %dma_start3A_596 = arith.constant 24 : i32
        %dma_start3A_597 = arith.constant 0 : i32
        %dma_start3A_598 = tpu.memref_slice %arg5[%dma_start3A_596, %dma_start3A_597] : memref<64x256xf32, #tpu.memory_space<vmem>> -> memref<8x256xf32, #tpu.memory_space<vmem>>
        %dma_start3A_599 = arith.constant 24 : i32
        %dma_start3A_600 = tpu.memref_slice %arg2[%dma_start3A_599, %mul3A_590] : memref<64x1000000xf32, #tpu.memory_space<hbm>> -> memref<8x256xf32, #tpu.memory_space<hbm>>
        tpu.enqueue_dma source(%dma_start3A_600 : memref<8x256xf32, #tpu.memory_space<hbm>>) target(%dma_start3A_598 : memref<8x256xf32, #tpu.memory_space<vmem>>) target_semaphore(%arg9 : memref<!tpu.dma_semaphore, #tpu.memory_space<semaphore_mem>>)
        %mul3A_601 = arith.constant 256 : i32
        %mul3A_602 = arith.muli %add3A_552, %mul3A_601 : i32
        %dma_start3A_603 = arith.constant 32 : i32
        %dma_start3A_604 = arith.constant 0 : i32
        %dma_start3A_605 = tpu.memref_slice %arg5[%dma_start3A_603, %dma_start3A_604] : memref<64x256xf32, #tpu.memory_space<vmem>> -> memref<8x256xf32, #tpu.memory_space<vmem>>
        %dma_start3A_606 = arith.constant 32 : i32
        %dma_start3A_607 = tpu.memref_slice %arg2[%dma_start3A_606, %mul3A_602] : memref<64x1000000xf32, #tpu.memory_space<hbm>> -> memref<8x256xf32, #tpu.memory_space<hbm>>
        %dma_start3A_608 = arith.constant 32 : i32
        %dma_start3A_609 = arith.constant 0 : i32
        %dma_start3A_610 = tpu.memref_slice %arg5[%dma_start3A_608, %dma_start3A_609] : memref<64x256xf32, #tpu.memory_space<vmem>> -> memref<8x256xf32, #tpu.memory_space<vmem>>
        %dma_start3A_611 = arith.constant 32 : i32
        %dma_start3A_612 = tpu.memref_slice %arg2[%dma_start3A_611, %mul3A_602] : memref<64x1000000xf32, #tpu.memory_space<hbm>> -> memref<8x256xf32, #tpu.memory_space<hbm>>
        tpu.enqueue_dma source(%dma_start3A_612 : memref<8x256xf32, #tpu.memory_space<hbm>>) target(%dma_start3A_610 : memref<8x256xf32, #tpu.memory_space<vmem>>) target_semaphore(%arg9 : memref<!tpu.dma_semaphore, #tpu.memory_space<semaphore_mem>>)
        %mul3A_613 = arith.constant 256 : i32
        %mul3A_614 = arith.muli %add3A_552, %mul3A_613 : i32
        %dma_start3A_615 = arith.constant 40 : i32
        %dma_start3A_616 = arith.constant 0 : i32
        %dma_start3A_617 = tpu.memref_slice %arg5[%dma_start3A_615, %dma_start3A_616] : memref<64x256xf32, #tpu.memory_space<vmem>> -> memref<8x256xf32, #tpu.memory_space<vmem>>
        %dma_start3A_618 = arith.constant 40 : i32
        %dma_start3A_619 = tpu.memref_slice %arg2[%dma_start3A_618, %mul3A_614] : memref<64x1000000xf32, #tpu.memory_space<hbm>> -> memref<8x256xf32, #tpu.memory_space<hbm>>
        %dma_start3A_620 = arith.constant 40 : i32
        %dma_start3A_621 = arith.constant 0 : i32
        %dma_start3A_622 = tpu.memref_slice %arg5[%dma_start3A_620, %dma_start3A_621] : memref<64x256xf32, #tpu.memory_space<vmem>> -> memref<8x256xf32, #tpu.memory_space<vmem>>
        %dma_start3A_623 = arith.constant 40 : i32
        %dma_start3A_624 = tpu.memref_slice %arg2[%dma_start3A_623, %mul3A_614] : memref<64x1000000xf32, #tpu.memory_space<hbm>> -> memref<8x256xf32, #tpu.memory_space<hbm>>
        tpu.enqueue_dma source(%dma_start3A_624 : memref<8x256xf32, #tpu.memory_space<hbm>>) target(%dma_start3A_622 : memref<8x256xf32, #tpu.memory_space<vmem>>) target_semaphore(%arg9 : memref<!tpu.dma_semaphore, #tpu.memory_space<semaphore_mem>>)
        %mul3A_625 = arith.constant 256 : i32
        %mul3A_626 = arith.muli %add3A_552, %mul3A_625 : i32
        %dma_start3A_627 = arith.constant 48 : i32
        %dma_start3A_628 = arith.constant 0 : i32
        %dma_start3A_629 = tpu.memref_slice %arg5[%dma_start3A_627, %dma_start3A_628] : memref<64x256xf32, #tpu.memory_space<vmem>> -> memref<8x256xf32, #tpu.memory_space<vmem>>
        %dma_start3A_630 = arith.constant 48 : i32
        %dma_start3A_631 = tpu.memref_slice %arg2[%dma_start3A_630, %mul3A_626] : memref<64x1000000xf32, #tpu.memory_space<hbm>> -> memref<8x256xf32, #tpu.memory_space<hbm>>
        %dma_start3A_632 = arith.constant 48 : i32
        %dma_start3A_633 = arith.constant 0 : i32
        %dma_start3A_634 = tpu.memref_slice %arg5[%dma_start3A_632, %dma_start3A_633] : memref<64x256xf32, #tpu.memory_space<vmem>> -> memref<8x256xf32, #tpu.memory_space<vmem>>
        %dma_start3A_635 = arith.constant 48 : i32
        %dma_start3A_636 = tpu.memref_slice %arg2[%dma_start3A_635, %mul3A_626] : memref<64x1000000xf32, #tpu.memory_space<hbm>> -> memref<8x256xf32, #tpu.memory_space<hbm>>
        tpu.enqueue_dma source(%dma_start3A_636 : memref<8x256xf32, #tpu.memory_space<hbm>>) target(%dma_start3A_634 : memref<8x256xf32, #tpu.memory_space<vmem>>) target_semaphore(%arg9 : memref<!tpu.dma_semaphore, #tpu.memory_space<semaphore_mem>>)
        %mul3A_637 = arith.constant 256 : i32
        %mul3A_638 = arith.muli %add3A_552, %mul3A_637 : i32
        %dma_start3A_639 = arith.constant 56 : i32
        %dma_start3A_640 = arith.constant 0 : i32
        %dma_start3A_641 = tpu.memref_slice %arg5[%dma_start3A_639, %dma_start3A_640] : memref<64x256xf32, #tpu.memory_space<vmem>> -> memref<8x256xf32, #tpu.memory_space<vmem>>
        %dma_start3A_642 = arith.constant 56 : i32
        %dma_start3A_643 = tpu.memref_slice %arg2[%dma_start3A_642, %mul3A_638] : memref<64x1000000xf32, #tpu.memory_space<hbm>> -> memref<8x256xf32, #tpu.memory_space<hbm>>
        %dma_start3A_644 = arith.constant 56 : i32
        %dma_start3A_645 = arith.constant 0 : i32
        %dma_start3A_646 = tpu.memref_slice %arg5[%dma_start3A_644, %dma_start3A_645] : memref<64x256xf32, #tpu.memory_space<vmem>> -> memref<8x256xf32, #tpu.memory_space<vmem>>
        %dma_start3A_647 = arith.constant 56 : i32
        %dma_start3A_648 = tpu.memref_slice %arg2[%dma_start3A_647, %mul3A_638] : memref<64x1000000xf32, #tpu.memory_space<hbm>> -> memref<8x256xf32, #tpu.memory_space<hbm>>
        tpu.enqueue_dma source(%dma_start3A_648 : memref<8x256xf32, #tpu.memory_space<hbm>>) target(%dma_start3A_646 : memref<8x256xf32, #tpu.memory_space<vmem>>) target_semaphore(%arg9 : memref<!tpu.dma_semaphore, #tpu.memory_space<semaphore_mem>>)
      } else {
      }
      %mul3A_436 = arith.constant 256 : i32
      %mul3A_437 = arith.muli %add3A_224, %mul3A_436 : i32
      %dma_wait3A_438 = arith.constant 0 : i32
      %dma_wait3A_439 = arith.constant 0 : i32
      %dma_wait3A_440 = tpu.memref_slice %arg6[%dma_wait3A_438, %dma_wait3A_439] : memref<64x256xf32, #tpu.memory_space<vmem>> -> memref<8x256xf32, #tpu.memory_space<vmem>>
      %dma_wait3A_441 = arith.constant 0 : i32
      %dma_wait3A_442 = tpu.memref_slice %arg2[%dma_wait3A_441, %mul3A_437] : memref<64x1000000xf32, #tpu.memory_space<hbm>> -> memref<8x256xf32, #tpu.memory_space<hbm>>
      %dma_wait3A_443 = arith.constant 0 : i32
      %dma_wait3A_444 = arith.constant 0 : i32
      %dma_wait3A_445 = tpu.memref_slice %arg6[%dma_wait3A_443, %dma_wait3A_444] : memref<64x256xf32, #tpu.memory_space<vmem>> -> memref<8x256xf32, #tpu.memory_space<vmem>>
      %dma_wait3A_446 = arith.constant 0 : i32
      %dma_wait3A_447 = tpu.memref_slice %arg2[%dma_wait3A_446, %mul3A_437] : memref<64x1000000xf32, #tpu.memory_space<hbm>> -> memref<8x256xf32, #tpu.memory_space<hbm>>
      tpu.wait_dma2 semaphore(%arg10 : memref<!tpu.dma_semaphore, #tpu.memory_space<semaphore_mem>>) src(%dma_wait3A_447 : memref<8x256xf32, #tpu.memory_space<hbm>>) dst(%dma_wait3A_445 : memref<8x256xf32, #tpu.memory_space<vmem>>)
      %mul3A_448 = arith.constant 256 : i32
      %mul3A_449 = arith.muli %add3A_224, %mul3A_448 : i32
      %dma_wait3A_450 = arith.constant 8 : i32
      %dma_wait3A_451 = arith.constant 0 : i32
      %dma_wait3A_452 = tpu.memref_slice %arg6[%dma_wait3A_450, %dma_wait3A_451] : memref<64x256xf32, #tpu.memory_space<vmem>> -> memref<8x256xf32, #tpu.memory_space<vmem>>
      %dma_wait3A_453 = arith.constant 8 : i32
      %dma_wait3A_454 = tpu.memref_slice %arg2[%dma_wait3A_453, %mul3A_449] : memref<64x1000000xf32, #tpu.memory_space<hbm>> -> memref<8x256xf32, #tpu.memory_space<hbm>>
      %dma_wait3A_455 = arith.constant 8 : i32
      %dma_wait3A_456 = arith.constant 0 : i32
      %dma_wait3A_457 = tpu.memref_slice %arg6[%dma_wait3A_455, %dma_wait3A_456] : memref<64x256xf32, #tpu.memory_space<vmem>> -> memref<8x256xf32, #tpu.memory_space<vmem>>
      %dma_wait3A_458 = arith.constant 8 : i32
      %dma_wait3A_459 = tpu.memref_slice %arg2[%dma_wait3A_458, %mul3A_449] : memref<64x1000000xf32, #tpu.memory_space<hbm>> -> memref<8x256xf32, #tpu.memory_space<hbm>>
      tpu.wait_dma2 semaphore(%arg10 : memref<!tpu.dma_semaphore, #tpu.memory_space<semaphore_mem>>) src(%dma_wait3A_459 : memref<8x256xf32, #tpu.memory_space<hbm>>) dst(%dma_wait3A_457 : memref<8x256xf32, #tpu.memory_space<vmem>>)
      %mul3A_460 = arith.constant 256 : i32
      %mul3A_461 = arith.muli %add3A_224, %mul3A_460 : i32
      %dma_wait3A_462 = arith.constant 16 : i32
      %dma_wait3A_463 = arith.constant 0 : i32
      %dma_wait3A_464 = tpu.memref_slice %arg6[%dma_wait3A_462, %dma_wait3A_463] : memref<64x256xf32, #tpu.memory_space<vmem>> -> memref<8x256xf32, #tpu.memory_space<vmem>>
      %dma_wait3A_465 = arith.constant 16 : i32
      %dma_wait3A_466 = tpu.memref_slice %arg2[%dma_wait3A_465, %mul3A_461] : memref<64x1000000xf32, #tpu.memory_space<hbm>> -> memref<8x256xf32, #tpu.memory_space<hbm>>
      %dma_wait3A_467 = arith.constant 16 : i32
      %dma_wait3A_468 = arith.constant 0 : i32
      %dma_wait3A_469 = tpu.memref_slice %arg6[%dma_wait3A_467, %dma_wait3A_468] : memref<64x256xf32, #tpu.memory_space<vmem>> -> memref<8x256xf32, #tpu.memory_space<vmem>>
      %dma_wait3A_470 = arith.constant 16 : i32
      %dma_wait3A_471 = tpu.memref_slice %arg2[%dma_wait3A_470, %mul3A_461] : memref<64x1000000xf32, #tpu.memory_space<hbm>> -> memref<8x256xf32, #tpu.memory_space<hbm>>
      tpu.wait_dma2 semaphore(%arg10 : memref<!tpu.dma_semaphore, #tpu.memory_space<semaphore_mem>>) src(%dma_wait3A_471 : memref<8x256xf32, #tpu.memory_space<hbm>>) dst(%dma_wait3A_469 : memref<8x256xf32, #tpu.memory_space<vmem>>)
      %mul3A_472 = arith.constant 256 : i32
      %mul3A_473 = arith.muli %add3A_224, %mul3A_472 : i32
      %dma_wait3A_474 = arith.constant 24 : i32
      %dma_wait3A_475 = arith.constant 0 : i32
      %dma_wait3A_476 = tpu.memref_slice %arg6[%dma_wait3A_474, %dma_wait3A_475] : memref<64x256xf32, #tpu.memory_space<vmem>> -> memref<8x256xf32, #tpu.memory_space<vmem>>
      %dma_wait3A_477 = arith.constant 24 : i32
      %dma_wait3A_478 = tpu.memref_slice %arg2[%dma_wait3A_477, %mul3A_473] : memref<64x1000000xf32, #tpu.memory_space<hbm>> -> memref<8x256xf32, #tpu.memory_space<hbm>>
      %dma_wait3A_479 = arith.constant 24 : i32
      %dma_wait3A_480 = arith.constant 0 : i32
      %dma_wait3A_481 = tpu.memref_slice %arg6[%dma_wait3A_479, %dma_wait3A_480] : memref<64x256xf32, #tpu.memory_space<vmem>> -> memref<8x256xf32, #tpu.memory_space<vmem>>
      %dma_wait3A_482 = arith.constant 24 : i32
      %dma_wait3A_483 = tpu.memref_slice %arg2[%dma_wait3A_482, %mul3A_473] : memref<64x1000000xf32, #tpu.memory_space<hbm>> -> memref<8x256xf32, #tpu.memory_space<hbm>>
      tpu.wait_dma2 semaphore(%arg10 : memref<!tpu.dma_semaphore, #tpu.memory_space<semaphore_mem>>) src(%dma_wait3A_483 : memref<8x256xf32, #tpu.memory_space<hbm>>) dst(%dma_wait3A_481 : memref<8x256xf32, #tpu.memory_space<vmem>>)
      %mul3A_484 = arith.constant 256 : i32
      %mul3A_485 = arith.muli %add3A_224, %mul3A_484 : i32
      %dma_wait3A_486 = arith.constant 32 : i32
      %dma_wait3A_487 = arith.constant 0 : i32
      %dma_wait3A_488 = tpu.memref_slice %arg6[%dma_wait3A_486, %dma_wait3A_487] : memref<64x256xf32, #tpu.memory_space<vmem>> -> memref<8x256xf32, #tpu.memory_space<vmem>>
      %dma_wait3A_489 = arith.constant 32 : i32
      %dma_wait3A_490 = tpu.memref_slice %arg2[%dma_wait3A_489, %mul3A_485] : memref<64x1000000xf32, #tpu.memory_space<hbm>> -> memref<8x256xf32, #tpu.memory_space<hbm>>
      %dma_wait3A_491 = arith.constant 32 : i32
      %dma_wait3A_492 = arith.constant 0 : i32
      %dma_wait3A_493 = tpu.memref_slice %arg6[%dma_wait3A_491, %dma_wait3A_492] : memref<64x256xf32, #tpu.memory_space<vmem>> -> memref<8x256xf32, #tpu.memory_space<vmem>>
      %dma_wait3A_494 = arith.constant 32 : i32
      %dma_wait3A_495 = tpu.memref_slice %arg2[%dma_wait3A_494, %mul3A_485] : memref<64x1000000xf32, #tpu.memory_space<hbm>> -> memref<8x256xf32, #tpu.memory_space<hbm>>
      tpu.wait_dma2 semaphore(%arg10 : memref<!tpu.dma_semaphore, #tpu.memory_space<semaphore_mem>>) src(%dma_wait3A_495 : memref<8x256xf32, #tpu.memory_space<hbm>>) dst(%dma_wait3A_493 : memref<8x256xf32, #tpu.memory_space<vmem>>)
      %mul3A_496 = arith.constant 256 : i32
      %mul3A_497 = arith.muli %add3A_224, %mul3A_496 : i32
      %dma_wait3A_498 = arith.constant 40 : i32
      %dma_wait3A_499 = arith.constant 0 : i32
      %dma_wait3A_500 = tpu.memref_slice %arg6[%dma_wait3A_498, %dma_wait3A_499] : memref<64x256xf32, #tpu.memory_space<vmem>> -> memref<8x256xf32, #tpu.memory_space<vmem>>
      %dma_wait3A_501 = arith.constant 40 : i32
      %dma_wait3A_502 = tpu.memref_slice %arg2[%dma_wait3A_501, %mul3A_497] : memref<64x1000000xf32, #tpu.memory_space<hbm>> -> memref<8x256xf32, #tpu.memory_space<hbm>>
      %dma_wait3A_503 = arith.constant 40 : i32
      %dma_wait3A_504 = arith.constant 0 : i32
      %dma_wait3A_505 = tpu.memref_slice %arg6[%dma_wait3A_503, %dma_wait3A_504] : memref<64x256xf32, #tpu.memory_space<vmem>> -> memref<8x256xf32, #tpu.memory_space<vmem>>
      %dma_wait3A_506 = arith.constant 40 : i32
      %dma_wait3A_507 = tpu.memref_slice %arg2[%dma_wait3A_506, %mul3A_497] : memref<64x1000000xf32, #tpu.memory_space<hbm>> -> memref<8x256xf32, #tpu.memory_space<hbm>>
      tpu.wait_dma2 semaphore(%arg10 : memref<!tpu.dma_semaphore, #tpu.memory_space<semaphore_mem>>) src(%dma_wait3A_507 : memref<8x256xf32, #tpu.memory_space<hbm>>) dst(%dma_wait3A_505 : memref<8x256xf32, #tpu.memory_space<vmem>>)
      %mul3A_508 = arith.constant 256 : i32
      %mul3A_509 = arith.muli %add3A_224, %mul3A_508 : i32
      %dma_wait3A_510 = arith.constant 48 : i32
      %dma_wait3A_511 = arith.constant 0 : i32
      %dma_wait3A_512 = tpu.memref_slice %arg6[%dma_wait3A_510, %dma_wait3A_511] : memref<64x256xf32, #tpu.memory_space<vmem>> -> memref<8x256xf32, #tpu.memory_space<vmem>>
      %dma_wait3A_513 = arith.constant 48 : i32
      %dma_wait3A_514 = tpu.memref_slice %arg2[%dma_wait3A_513, %mul3A_509] : memref<64x1000000xf32, #tpu.memory_space<hbm>> -> memref<8x256xf32, #tpu.memory_space<hbm>>
      %dma_wait3A_515 = arith.constant 48 : i32
      %dma_wait3A_516 = arith.constant 0 : i32
      %dma_wait3A_517 = tpu.memref_slice %arg6[%dma_wait3A_515, %dma_wait3A_516] : memref<64x256xf32, #tpu.memory_space<vmem>> -> memref<8x256xf32, #tpu.memory_space<vmem>>
      %dma_wait3A_518 = arith.constant 48 : i32
      %dma_wait3A_519 = tpu.memref_slice %arg2[%dma_wait3A_518, %mul3A_509] : memref<64x1000000xf32, #tpu.memory_space<hbm>> -> memref<8x256xf32, #tpu.memory_space<hbm>>
      tpu.wait_dma2 semaphore(%arg10 : memref<!tpu.dma_semaphore, #tpu.memory_space<semaphore_mem>>) src(%dma_wait3A_519 : memref<8x256xf32, #tpu.memory_space<hbm>>) dst(%dma_wait3A_517 : memref<8x256xf32, #tpu.memory_space<vmem>>)
      %mul3A_520 = arith.constant 256 : i32
      %mul3A_521 = arith.muli %add3A_224, %mul3A_520 : i32
      %dma_wait3A_522 = arith.constant 56 : i32
      %dma_wait3A_523 = arith.constant 0 : i32
      %dma_wait3A_524 = tpu.memref_slice %arg6[%dma_wait3A_522, %dma_wait3A_523] : memref<64x256xf32, #tpu.memory_space<vmem>> -> memref<8x256xf32, #tpu.memory_space<vmem>>
      %dma_wait3A_525 = arith.constant 56 : i32
      %dma_wait3A_526 = tpu.memref_slice %arg2[%dma_wait3A_525, %mul3A_521] : memref<64x1000000xf32, #tpu.memory_space<hbm>> -> memref<8x256xf32, #tpu.memory_space<hbm>>
      %dma_wait3A_527 = arith.constant 56 : i32
      %dma_wait3A_528 = arith.constant 0 : i32
      %dma_wait3A_529 = tpu.memref_slice %arg6[%dma_wait3A_527, %dma_wait3A_528] : memref<64x256xf32, #tpu.memory_space<vmem>> -> memref<8x256xf32, #tpu.memory_space<vmem>>
      %dma_wait3A_530 = arith.constant 56 : i32
      %dma_wait3A_531 = tpu.memref_slice %arg2[%dma_wait3A_530, %mul3A_521] : memref<64x1000000xf32, #tpu.memory_space<hbm>> -> memref<8x256xf32, #tpu.memory_space<hbm>>
      tpu.wait_dma2 semaphore(%arg10 : memref<!tpu.dma_semaphore, #tpu.memory_space<semaphore_mem>>) src(%dma_wait3A_531 : memref<8x256xf32, #tpu.memory_space<hbm>>) dst(%dma_wait3A_529 : memref<8x256xf32, #tpu.memory_space<vmem>>)
      %gt3A_532 = arith.constant 0 : i32
      %gt3A_533 = arith.cmpi sgt, %scan3A_212, %gt3A_532 : i32
      %convert_element_type3A_534 = arith.extui %gt3A_533 : i1 to i32
      %cond3A_535 = arith.constant 0 : i32
      %cond3A_536 = arith.cmpi ne, %convert_element_type3A_534, %cond3A_535 : i32
      scf.if %cond3A_536 {
        %sub3A = arith.constant 64 : i32
        %sub3A_546 = arith.subi %add3A_224, %sub3A : i32
        %mul3A_547 = arith.constant 128 : i32
        %mul3A_548 = arith.muli %sub3A_546, %mul3A_547 : i32
        %dma_wait3A_549 = arith.constant 0 : i32
        %dma_wait3A_550 = tpu.memref_slice %arg4[%mul3A_548, %dma_wait3A_549] : memref<500000x128xf32, #tpu.memory_space<hbm>> -> memref<128x128xf32, #tpu.memory_space<hbm>>
        %dma_wait3A_551 = arith.constant 0 : i32
        %dma_wait3A_552 = tpu.memref_slice %arg4[%mul3A_548, %dma_wait3A_551] : memref<500000x128xf32, #tpu.memory_space<hbm>> -> memref<128x128xf32, #tpu.memory_space<hbm>>
        tpu.wait_dma2 semaphore(%arg12 : memref<!tpu.dma_semaphore, #tpu.memory_space<semaphore_mem>>) src(%arg8 : memref<128x128xf32, #tpu.memory_space<vmem>>) dst(%dma_wait3A_552 : memref<128x128xf32, #tpu.memory_space<hbm>>)
      } else {
      }
      %parallel_loop3A_537 = arith.constant 0 : i32
      %parallel_loop3A_538 = arith.constant 64 : i32
      %parallel_loop3A_539 = arith.constant 1 : i32
      scf.for %parallel_loop3A_546 = %parallel_loop3A_537 to %parallel_loop3A_538 step %parallel_loop3A_539  : i32 {
        %parallel_loop3A_547 = arith.constant 4 : i32
        %parallel_loop3A_548 = arith.divsi %parallel_loop3A_546, %parallel_loop3A_547 : i32
        %parallel_loop3A_549 = arith.constant 0 : i32
        %parallel_loop3A_550 = arith.cmpi sgt, %parallel_loop3A_546, %parallel_loop3A_549 : i32
        %parallel_loop3A_551 = arith.extui %parallel_loop3A_550 : i1 to i32
        %parallel_loop3A_552 = arith.constant 0 : i32
        %parallel_loop3A_553 = arith.cmpi slt, %parallel_loop3A_546, %parallel_loop3A_552 : i32
        %parallel_loop3A_554 = arith.extui %parallel_loop3A_553 : i1 to i32
        %parallel_loop3A_555 = arith.subi %parallel_loop3A_551, %parallel_loop3A_554 : i32
        %parallel_loop3A_556 = arith.constant 0 : i32
        %parallel_loop3A_557 = arith.cmpi sgt, %parallel_loop3A_547, %parallel_loop3A_556 : i32
        %parallel_loop3A_558 = arith.extui %parallel_loop3A_557 : i1 to i32
        %parallel_loop3A_559 = arith.constant 0 : i32
        %parallel_loop3A_560 = arith.cmpi slt, %parallel_loop3A_547, %parallel_loop3A_559 : i32
        %parallel_loop3A_561 = arith.extui %parallel_loop3A_560 : i1 to i32
        %parallel_loop3A_562 = arith.subi %parallel_loop3A_558, %parallel_loop3A_561 : i32
        %parallel_loop3A_563 = arith.cmpi ne, %parallel_loop3A_555, %parallel_loop3A_562 : i32
        %parallel_loop3A_564 = arith.remsi %parallel_loop3A_546, %parallel_loop3A_547 : i32
        %parallel_loop3A_565 = arith.constant 0 : i32
        %parallel_loop3A_566 = arith.cmpi ne, %parallel_loop3A_564, %parallel_loop3A_565 : i32
        %parallel_loop3A_567 = arith.andi %parallel_loop3A_563, %parallel_loop3A_566 : i1
        %parallel_loop3A_568 = arith.constant 1 : i32
        %parallel_loop3A_569 = arith.subi %parallel_loop3A_548, %parallel_loop3A_568 : i32
        %parallel_loop3A_570 = arith.select %parallel_loop3A_567, %parallel_loop3A_569, %parallel_loop3A_548 : i32
        %parallel_loop3A_571 = arith.constant 16 : i32
        %parallel_loop3A_572 = arith.muli %parallel_loop3A_570, %parallel_loop3A_571 : i32
        %parallel_loop3A_573 = arith.constant 4 : i32
        %parallel_loop3A_574 = arith.constant 0 : i32
        %parallel_loop3A_575 = arith.cmpi eq, %parallel_loop3A_573, %parallel_loop3A_574 : i32
        %parallel_loop3A_576 = arith.constant 1 : i32
        %parallel_loop3A_577 = arith.select %parallel_loop3A_575, %parallel_loop3A_576, %parallel_loop3A_573 : i32
        %parallel_loop3A_578 = arith.remsi %parallel_loop3A_546, %parallel_loop3A_577 : i32
        %parallel_loop3A_579 = arith.constant 0 : i32
        %parallel_loop3A_580 = arith.cmpi ne, %parallel_loop3A_578, %parallel_loop3A_579 : i32
        %parallel_loop3A_581 = arith.constant 0 : i32
        %parallel_loop3A_582 = arith.cmpi slt, %parallel_loop3A_578, %parallel_loop3A_581 : i32
        %parallel_loop3A_583 = arith.constant 0 : i32
        %parallel_loop3A_584 = arith.cmpi slt, %parallel_loop3A_577, %parallel_loop3A_583 : i32
        %parallel_loop3A_585 = arith.xori %parallel_loop3A_582, %parallel_loop3A_584 : i1
        %parallel_loop3A_586 = arith.andi %parallel_loop3A_585, %parallel_loop3A_580 : i1
        %parallel_loop3A_587 = arith.addi %parallel_loop3A_578, %parallel_loop3A_577 : i32
        %parallel_loop3A_588 = arith.select %parallel_loop3A_586, %parallel_loop3A_587, %parallel_loop3A_578 : i32
        %parallel_loop3A_589 = arith.constant 16 : i32
        %parallel_loop3A_590 = arith.muli %parallel_loop3A_588, %parallel_loop3A_589 : i32
        %parallel_loop3A_591 = vector.broadcast %parallel_loop3A_590 : i32 to vector<16xi32>
        %parallel_loop3A_592 = arith.addi %parallel_loop3A_591, %iota3A : vector<16xi32>
        %parallel_loop3A_593 = vector.broadcast %parallel_loop3A_572 : i32 to vector<16xi32>
        %parallel_loop3A_594 = arith.addi %parallel_loop3A_593, %and3A_5 : vector<16xi32>
        %parallel_loop3A_595 = tpu.vector_load_idx %arg6[%parallel_loop3A_592, %parallel_loop3A_594] : memref<64x256xf32, #tpu.memory_space<vmem>>[vector<16xi32>, vector<16xi32>], vector<16xf32>,
        %parallel_loop3A_596 = arith.constant 1 : i32
        %parallel_loop3A_597 = vector.broadcast %parallel_loop3A_596 : i32 to vector<16xi32>
        %parallel_loop3A_598 = arith.shrsi %parallel_loop3A_594, %parallel_loop3A_597 : vector<16xi32>
        %parallel_loop3A_599 = arith.constant 1 : i32
        %parallel_loop3A_600 = vector.broadcast %parallel_loop3A_599 : i32 to vector<16xi32>
        %parallel_loop3A_601 = arith.andi %parallel_loop3A_594, %parallel_loop3A_600 : vector<16xi32>
        %parallel_loop3A_602 = arith.constant 6 : i32
        %parallel_loop3A_603 = vector.broadcast %parallel_loop3A_602 : i32 to vector<16xi32>
        %parallel_loop3A_604 = arith.shli %parallel_loop3A_601, %parallel_loop3A_603 : vector<16xi32>
        %parallel_loop3A_605 = arith.addi %parallel_loop3A_604, %parallel_loop3A_592 : vector<16xi32>
        tpu.vector_store_idx %arg8[%parallel_loop3A_598, %parallel_loop3A_605], %parallel_loop3A_595 : memref<128x128xf32, #tpu.memory_space<vmem>>[vector<16xi32>, vector<16xi32>], vector<16xf32>,
        %parallel_loop3A_606 = vector.broadcast %parallel_loop3A_572 : i32 to vector<16xi32>
        %parallel_loop3A_607 = arith.addi %parallel_loop3A_606, %and3A_11 : vector<16xi32>
        %parallel_loop3A_608 = tpu.vector_load_idx %arg6[%parallel_loop3A_592, %parallel_loop3A_607] : memref<64x256xf32, #tpu.memory_space<vmem>>[vector<16xi32>, vector<16xi32>], vector<16xf32>,
        %parallel_loop3A_609 = arith.constant 1 : i32
        %parallel_loop3A_610 = vector.broadcast %parallel_loop3A_609 : i32 to vector<16xi32>
        %parallel_loop3A_611 = arith.shrsi %parallel_loop3A_607, %parallel_loop3A_610 : vector<16xi32>
        %parallel_loop3A_612 = arith.constant 1 : i32
        %parallel_loop3A_613 = vector.broadcast %parallel_loop3A_612 : i32 to vector<16xi32>
        %parallel_loop3A_614 = arith.andi %parallel_loop3A_607, %parallel_loop3A_613 : vector<16xi32>
        %parallel_loop3A_615 = arith.constant 6 : i32
        %parallel_loop3A_616 = vector.broadcast %parallel_loop3A_615 : i32 to vector<16xi32>
        %parallel_loop3A_617 = arith.shli %parallel_loop3A_614, %parallel_loop3A_616 : vector<16xi32>
        %parallel_loop3A_618 = arith.addi %parallel_loop3A_617, %parallel_loop3A_592 : vector<16xi32>
        tpu.vector_store_idx %arg8[%parallel_loop3A_611, %parallel_loop3A_618], %parallel_loop3A_608 : memref<128x128xf32, #tpu.memory_space<vmem>>[vector<16xi32>, vector<16xi32>], vector<16xf32>,
        %parallel_loop3A_619 = vector.broadcast %parallel_loop3A_572 : i32 to vector<16xi32>
        %parallel_loop3A_620 = arith.addi %parallel_loop3A_619, %and3A_17 : vector<16xi32>
        %parallel_loop3A_621 = tpu.vector_load_idx %arg6[%parallel_loop3A_592, %parallel_loop3A_620] : memref<64x256xf32, #tpu.memory_space<vmem>>[vector<16xi32>, vector<16xi32>], vector<16xf32>,
        %parallel_loop3A_622 = arith.constant 1 : i32
        %parallel_loop3A_623 = vector.broadcast %parallel_loop3A_622 : i32 to vector<16xi32>
        %parallel_loop3A_624 = arith.shrsi %parallel_loop3A_620, %parallel_loop3A_623 : vector<16xi32>
        %parallel_loop3A_625 = arith.constant 1 : i32
        %parallel_loop3A_626 = vector.broadcast %parallel_loop3A_625 : i32 to vector<16xi32>
        %parallel_loop3A_627 = arith.andi %parallel_loop3A_620, %parallel_loop3A_626 : vector<16xi32>
        %parallel_loop3A_628 = arith.constant 6 : i32
        %parallel_loop3A_629 = vector.broadcast %parallel_loop3A_628 : i32 to vector<16xi32>
        %parallel_loop3A_630 = arith.shli %parallel_loop3A_627, %parallel_loop3A_629 : vector<16xi32>
        %parallel_loop3A_631 = arith.addi %parallel_loop3A_630, %parallel_loop3A_592 : vector<16xi32>
        tpu.vector_store_idx %arg8[%parallel_loop3A_624, %parallel_loop3A_631], %parallel_loop3A_621 : memref<128x128xf32, #tpu.memory_space<vmem>>[vector<16xi32>, vector<16xi32>], vector<16xf32>,
        %parallel_loop3A_632 = vector.broadcast %parallel_loop3A_572 : i32 to vector<16xi32>
        %parallel_loop3A_633 = arith.addi %parallel_loop3A_632, %and3A_23 : vector<16xi32>
        %parallel_loop3A_634 = tpu.vector_load_idx %arg6[%parallel_loop3A_592, %parallel_loop3A_633] : memref<64x256xf32, #tpu.memory_space<vmem>>[vector<16xi32>, vector<16xi32>], vector<16xf32>,
        %parallel_loop3A_635 = arith.constant 1 : i32
        %parallel_loop3A_636 = vector.broadcast %parallel_loop3A_635 : i32 to vector<16xi32>
        %parallel_loop3A_637 = arith.shrsi %parallel_loop3A_633, %parallel_loop3A_636 : vector<16xi32>
        %parallel_loop3A_638 = arith.constant 1 : i32
        %parallel_loop3A_639 = vector.broadcast %parallel_loop3A_638 : i32 to vector<16xi32>
        %parallel_loop3A_640 = arith.andi %parallel_loop3A_633, %parallel_loop3A_639 : vector<16xi32>
        %parallel_loop3A_641 = arith.constant 6 : i32
        %parallel_loop3A_642 = vector.broadcast %parallel_loop3A_641 : i32 to vector<16xi32>
        %parallel_loop3A_643 = arith.shli %parallel_loop3A_640, %parallel_loop3A_642 : vector<16xi32>
        %parallel_loop3A_644 = arith.addi %parallel_loop3A_643, %parallel_loop3A_592 : vector<16xi32>
        tpu.vector_store_idx %arg8[%parallel_loop3A_637, %parallel_loop3A_644], %parallel_loop3A_634 : memref<128x128xf32, #tpu.memory_space<vmem>>[vector<16xi32>, vector<16xi32>], vector<16xf32>,
        %parallel_loop3A_645 = vector.broadcast %parallel_loop3A_572 : i32 to vector<16xi32>
        %parallel_loop3A_646 = arith.addi %parallel_loop3A_645, %and3A_29 : vector<16xi32>
        %parallel_loop3A_647 = tpu.vector_load_idx %arg6[%parallel_loop3A_592, %parallel_loop3A_646] : memref<64x256xf32, #tpu.memory_space<vmem>>[vector<16xi32>, vector<16xi32>], vector<16xf32>,
        %parallel_loop3A_648 = arith.constant 1 : i32
        %parallel_loop3A_649 = vector.broadcast %parallel_loop3A_648 : i32 to vector<16xi32>
        %parallel_loop3A_650 = arith.shrsi %parallel_loop3A_646, %parallel_loop3A_649 : vector<16xi32>
        %parallel_loop3A_651 = arith.constant 1 : i32
        %parallel_loop3A_652 = vector.broadcast %parallel_loop3A_651 : i32 to vector<16xi32>
        %parallel_loop3A_653 = arith.andi %parallel_loop3A_646, %parallel_loop3A_652 : vector<16xi32>
        %parallel_loop3A_654 = arith.constant 6 : i32
        %parallel_loop3A_655 = vector.broadcast %parallel_loop3A_654 : i32 to vector<16xi32>
        %parallel_loop3A_656 = arith.shli %parallel_loop3A_653, %parallel_loop3A_655 : vector<16xi32>
        %parallel_loop3A_657 = arith.addi %parallel_loop3A_656, %parallel_loop3A_592 : vector<16xi32>
        tpu.vector_store_idx %arg8[%parallel_loop3A_650, %parallel_loop3A_657], %parallel_loop3A_647 : memref<128x128xf32, #tpu.memory_space<vmem>>[vector<16xi32>, vector<16xi32>], vector<16xf32>,
        %parallel_loop3A_658 = vector.broadcast %parallel_loop3A_572 : i32 to vector<16xi32>
        %parallel_loop3A_659 = arith.addi %parallel_loop3A_658, %and3A_35 : vector<16xi32>
        %parallel_loop3A_660 = tpu.vector_load_idx %arg6[%parallel_loop3A_592, %parallel_loop3A_659] : memref<64x256xf32, #tpu.memory_space<vmem>>[vector<16xi32>, vector<16xi32>], vector<16xf32>,
        %parallel_loop3A_661 = arith.constant 1 : i32
        %parallel_loop3A_662 = vector.broadcast %parallel_loop3A_661 : i32 to vector<16xi32>
        %parallel_loop3A_663 = arith.shrsi %parallel_loop3A_659, %parallel_loop3A_662 : vector<16xi32>
        %parallel_loop3A_664 = arith.constant 1 : i32
        %parallel_loop3A_665 = vector.broadcast %parallel_loop3A_664 : i32 to vector<16xi32>
        %parallel_loop3A_666 = arith.andi %parallel_loop3A_659, %parallel_loop3A_665 : vector<16xi32>
        %parallel_loop3A_667 = arith.constant 6 : i32
        %parallel_loop3A_668 = vector.broadcast %parallel_loop3A_667 : i32 to vector<16xi32>
        %parallel_loop3A_669 = arith.shli %parallel_loop3A_666, %parallel_loop3A_668 : vector<16xi32>
        %parallel_loop3A_670 = arith.addi %parallel_loop3A_669, %parallel_loop3A_592 : vector<16xi32>
        tpu.vector_store_idx %arg8[%parallel_loop3A_663, %parallel_loop3A_670], %parallel_loop3A_660 : memref<128x128xf32, #tpu.memory_space<vmem>>[vector<16xi32>, vector<16xi32>], vector<16xf32>,
        %parallel_loop3A_671 = vector.broadcast %parallel_loop3A_572 : i32 to vector<16xi32>
        %parallel_loop3A_672 = arith.addi %parallel_loop3A_671, %and3A_41 : vector<16xi32>
        %parallel_loop3A_673 = tpu.vector_load_idx %arg6[%parallel_loop3A_592, %parallel_loop3A_672] : memref<64x256xf32, #tpu.memory_space<vmem>>[vector<16xi32>, vector<16xi32>], vector<16xf32>,
        %parallel_loop3A_674 = arith.constant 1 : i32
        %parallel_loop3A_675 = vector.broadcast %parallel_loop3A_674 : i32 to vector<16xi32>
        %parallel_loop3A_676 = arith.shrsi %parallel_loop3A_672, %parallel_loop3A_675 : vector<16xi32>
        %parallel_loop3A_677 = arith.constant 1 : i32
        %parallel_loop3A_678 = vector.broadcast %parallel_loop3A_677 : i32 to vector<16xi32>
        %parallel_loop3A_679 = arith.andi %parallel_loop3A_672, %parallel_loop3A_678 : vector<16xi32>
        %parallel_loop3A_680 = arith.constant 6 : i32
        %parallel_loop3A_681 = vector.broadcast %parallel_loop3A_680 : i32 to vector<16xi32>
        %parallel_loop3A_682 = arith.shli %parallel_loop3A_679, %parallel_loop3A_681 : vector<16xi32>
        %parallel_loop3A_683 = arith.addi %parallel_loop3A_682, %parallel_loop3A_592 : vector<16xi32>
        tpu.vector_store_idx %arg8[%parallel_loop3A_676, %parallel_loop3A_683], %parallel_loop3A_673 : memref<128x128xf32, #tpu.memory_space<vmem>>[vector<16xi32>, vector<16xi32>], vector<16xf32>,
        %parallel_loop3A_684 = vector.broadcast %parallel_loop3A_572 : i32 to vector<16xi32>
        %parallel_loop3A_685 = arith.addi %parallel_loop3A_684, %and3A_47 : vector<16xi32>
        %parallel_loop3A_686 = tpu.vector_load_idx %arg6[%parallel_loop3A_592, %parallel_loop3A_685] : memref<64x256xf32, #tpu.memory_space<vmem>>[vector<16xi32>, vector<16xi32>], vector<16xf32>,
        %parallel_loop3A_687 = arith.constant 1 : i32
        %parallel_loop3A_688 = vector.broadcast %parallel_loop3A_687 : i32 to vector<16xi32>
        %parallel_loop3A_689 = arith.shrsi %parallel_loop3A_685, %parallel_loop3A_688 : vector<16xi32>
        %parallel_loop3A_690 = arith.constant 1 : i32
        %parallel_loop3A_691 = vector.broadcast %parallel_loop3A_690 : i32 to vector<16xi32>
        %parallel_loop3A_692 = arith.andi %parallel_loop3A_685, %parallel_loop3A_691 : vector<16xi32>
        %parallel_loop3A_693 = arith.constant 6 : i32
        %parallel_loop3A_694 = vector.broadcast %parallel_loop3A_693 : i32 to vector<16xi32>
        %parallel_loop3A_695 = arith.shli %parallel_loop3A_692, %parallel_loop3A_694 : vector<16xi32>
        %parallel_loop3A_696 = arith.addi %parallel_loop3A_695, %parallel_loop3A_592 : vector<16xi32>
        tpu.vector_store_idx %arg8[%parallel_loop3A_689, %parallel_loop3A_696], %parallel_loop3A_686 : memref<128x128xf32, #tpu.memory_space<vmem>>[vector<16xi32>, vector<16xi32>], vector<16xf32>,
        %parallel_loop3A_697 = vector.broadcast %parallel_loop3A_572 : i32 to vector<16xi32>
        %parallel_loop3A_698 = arith.addi %parallel_loop3A_697, %and3A_53 : vector<16xi32>
        %parallel_loop3A_699 = tpu.vector_load_idx %arg6[%parallel_loop3A_592, %parallel_loop3A_698] : memref<64x256xf32, #tpu.memory_space<vmem>>[vector<16xi32>, vector<16xi32>], vector<16xf32>,
        %parallel_loop3A_700 = arith.constant 1 : i32
        %parallel_loop3A_701 = vector.broadcast %parallel_loop3A_700 : i32 to vector<16xi32>
        %parallel_loop3A_702 = arith.shrsi %parallel_loop3A_698, %parallel_loop3A_701 : vector<16xi32>
        %parallel_loop3A_703 = arith.constant 1 : i32
        %parallel_loop3A_704 = vector.broadcast %parallel_loop3A_703 : i32 to vector<16xi32>
        %parallel_loop3A_705 = arith.andi %parallel_loop3A_698, %parallel_loop3A_704 : vector<16xi32>
        %parallel_loop3A_706 = arith.constant 6 : i32
        %parallel_loop3A_707 = vector.broadcast %parallel_loop3A_706 : i32 to vector<16xi32>
        %parallel_loop3A_708 = arith.shli %parallel_loop3A_705, %parallel_loop3A_707 : vector<16xi32>
        %parallel_loop3A_709 = arith.addi %parallel_loop3A_708, %parallel_loop3A_592 : vector<16xi32>
        tpu.vector_store_idx %arg8[%parallel_loop3A_702, %parallel_loop3A_709], %parallel_loop3A_699 : memref<128x128xf32, #tpu.memory_space<vmem>>[vector<16xi32>, vector<16xi32>], vector<16xf32>,
        %parallel_loop3A_710 = vector.broadcast %parallel_loop3A_572 : i32 to vector<16xi32>
        %parallel_loop3A_711 = arith.addi %parallel_loop3A_710, %and3A_59 : vector<16xi32>
        %parallel_loop3A_712 = tpu.vector_load_idx %arg6[%parallel_loop3A_592, %parallel_loop3A_711] : memref<64x256xf32, #tpu.memory_space<vmem>>[vector<16xi32>, vector<16xi32>], vector<16xf32>,
        %parallel_loop3A_713 = arith.constant 1 : i32
        %parallel_loop3A_714 = vector.broadcast %parallel_loop3A_713 : i32 to vector<16xi32>
        %parallel_loop3A_715 = arith.shrsi %parallel_loop3A_711, %parallel_loop3A_714 : vector<16xi32>
        %parallel_loop3A_716 = arith.constant 1 : i32
        %parallel_loop3A_717 = vector.broadcast %parallel_loop3A_716 : i32 to vector<16xi32>
        %parallel_loop3A_718 = arith.andi %parallel_loop3A_711, %parallel_loop3A_717 : vector<16xi32>
        %parallel_loop3A_719 = arith.constant 6 : i32
        %parallel_loop3A_720 = vector.broadcast %parallel_loop3A_719 : i32 to vector<16xi32>
        %parallel_loop3A_721 = arith.shli %parallel_loop3A_718, %parallel_loop3A_720 : vector<16xi32>
        %parallel_loop3A_722 = arith.addi %parallel_loop3A_721, %parallel_loop3A_592 : vector<16xi32>
        tpu.vector_store_idx %arg8[%parallel_loop3A_715, %parallel_loop3A_722], %parallel_loop3A_712 : memref<128x128xf32, #tpu.memory_space<vmem>>[vector<16xi32>, vector<16xi32>], vector<16xf32>,
        %parallel_loop3A_723 = vector.broadcast %parallel_loop3A_572 : i32 to vector<16xi32>
        %parallel_loop3A_724 = arith.addi %parallel_loop3A_723, %and3A_65 : vector<16xi32>
        %parallel_loop3A_725 = tpu.vector_load_idx %arg6[%parallel_loop3A_592, %parallel_loop3A_724] : memref<64x256xf32, #tpu.memory_space<vmem>>[vector<16xi32>, vector<16xi32>], vector<16xf32>,
        %parallel_loop3A_726 = arith.constant 1 : i32
        %parallel_loop3A_727 = vector.broadcast %parallel_loop3A_726 : i32 to vector<16xi32>
        %parallel_loop3A_728 = arith.shrsi %parallel_loop3A_724, %parallel_loop3A_727 : vector<16xi32>
        %parallel_loop3A_729 = arith.constant 1 : i32
        %parallel_loop3A_730 = vector.broadcast %parallel_loop3A_729 : i32 to vector<16xi32>
        %parallel_loop3A_731 = arith.andi %parallel_loop3A_724, %parallel_loop3A_730 : vector<16xi32>
        %parallel_loop3A_732 = arith.constant 6 : i32
        %parallel_loop3A_733 = vector.broadcast %parallel_loop3A_732 : i32 to vector<16xi32>
        %parallel_loop3A_734 = arith.shli %parallel_loop3A_731, %parallel_loop3A_733 : vector<16xi32>
        %parallel_loop3A_735 = arith.addi %parallel_loop3A_734, %parallel_loop3A_592 : vector<16xi32>
        tpu.vector_store_idx %arg8[%parallel_loop3A_728, %parallel_loop3A_735], %parallel_loop3A_725 : memref<128x128xf32, #tpu.memory_space<vmem>>[vector<16xi32>, vector<16xi32>], vector<16xf32>,
        %parallel_loop3A_736 = vector.broadcast %parallel_loop3A_572 : i32 to vector<16xi32>
        %parallel_loop3A_737 = arith.addi %parallel_loop3A_736, %and3A_71 : vector<16xi32>
        %parallel_loop3A_738 = tpu.vector_load_idx %arg6[%parallel_loop3A_592, %parallel_loop3A_737] : memref<64x256xf32, #tpu.memory_space<vmem>>[vector<16xi32>, vector<16xi32>], vector<16xf32>,
        %parallel_loop3A_739 = arith.constant 1 : i32
        %parallel_loop3A_740 = vector.broadcast %parallel_loop3A_739 : i32 to vector<16xi32>
        %parallel_loop3A_741 = arith.shrsi %parallel_loop3A_737, %parallel_loop3A_740 : vector<16xi32>
        %parallel_loop3A_742 = arith.constant 1 : i32
        %parallel_loop3A_743 = vector.broadcast %parallel_loop3A_742 : i32 to vector<16xi32>
        %parallel_loop3A_744 = arith.andi %parallel_loop3A_737, %parallel_loop3A_743 : vector<16xi32>
        %parallel_loop3A_745 = arith.constant 6 : i32
        %parallel_loop3A_746 = vector.broadcast %parallel_loop3A_745 : i32 to vector<16xi32>
        %parallel_loop3A_747 = arith.shli %parallel_loop3A_744, %parallel_loop3A_746 : vector<16xi32>
        %parallel_loop3A_748 = arith.addi %parallel_loop3A_747, %parallel_loop3A_592 : vector<16xi32>
        tpu.vector_store_idx %arg8[%parallel_loop3A_741, %parallel_loop3A_748], %parallel_loop3A_738 : memref<128x128xf32, #tpu.memory_space<vmem>>[vector<16xi32>, vector<16xi32>], vector<16xf32>,
        %parallel_loop3A_749 = vector.broadcast %parallel_loop3A_572 : i32 to vector<16xi32>
        %parallel_loop3A_750 = arith.addi %parallel_loop3A_749, %and3A_77 : vector<16xi32>
        %parallel_loop3A_751 = tpu.vector_load_idx %arg6[%parallel_loop3A_592, %parallel_loop3A_750] : memref<64x256xf32, #tpu.memory_space<vmem>>[vector<16xi32>, vector<16xi32>], vector<16xf32>,
        %parallel_loop3A_752 = arith.constant 1 : i32
        %parallel_loop3A_753 = vector.broadcast %parallel_loop3A_752 : i32 to vector<16xi32>
        %parallel_loop3A_754 = arith.shrsi %parallel_loop3A_750, %parallel_loop3A_753 : vector<16xi32>
        %parallel_loop3A_755 = arith.constant 1 : i32
        %parallel_loop3A_756 = vector.broadcast %parallel_loop3A_755 : i32 to vector<16xi32>
        %parallel_loop3A_757 = arith.andi %parallel_loop3A_750, %parallel_loop3A_756 : vector<16xi32>
        %parallel_loop3A_758 = arith.constant 6 : i32
        %parallel_loop3A_759 = vector.broadcast %parallel_loop3A_758 : i32 to vector<16xi32>
        %parallel_loop3A_760 = arith.shli %parallel_loop3A_757, %parallel_loop3A_759 : vector<16xi32>
        %parallel_loop3A_761 = arith.addi %parallel_loop3A_760, %parallel_loop3A_592 : vector<16xi32>
        tpu.vector_store_idx %arg8[%parallel_loop3A_754, %parallel_loop3A_761], %parallel_loop3A_751 : memref<128x128xf32, #tpu.memory_space<vmem>>[vector<16xi32>, vector<16xi32>], vector<16xf32>,
        %parallel_loop3A_762 = vector.broadcast %parallel_loop3A_572 : i32 to vector<16xi32>
        %parallel_loop3A_763 = arith.addi %parallel_loop3A_762, %and3A_83 : vector<16xi32>
        %parallel_loop3A_764 = tpu.vector_load_idx %arg6[%parallel_loop3A_592, %parallel_loop3A_763] : memref<64x256xf32, #tpu.memory_space<vmem>>[vector<16xi32>, vector<16xi32>], vector<16xf32>,
        %parallel_loop3A_765 = arith.constant 1 : i32
        %parallel_loop3A_766 = vector.broadcast %parallel_loop3A_765 : i32 to vector<16xi32>
        %parallel_loop3A_767 = arith.shrsi %parallel_loop3A_763, %parallel_loop3A_766 : vector<16xi32>
        %parallel_loop3A_768 = arith.constant 1 : i32
        %parallel_loop3A_769 = vector.broadcast %parallel_loop3A_768 : i32 to vector<16xi32>
        %parallel_loop3A_770 = arith.andi %parallel_loop3A_763, %parallel_loop3A_769 : vector<16xi32>
        %parallel_loop3A_771 = arith.constant 6 : i32
        %parallel_loop3A_772 = vector.broadcast %parallel_loop3A_771 : i32 to vector<16xi32>
        %parallel_loop3A_773 = arith.shli %parallel_loop3A_770, %parallel_loop3A_772 : vector<16xi32>
        %parallel_loop3A_774 = arith.addi %parallel_loop3A_773, %parallel_loop3A_592 : vector<16xi32>
        tpu.vector_store_idx %arg8[%parallel_loop3A_767, %parallel_loop3A_774], %parallel_loop3A_764 : memref<128x128xf32, #tpu.memory_space<vmem>>[vector<16xi32>, vector<16xi32>], vector<16xf32>,
        %parallel_loop3A_775 = vector.broadcast %parallel_loop3A_572 : i32 to vector<16xi32>
        %parallel_loop3A_776 = arith.addi %parallel_loop3A_775, %and3A_89 : vector<16xi32>
        %parallel_loop3A_777 = tpu.vector_load_idx %arg6[%parallel_loop3A_592, %parallel_loop3A_776] : memref<64x256xf32, #tpu.memory_space<vmem>>[vector<16xi32>, vector<16xi32>], vector<16xf32>,
        %parallel_loop3A_778 = arith.constant 1 : i32
        %parallel_loop3A_779 = vector.broadcast %parallel_loop3A_778 : i32 to vector<16xi32>
        %parallel_loop3A_780 = arith.shrsi %parallel_loop3A_776, %parallel_loop3A_779 : vector<16xi32>
        %parallel_loop3A_781 = arith.constant 1 : i32
        %parallel_loop3A_782 = vector.broadcast %parallel_loop3A_781 : i32 to vector<16xi32>
        %parallel_loop3A_783 = arith.andi %parallel_loop3A_776, %parallel_loop3A_782 : vector<16xi32>
        %parallel_loop3A_784 = arith.constant 6 : i32
        %parallel_loop3A_785 = vector.broadcast %parallel_loop3A_784 : i32 to vector<16xi32>
        %parallel_loop3A_786 = arith.shli %parallel_loop3A_783, %parallel_loop3A_785 : vector<16xi32>
        %parallel_loop3A_787 = arith.addi %parallel_loop3A_786, %parallel_loop3A_592 : vector<16xi32>
        tpu.vector_store_idx %arg8[%parallel_loop3A_780, %parallel_loop3A_787], %parallel_loop3A_777 : memref<128x128xf32, #tpu.memory_space<vmem>>[vector<16xi32>, vector<16xi32>], vector<16xf32>,
        %parallel_loop3A_788 = vector.broadcast %parallel_loop3A_572 : i32 to vector<16xi32>
        %parallel_loop3A_789 = arith.addi %parallel_loop3A_788, %and3A_95 : vector<16xi32>
        %parallel_loop3A_790 = tpu.vector_load_idx %arg6[%parallel_loop3A_592, %parallel_loop3A_789] : memref<64x256xf32, #tpu.memory_space<vmem>>[vector<16xi32>, vector<16xi32>], vector<16xf32>,
        %parallel_loop3A_791 = arith.constant 1 : i32
        %parallel_loop3A_792 = vector.broadcast %parallel_loop3A_791 : i32 to vector<16xi32>
        %parallel_loop3A_793 = arith.shrsi %parallel_loop3A_789, %parallel_loop3A_792 : vector<16xi32>
        %parallel_loop3A_794 = arith.constant 1 : i32
        %parallel_loop3A_795 = vector.broadcast %parallel_loop3A_794 : i32 to vector<16xi32>
        %parallel_loop3A_796 = arith.andi %parallel_loop3A_789, %parallel_loop3A_795 : vector<16xi32>
        %parallel_loop3A_797 = arith.constant 6 : i32
        %parallel_loop3A_798 = vector.broadcast %parallel_loop3A_797 : i32 to vector<16xi32>
        %parallel_loop3A_799 = arith.shli %parallel_loop3A_796, %parallel_loop3A_798 : vector<16xi32>
        %parallel_loop3A_800 = arith.addi %parallel_loop3A_799, %parallel_loop3A_592 : vector<16xi32>
        tpu.vector_store_idx %arg8[%parallel_loop3A_793, %parallel_loop3A_800], %parallel_loop3A_790 : memref<128x128xf32, #tpu.memory_space<vmem>>[vector<16xi32>, vector<16xi32>], vector<16xf32>,
      } {sc.loop_unroll_factor = 2 : i64, sc.parallel_access}
      %mul3A_540 = arith.constant 128 : i32
      %mul3A_541 = arith.muli %add3A_224, %mul3A_540 : i32
      %dma_start3A_542 = arith.constant 0 : i32
      %dma_start3A_543 = tpu.memref_slice %arg4[%mul3A_541, %dma_start3A_542] : memref<500000x128xf32, #tpu.memory_space<hbm>> -> memref<128x128xf32, #tpu.memory_space<hbm>>
      %dma_start3A_544 = arith.constant 0 : i32
      %dma_start3A_545 = tpu.memref_slice %arg4[%mul3A_541, %dma_start3A_544] : memref<500000x128xf32, #tpu.memory_space<hbm>> -> memref<128x128xf32, #tpu.memory_space<hbm>>
      tpu.enqueue_dma source(%arg8 : memref<128x128xf32, #tpu.memory_space<vmem>>) target(%dma_start3A_545 : memref<128x128xf32, #tpu.memory_space<hbm>>) target_semaphore(%arg12 : memref<!tpu.dma_semaphore, #tpu.memory_space<semaphore_mem>>)
    }
    %scan3A_194 = arith.constant 61 : i32
    %lt3A = arith.constant 2 : i32
    %lt3A_195 = arith.cmpi slt, %add3A, %lt3A : i32
    %convert_element_type3A = arith.extui %lt3A_195 : i1 to i32
    %cond3A = arith.constant 0 : i32
    %cond3A_196 = arith.cmpi ne, %convert_element_type3A, %cond3A : i32
    scf.if %cond3A_196 {
      %add3A_212 = arith.constant 3904 : i32
      %add3A_213 = arith.addi %add3A, %add3A_212 : i32
      %mul3A_214 = arith.constant 256 : i32
      %mul3A_215 = arith.muli %add3A_213, %mul3A_214 : i32
      %dma_wait3A_216 = arith.constant 0 : i32
      %dma_wait3A_217 = arith.constant 0 : i32
      %dma_wait3A_218 = tpu.memref_slice %arg5[%dma_wait3A_216, %dma_wait3A_217] : memref<64x256xf32, #tpu.memory_space<vmem>> -> memref<8x256xf32, #tpu.memory_space<vmem>>
      %dma_wait3A_219 = arith.constant 0 : i32
      %dma_wait3A_220 = tpu.memref_slice %arg2[%dma_wait3A_219, %mul3A_215] : memref<64x1000000xf32, #tpu.memory_space<hbm>> -> memref<8x256xf32, #tpu.memory_space<hbm>>
      %dma_wait3A_221 = arith.constant 0 : i32
      %dma_wait3A_222 = arith.constant 0 : i32
      %dma_wait3A_223 = tpu.memref_slice %arg5[%dma_wait3A_221, %dma_wait3A_222] : memref<64x256xf32, #tpu.memory_space<vmem>> -> memref<8x256xf32, #tpu.memory_space<vmem>>
      %dma_wait3A_224 = arith.constant 0 : i32
      %dma_wait3A_225 = tpu.memref_slice %arg2[%dma_wait3A_224, %mul3A_215] : memref<64x1000000xf32, #tpu.memory_space<hbm>> -> memref<8x256xf32, #tpu.memory_space<hbm>>
      tpu.wait_dma2 semaphore(%arg9 : memref<!tpu.dma_semaphore, #tpu.memory_space<semaphore_mem>>) src(%dma_wait3A_225 : memref<8x256xf32, #tpu.memory_space<hbm>>) dst(%dma_wait3A_223 : memref<8x256xf32, #tpu.memory_space<vmem>>)
      %mul3A_226 = arith.constant 256 : i32
      %mul3A_227 = arith.muli %add3A_213, %mul3A_226 : i32
      %dma_wait3A_228 = arith.constant 8 : i32
      %dma_wait3A_229 = arith.constant 0 : i32
      %dma_wait3A_230 = tpu.memref_slice %arg5[%dma_wait3A_228, %dma_wait3A_229] : memref<64x256xf32, #tpu.memory_space<vmem>> -> memref<8x256xf32, #tpu.memory_space<vmem>>
      %dma_wait3A_231 = arith.constant 8 : i32
      %dma_wait3A_232 = tpu.memref_slice %arg2[%dma_wait3A_231, %mul3A_227] : memref<64x1000000xf32, #tpu.memory_space<hbm>> -> memref<8x256xf32, #tpu.memory_space<hbm>>
      %dma_wait3A_233 = arith.constant 8 : i32
      %dma_wait3A_234 = arith.constant 0 : i32
      %dma_wait3A_235 = tpu.memref_slice %arg5[%dma_wait3A_233, %dma_wait3A_234] : memref<64x256xf32, #tpu.memory_space<vmem>> -> memref<8x256xf32, #tpu.memory_space<vmem>>
      %dma_wait3A_236 = arith.constant 8 : i32
      %dma_wait3A_237 = tpu.memref_slice %arg2[%dma_wait3A_236, %mul3A_227] : memref<64x1000000xf32, #tpu.memory_space<hbm>> -> memref<8x256xf32, #tpu.memory_space<hbm>>
      tpu.wait_dma2 semaphore(%arg9 : memref<!tpu.dma_semaphore, #tpu.memory_space<semaphore_mem>>) src(%dma_wait3A_237 : memref<8x256xf32, #tpu.memory_space<hbm>>) dst(%dma_wait3A_235 : memref<8x256xf32, #tpu.memory_space<vmem>>)
      %mul3A_238 = arith.constant 256 : i32
      %mul3A_239 = arith.muli %add3A_213, %mul3A_238 : i32
      %dma_wait3A_240 = arith.constant 16 : i32
      %dma_wait3A_241 = arith.constant 0 : i32
      %dma_wait3A_242 = tpu.memref_slice %arg5[%dma_wait3A_240, %dma_wait3A_241] : memref<64x256xf32, #tpu.memory_space<vmem>> -> memref<8x256xf32, #tpu.memory_space<vmem>>
      %dma_wait3A_243 = arith.constant 16 : i32
      %dma_wait3A_244 = tpu.memref_slice %arg2[%dma_wait3A_243, %mul3A_239] : memref<64x1000000xf32, #tpu.memory_space<hbm>> -> memref<8x256xf32, #tpu.memory_space<hbm>>
      %dma_wait3A_245 = arith.constant 16 : i32
      %dma_wait3A_246 = arith.constant 0 : i32
      %dma_wait3A_247 = tpu.memref_slice %arg5[%dma_wait3A_245, %dma_wait3A_246] : memref<64x256xf32, #tpu.memory_space<vmem>> -> memref<8x256xf32, #tpu.memory_space<vmem>>
      %dma_wait3A_248 = arith.constant 16 : i32
      %dma_wait3A_249 = tpu.memref_slice %arg2[%dma_wait3A_248, %mul3A_239] : memref<64x1000000xf32, #tpu.memory_space<hbm>> -> memref<8x256xf32, #tpu.memory_space<hbm>>
      tpu.wait_dma2 semaphore(%arg9 : memref<!tpu.dma_semaphore, #tpu.memory_space<semaphore_mem>>) src(%dma_wait3A_249 : memref<8x256xf32, #tpu.memory_space<hbm>>) dst(%dma_wait3A_247 : memref<8x256xf32, #tpu.memory_space<vmem>>)
      %mul3A_250 = arith.constant 256 : i32
      %mul3A_251 = arith.muli %add3A_213, %mul3A_250 : i32
      %dma_wait3A_252 = arith.constant 24 : i32
      %dma_wait3A_253 = arith.constant 0 : i32
      %dma_wait3A_254 = tpu.memref_slice %arg5[%dma_wait3A_252, %dma_wait3A_253] : memref<64x256xf32, #tpu.memory_space<vmem>> -> memref<8x256xf32, #tpu.memory_space<vmem>>
      %dma_wait3A_255 = arith.constant 24 : i32
      %dma_wait3A_256 = tpu.memref_slice %arg2[%dma_wait3A_255, %mul3A_251] : memref<64x1000000xf32, #tpu.memory_space<hbm>> -> memref<8x256xf32, #tpu.memory_space<hbm>>
      %dma_wait3A_257 = arith.constant 24 : i32
      %dma_wait3A_258 = arith.constant 0 : i32
      %dma_wait3A_259 = tpu.memref_slice %arg5[%dma_wait3A_257, %dma_wait3A_258] : memref<64x256xf32, #tpu.memory_space<vmem>> -> memref<8x256xf32, #tpu.memory_space<vmem>>
      %dma_wait3A_260 = arith.constant 24 : i32
      %dma_wait3A_261 = tpu.memref_slice %arg2[%dma_wait3A_260, %mul3A_251] : memref<64x1000000xf32, #tpu.memory_space<hbm>> -> memref<8x256xf32, #tpu.memory_space<hbm>>
      tpu.wait_dma2 semaphore(%arg9 : memref<!tpu.dma_semaphore, #tpu.memory_space<semaphore_mem>>) src(%dma_wait3A_261 : memref<8x256xf32, #tpu.memory_space<hbm>>) dst(%dma_wait3A_259 : memref<8x256xf32, #tpu.memory_space<vmem>>)
      %mul3A_262 = arith.constant 256 : i32
      %mul3A_263 = arith.muli %add3A_213, %mul3A_262 : i32
      %dma_wait3A_264 = arith.constant 32 : i32
      %dma_wait3A_265 = arith.constant 0 : i32
      %dma_wait3A_266 = tpu.memref_slice %arg5[%dma_wait3A_264, %dma_wait3A_265] : memref<64x256xf32, #tpu.memory_space<vmem>> -> memref<8x256xf32, #tpu.memory_space<vmem>>
      %dma_wait3A_267 = arith.constant 32 : i32
      %dma_wait3A_268 = tpu.memref_slice %arg2[%dma_wait3A_267, %mul3A_263] : memref<64x1000000xf32, #tpu.memory_space<hbm>> -> memref<8x256xf32, #tpu.memory_space<hbm>>
      %dma_wait3A_269 = arith.constant 32 : i32
      %dma_wait3A_270 = arith.constant 0 : i32
      %dma_wait3A_271 = tpu.memref_slice %arg5[%dma_wait3A_269, %dma_wait3A_270] : memref<64x256xf32, #tpu.memory_space<vmem>> -> memref<8x256xf32, #tpu.memory_space<vmem>>
      %dma_wait3A_272 = arith.constant 32 : i32
      %dma_wait3A_273 = tpu.memref_slice %arg2[%dma_wait3A_272, %mul3A_263] : memref<64x1000000xf32, #tpu.memory_space<hbm>> -> memref<8x256xf32, #tpu.memory_space<hbm>>
      tpu.wait_dma2 semaphore(%arg9 : memref<!tpu.dma_semaphore, #tpu.memory_space<semaphore_mem>>) src(%dma_wait3A_273 : memref<8x256xf32, #tpu.memory_space<hbm>>) dst(%dma_wait3A_271 : memref<8x256xf32, #tpu.memory_space<vmem>>)
      %mul3A_274 = arith.constant 256 : i32
      %mul3A_275 = arith.muli %add3A_213, %mul3A_274 : i32
      %dma_wait3A_276 = arith.constant 40 : i32
      %dma_wait3A_277 = arith.constant 0 : i32
      %dma_wait3A_278 = tpu.memref_slice %arg5[%dma_wait3A_276, %dma_wait3A_277] : memref<64x256xf32, #tpu.memory_space<vmem>> -> memref<8x256xf32, #tpu.memory_space<vmem>>
      %dma_wait3A_279 = arith.constant 40 : i32
      %dma_wait3A_280 = tpu.memref_slice %arg2[%dma_wait3A_279, %mul3A_275] : memref<64x1000000xf32, #tpu.memory_space<hbm>> -> memref<8x256xf32, #tpu.memory_space<hbm>>
      %dma_wait3A_281 = arith.constant 40 : i32
      %dma_wait3A_282 = arith.constant 0 : i32
      %dma_wait3A_283 = tpu.memref_slice %arg5[%dma_wait3A_281, %dma_wait3A_282] : memref<64x256xf32, #tpu.memory_space<vmem>> -> memref<8x256xf32, #tpu.memory_space<vmem>>
      %dma_wait3A_284 = arith.constant 40 : i32
      %dma_wait3A_285 = tpu.memref_slice %arg2[%dma_wait3A_284, %mul3A_275] : memref<64x1000000xf32, #tpu.memory_space<hbm>> -> memref<8x256xf32, #tpu.memory_space<hbm>>
      tpu.wait_dma2 semaphore(%arg9 : memref<!tpu.dma_semaphore, #tpu.memory_space<semaphore_mem>>) src(%dma_wait3A_285 : memref<8x256xf32, #tpu.memory_space<hbm>>) dst(%dma_wait3A_283 : memref<8x256xf32, #tpu.memory_space<vmem>>)
      %mul3A_286 = arith.constant 256 : i32
      %mul3A_287 = arith.muli %add3A_213, %mul3A_286 : i32
      %dma_wait3A_288 = arith.constant 48 : i32
      %dma_wait3A_289 = arith.constant 0 : i32
      %dma_wait3A_290 = tpu.memref_slice %arg5[%dma_wait3A_288, %dma_wait3A_289] : memref<64x256xf32, #tpu.memory_space<vmem>> -> memref<8x256xf32, #tpu.memory_space<vmem>>
      %dma_wait3A_291 = arith.constant 48 : i32
      %dma_wait3A_292 = tpu.memref_slice %arg2[%dma_wait3A_291, %mul3A_287] : memref<64x1000000xf32, #tpu.memory_space<hbm>> -> memref<8x256xf32, #tpu.memory_space<hbm>>
      %dma_wait3A_293 = arith.constant 48 : i32
      %dma_wait3A_294 = arith.constant 0 : i32
      %dma_wait3A_295 = tpu.memref_slice %arg5[%dma_wait3A_293, %dma_wait3A_294] : memref<64x256xf32, #tpu.memory_space<vmem>> -> memref<8x256xf32, #tpu.memory_space<vmem>>
      %dma_wait3A_296 = arith.constant 48 : i32
      %dma_wait3A_297 = tpu.memref_slice %arg2[%dma_wait3A_296, %mul3A_287] : memref<64x1000000xf32, #tpu.memory_space<hbm>> -> memref<8x256xf32, #tpu.memory_space<hbm>>
      tpu.wait_dma2 semaphore(%arg9 : memref<!tpu.dma_semaphore, #tpu.memory_space<semaphore_mem>>) src(%dma_wait3A_297 : memref<8x256xf32, #tpu.memory_space<hbm>>) dst(%dma_wait3A_295 : memref<8x256xf32, #tpu.memory_space<vmem>>)
      %mul3A_298 = arith.constant 256 : i32
      %mul3A_299 = arith.muli %add3A_213, %mul3A_298 : i32
      %dma_wait3A_300 = arith.constant 56 : i32
      %dma_wait3A_301 = arith.constant 0 : i32
      %dma_wait3A_302 = tpu.memref_slice %arg5[%dma_wait3A_300, %dma_wait3A_301] : memref<64x256xf32, #tpu.memory_space<vmem>> -> memref<8x256xf32, #tpu.memory_space<vmem>>
      %dma_wait3A_303 = arith.constant 56 : i32
      %dma_wait3A_304 = tpu.memref_slice %arg2[%dma_wait3A_303, %mul3A_299] : memref<64x1000000xf32, #tpu.memory_space<hbm>> -> memref<8x256xf32, #tpu.memory_space<hbm>>
      %dma_wait3A_305 = arith.constant 56 : i32
      %dma_wait3A_306 = arith.constant 0 : i32
      %dma_wait3A_307 = tpu.memref_slice %arg5[%dma_wait3A_305, %dma_wait3A_306] : memref<64x256xf32, #tpu.memory_space<vmem>> -> memref<8x256xf32, #tpu.memory_space<vmem>>
      %dma_wait3A_308 = arith.constant 56 : i32
      %dma_wait3A_309 = tpu.memref_slice %arg2[%dma_wait3A_308, %mul3A_299] : memref<64x1000000xf32, #tpu.memory_space<hbm>> -> memref<8x256xf32, #tpu.memory_space<hbm>>
      tpu.wait_dma2 semaphore(%arg9 : memref<!tpu.dma_semaphore, #tpu.memory_space<semaphore_mem>>) src(%dma_wait3A_309 : memref<8x256xf32, #tpu.memory_space<hbm>>) dst(%dma_wait3A_307 : memref<8x256xf32, #tpu.memory_space<vmem>>)
      %sub3A = arith.constant 64 : i32
      %sub3A_310 = arith.subi %add3A_213, %sub3A : i32
      %mul3A_311 = arith.constant 128 : i32
      %mul3A_312 = arith.muli %sub3A_310, %mul3A_311 : i32
      %dma_wait3A_313 = arith.constant 0 : i32
      %dma_wait3A_314 = tpu.memref_slice %arg4[%mul3A_312, %dma_wait3A_313] : memref<500000x128xf32, #tpu.memory_space<hbm>> -> memref<128x128xf32, #tpu.memory_space<hbm>>
      %dma_wait3A_315 = arith.constant 0 : i32
      %dma_wait3A_316 = tpu.memref_slice %arg4[%mul3A_312, %dma_wait3A_315] : memref<500000x128xf32, #tpu.memory_space<hbm>> -> memref<128x128xf32, #tpu.memory_space<hbm>>
      tpu.wait_dma2 semaphore(%arg11 : memref<!tpu.dma_semaphore, #tpu.memory_space<semaphore_mem>>) src(%arg7 : memref<128x128xf32, #tpu.memory_space<vmem>>) dst(%dma_wait3A_316 : memref<128x128xf32, #tpu.memory_space<hbm>>)
      %parallel_loop3A = arith.constant 0 : i32
      %parallel_loop3A_317 = arith.constant 64 : i32
      %parallel_loop3A_318 = arith.constant 1 : i32
      scf.for %parallel_loop3A_331 = %parallel_loop3A to %parallel_loop3A_317 step %parallel_loop3A_318  : i32 {
        %parallel_loop3A_332 = arith.constant 4 : i32
        %parallel_loop3A_333 = arith.divsi %parallel_loop3A_331, %parallel_loop3A_332 : i32
        %parallel_loop3A_334 = arith.constant 0 : i32
        %parallel_loop3A_335 = arith.cmpi sgt, %parallel_loop3A_331, %parallel_loop3A_334 : i32
        %parallel_loop3A_336 = arith.extui %parallel_loop3A_335 : i1 to i32
        %parallel_loop3A_337 = arith.constant 0 : i32
        %parallel_loop3A_338 = arith.cmpi slt, %parallel_loop3A_331, %parallel_loop3A_337 : i32
        %parallel_loop3A_339 = arith.extui %parallel_loop3A_338 : i1 to i32
        %parallel_loop3A_340 = arith.subi %parallel_loop3A_336, %parallel_loop3A_339 : i32
        %parallel_loop3A_341 = arith.constant 0 : i32
        %parallel_loop3A_342 = arith.cmpi sgt, %parallel_loop3A_332, %parallel_loop3A_341 : i32
        %parallel_loop3A_343 = arith.extui %parallel_loop3A_342 : i1 to i32
        %parallel_loop3A_344 = arith.constant 0 : i32
        %parallel_loop3A_345 = arith.cmpi slt, %parallel_loop3A_332, %parallel_loop3A_344 : i32
        %parallel_loop3A_346 = arith.extui %parallel_loop3A_345 : i1 to i32
        %parallel_loop3A_347 = arith.subi %parallel_loop3A_343, %parallel_loop3A_346 : i32
        %parallel_loop3A_348 = arith.cmpi ne, %parallel_loop3A_340, %parallel_loop3A_347 : i32
        %parallel_loop3A_349 = arith.remsi %parallel_loop3A_331, %parallel_loop3A_332 : i32
        %parallel_loop3A_350 = arith.constant 0 : i32
        %parallel_loop3A_351 = arith.cmpi ne, %parallel_loop3A_349, %parallel_loop3A_350 : i32
        %parallel_loop3A_352 = arith.andi %parallel_loop3A_348, %parallel_loop3A_351 : i1
        %parallel_loop3A_353 = arith.constant 1 : i32
        %parallel_loop3A_354 = arith.subi %parallel_loop3A_333, %parallel_loop3A_353 : i32
        %parallel_loop3A_355 = arith.select %parallel_loop3A_352, %parallel_loop3A_354, %parallel_loop3A_333 : i32
        %parallel_loop3A_356 = arith.constant 16 : i32
        %parallel_loop3A_357 = arith.muli %parallel_loop3A_355, %parallel_loop3A_356 : i32
        %parallel_loop3A_358 = arith.constant 4 : i32
        %parallel_loop3A_359 = arith.constant 0 : i32
        %parallel_loop3A_360 = arith.cmpi eq, %parallel_loop3A_358, %parallel_loop3A_359 : i32
        %parallel_loop3A_361 = arith.constant 1 : i32
        %parallel_loop3A_362 = arith.select %parallel_loop3A_360, %parallel_loop3A_361, %parallel_loop3A_358 : i32
        %parallel_loop3A_363 = arith.remsi %parallel_loop3A_331, %parallel_loop3A_362 : i32
        %parallel_loop3A_364 = arith.constant 0 : i32
        %parallel_loop3A_365 = arith.cmpi ne, %parallel_loop3A_363, %parallel_loop3A_364 : i32
        %parallel_loop3A_366 = arith.constant 0 : i32
        %parallel_loop3A_367 = arith.cmpi slt, %parallel_loop3A_363, %parallel_loop3A_366 : i32
        %parallel_loop3A_368 = arith.constant 0 : i32
        %parallel_loop3A_369 = arith.cmpi slt, %parallel_loop3A_362, %parallel_loop3A_368 : i32
        %parallel_loop3A_370 = arith.xori %parallel_loop3A_367, %parallel_loop3A_369 : i1
        %parallel_loop3A_371 = arith.andi %parallel_loop3A_370, %parallel_loop3A_365 : i1
        %parallel_loop3A_372 = arith.addi %parallel_loop3A_363, %parallel_loop3A_362 : i32
        %parallel_loop3A_373 = arith.select %parallel_loop3A_371, %parallel_loop3A_372, %parallel_loop3A_363 : i32
        %parallel_loop3A_374 = arith.constant 16 : i32
        %parallel_loop3A_375 = arith.muli %parallel_loop3A_373, %parallel_loop3A_374 : i32
        %parallel_loop3A_376 = vector.broadcast %parallel_loop3A_375 : i32 to vector<16xi32>
        %parallel_loop3A_377 = arith.addi %parallel_loop3A_376, %iota3A : vector<16xi32>
        %parallel_loop3A_378 = vector.broadcast %parallel_loop3A_357 : i32 to vector<16xi32>
        %parallel_loop3A_379 = arith.addi %parallel_loop3A_378, %and3A_5 : vector<16xi32>
        %parallel_loop3A_380 = tpu.vector_load_idx %arg5[%parallel_loop3A_377, %parallel_loop3A_379] : memref<64x256xf32, #tpu.memory_space<vmem>>[vector<16xi32>, vector<16xi32>], vector<16xf32>,
        %parallel_loop3A_381 = arith.constant 1 : i32
        %parallel_loop3A_382 = vector.broadcast %parallel_loop3A_381 : i32 to vector<16xi32>
        %parallel_loop3A_383 = arith.shrsi %parallel_loop3A_379, %parallel_loop3A_382 : vector<16xi32>
        %parallel_loop3A_384 = arith.constant 1 : i32
        %parallel_loop3A_385 = vector.broadcast %parallel_loop3A_384 : i32 to vector<16xi32>
        %parallel_loop3A_386 = arith.andi %parallel_loop3A_379, %parallel_loop3A_385 : vector<16xi32>
        %parallel_loop3A_387 = arith.constant 6 : i32
        %parallel_loop3A_388 = vector.broadcast %parallel_loop3A_387 : i32 to vector<16xi32>
        %parallel_loop3A_389 = arith.shli %parallel_loop3A_386, %parallel_loop3A_388 : vector<16xi32>
        %parallel_loop3A_390 = arith.addi %parallel_loop3A_389, %parallel_loop3A_377 : vector<16xi32>
        tpu.vector_store_idx %arg7[%parallel_loop3A_383, %parallel_loop3A_390], %parallel_loop3A_380 : memref<128x128xf32, #tpu.memory_space<vmem>>[vector<16xi32>, vector<16xi32>], vector<16xf32>,
        %parallel_loop3A_391 = vector.broadcast %parallel_loop3A_357 : i32 to vector<16xi32>
        %parallel_loop3A_392 = arith.addi %parallel_loop3A_391, %and3A_11 : vector<16xi32>
        %parallel_loop3A_393 = tpu.vector_load_idx %arg5[%parallel_loop3A_377, %parallel_loop3A_392] : memref<64x256xf32, #tpu.memory_space<vmem>>[vector<16xi32>, vector<16xi32>], vector<16xf32>,
        %parallel_loop3A_394 = arith.constant 1 : i32
        %parallel_loop3A_395 = vector.broadcast %parallel_loop3A_394 : i32 to vector<16xi32>
        %parallel_loop3A_396 = arith.shrsi %parallel_loop3A_392, %parallel_loop3A_395 : vector<16xi32>
        %parallel_loop3A_397 = arith.constant 1 : i32
        %parallel_loop3A_398 = vector.broadcast %parallel_loop3A_397 : i32 to vector<16xi32>
        %parallel_loop3A_399 = arith.andi %parallel_loop3A_392, %parallel_loop3A_398 : vector<16xi32>
        %parallel_loop3A_400 = arith.constant 6 : i32
        %parallel_loop3A_401 = vector.broadcast %parallel_loop3A_400 : i32 to vector<16xi32>
        %parallel_loop3A_402 = arith.shli %parallel_loop3A_399, %parallel_loop3A_401 : vector<16xi32>
        %parallel_loop3A_403 = arith.addi %parallel_loop3A_402, %parallel_loop3A_377 : vector<16xi32>
        tpu.vector_store_idx %arg7[%parallel_loop3A_396, %parallel_loop3A_403], %parallel_loop3A_393 : memref<128x128xf32, #tpu.memory_space<vmem>>[vector<16xi32>, vector<16xi32>], vector<16xf32>,
        %parallel_loop3A_404 = vector.broadcast %parallel_loop3A_357 : i32 to vector<16xi32>
        %parallel_loop3A_405 = arith.addi %parallel_loop3A_404, %and3A_17 : vector<16xi32>
        %parallel_loop3A_406 = tpu.vector_load_idx %arg5[%parallel_loop3A_377, %parallel_loop3A_405] : memref<64x256xf32, #tpu.memory_space<vmem>>[vector<16xi32>, vector<16xi32>], vector<16xf32>,
        %parallel_loop3A_407 = arith.constant 1 : i32
        %parallel_loop3A_408 = vector.broadcast %parallel_loop3A_407 : i32 to vector<16xi32>
        %parallel_loop3A_409 = arith.shrsi %parallel_loop3A_405, %parallel_loop3A_408 : vector<16xi32>
        %parallel_loop3A_410 = arith.constant 1 : i32
        %parallel_loop3A_411 = vector.broadcast %parallel_loop3A_410 : i32 to vector<16xi32>
        %parallel_loop3A_412 = arith.andi %parallel_loop3A_405, %parallel_loop3A_411 : vector<16xi32>
        %parallel_loop3A_413 = arith.constant 6 : i32
        %parallel_loop3A_414 = vector.broadcast %parallel_loop3A_413 : i32 to vector<16xi32>
        %parallel_loop3A_415 = arith.shli %parallel_loop3A_412, %parallel_loop3A_414 : vector<16xi32>
        %parallel_loop3A_416 = arith.addi %parallel_loop3A_415, %parallel_loop3A_377 : vector<16xi32>
        tpu.vector_store_idx %arg7[%parallel_loop3A_409, %parallel_loop3A_416], %parallel_loop3A_406 : memref<128x128xf32, #tpu.memory_space<vmem>>[vector<16xi32>, vector<16xi32>], vector<16xf32>,
        %parallel_loop3A_417 = vector.broadcast %parallel_loop3A_357 : i32 to vector<16xi32>
        %parallel_loop3A_418 = arith.addi %parallel_loop3A_417, %and3A_23 : vector<16xi32>
        %parallel_loop3A_419 = tpu.vector_load_idx %arg5[%parallel_loop3A_377, %parallel_loop3A_418] : memref<64x256xf32, #tpu.memory_space<vmem>>[vector<16xi32>, vector<16xi32>], vector<16xf32>,
        %parallel_loop3A_420 = arith.constant 1 : i32
        %parallel_loop3A_421 = vector.broadcast %parallel_loop3A_420 : i32 to vector<16xi32>
        %parallel_loop3A_422 = arith.shrsi %parallel_loop3A_418, %parallel_loop3A_421 : vector<16xi32>
        %parallel_loop3A_423 = arith.constant 1 : i32
        %parallel_loop3A_424 = vector.broadcast %parallel_loop3A_423 : i32 to vector<16xi32>
        %parallel_loop3A_425 = arith.andi %parallel_loop3A_418, %parallel_loop3A_424 : vector<16xi32>
        %parallel_loop3A_426 = arith.constant 6 : i32
        %parallel_loop3A_427 = vector.broadcast %parallel_loop3A_426 : i32 to vector<16xi32>
        %parallel_loop3A_428 = arith.shli %parallel_loop3A_425, %parallel_loop3A_427 : vector<16xi32>
        %parallel_loop3A_429 = arith.addi %parallel_loop3A_428, %parallel_loop3A_377 : vector<16xi32>
        tpu.vector_store_idx %arg7[%parallel_loop3A_422, %parallel_loop3A_429], %parallel_loop3A_419 : memref<128x128xf32, #tpu.memory_space<vmem>>[vector<16xi32>, vector<16xi32>], vector<16xf32>,
        %parallel_loop3A_430 = vector.broadcast %parallel_loop3A_357 : i32 to vector<16xi32>
        %parallel_loop3A_431 = arith.addi %parallel_loop3A_430, %and3A_29 : vector<16xi32>
        %parallel_loop3A_432 = tpu.vector_load_idx %arg5[%parallel_loop3A_377, %parallel_loop3A_431] : memref<64x256xf32, #tpu.memory_space<vmem>>[vector<16xi32>, vector<16xi32>], vector<16xf32>,
        %parallel_loop3A_433 = arith.constant 1 : i32
        %parallel_loop3A_434 = vector.broadcast %parallel_loop3A_433 : i32 to vector<16xi32>
        %parallel_loop3A_435 = arith.shrsi %parallel_loop3A_431, %parallel_loop3A_434 : vector<16xi32>
        %parallel_loop3A_436 = arith.constant 1 : i32
        %parallel_loop3A_437 = vector.broadcast %parallel_loop3A_436 : i32 to vector<16xi32>
        %parallel_loop3A_438 = arith.andi %parallel_loop3A_431, %parallel_loop3A_437 : vector<16xi32>
        %parallel_loop3A_439 = arith.constant 6 : i32
        %parallel_loop3A_440 = vector.broadcast %parallel_loop3A_439 : i32 to vector<16xi32>
        %parallel_loop3A_441 = arith.shli %parallel_loop3A_438, %parallel_loop3A_440 : vector<16xi32>
        %parallel_loop3A_442 = arith.addi %parallel_loop3A_441, %parallel_loop3A_377 : vector<16xi32>
        tpu.vector_store_idx %arg7[%parallel_loop3A_435, %parallel_loop3A_442], %parallel_loop3A_432 : memref<128x128xf32, #tpu.memory_space<vmem>>[vector<16xi32>, vector<16xi32>], vector<16xf32>,
        %parallel_loop3A_443 = vector.broadcast %parallel_loop3A_357 : i32 to vector<16xi32>
        %parallel_loop3A_444 = arith.addi %parallel_loop3A_443, %and3A_35 : vector<16xi32>
        %parallel_loop3A_445 = tpu.vector_load_idx %arg5[%parallel_loop3A_377, %parallel_loop3A_444] : memref<64x256xf32, #tpu.memory_space<vmem>>[vector<16xi32>, vector<16xi32>], vector<16xf32>,
        %parallel_loop3A_446 = arith.constant 1 : i32
        %parallel_loop3A_447 = vector.broadcast %parallel_loop3A_446 : i32 to vector<16xi32>
        %parallel_loop3A_448 = arith.shrsi %parallel_loop3A_444, %parallel_loop3A_447 : vector<16xi32>
        %parallel_loop3A_449 = arith.constant 1 : i32
        %parallel_loop3A_450 = vector.broadcast %parallel_loop3A_449 : i32 to vector<16xi32>
        %parallel_loop3A_451 = arith.andi %parallel_loop3A_444, %parallel_loop3A_450 : vector<16xi32>
        %parallel_loop3A_452 = arith.constant 6 : i32
        %parallel_loop3A_453 = vector.broadcast %parallel_loop3A_452 : i32 to vector<16xi32>
        %parallel_loop3A_454 = arith.shli %parallel_loop3A_451, %parallel_loop3A_453 : vector<16xi32>
        %parallel_loop3A_455 = arith.addi %parallel_loop3A_454, %parallel_loop3A_377 : vector<16xi32>
        tpu.vector_store_idx %arg7[%parallel_loop3A_448, %parallel_loop3A_455], %parallel_loop3A_445 : memref<128x128xf32, #tpu.memory_space<vmem>>[vector<16xi32>, vector<16xi32>], vector<16xf32>,
        %parallel_loop3A_456 = vector.broadcast %parallel_loop3A_357 : i32 to vector<16xi32>
        %parallel_loop3A_457 = arith.addi %parallel_loop3A_456, %and3A_41 : vector<16xi32>
        %parallel_loop3A_458 = tpu.vector_load_idx %arg5[%parallel_loop3A_377, %parallel_loop3A_457] : memref<64x256xf32, #tpu.memory_space<vmem>>[vector<16xi32>, vector<16xi32>], vector<16xf32>,
        %parallel_loop3A_459 = arith.constant 1 : i32
        %parallel_loop3A_460 = vector.broadcast %parallel_loop3A_459 : i32 to vector<16xi32>
        %parallel_loop3A_461 = arith.shrsi %parallel_loop3A_457, %parallel_loop3A_460 : vector<16xi32>
        %parallel_loop3A_462 = arith.constant 1 : i32
        %parallel_loop3A_463 = vector.broadcast %parallel_loop3A_462 : i32 to vector<16xi32>
        %parallel_loop3A_464 = arith.andi %parallel_loop3A_457, %parallel_loop3A_463 : vector<16xi32>
        %parallel_loop3A_465 = arith.constant 6 : i32
        %parallel_loop3A_466 = vector.broadcast %parallel_loop3A_465 : i32 to vector<16xi32>
        %parallel_loop3A_467 = arith.shli %parallel_loop3A_464, %parallel_loop3A_466 : vector<16xi32>
        %parallel_loop3A_468 = arith.addi %parallel_loop3A_467, %parallel_loop3A_377 : vector<16xi32>
        tpu.vector_store_idx %arg7[%parallel_loop3A_461, %parallel_loop3A_468], %parallel_loop3A_458 : memref<128x128xf32, #tpu.memory_space<vmem>>[vector<16xi32>, vector<16xi32>], vector<16xf32>,
        %parallel_loop3A_469 = vector.broadcast %parallel_loop3A_357 : i32 to vector<16xi32>
        %parallel_loop3A_470 = arith.addi %parallel_loop3A_469, %and3A_47 : vector<16xi32>
        %parallel_loop3A_471 = tpu.vector_load_idx %arg5[%parallel_loop3A_377, %parallel_loop3A_470] : memref<64x256xf32, #tpu.memory_space<vmem>>[vector<16xi32>, vector<16xi32>], vector<16xf32>,
        %parallel_loop3A_472 = arith.constant 1 : i32
        %parallel_loop3A_473 = vector.broadcast %parallel_loop3A_472 : i32 to vector<16xi32>
        %parallel_loop3A_474 = arith.shrsi %parallel_loop3A_470, %parallel_loop3A_473 : vector<16xi32>
        %parallel_loop3A_475 = arith.constant 1 : i32
        %parallel_loop3A_476 = vector.broadcast %parallel_loop3A_475 : i32 to vector<16xi32>
        %parallel_loop3A_477 = arith.andi %parallel_loop3A_470, %parallel_loop3A_476 : vector<16xi32>
        %parallel_loop3A_478 = arith.constant 6 : i32
        %parallel_loop3A_479 = vector.broadcast %parallel_loop3A_478 : i32 to vector<16xi32>
        %parallel_loop3A_480 = arith.shli %parallel_loop3A_477, %parallel_loop3A_479 : vector<16xi32>
        %parallel_loop3A_481 = arith.addi %parallel_loop3A_480, %parallel_loop3A_377 : vector<16xi32>
        tpu.vector_store_idx %arg7[%parallel_loop3A_474, %parallel_loop3A_481], %parallel_loop3A_471 : memref<128x128xf32, #tpu.memory_space<vmem>>[vector<16xi32>, vector<16xi32>], vector<16xf32>,
        %parallel_loop3A_482 = vector.broadcast %parallel_loop3A_357 : i32 to vector<16xi32>
        %parallel_loop3A_483 = arith.addi %parallel_loop3A_482, %and3A_53 : vector<16xi32>
        %parallel_loop3A_484 = tpu.vector_load_idx %arg5[%parallel_loop3A_377, %parallel_loop3A_483] : memref<64x256xf32, #tpu.memory_space<vmem>>[vector<16xi32>, vector<16xi32>], vector<16xf32>,
        %parallel_loop3A_485 = arith.constant 1 : i32
        %parallel_loop3A_486 = vector.broadcast %parallel_loop3A_485 : i32 to vector<16xi32>
        %parallel_loop3A_487 = arith.shrsi %parallel_loop3A_483, %parallel_loop3A_486 : vector<16xi32>
        %parallel_loop3A_488 = arith.constant 1 : i32
        %parallel_loop3A_489 = vector.broadcast %parallel_loop3A_488 : i32 to vector<16xi32>
        %parallel_loop3A_490 = arith.andi %parallel_loop3A_483, %parallel_loop3A_489 : vector<16xi32>
        %parallel_loop3A_491 = arith.constant 6 : i32
        %parallel_loop3A_492 = vector.broadcast %parallel_loop3A_491 : i32 to vector<16xi32>
        %parallel_loop3A_493 = arith.shli %parallel_loop3A_490, %parallel_loop3A_492 : vector<16xi32>
        %parallel_loop3A_494 = arith.addi %parallel_loop3A_493, %parallel_loop3A_377 : vector<16xi32>
        tpu.vector_store_idx %arg7[%parallel_loop3A_487, %parallel_loop3A_494], %parallel_loop3A_484 : memref<128x128xf32, #tpu.memory_space<vmem>>[vector<16xi32>, vector<16xi32>], vector<16xf32>,
        %parallel_loop3A_495 = vector.broadcast %parallel_loop3A_357 : i32 to vector<16xi32>
        %parallel_loop3A_496 = arith.addi %parallel_loop3A_495, %and3A_59 : vector<16xi32>
        %parallel_loop3A_497 = tpu.vector_load_idx %arg5[%parallel_loop3A_377, %parallel_loop3A_496] : memref<64x256xf32, #tpu.memory_space<vmem>>[vector<16xi32>, vector<16xi32>], vector<16xf32>,
        %parallel_loop3A_498 = arith.constant 1 : i32
        %parallel_loop3A_499 = vector.broadcast %parallel_loop3A_498 : i32 to vector<16xi32>
        %parallel_loop3A_500 = arith.shrsi %parallel_loop3A_496, %parallel_loop3A_499 : vector<16xi32>
        %parallel_loop3A_501 = arith.constant 1 : i32
        %parallel_loop3A_502 = vector.broadcast %parallel_loop3A_501 : i32 to vector<16xi32>
        %parallel_loop3A_503 = arith.andi %parallel_loop3A_496, %parallel_loop3A_502 : vector<16xi32>
        %parallel_loop3A_504 = arith.constant 6 : i32
        %parallel_loop3A_505 = vector.broadcast %parallel_loop3A_504 : i32 to vector<16xi32>
        %parallel_loop3A_506 = arith.shli %parallel_loop3A_503, %parallel_loop3A_505 : vector<16xi32>
        %parallel_loop3A_507 = arith.addi %parallel_loop3A_506, %parallel_loop3A_377 : vector<16xi32>
        tpu.vector_store_idx %arg7[%parallel_loop3A_500, %parallel_loop3A_507], %parallel_loop3A_497 : memref<128x128xf32, #tpu.memory_space<vmem>>[vector<16xi32>, vector<16xi32>], vector<16xf32>,
        %parallel_loop3A_508 = vector.broadcast %parallel_loop3A_357 : i32 to vector<16xi32>
        %parallel_loop3A_509 = arith.addi %parallel_loop3A_508, %and3A_65 : vector<16xi32>
        %parallel_loop3A_510 = tpu.vector_load_idx %arg5[%parallel_loop3A_377, %parallel_loop3A_509] : memref<64x256xf32, #tpu.memory_space<vmem>>[vector<16xi32>, vector<16xi32>], vector<16xf32>,
        %parallel_loop3A_511 = arith.constant 1 : i32
        %parallel_loop3A_512 = vector.broadcast %parallel_loop3A_511 : i32 to vector<16xi32>
        %parallel_loop3A_513 = arith.shrsi %parallel_loop3A_509, %parallel_loop3A_512 : vector<16xi32>
        %parallel_loop3A_514 = arith.constant 1 : i32
        %parallel_loop3A_515 = vector.broadcast %parallel_loop3A_514 : i32 to vector<16xi32>
        %parallel_loop3A_516 = arith.andi %parallel_loop3A_509, %parallel_loop3A_515 : vector<16xi32>
        %parallel_loop3A_517 = arith.constant 6 : i32
        %parallel_loop3A_518 = vector.broadcast %parallel_loop3A_517 : i32 to vector<16xi32>
        %parallel_loop3A_519 = arith.shli %parallel_loop3A_516, %parallel_loop3A_518 : vector<16xi32>
        %parallel_loop3A_520 = arith.addi %parallel_loop3A_519, %parallel_loop3A_377 : vector<16xi32>
        tpu.vector_store_idx %arg7[%parallel_loop3A_513, %parallel_loop3A_520], %parallel_loop3A_510 : memref<128x128xf32, #tpu.memory_space<vmem>>[vector<16xi32>, vector<16xi32>], vector<16xf32>,
        %parallel_loop3A_521 = vector.broadcast %parallel_loop3A_357 : i32 to vector<16xi32>
        %parallel_loop3A_522 = arith.addi %parallel_loop3A_521, %and3A_71 : vector<16xi32>
        %parallel_loop3A_523 = tpu.vector_load_idx %arg5[%parallel_loop3A_377, %parallel_loop3A_522] : memref<64x256xf32, #tpu.memory_space<vmem>>[vector<16xi32>, vector<16xi32>], vector<16xf32>,
        %parallel_loop3A_524 = arith.constant 1 : i32
        %parallel_loop3A_525 = vector.broadcast %parallel_loop3A_524 : i32 to vector<16xi32>
        %parallel_loop3A_526 = arith.shrsi %parallel_loop3A_522, %parallel_loop3A_525 : vector<16xi32>
        %parallel_loop3A_527 = arith.constant 1 : i32
        %parallel_loop3A_528 = vector.broadcast %parallel_loop3A_527 : i32 to vector<16xi32>
        %parallel_loop3A_529 = arith.andi %parallel_loop3A_522, %parallel_loop3A_528 : vector<16xi32>
        %parallel_loop3A_530 = arith.constant 6 : i32
        %parallel_loop3A_531 = vector.broadcast %parallel_loop3A_530 : i32 to vector<16xi32>
        %parallel_loop3A_532 = arith.shli %parallel_loop3A_529, %parallel_loop3A_531 : vector<16xi32>
        %parallel_loop3A_533 = arith.addi %parallel_loop3A_532, %parallel_loop3A_377 : vector<16xi32>
        tpu.vector_store_idx %arg7[%parallel_loop3A_526, %parallel_loop3A_533], %parallel_loop3A_523 : memref<128x128xf32, #tpu.memory_space<vmem>>[vector<16xi32>, vector<16xi32>], vector<16xf32>,
        %parallel_loop3A_534 = vector.broadcast %parallel_loop3A_357 : i32 to vector<16xi32>
        %parallel_loop3A_535 = arith.addi %parallel_loop3A_534, %and3A_77 : vector<16xi32>
        %parallel_loop3A_536 = tpu.vector_load_idx %arg5[%parallel_loop3A_377, %parallel_loop3A_535] : memref<64x256xf32, #tpu.memory_space<vmem>>[vector<16xi32>, vector<16xi32>], vector<16xf32>,
        %parallel_loop3A_537 = arith.constant 1 : i32
        %parallel_loop3A_538 = vector.broadcast %parallel_loop3A_537 : i32 to vector<16xi32>
        %parallel_loop3A_539 = arith.shrsi %parallel_loop3A_535, %parallel_loop3A_538 : vector<16xi32>
        %parallel_loop3A_540 = arith.constant 1 : i32
        %parallel_loop3A_541 = vector.broadcast %parallel_loop3A_540 : i32 to vector<16xi32>
        %parallel_loop3A_542 = arith.andi %parallel_loop3A_535, %parallel_loop3A_541 : vector<16xi32>
        %parallel_loop3A_543 = arith.constant 6 : i32
        %parallel_loop3A_544 = vector.broadcast %parallel_loop3A_543 : i32 to vector<16xi32>
        %parallel_loop3A_545 = arith.shli %parallel_loop3A_542, %parallel_loop3A_544 : vector<16xi32>
        %parallel_loop3A_546 = arith.addi %parallel_loop3A_545, %parallel_loop3A_377 : vector<16xi32>
        tpu.vector_store_idx %arg7[%parallel_loop3A_539, %parallel_loop3A_546], %parallel_loop3A_536 : memref<128x128xf32, #tpu.memory_space<vmem>>[vector<16xi32>, vector<16xi32>], vector<16xf32>,
        %parallel_loop3A_547 = vector.broadcast %parallel_loop3A_357 : i32 to vector<16xi32>
        %parallel_loop3A_548 = arith.addi %parallel_loop3A_547, %and3A_83 : vector<16xi32>
        %parallel_loop3A_549 = tpu.vector_load_idx %arg5[%parallel_loop3A_377, %parallel_loop3A_548] : memref<64x256xf32, #tpu.memory_space<vmem>>[vector<16xi32>, vector<16xi32>], vector<16xf32>,
        %parallel_loop3A_550 = arith.constant 1 : i32
        %parallel_loop3A_551 = vector.broadcast %parallel_loop3A_550 : i32 to vector<16xi32>
        %parallel_loop3A_552 = arith.shrsi %parallel_loop3A_548, %parallel_loop3A_551 : vector<16xi32>
        %parallel_loop3A_553 = arith.constant 1 : i32
        %parallel_loop3A_554 = vector.broadcast %parallel_loop3A_553 : i32 to vector<16xi32>
        %parallel_loop3A_555 = arith.andi %parallel_loop3A_548, %parallel_loop3A_554 : vector<16xi32>
        %parallel_loop3A_556 = arith.constant 6 : i32
        %parallel_loop3A_557 = vector.broadcast %parallel_loop3A_556 : i32 to vector<16xi32>
        %parallel_loop3A_558 = arith.shli %parallel_loop3A_555, %parallel_loop3A_557 : vector<16xi32>
        %parallel_loop3A_559 = arith.addi %parallel_loop3A_558, %parallel_loop3A_377 : vector<16xi32>
        tpu.vector_store_idx %arg7[%parallel_loop3A_552, %parallel_loop3A_559], %parallel_loop3A_549 : memref<128x128xf32, #tpu.memory_space<vmem>>[vector<16xi32>, vector<16xi32>], vector<16xf32>,
        %parallel_loop3A_560 = vector.broadcast %parallel_loop3A_357 : i32 to vector<16xi32>
        %parallel_loop3A_561 = arith.addi %parallel_loop3A_560, %and3A_89 : vector<16xi32>
        %parallel_loop3A_562 = tpu.vector_load_idx %arg5[%parallel_loop3A_377, %parallel_loop3A_561] : memref<64x256xf32, #tpu.memory_space<vmem>>[vector<16xi32>, vector<16xi32>], vector<16xf32>,
        %parallel_loop3A_563 = arith.constant 1 : i32
        %parallel_loop3A_564 = vector.broadcast %parallel_loop3A_563 : i32 to vector<16xi32>
        %parallel_loop3A_565 = arith.shrsi %parallel_loop3A_561, %parallel_loop3A_564 : vector<16xi32>
        %parallel_loop3A_566 = arith.constant 1 : i32
        %parallel_loop3A_567 = vector.broadcast %parallel_loop3A_566 : i32 to vector<16xi32>
        %parallel_loop3A_568 = arith.andi %parallel_loop3A_561, %parallel_loop3A_567 : vector<16xi32>
        %parallel_loop3A_569 = arith.constant 6 : i32
        %parallel_loop3A_570 = vector.broadcast %parallel_loop3A_569 : i32 to vector<16xi32>
        %parallel_loop3A_571 = arith.shli %parallel_loop3A_568, %parallel_loop3A_570 : vector<16xi32>
        %parallel_loop3A_572 = arith.addi %parallel_loop3A_571, %parallel_loop3A_377 : vector<16xi32>
        tpu.vector_store_idx %arg7[%parallel_loop3A_565, %parallel_loop3A_572], %parallel_loop3A_562 : memref<128x128xf32, #tpu.memory_space<vmem>>[vector<16xi32>, vector<16xi32>], vector<16xf32>,
        %parallel_loop3A_573 = vector.broadcast %parallel_loop3A_357 : i32 to vector<16xi32>
        %parallel_loop3A_574 = arith.addi %parallel_loop3A_573, %and3A_95 : vector<16xi32>
        %parallel_loop3A_575 = tpu.vector_load_idx %arg5[%parallel_loop3A_377, %parallel_loop3A_574] : memref<64x256xf32, #tpu.memory_space<vmem>>[vector<16xi32>, vector<16xi32>], vector<16xf32>,
        %parallel_loop3A_576 = arith.constant 1 : i32
        %parallel_loop3A_577 = vector.broadcast %parallel_loop3A_576 : i32 to vector<16xi32>
        %parallel_loop3A_578 = arith.shrsi %parallel_loop3A_574, %parallel_loop3A_577 : vector<16xi32>
        %parallel_loop3A_579 = arith.constant 1 : i32
        %parallel_loop3A_580 = vector.broadcast %parallel_loop3A_579 : i32 to vector<16xi32>
        %parallel_loop3A_581 = arith.andi %parallel_loop3A_574, %parallel_loop3A_580 : vector<16xi32>
        %parallel_loop3A_582 = arith.constant 6 : i32
        %parallel_loop3A_583 = vector.broadcast %parallel_loop3A_582 : i32 to vector<16xi32>
        %parallel_loop3A_584 = arith.shli %parallel_loop3A_581, %parallel_loop3A_583 : vector<16xi32>
        %parallel_loop3A_585 = arith.addi %parallel_loop3A_584, %parallel_loop3A_377 : vector<16xi32>
        tpu.vector_store_idx %arg7[%parallel_loop3A_578, %parallel_loop3A_585], %parallel_loop3A_575 : memref<128x128xf32, #tpu.memory_space<vmem>>[vector<16xi32>, vector<16xi32>], vector<16xf32>,
      } {sc.loop_unroll_factor = 2 : i64, sc.parallel_access}
      %mul3A_319 = arith.constant 128 : i32
      %mul3A_320 = arith.muli %add3A_213, %mul3A_319 : i32
      %dma_start3A_321 = arith.constant 0 : i32
      %dma_start3A_322 = tpu.memref_slice %arg4[%mul3A_320, %dma_start3A_321] : memref<500000x128xf32, #tpu.memory_space<hbm>> -> memref<128x128xf32, #tpu.memory_space<hbm>>
      %dma_start3A_323 = arith.constant 0 : i32
      %dma_start3A_324 = tpu.memref_slice %arg4[%mul3A_320, %dma_start3A_323] : memref<500000x128xf32, #tpu.memory_space<hbm>> -> memref<128x128xf32, #tpu.memory_space<hbm>>
      tpu.enqueue_dma source(%arg7 : memref<128x128xf32, #tpu.memory_space<vmem>>) target(%dma_start3A_324 : memref<128x128xf32, #tpu.memory_space<hbm>>) target_semaphore(%arg11 : memref<!tpu.dma_semaphore, #tpu.memory_space<semaphore_mem>>)
      %mul3A_325 = arith.constant 128 : i32
      %mul3A_326 = arith.muli %add3A_213, %mul3A_325 : i32
      %dma_wait3A_327 = arith.constant 0 : i32
      %dma_wait3A_328 = tpu.memref_slice %arg4[%mul3A_326, %dma_wait3A_327] : memref<500000x128xf32, #tpu.memory_space<hbm>> -> memref<128x128xf32, #tpu.memory_space<hbm>>
      %dma_wait3A_329 = arith.constant 0 : i32
      %dma_wait3A_330 = tpu.memref_slice %arg4[%mul3A_326, %dma_wait3A_329] : memref<500000x128xf32, #tpu.memory_space<hbm>> -> memref<128x128xf32, #tpu.memory_space<hbm>>
      tpu.wait_dma2 semaphore(%arg11 : memref<!tpu.dma_semaphore, #tpu.memory_space<semaphore_mem>>) src(%arg7 : memref<128x128xf32, #tpu.memory_space<vmem>>) dst(%dma_wait3A_330 : memref<128x128xf32, #tpu.memory_space<hbm>>)
    } else {
    }
    %ge3A = arith.constant 2 : i32
    %ge3A_197 = arith.cmpi sge, %add3A, %ge3A : i32
    %convert_element_type3A_198 = arith.extui %ge3A_197 : i1 to i32
    %cond3A_199 = arith.constant 0 : i32
    %cond3A_200 = arith.cmpi ne, %convert_element_type3A_198, %cond3A_199 : i32
    scf.if %cond3A_200 {
      %add3A_212 = arith.constant 3840 : i32
      %add3A_213 = arith.addi %add3A, %add3A_212 : i32
      %mul3A_214 = arith.constant 128 : i32
      %mul3A_215 = arith.muli %add3A_213, %mul3A_214 : i32
      %dma_wait3A_216 = arith.constant 0 : i32
      %dma_wait3A_217 = tpu.memref_slice %arg4[%mul3A_215, %dma_wait3A_216] : memref<500000x128xf32, #tpu.memory_space<hbm>> -> memref<128x128xf32, #tpu.memory_space<hbm>>
      %dma_wait3A_218 = arith.constant 0 : i32
      %dma_wait3A_219 = tpu.memref_slice %arg4[%mul3A_215, %dma_wait3A_218] : memref<500000x128xf32, #tpu.memory_space<hbm>> -> memref<128x128xf32, #tpu.memory_space<hbm>>
      tpu.wait_dma2 semaphore(%arg11 : memref<!tpu.dma_semaphore, #tpu.memory_space<semaphore_mem>>) src(%arg7 : memref<128x128xf32, #tpu.memory_space<vmem>>) dst(%dma_wait3A_219 : memref<128x128xf32, #tpu.memory_space<hbm>>)
    } else {
    }
    %add3A_201 = arith.constant 3872 : i32
    %add3A_202 = arith.addi %add3A, %add3A_201 : i32
    %mul3A_203 = arith.constant 128 : i32
    %mul3A_204 = arith.muli %add3A_202, %mul3A_203 : i32
    %dma_wait3A = arith.constant 0 : i32
    %dma_wait3A_205 = tpu.memref_slice %arg4[%mul3A_204, %dma_wait3A] : memref<500000x128xf32, #tpu.memory_space<hbm>> -> memref<128x128xf32, #tpu.memory_space<hbm>>
    %dma_wait3A_206 = arith.constant 0 : i32
    %dma_wait3A_207 = tpu.memref_slice %arg4[%mul3A_204, %dma_wait3A_206] : memref<500000x128xf32, #tpu.memory_space<hbm>> -> memref<128x128xf32, #tpu.memory_space<hbm>>
    tpu.wait_dma2 semaphore(%arg12 : memref<!tpu.dma_semaphore, #tpu.memory_space<semaphore_mem>>) src(%arg8 : memref<128x128xf32, #tpu.memory_space<vmem>>) dst(%dma_wait3A_207 : memref<128x128xf32, #tpu.memory_space<hbm>>)
    %eq3A = arith.constant 2 : i32
    %eq3A_208 = arith.cmpi eq, %add3A, %eq3A : i32
    %convert_element_type3A_209 = arith.extui %eq3A_208 : i1 to i32
    %cond3A_210 = arith.constant 0 : i32
    %cond3A_211 = arith.cmpi ne, %convert_element_type3A_209, %cond3A_210 : i32
    scf.if %cond3A_211 {
      "tpu.region"() ({
        %run_scoped3A = tpu.sem_alloc : memref<!tpu.dma_semaphore, #tpu.memory_space<semaphore_mem>>
        %dma_start3A_212 = arith.constant 0 : i32
        %dma_start3A_213 = arith.constant 0 : i32
        %dma_start3A_214 = tpu.memref_slice %arg7[%dma_start3A_212, %dma_start3A_213] : memref<128x128xf32, #tpu.memory_space<vmem>> -> memref<32x128xf32, #tpu.memory_space<vmem>>
        %dma_start3A_215 = arith.constant 0 : i32
        %dma_start3A_216 = arith.constant 0 : i32
        %dma_start3A_217 = tpu.memref_slice %arg7[%dma_start3A_215, %dma_start3A_216] : memref<128x128xf32, #tpu.memory_space<vmem>> -> memref<32x128xf32, #tpu.memory_space<vmem>>
        tpu.enqueue_dma source(%arg3 : memref<32x128xf32, #tpu.memory_space<hbm>>) target(%dma_start3A_217 : memref<32x128xf32, #tpu.memory_space<vmem>>) target_semaphore(%run_scoped3A : memref<!tpu.dma_semaphore, #tpu.memory_space<semaphore_mem>>)
        %dma_wait3A_218 = arith.constant 0 : i32
        %dma_wait3A_219 = arith.constant 0 : i32
        %dma_wait3A_220 = tpu.memref_slice %arg7[%dma_wait3A_218, %dma_wait3A_219] : memref<128x128xf32, #tpu.memory_space<vmem>> -> memref<32x128xf32, #tpu.memory_space<vmem>>
        %dma_wait3A_221 = arith.constant 0 : i32
        %dma_wait3A_222 = arith.constant 0 : i32
        %dma_wait3A_223 = tpu.memref_slice %arg7[%dma_wait3A_221, %dma_wait3A_222] : memref<128x128xf32, #tpu.memory_space<vmem>> -> memref<32x128xf32, #tpu.memory_space<vmem>>
        tpu.wait_dma2 semaphore(%run_scoped3A : memref<!tpu.dma_semaphore, #tpu.memory_space<semaphore_mem>>) src(%arg3 : memref<32x128xf32, #tpu.memory_space<hbm>>) dst(%dma_wait3A_223 : memref<32x128xf32, #tpu.memory_space<vmem>>)
        tpu.yield
      }) : () -> ()
      "tpu.region"() ({
        %run_scoped3A = tpu.sem_alloc : memref<!tpu.dma_semaphore, #tpu.memory_space<semaphore_mem>>
        %dma_start3A_212 = arith.constant 0 : i32
        %dma_start3A_213 = arith.constant 0 : i32
        %dma_start3A_214 = tpu.memref_slice %arg7[%dma_start3A_212, %dma_start3A_213] : memref<128x128xf32, #tpu.memory_space<vmem>> -> memref<32x128xf32, #tpu.memory_space<vmem>>
        %dma_start3A_215 = arith.constant 499968 : i32
        %dma_start3A_216 = arith.constant 0 : i32
        %dma_start3A_217 = tpu.memref_slice %arg4[%dma_start3A_215, %dma_start3A_216] : memref<500000x128xf32, #tpu.memory_space<hbm>> -> memref<32x128xf32, #tpu.memory_space<hbm>>
        %dma_start3A_218 = arith.constant 499968 : i32
        %dma_start3A_219 = arith.constant 0 : i32
        %dma_start3A_220 = tpu.memref_slice %arg4[%dma_start3A_218, %dma_start3A_219] : memref<500000x128xf32, #tpu.memory_space<hbm>> -> memref<32x128xf32, #tpu.memory_space<hbm>>
        %dma_start3A_221 = arith.constant 0 : i32
        %dma_start3A_222 = arith.constant 0 : i32
        %dma_start3A_223 = tpu.memref_slice %arg7[%dma_start3A_221, %dma_start3A_222] : memref<128x128xf32, #tpu.memory_space<vmem>> -> memref<32x128xf32, #tpu.memory_space<vmem>>
        tpu.enqueue_dma source(%dma_start3A_223 : memref<32x128xf32, #tpu.memory_space<vmem>>) target(%dma_start3A_220 : memref<32x128xf32, #tpu.memory_space<hbm>>) target_semaphore(%run_scoped3A : memref<!tpu.dma_semaphore, #tpu.memory_space<semaphore_mem>>)
        %dma_wait3A_224 = arith.constant 0 : i32
        %dma_wait3A_225 = arith.constant 0 : i32
        %dma_wait3A_226 = tpu.memref_slice %arg7[%dma_wait3A_224, %dma_wait3A_225] : memref<128x128xf32, #tpu.memory_space<vmem>> -> memref<32x128xf32, #tpu.memory_space<vmem>>
        %dma_wait3A_227 = arith.constant 499968 : i32
        %dma_wait3A_228 = arith.constant 0 : i32
        %dma_wait3A_229 = tpu.memref_slice %arg4[%dma_wait3A_227, %dma_wait3A_228] : memref<500000x128xf32, #tpu.memory_space<hbm>> -> memref<32x128xf32, #tpu.memory_space<hbm>>
        %dma_wait3A_230 = arith.constant 499968 : i32
        %dma_wait3A_231 = arith.constant 0 : i32
        %dma_wait3A_232 = tpu.memref_slice %arg4[%dma_wait3A_230, %dma_wait3A_231] : memref<500000x128xf32, #tpu.memory_space<hbm>> -> memref<32x128xf32, #tpu.memory_space<hbm>>
        %dma_wait3A_233 = arith.constant 0 : i32
        %dma_wait3A_234 = arith.constant 0 : i32
        %dma_wait3A_235 = tpu.memref_slice %arg7[%dma_wait3A_233, %dma_wait3A_234] : memref<128x128xf32, #tpu.memory_space<vmem>> -> memref<32x128xf32, #tpu.memory_space<vmem>>
        tpu.wait_dma2 semaphore(%run_scoped3A : memref<!tpu.dma_semaphore, #tpu.memory_space<semaphore_mem>>) src(%dma_wait3A_235 : memref<32x128xf32, #tpu.memory_space<vmem>>) dst(%dma_wait3A_232 : memref<32x128xf32, #tpu.memory_space<hbm>>)
        tpu.yield
      }) : () -> ()
    } else {
    }
    return
  }
}

#map = affine_map<(d0, d1) -> (0)>
#map1 = affine_map<(d0, d1) -> (0, 0)>
#map2 = affine_map<(d0, d1) -> (0, 0, 0)>
module attributes {stable_mosaic.version = 14 : i64} {
  func.func @_gather_kernel(%arg0: i32, %arg1: i32, %arg2: memref<819200xi32, #tpu.memory_space<hbm>>, %arg3: memref<1000000x64xf32, #tpu.memory_space<hbm>>, %arg4: memref<200x64x4096xf32, #tpu.memory_space<hbm>>, %arg5: memref<128xi32, #tpu.memory_space<vmem>>, %arg6: memref<128xi32, #tpu.memory_space<vmem>>, %arg7: memref<128x64xf32, #tpu.memory_space<vmem>>, %arg8: memref<128x64xf32, #tpu.memory_space<vmem>>, %arg9: memref<64x128xf32, #tpu.memory_space<vmem>>, %arg10: memref<64x128xf32, #tpu.memory_space<vmem>>, %arg11: memref<!tpu.dma_semaphore, #tpu.memory_space<semaphore_mem>>, %arg12: memref<!tpu.dma_semaphore, #tpu.memory_space<semaphore_mem>>, %arg13: memref<!tpu.dma_semaphore, #tpu.memory_space<semaphore_mem>>, %arg14: memref<!tpu.dma_semaphore, #tpu.memory_space<semaphore_mem>>, %arg15: memref<!tpu.dma_semaphore, #tpu.memory_space<semaphore_mem>>, %arg16: memref<!tpu.dma_semaphore, #tpu.memory_space<semaphore_mem>>) attributes {dimension_semantics = [#tpu.dimension_semantics<core_parallel>, #tpu.dimension_semantics<subcore_parallel>], iteration_bounds = array<i64: 2, 16>, scalar_prefetch = 0 : i64, scratch_operands = 12 : i64, tpu.core_type = #tpu.core_type<sc_vector_subcore>, window_params = [{transform_indices = #map}, {transform_indices = #map1}, {transform_indices = #map2}]} {
    %mul3A = arith.constant 2 : i32
    %mul3A_0 = arith.muli %arg1, %mul3A : i32
    %add3A = arith.addi %mul3A_0, %arg0 : i32
    %mul3A_1 = arith.constant 200 : i32
    %mul3A_2 = arith.muli %add3A, %mul3A_1 : i32
    %iota3A = tpu.iota {dimensions = array<i32: 0>} : vector<16xi32>
    %add3A_3 = arith.constant 0 : i32
    %add3A_4 = vector.broadcast %add3A_3 : i32 to vector<16xi32>
    %add3A_5 = arith.addi %iota3A, %add3A_4 : vector<16xi32>
    %and3A = arith.constant 15 : i32
    %and3A_6 = vector.broadcast %and3A : i32 to vector<16xi32>
    %and3A_7 = arith.andi %add3A_5, %and3A_6 : vector<16xi32>
    %add3A_8 = arith.constant 1 : i32
    %add3A_9 = vector.broadcast %add3A_8 : i32 to vector<16xi32>
    %add3A_10 = arith.addi %iota3A, %add3A_9 : vector<16xi32>
    %and3A_11 = arith.constant 15 : i32
    %and3A_12 = vector.broadcast %and3A_11 : i32 to vector<16xi32>
    %and3A_13 = arith.andi %add3A_10, %and3A_12 : vector<16xi32>
    %add3A_14 = arith.constant 2 : i32
    %add3A_15 = vector.broadcast %add3A_14 : i32 to vector<16xi32>
    %add3A_16 = arith.addi %iota3A, %add3A_15 : vector<16xi32>
    %and3A_17 = arith.constant 15 : i32
    %and3A_18 = vector.broadcast %and3A_17 : i32 to vector<16xi32>
    %and3A_19 = arith.andi %add3A_16, %and3A_18 : vector<16xi32>
    %add3A_20 = arith.constant 3 : i32
    %add3A_21 = vector.broadcast %add3A_20 : i32 to vector<16xi32>
    %add3A_22 = arith.addi %iota3A, %add3A_21 : vector<16xi32>
    %and3A_23 = arith.constant 15 : i32
    %and3A_24 = vector.broadcast %and3A_23 : i32 to vector<16xi32>
    %and3A_25 = arith.andi %add3A_22, %and3A_24 : vector<16xi32>
    %add3A_26 = arith.constant 4 : i32
    %add3A_27 = vector.broadcast %add3A_26 : i32 to vector<16xi32>
    %add3A_28 = arith.addi %iota3A, %add3A_27 : vector<16xi32>
    %and3A_29 = arith.constant 15 : i32
    %and3A_30 = vector.broadcast %and3A_29 : i32 to vector<16xi32>
    %and3A_31 = arith.andi %add3A_28, %and3A_30 : vector<16xi32>
    %add3A_32 = arith.constant 5 : i32
    %add3A_33 = vector.broadcast %add3A_32 : i32 to vector<16xi32>
    %add3A_34 = arith.addi %iota3A, %add3A_33 : vector<16xi32>
    %and3A_35 = arith.constant 15 : i32
    %and3A_36 = vector.broadcast %and3A_35 : i32 to vector<16xi32>
    %and3A_37 = arith.andi %add3A_34, %and3A_36 : vector<16xi32>
    %add3A_38 = arith.constant 6 : i32
    %add3A_39 = vector.broadcast %add3A_38 : i32 to vector<16xi32>
    %add3A_40 = arith.addi %iota3A, %add3A_39 : vector<16xi32>
    %and3A_41 = arith.constant 15 : i32
    %and3A_42 = vector.broadcast %and3A_41 : i32 to vector<16xi32>
    %and3A_43 = arith.andi %add3A_40, %and3A_42 : vector<16xi32>
    %add3A_44 = arith.constant 7 : i32
    %add3A_45 = vector.broadcast %add3A_44 : i32 to vector<16xi32>
    %add3A_46 = arith.addi %iota3A, %add3A_45 : vector<16xi32>
    %and3A_47 = arith.constant 15 : i32
    %and3A_48 = vector.broadcast %and3A_47 : i32 to vector<16xi32>
    %and3A_49 = arith.andi %add3A_46, %and3A_48 : vector<16xi32>
    %add3A_50 = arith.constant 8 : i32
    %add3A_51 = vector.broadcast %add3A_50 : i32 to vector<16xi32>
    %add3A_52 = arith.addi %iota3A, %add3A_51 : vector<16xi32>
    %and3A_53 = arith.constant 15 : i32
    %and3A_54 = vector.broadcast %and3A_53 : i32 to vector<16xi32>
    %and3A_55 = arith.andi %add3A_52, %and3A_54 : vector<16xi32>
    %add3A_56 = arith.constant 9 : i32
    %add3A_57 = vector.broadcast %add3A_56 : i32 to vector<16xi32>
    %add3A_58 = arith.addi %iota3A, %add3A_57 : vector<16xi32>
    %and3A_59 = arith.constant 15 : i32
    %and3A_60 = vector.broadcast %and3A_59 : i32 to vector<16xi32>
    %and3A_61 = arith.andi %add3A_58, %and3A_60 : vector<16xi32>
    %add3A_62 = arith.constant 10 : i32
    %add3A_63 = vector.broadcast %add3A_62 : i32 to vector<16xi32>
    %add3A_64 = arith.addi %iota3A, %add3A_63 : vector<16xi32>
    %and3A_65 = arith.constant 15 : i32
    %and3A_66 = vector.broadcast %and3A_65 : i32 to vector<16xi32>
    %and3A_67 = arith.andi %add3A_64, %and3A_66 : vector<16xi32>
    %add3A_68 = arith.constant 11 : i32
    %add3A_69 = vector.broadcast %add3A_68 : i32 to vector<16xi32>
    %add3A_70 = arith.addi %iota3A, %add3A_69 : vector<16xi32>
    %and3A_71 = arith.constant 15 : i32
    %and3A_72 = vector.broadcast %and3A_71 : i32 to vector<16xi32>
    %and3A_73 = arith.andi %add3A_70, %and3A_72 : vector<16xi32>
    %add3A_74 = arith.constant 12 : i32
    %add3A_75 = vector.broadcast %add3A_74 : i32 to vector<16xi32>
    %add3A_76 = arith.addi %iota3A, %add3A_75 : vector<16xi32>
    %and3A_77 = arith.constant 15 : i32
    %and3A_78 = vector.broadcast %and3A_77 : i32 to vector<16xi32>
    %and3A_79 = arith.andi %add3A_76, %and3A_78 : vector<16xi32>
    %add3A_80 = arith.constant 13 : i32
    %add3A_81 = vector.broadcast %add3A_80 : i32 to vector<16xi32>
    %add3A_82 = arith.addi %iota3A, %add3A_81 : vector<16xi32>
    %and3A_83 = arith.constant 15 : i32
    %and3A_84 = vector.broadcast %and3A_83 : i32 to vector<16xi32>
    %and3A_85 = arith.andi %add3A_82, %and3A_84 : vector<16xi32>
    %add3A_86 = arith.constant 14 : i32
    %add3A_87 = vector.broadcast %add3A_86 : i32 to vector<16xi32>
    %add3A_88 = arith.addi %iota3A, %add3A_87 : vector<16xi32>
    %and3A_89 = arith.constant 15 : i32
    %and3A_90 = vector.broadcast %and3A_89 : i32 to vector<16xi32>
    %and3A_91 = arith.andi %add3A_88, %and3A_90 : vector<16xi32>
    %add3A_92 = arith.constant 15 : i32
    %add3A_93 = vector.broadcast %add3A_92 : i32 to vector<16xi32>
    %add3A_94 = arith.addi %iota3A, %add3A_93 : vector<16xi32>
    %and3A_95 = arith.constant 15 : i32
    %and3A_96 = vector.broadcast %and3A_95 : i32 to vector<16xi32>
    %and3A_97 = arith.andi %add3A_94, %and3A_96 : vector<16xi32>
    %add3A_98 = arith.constant 0 : i32
    %add3A_99 = arith.addi %mul3A_2, %add3A_98 : i32
    %mul3A_100 = arith.constant 128 : i32
    %mul3A_101 = arith.muli %add3A_99, %mul3A_100 : i32
    %dma_start3A = tpu.memref_slice %arg2[%mul3A_101] : memref<819200xi32, #tpu.memory_space<hbm>> -> memref<128xi32, #tpu.memory_space<hbm>>
    %dma_start3A_102 = tpu.memref_slice %arg2[%mul3A_101] : memref<819200xi32, #tpu.memory_space<hbm>> -> memref<128xi32, #tpu.memory_space<hbm>>
    tpu.enqueue_dma source(%dma_start3A_102 : memref<128xi32, #tpu.memory_space<hbm>>) target(%arg5 : memref<128xi32, #tpu.memory_space<vmem>>) target_semaphore(%arg15 : memref<!tpu.dma_semaphore, #tpu.memory_space<semaphore_mem>>)
    %add3A_103 = arith.constant 0 : i32
    %add3A_104 = arith.addi %mul3A_2, %add3A_103 : i32
    %mul3A_105 = arith.constant 128 : i32
    %mul3A_106 = arith.muli %add3A_104, %mul3A_105 : i32
    %dma_wait3A = tpu.memref_slice %arg2[%mul3A_106] : memref<819200xi32, #tpu.memory_space<hbm>> -> memref<128xi32, #tpu.memory_space<hbm>>
    %dma_wait3A_107 = tpu.memref_slice %arg2[%mul3A_106] : memref<819200xi32, #tpu.memory_space<hbm>> -> memref<128xi32, #tpu.memory_space<hbm>>
    tpu.wait_dma2 semaphore(%arg15 : memref<!tpu.dma_semaphore, #tpu.memory_space<semaphore_mem>>) src(%dma_wait3A_107 : memref<128xi32, #tpu.memory_space<hbm>>) dst(%arg5 : memref<128xi32, #tpu.memory_space<vmem>>)
    %dma_start3A_108 = arith.constant 0 : i32
    %dma_start3A_109 = arith.constant 0 : i32
    %dma_start3A_110 = tpu.memref_slice %arg3[%dma_start3A_108, %dma_start3A_109] : memref<1000000x64xf32, #tpu.memory_space<hbm>> -> memref<1000000x64xf32, #tpu.memory_space<hbm>>
    tpu.enqueue_indirect_dma source(%dma_start3A_110 : memref<1000000x64xf32, #tpu.memory_space<hbm>>) target(%arg7 : memref<128x64xf32, #tpu.memory_space<vmem>>) offsets(%arg5 : memref<128xi32, #tpu.memory_space<vmem>>) semaphore(%arg11 : memref<!tpu.dma_semaphore, #tpu.memory_space<semaphore_mem>>)
    %add3A_111 = arith.constant 1 : i32
    %add3A_112 = arith.addi %mul3A_2, %add3A_111 : i32
    %mul3A_113 = arith.constant 128 : i32
    %mul3A_114 = arith.muli %add3A_112, %mul3A_113 : i32
    %dma_start3A_115 = tpu.memref_slice %arg2[%mul3A_114] : memref<819200xi32, #tpu.memory_space<hbm>> -> memref<128xi32, #tpu.memory_space<hbm>>
    %dma_start3A_116 = tpu.memref_slice %arg2[%mul3A_114] : memref<819200xi32, #tpu.memory_space<hbm>> -> memref<128xi32, #tpu.memory_space<hbm>>
    tpu.enqueue_dma source(%dma_start3A_116 : memref<128xi32, #tpu.memory_space<hbm>>) target(%arg6 : memref<128xi32, #tpu.memory_space<vmem>>) target_semaphore(%arg16 : memref<!tpu.dma_semaphore, #tpu.memory_space<semaphore_mem>>)
    %add3A_117 = arith.constant 1 : i32
    %add3A_118 = arith.addi %mul3A_2, %add3A_117 : i32
    %mul3A_119 = arith.constant 128 : i32
    %mul3A_120 = arith.muli %add3A_118, %mul3A_119 : i32
    %dma_wait3A_121 = tpu.memref_slice %arg2[%mul3A_120] : memref<819200xi32, #tpu.memory_space<hbm>> -> memref<128xi32, #tpu.memory_space<hbm>>
    %dma_wait3A_122 = tpu.memref_slice %arg2[%mul3A_120] : memref<819200xi32, #tpu.memory_space<hbm>> -> memref<128xi32, #tpu.memory_space<hbm>>
    tpu.wait_dma2 semaphore(%arg16 : memref<!tpu.dma_semaphore, #tpu.memory_space<semaphore_mem>>) src(%dma_wait3A_122 : memref<128xi32, #tpu.memory_space<hbm>>) dst(%arg6 : memref<128xi32, #tpu.memory_space<vmem>>)
    %dma_start3A_123 = arith.constant 0 : i32
    %dma_start3A_124 = arith.constant 0 : i32
    %dma_start3A_125 = tpu.memref_slice %arg3[%dma_start3A_123, %dma_start3A_124] : memref<1000000x64xf32, #tpu.memory_space<hbm>> -> memref<1000000x64xf32, #tpu.memory_space<hbm>>
    tpu.enqueue_indirect_dma source(%dma_start3A_125 : memref<1000000x64xf32, #tpu.memory_space<hbm>>) target(%arg8 : memref<128x64xf32, #tpu.memory_space<vmem>>) offsets(%arg6 : memref<128xi32, #tpu.memory_space<vmem>>) semaphore(%arg12 : memref<!tpu.dma_semaphore, #tpu.memory_space<semaphore_mem>>)
    %scan3A = arith.constant 0 : i32
    %scan3A_126 = arith.constant 100 : i32
    %scan3A_127 = arith.addi %scan3A, %scan3A_126 : i32
    %scan3A_128 = arith.constant 1 : i32
    scf.for %scan3A_221 = %scan3A to %scan3A_127 step %scan3A_128  : i32 {
      %mul3A_222 = arith.constant 2 : i32
      %mul3A_223 = arith.muli %mul3A_222, %scan3A_221 : i32
      %dma_wait3A_224 = arith.constant 0 : i32
      %dma_wait3A_225 = arith.constant 0 : i32
      %dma_wait3A_226 = tpu.memref_slice %arg3[%dma_wait3A_224, %dma_wait3A_225] : memref<1000000x64xf32, #tpu.memory_space<hbm>> -> memref<1000000x64xf32, #tpu.memory_space<hbm>>
      tpu.wait_indirect_dma semaphore(%arg11 : memref<!tpu.dma_semaphore, #tpu.memory_space<semaphore_mem>>) src(%dma_wait3A_226 : memref<1000000x64xf32, #tpu.memory_space<hbm>>) dst(%arg7 : memref<128x64xf32, #tpu.memory_space<vmem>>)
      %add3A_227 = arith.constant 2 : i32
      %add3A_228 = arith.addi %mul3A_223, %add3A_227 : i32
      %lt3A_229 = arith.constant 200 : i32
      %lt3A_230 = arith.cmpi slt, %add3A_228, %lt3A_229 : i32
      %convert_element_type3A = arith.extui %lt3A_230 : i1 to i32
      %cond3A = arith.constant 0 : i32
      %cond3A_231 = arith.cmpi ne, %convert_element_type3A, %cond3A : i32
      scf.if %cond3A_231 {
        %add3A_372 = arith.constant 2 : i32
        %add3A_373 = arith.addi %mul3A_223, %add3A_372 : i32
        %add3A_374 = arith.addi %mul3A_2, %add3A_373 : i32
        %mul3A_375 = arith.constant 128 : i32
        %mul3A_376 = arith.muli %add3A_374, %mul3A_375 : i32
        %dma_start3A_377 = tpu.memref_slice %arg2[%mul3A_376] : memref<819200xi32, #tpu.memory_space<hbm>> -> memref<128xi32, #tpu.memory_space<hbm>>
        %dma_start3A_378 = tpu.memref_slice %arg2[%mul3A_376] : memref<819200xi32, #tpu.memory_space<hbm>> -> memref<128xi32, #tpu.memory_space<hbm>>
        tpu.enqueue_dma source(%dma_start3A_378 : memref<128xi32, #tpu.memory_space<hbm>>) target(%arg5 : memref<128xi32, #tpu.memory_space<vmem>>) target_semaphore(%arg15 : memref<!tpu.dma_semaphore, #tpu.memory_space<semaphore_mem>>)
      } else {
      }
      %ge3A = arith.constant 2 : i32
      %ge3A_232 = arith.cmpi sge, %mul3A_223, %ge3A : i32
      %convert_element_type3A_233 = arith.extui %ge3A_232 : i1 to i32
      %cond3A_234 = arith.constant 0 : i32
      %cond3A_235 = arith.cmpi ne, %convert_element_type3A_233, %cond3A_234 : i32
      scf.if %cond3A_235 {
        %sub3A_372 = arith.constant 2 : i32
        %sub3A_373 = arith.subi %mul3A_223, %sub3A_372 : i32
        %add3A_374 = arith.addi %mul3A_2, %sub3A_373 : i32
        %jit3A_375 = arith.constant 32 : i32
        %div3A_376 = arith.divsi %add3A_374, %jit3A_375 : i32
        %sign3A_377 = arith.constant 0 : i32
        %sign3A_378 = arith.cmpi sgt, %add3A_374, %sign3A_377 : i32
        %sign3A_379 = arith.extui %sign3A_378 : i1 to i32
        %sign3A_380 = arith.constant 0 : i32
        %sign3A_381 = arith.cmpi slt, %add3A_374, %sign3A_380 : i32
        %sign3A_382 = arith.extui %sign3A_381 : i1 to i32
        %sign3A_383 = arith.subi %sign3A_379, %sign3A_382 : i32
        %sign3A_384 = arith.constant 0 : i32
        %sign3A_385 = arith.cmpi sgt, %jit3A_375, %sign3A_384 : i32
        %sign3A_386 = arith.extui %sign3A_385 : i1 to i32
        %sign3A_387 = arith.constant 0 : i32
        %sign3A_388 = arith.cmpi slt, %jit3A_375, %sign3A_387 : i32
        %sign3A_389 = arith.extui %sign3A_388 : i1 to i32
        %sign3A_390 = arith.subi %sign3A_386, %sign3A_389 : i32
        %ne3A_391 = arith.cmpi ne, %sign3A_383, %sign3A_390 : i32
        %rem3A_392 = arith.remsi %add3A_374, %jit3A_375 : i32
        %ne3A_393 = arith.constant 0 : i32
        %ne3A_394 = arith.cmpi ne, %rem3A_392, %ne3A_393 : i32
        %and3A_395 = arith.andi %ne3A_391, %ne3A_394 : i1
        %sub3A_396 = arith.constant 1 : i32
        %sub3A_397 = arith.subi %div3A_376, %sub3A_396 : i32
        %select_n3A_398 = arith.select %and3A_395, %sub3A_397, %div3A_376 : i32
        %jit3A_399 = arith.constant 32 : i32
        %eq3A_400 = arith.constant 0 : i32
        %eq3A_401 = arith.cmpi eq, %jit3A_399, %eq3A_400 : i32
        %jit3A_402 = arith.constant 1 : i32
        %select_n3A_403 = arith.select %eq3A_401, %jit3A_402, %jit3A_399 : i32
        %rem3A_404 = arith.remsi %add3A_374, %select_n3A_403 : i32
        %ne3A_405 = arith.constant 0 : i32
        %ne3A_406 = arith.cmpi ne, %rem3A_404, %ne3A_405 : i32
        %lt3A_407 = arith.constant 0 : i32
        %lt3A_408 = arith.cmpi slt, %rem3A_404, %lt3A_407 : i32
        %lt3A_409 = arith.constant 0 : i32
        %lt3A_410 = arith.cmpi slt, %select_n3A_403, %lt3A_409 : i32
        %ne3A_411 = arith.xori %lt3A_408, %lt3A_410 : i1
        %and3A_412 = arith.andi %ne3A_411, %ne3A_406 : i1
        %add3A_413 = arith.addi %rem3A_404, %select_n3A_403 : i32
        %select_n3A_414 = arith.select %and3A_412, %add3A_413, %rem3A_404 : i32
        %mul3A_415 = arith.constant 128 : i32
        %mul3A_416 = arith.muli %select_n3A_414, %mul3A_415 : i32
        %dma_wait3A_417 = arith.constant 0 : i32
        %dma_wait3A_418 = tpu.memref_slice %arg4[%select_n3A_398, %dma_wait3A_417, %mul3A_416] : memref<200x64x4096xf32, #tpu.memory_space<hbm>> -> memref<1x64x128xf32, #tpu.memory_space<hbm>>
        %dma_wait3A_419 = tpu.memref_squeeze %dma_wait3A_418 : memref<1x64x128xf32, #tpu.memory_space<hbm>> -> memref<64x128xf32, #tpu.memory_space<hbm>>
        %dma_wait3A_420 = arith.constant 0 : i32
        %dma_wait3A_421 = tpu.memref_slice %arg4[%select_n3A_398, %dma_wait3A_420, %mul3A_416] : memref<200x64x4096xf32, #tpu.memory_space<hbm>> -> memref<1x64x128xf32, #tpu.memory_space<hbm>>
        %dma_wait3A_422 = tpu.memref_squeeze %dma_wait3A_421 : memref<1x64x128xf32, #tpu.memory_space<hbm>> -> memref<64x128xf32, #tpu.memory_space<hbm>>
        tpu.wait_dma2 semaphore(%arg13 : memref<!tpu.dma_semaphore, #tpu.memory_space<semaphore_mem>>) src(%arg9 : memref<64x128xf32, #tpu.memory_space<vmem>>) dst(%dma_wait3A_422 : memref<64x128xf32, #tpu.memory_space<hbm>>)
      } else {
      }
      %parallel_loop3A = arith.constant 0 : i32
      %parallel_loop3A_236 = arith.constant 32 : i32
      %parallel_loop3A_237 = arith.constant 1 : i32
      scf.for %parallel_loop3A_372 = %parallel_loop3A to %parallel_loop3A_236 step %parallel_loop3A_237  : i32 {
        %parallel_loop3A_373 = arith.constant 8 : i32
        %parallel_loop3A_374 = arith.divsi %parallel_loop3A_372, %parallel_loop3A_373 : i32
        %parallel_loop3A_375 = arith.constant 0 : i32
        %parallel_loop3A_376 = arith.cmpi sgt, %parallel_loop3A_372, %parallel_loop3A_375 : i32
        %parallel_loop3A_377 = arith.extui %parallel_loop3A_376 : i1 to i32
        %parallel_loop3A_378 = arith.constant 0 : i32
        %parallel_loop3A_379 = arith.cmpi slt, %parallel_loop3A_372, %parallel_loop3A_378 : i32
        %parallel_loop3A_380 = arith.extui %parallel_loop3A_379 : i1 to i32
        %parallel_loop3A_381 = arith.subi %parallel_loop3A_377, %parallel_loop3A_380 : i32
        %parallel_loop3A_382 = arith.constant 0 : i32
        %parallel_loop3A_383 = arith.cmpi sgt, %parallel_loop3A_373, %parallel_loop3A_382 : i32
        %parallel_loop3A_384 = arith.extui %parallel_loop3A_383 : i1 to i32
        %parallel_loop3A_385 = arith.constant 0 : i32
        %parallel_loop3A_386 = arith.cmpi slt, %parallel_loop3A_373, %parallel_loop3A_385 : i32
        %parallel_loop3A_387 = arith.extui %parallel_loop3A_386 : i1 to i32
        %parallel_loop3A_388 = arith.subi %parallel_loop3A_384, %parallel_loop3A_387 : i32
        %parallel_loop3A_389 = arith.cmpi ne, %parallel_loop3A_381, %parallel_loop3A_388 : i32
        %parallel_loop3A_390 = arith.remsi %parallel_loop3A_372, %parallel_loop3A_373 : i32
        %parallel_loop3A_391 = arith.constant 0 : i32
        %parallel_loop3A_392 = arith.cmpi ne, %parallel_loop3A_390, %parallel_loop3A_391 : i32
        %parallel_loop3A_393 = arith.andi %parallel_loop3A_389, %parallel_loop3A_392 : i1
        %parallel_loop3A_394 = arith.constant 1 : i32
        %parallel_loop3A_395 = arith.subi %parallel_loop3A_374, %parallel_loop3A_394 : i32
        %parallel_loop3A_396 = arith.select %parallel_loop3A_393, %parallel_loop3A_395, %parallel_loop3A_374 : i32
        %parallel_loop3A_397 = arith.constant 16 : i32
        %parallel_loop3A_398 = arith.muli %parallel_loop3A_396, %parallel_loop3A_397 : i32
        %parallel_loop3A_399 = arith.constant 8 : i32
        %parallel_loop3A_400 = arith.constant 0 : i32
        %parallel_loop3A_401 = arith.cmpi eq, %parallel_loop3A_399, %parallel_loop3A_400 : i32
        %parallel_loop3A_402 = arith.constant 1 : i32
        %parallel_loop3A_403 = arith.select %parallel_loop3A_401, %parallel_loop3A_402, %parallel_loop3A_399 : i32
        %parallel_loop3A_404 = arith.remsi %parallel_loop3A_372, %parallel_loop3A_403 : i32
        %parallel_loop3A_405 = arith.constant 0 : i32
        %parallel_loop3A_406 = arith.cmpi ne, %parallel_loop3A_404, %parallel_loop3A_405 : i32
        %parallel_loop3A_407 = arith.constant 0 : i32
        %parallel_loop3A_408 = arith.cmpi slt, %parallel_loop3A_404, %parallel_loop3A_407 : i32
        %parallel_loop3A_409 = arith.constant 0 : i32
        %parallel_loop3A_410 = arith.cmpi slt, %parallel_loop3A_403, %parallel_loop3A_409 : i32
        %parallel_loop3A_411 = arith.xori %parallel_loop3A_408, %parallel_loop3A_410 : i1
        %parallel_loop3A_412 = arith.andi %parallel_loop3A_411, %parallel_loop3A_406 : i1
        %parallel_loop3A_413 = arith.addi %parallel_loop3A_404, %parallel_loop3A_403 : i32
        %parallel_loop3A_414 = arith.select %parallel_loop3A_412, %parallel_loop3A_413, %parallel_loop3A_404 : i32
        %parallel_loop3A_415 = arith.constant 16 : i32
        %parallel_loop3A_416 = arith.muli %parallel_loop3A_414, %parallel_loop3A_415 : i32
        %parallel_loop3A_417 = vector.broadcast %parallel_loop3A_398 : i32 to vector<16xi32>
        %parallel_loop3A_418 = arith.addi %parallel_loop3A_417, %iota3A : vector<16xi32>
        %parallel_loop3A_419 = vector.broadcast %parallel_loop3A_416 : i32 to vector<16xi32>
        %parallel_loop3A_420 = arith.addi %parallel_loop3A_419, %and3A_7 : vector<16xi32>
        %parallel_loop3A_421 = tpu.vector_load_idx %arg7[%parallel_loop3A_420, %parallel_loop3A_418] : memref<128x64xf32, #tpu.memory_space<vmem>>[vector<16xi32>, vector<16xi32>], vector<16xf32>,
        tpu.vector_store_idx %arg9[%parallel_loop3A_418, %parallel_loop3A_420], %parallel_loop3A_421 : memref<64x128xf32, #tpu.memory_space<vmem>>[vector<16xi32>, vector<16xi32>], vector<16xf32>,
        %parallel_loop3A_422 = vector.broadcast %parallel_loop3A_416 : i32 to vector<16xi32>
        %parallel_loop3A_423 = arith.addi %parallel_loop3A_422, %and3A_13 : vector<16xi32>
        %parallel_loop3A_424 = tpu.vector_load_idx %arg7[%parallel_loop3A_423, %parallel_loop3A_418] : memref<128x64xf32, #tpu.memory_space<vmem>>[vector<16xi32>, vector<16xi32>], vector<16xf32>,
        tpu.vector_store_idx %arg9[%parallel_loop3A_418, %parallel_loop3A_423], %parallel_loop3A_424 : memref<64x128xf32, #tpu.memory_space<vmem>>[vector<16xi32>, vector<16xi32>], vector<16xf32>,
        %parallel_loop3A_425 = vector.broadcast %parallel_loop3A_416 : i32 to vector<16xi32>
        %parallel_loop3A_426 = arith.addi %parallel_loop3A_425, %and3A_19 : vector<16xi32>
        %parallel_loop3A_427 = tpu.vector_load_idx %arg7[%parallel_loop3A_426, %parallel_loop3A_418] : memref<128x64xf32, #tpu.memory_space<vmem>>[vector<16xi32>, vector<16xi32>], vector<16xf32>,
        tpu.vector_store_idx %arg9[%parallel_loop3A_418, %parallel_loop3A_426], %parallel_loop3A_427 : memref<64x128xf32, #tpu.memory_space<vmem>>[vector<16xi32>, vector<16xi32>], vector<16xf32>,
        %parallel_loop3A_428 = vector.broadcast %parallel_loop3A_416 : i32 to vector<16xi32>
        %parallel_loop3A_429 = arith.addi %parallel_loop3A_428, %and3A_25 : vector<16xi32>
        %parallel_loop3A_430 = tpu.vector_load_idx %arg7[%parallel_loop3A_429, %parallel_loop3A_418] : memref<128x64xf32, #tpu.memory_space<vmem>>[vector<16xi32>, vector<16xi32>], vector<16xf32>,
        tpu.vector_store_idx %arg9[%parallel_loop3A_418, %parallel_loop3A_429], %parallel_loop3A_430 : memref<64x128xf32, #tpu.memory_space<vmem>>[vector<16xi32>, vector<16xi32>], vector<16xf32>,
        %parallel_loop3A_431 = vector.broadcast %parallel_loop3A_416 : i32 to vector<16xi32>
        %parallel_loop3A_432 = arith.addi %parallel_loop3A_431, %and3A_31 : vector<16xi32>
        %parallel_loop3A_433 = tpu.vector_load_idx %arg7[%parallel_loop3A_432, %parallel_loop3A_418] : memref<128x64xf32, #tpu.memory_space<vmem>>[vector<16xi32>, vector<16xi32>], vector<16xf32>,
        tpu.vector_store_idx %arg9[%parallel_loop3A_418, %parallel_loop3A_432], %parallel_loop3A_433 : memref<64x128xf32, #tpu.memory_space<vmem>>[vector<16xi32>, vector<16xi32>], vector<16xf32>,
        %parallel_loop3A_434 = vector.broadcast %parallel_loop3A_416 : i32 to vector<16xi32>
        %parallel_loop3A_435 = arith.addi %parallel_loop3A_434, %and3A_37 : vector<16xi32>
        %parallel_loop3A_436 = tpu.vector_load_idx %arg7[%parallel_loop3A_435, %parallel_loop3A_418] : memref<128x64xf32, #tpu.memory_space<vmem>>[vector<16xi32>, vector<16xi32>], vector<16xf32>,
        tpu.vector_store_idx %arg9[%parallel_loop3A_418, %parallel_loop3A_435], %parallel_loop3A_436 : memref<64x128xf32, #tpu.memory_space<vmem>>[vector<16xi32>, vector<16xi32>], vector<16xf32>,
        %parallel_loop3A_437 = vector.broadcast %parallel_loop3A_416 : i32 to vector<16xi32>
        %parallel_loop3A_438 = arith.addi %parallel_loop3A_437, %and3A_43 : vector<16xi32>
        %parallel_loop3A_439 = tpu.vector_load_idx %arg7[%parallel_loop3A_438, %parallel_loop3A_418] : memref<128x64xf32, #tpu.memory_space<vmem>>[vector<16xi32>, vector<16xi32>], vector<16xf32>,
        tpu.vector_store_idx %arg9[%parallel_loop3A_418, %parallel_loop3A_438], %parallel_loop3A_439 : memref<64x128xf32, #tpu.memory_space<vmem>>[vector<16xi32>, vector<16xi32>], vector<16xf32>,
        %parallel_loop3A_440 = vector.broadcast %parallel_loop3A_416 : i32 to vector<16xi32>
        %parallel_loop3A_441 = arith.addi %parallel_loop3A_440, %and3A_49 : vector<16xi32>
        %parallel_loop3A_442 = tpu.vector_load_idx %arg7[%parallel_loop3A_441, %parallel_loop3A_418] : memref<128x64xf32, #tpu.memory_space<vmem>>[vector<16xi32>, vector<16xi32>], vector<16xf32>,
        tpu.vector_store_idx %arg9[%parallel_loop3A_418, %parallel_loop3A_441], %parallel_loop3A_442 : memref<64x128xf32, #tpu.memory_space<vmem>>[vector<16xi32>, vector<16xi32>], vector<16xf32>,
        %parallel_loop3A_443 = vector.broadcast %parallel_loop3A_416 : i32 to vector<16xi32>
        %parallel_loop3A_444 = arith.addi %parallel_loop3A_443, %and3A_55 : vector<16xi32>
        %parallel_loop3A_445 = tpu.vector_load_idx %arg7[%parallel_loop3A_444, %parallel_loop3A_418] : memref<128x64xf32, #tpu.memory_space<vmem>>[vector<16xi32>, vector<16xi32>], vector<16xf32>,
        tpu.vector_store_idx %arg9[%parallel_loop3A_418, %parallel_loop3A_444], %parallel_loop3A_445 : memref<64x128xf32, #tpu.memory_space<vmem>>[vector<16xi32>, vector<16xi32>], vector<16xf32>,
        %parallel_loop3A_446 = vector.broadcast %parallel_loop3A_416 : i32 to vector<16xi32>
        %parallel_loop3A_447 = arith.addi %parallel_loop3A_446, %and3A_61 : vector<16xi32>
        %parallel_loop3A_448 = tpu.vector_load_idx %arg7[%parallel_loop3A_447, %parallel_loop3A_418] : memref<128x64xf32, #tpu.memory_space<vmem>>[vector<16xi32>, vector<16xi32>], vector<16xf32>,
        tpu.vector_store_idx %arg9[%parallel_loop3A_418, %parallel_loop3A_447], %parallel_loop3A_448 : memref<64x128xf32, #tpu.memory_space<vmem>>[vector<16xi32>, vector<16xi32>], vector<16xf32>,
        %parallel_loop3A_449 = vector.broadcast %parallel_loop3A_416 : i32 to vector<16xi32>
        %parallel_loop3A_450 = arith.addi %parallel_loop3A_449, %and3A_67 : vector<16xi32>
        %parallel_loop3A_451 = tpu.vector_load_idx %arg7[%parallel_loop3A_450, %parallel_loop3A_418] : memref<128x64xf32, #tpu.memory_space<vmem>>[vector<16xi32>, vector<16xi32>], vector<16xf32>,
        tpu.vector_store_idx %arg9[%parallel_loop3A_418, %parallel_loop3A_450], %parallel_loop3A_451 : memref<64x128xf32, #tpu.memory_space<vmem>>[vector<16xi32>, vector<16xi32>], vector<16xf32>,
        %parallel_loop3A_452 = vector.broadcast %parallel_loop3A_416 : i32 to vector<16xi32>
        %parallel_loop3A_453 = arith.addi %parallel_loop3A_452, %and3A_73 : vector<16xi32>
        %parallel_loop3A_454 = tpu.vector_load_idx %arg7[%parallel_loop3A_453, %parallel_loop3A_418] : memref<128x64xf32, #tpu.memory_space<vmem>>[vector<16xi32>, vector<16xi32>], vector<16xf32>,
        tpu.vector_store_idx %arg9[%parallel_loop3A_418, %parallel_loop3A_453], %parallel_loop3A_454 : memref<64x128xf32, #tpu.memory_space<vmem>>[vector<16xi32>, vector<16xi32>], vector<16xf32>,
        %parallel_loop3A_455 = vector.broadcast %parallel_loop3A_416 : i32 to vector<16xi32>
        %parallel_loop3A_456 = arith.addi %parallel_loop3A_455, %and3A_79 : vector<16xi32>
        %parallel_loop3A_457 = tpu.vector_load_idx %arg7[%parallel_loop3A_456, %parallel_loop3A_418] : memref<128x64xf32, #tpu.memory_space<vmem>>[vector<16xi32>, vector<16xi32>], vector<16xf32>,
        tpu.vector_store_idx %arg9[%parallel_loop3A_418, %parallel_loop3A_456], %parallel_loop3A_457 : memref<64x128xf32, #tpu.memory_space<vmem>>[vector<16xi32>, vector<16xi32>], vector<16xf32>,
        %parallel_loop3A_458 = vector.broadcast %parallel_loop3A_416 : i32 to vector<16xi32>
        %parallel_loop3A_459 = arith.addi %parallel_loop3A_458, %and3A_85 : vector<16xi32>
        %parallel_loop3A_460 = tpu.vector_load_idx %arg7[%parallel_loop3A_459, %parallel_loop3A_418] : memref<128x64xf32, #tpu.memory_space<vmem>>[vector<16xi32>, vector<16xi32>], vector<16xf32>,
        tpu.vector_store_idx %arg9[%parallel_loop3A_418, %parallel_loop3A_459], %parallel_loop3A_460 : memref<64x128xf32, #tpu.memory_space<vmem>>[vector<16xi32>, vector<16xi32>], vector<16xf32>,
        %parallel_loop3A_461 = vector.broadcast %parallel_loop3A_416 : i32 to vector<16xi32>
        %parallel_loop3A_462 = arith.addi %parallel_loop3A_461, %and3A_91 : vector<16xi32>
        %parallel_loop3A_463 = tpu.vector_load_idx %arg7[%parallel_loop3A_462, %parallel_loop3A_418] : memref<128x64xf32, #tpu.memory_space<vmem>>[vector<16xi32>, vector<16xi32>], vector<16xf32>,
        tpu.vector_store_idx %arg9[%parallel_loop3A_418, %parallel_loop3A_462], %parallel_loop3A_463 : memref<64x128xf32, #tpu.memory_space<vmem>>[vector<16xi32>, vector<16xi32>], vector<16xf32>,
        %parallel_loop3A_464 = vector.broadcast %parallel_loop3A_416 : i32 to vector<16xi32>
        %parallel_loop3A_465 = arith.addi %parallel_loop3A_464, %and3A_97 : vector<16xi32>
        %parallel_loop3A_466 = tpu.vector_load_idx %arg7[%parallel_loop3A_465, %parallel_loop3A_418] : memref<128x64xf32, #tpu.memory_space<vmem>>[vector<16xi32>, vector<16xi32>], vector<16xf32>,
        tpu.vector_store_idx %arg9[%parallel_loop3A_418, %parallel_loop3A_465], %parallel_loop3A_466 : memref<64x128xf32, #tpu.memory_space<vmem>>[vector<16xi32>, vector<16xi32>], vector<16xf32>,
      } {sc.loop_unroll_factor = 2 : i64, sc.parallel_access}
      %add3A_238 = arith.addi %mul3A_2, %mul3A_223 : i32
      %jit3A_239 = arith.constant 32 : i32
      %div3A_240 = arith.divsi %add3A_238, %jit3A_239 : i32
      %sign3A_241 = arith.constant 0 : i32
      %sign3A_242 = arith.cmpi sgt, %add3A_238, %sign3A_241 : i32
      %sign3A_243 = arith.extui %sign3A_242 : i1 to i32
      %sign3A_244 = arith.constant 0 : i32
      %sign3A_245 = arith.cmpi slt, %add3A_238, %sign3A_244 : i32
      %sign3A_246 = arith.extui %sign3A_245 : i1 to i32
      %sign3A_247 = arith.subi %sign3A_243, %sign3A_246 : i32
      %sign3A_248 = arith.constant 0 : i32
      %sign3A_249 = arith.cmpi sgt, %jit3A_239, %sign3A_248 : i32
      %sign3A_250 = arith.extui %sign3A_249 : i1 to i32
      %sign3A_251 = arith.constant 0 : i32
      %sign3A_252 = arith.cmpi slt, %jit3A_239, %sign3A_251 : i32
      %sign3A_253 = arith.extui %sign3A_252 : i1 to i32
      %sign3A_254 = arith.subi %sign3A_250, %sign3A_253 : i32
      %ne3A_255 = arith.cmpi ne, %sign3A_247, %sign3A_254 : i32
      %rem3A_256 = arith.remsi %add3A_238, %jit3A_239 : i32
      %ne3A_257 = arith.constant 0 : i32
      %ne3A_258 = arith.cmpi ne, %rem3A_256, %ne3A_257 : i32
      %and3A_259 = arith.andi %ne3A_255, %ne3A_258 : i1
      %sub3A_260 = arith.constant 1 : i32
      %sub3A_261 = arith.subi %div3A_240, %sub3A_260 : i32
      %select_n3A_262 = arith.select %and3A_259, %sub3A_261, %div3A_240 : i32
      %jit3A_263 = arith.constant 32 : i32
      %eq3A_264 = arith.constant 0 : i32
      %eq3A_265 = arith.cmpi eq, %jit3A_263, %eq3A_264 : i32
      %jit3A_266 = arith.constant 1 : i32
      %select_n3A_267 = arith.select %eq3A_265, %jit3A_266, %jit3A_263 : i32
      %rem3A_268 = arith.remsi %add3A_238, %select_n3A_267 : i32
      %ne3A_269 = arith.constant 0 : i32
      %ne3A_270 = arith.cmpi ne, %rem3A_268, %ne3A_269 : i32
      %lt3A_271 = arith.constant 0 : i32
      %lt3A_272 = arith.cmpi slt, %rem3A_268, %lt3A_271 : i32
      %lt3A_273 = arith.constant 0 : i32
      %lt3A_274 = arith.cmpi slt, %select_n3A_267, %lt3A_273 : i32
      %ne3A_275 = arith.xori %lt3A_272, %lt3A_274 : i1
      %and3A_276 = arith.andi %ne3A_275, %ne3A_270 : i1
      %add3A_277 = arith.addi %rem3A_268, %select_n3A_267 : i32
      %select_n3A_278 = arith.select %and3A_276, %add3A_277, %rem3A_268 : i32
      %mul3A_279 = arith.constant 128 : i32
      %mul3A_280 = arith.muli %select_n3A_278, %mul3A_279 : i32
      %dma_start3A_281 = arith.constant 0 : i32
      %dma_start3A_282 = tpu.memref_slice %arg4[%select_n3A_262, %dma_start3A_281, %mul3A_280] : memref<200x64x4096xf32, #tpu.memory_space<hbm>> -> memref<1x64x128xf32, #tpu.memory_space<hbm>>
      %dma_start3A_283 = tpu.memref_squeeze %dma_start3A_282 : memref<1x64x128xf32, #tpu.memory_space<hbm>> -> memref<64x128xf32, #tpu.memory_space<hbm>>
      %dma_start3A_284 = arith.constant 0 : i32
      %dma_start3A_285 = tpu.memref_slice %arg4[%select_n3A_262, %dma_start3A_284, %mul3A_280] : memref<200x64x4096xf32, #tpu.memory_space<hbm>> -> memref<1x64x128xf32, #tpu.memory_space<hbm>>
      %dma_start3A_286 = tpu.memref_squeeze %dma_start3A_285 : memref<1x64x128xf32, #tpu.memory_space<hbm>> -> memref<64x128xf32, #tpu.memory_space<hbm>>
      tpu.enqueue_dma source(%arg9 : memref<64x128xf32, #tpu.memory_space<vmem>>) target(%dma_start3A_286 : memref<64x128xf32, #tpu.memory_space<hbm>>) target_semaphore(%arg13 : memref<!tpu.dma_semaphore, #tpu.memory_space<semaphore_mem>>)
      %add3A_287 = arith.constant 2 : i32
      %add3A_288 = arith.addi %mul3A_223, %add3A_287 : i32
      %lt3A_289 = arith.constant 200 : i32
      %lt3A_290 = arith.cmpi slt, %add3A_288, %lt3A_289 : i32
      %convert_element_type3A_291 = arith.extui %lt3A_290 : i1 to i32
      %cond3A_292 = arith.constant 0 : i32
      %cond3A_293 = arith.cmpi ne, %convert_element_type3A_291, %cond3A_292 : i32
      scf.if %cond3A_293 {
        %add3A_372 = arith.constant 2 : i32
        %add3A_373 = arith.addi %mul3A_223, %add3A_372 : i32
        %add3A_374 = arith.addi %mul3A_2, %add3A_373 : i32
        %mul3A_375 = arith.constant 128 : i32
        %mul3A_376 = arith.muli %add3A_374, %mul3A_375 : i32
        %dma_wait3A_377 = tpu.memref_slice %arg2[%mul3A_376] : memref<819200xi32, #tpu.memory_space<hbm>> -> memref<128xi32, #tpu.memory_space<hbm>>
        %dma_wait3A_378 = tpu.memref_slice %arg2[%mul3A_376] : memref<819200xi32, #tpu.memory_space<hbm>> -> memref<128xi32, #tpu.memory_space<hbm>>
        tpu.wait_dma2 semaphore(%arg15 : memref<!tpu.dma_semaphore, #tpu.memory_space<semaphore_mem>>) src(%dma_wait3A_378 : memref<128xi32, #tpu.memory_space<hbm>>) dst(%arg5 : memref<128xi32, #tpu.memory_space<vmem>>)
        %dma_start3A_379 = arith.constant 0 : i32
        %dma_start3A_380 = arith.constant 0 : i32
        %dma_start3A_381 = tpu.memref_slice %arg3[%dma_start3A_379, %dma_start3A_380] : memref<1000000x64xf32, #tpu.memory_space<hbm>> -> memref<1000000x64xf32, #tpu.memory_space<hbm>>
        tpu.enqueue_indirect_dma source(%dma_start3A_381 : memref<1000000x64xf32, #tpu.memory_space<hbm>>) target(%arg7 : memref<128x64xf32, #tpu.memory_space<vmem>>) offsets(%arg5 : memref<128xi32, #tpu.memory_space<vmem>>) semaphore(%arg11 : memref<!tpu.dma_semaphore, #tpu.memory_space<semaphore_mem>>)
      } else {
      }
      %mul3A_294 = arith.constant 2 : i32
      %mul3A_295 = arith.muli %mul3A_294, %scan3A_221 : i32
      %add3A_296 = arith.constant 1 : i32
      %add3A_297 = arith.addi %mul3A_295, %add3A_296 : i32
      %dma_wait3A_298 = arith.constant 0 : i32
      %dma_wait3A_299 = arith.constant 0 : i32
      %dma_wait3A_300 = tpu.memref_slice %arg3[%dma_wait3A_298, %dma_wait3A_299] : memref<1000000x64xf32, #tpu.memory_space<hbm>> -> memref<1000000x64xf32, #tpu.memory_space<hbm>>
      tpu.wait_indirect_dma semaphore(%arg12 : memref<!tpu.dma_semaphore, #tpu.memory_space<semaphore_mem>>) src(%dma_wait3A_300 : memref<1000000x64xf32, #tpu.memory_space<hbm>>) dst(%arg8 : memref<128x64xf32, #tpu.memory_space<vmem>>)
      %add3A_301 = arith.constant 2 : i32
      %add3A_302 = arith.addi %add3A_297, %add3A_301 : i32
      %lt3A_303 = arith.constant 200 : i32
      %lt3A_304 = arith.cmpi slt, %add3A_302, %lt3A_303 : i32
      %convert_element_type3A_305 = arith.extui %lt3A_304 : i1 to i32
      %cond3A_306 = arith.constant 0 : i32
      %cond3A_307 = arith.cmpi ne, %convert_element_type3A_305, %cond3A_306 : i32
      scf.if %cond3A_307 {
        %add3A_372 = arith.constant 2 : i32
        %add3A_373 = arith.addi %add3A_297, %add3A_372 : i32
        %add3A_374 = arith.addi %mul3A_2, %add3A_373 : i32
        %mul3A_375 = arith.constant 128 : i32
        %mul3A_376 = arith.muli %add3A_374, %mul3A_375 : i32
        %dma_start3A_377 = tpu.memref_slice %arg2[%mul3A_376] : memref<819200xi32, #tpu.memory_space<hbm>> -> memref<128xi32, #tpu.memory_space<hbm>>
        %dma_start3A_378 = tpu.memref_slice %arg2[%mul3A_376] : memref<819200xi32, #tpu.memory_space<hbm>> -> memref<128xi32, #tpu.memory_space<hbm>>
        tpu.enqueue_dma source(%dma_start3A_378 : memref<128xi32, #tpu.memory_space<hbm>>) target(%arg6 : memref<128xi32, #tpu.memory_space<vmem>>) target_semaphore(%arg16 : memref<!tpu.dma_semaphore, #tpu.memory_space<semaphore_mem>>)
      } else {
      }
      %ge3A_308 = arith.constant 2 : i32
      %ge3A_309 = arith.cmpi sge, %add3A_297, %ge3A_308 : i32
      %convert_element_type3A_310 = arith.extui %ge3A_309 : i1 to i32
      %cond3A_311 = arith.constant 0 : i32
      %cond3A_312 = arith.cmpi ne, %convert_element_type3A_310, %cond3A_311 : i32
      scf.if %cond3A_312 {
        %sub3A_372 = arith.constant 2 : i32
        %sub3A_373 = arith.subi %add3A_297, %sub3A_372 : i32
        %add3A_374 = arith.addi %mul3A_2, %sub3A_373 : i32
        %jit3A_375 = arith.constant 32 : i32
        %div3A_376 = arith.divsi %add3A_374, %jit3A_375 : i32
        %sign3A_377 = arith.constant 0 : i32
        %sign3A_378 = arith.cmpi sgt, %add3A_374, %sign3A_377 : i32
        %sign3A_379 = arith.extui %sign3A_378 : i1 to i32
        %sign3A_380 = arith.constant 0 : i32
        %sign3A_381 = arith.cmpi slt, %add3A_374, %sign3A_380 : i32
        %sign3A_382 = arith.extui %sign3A_381 : i1 to i32
        %sign3A_383 = arith.subi %sign3A_379, %sign3A_382 : i32
        %sign3A_384 = arith.constant 0 : i32
        %sign3A_385 = arith.cmpi sgt, %jit3A_375, %sign3A_384 : i32
        %sign3A_386 = arith.extui %sign3A_385 : i1 to i32
        %sign3A_387 = arith.constant 0 : i32
        %sign3A_388 = arith.cmpi slt, %jit3A_375, %sign3A_387 : i32
        %sign3A_389 = arith.extui %sign3A_388 : i1 to i32
        %sign3A_390 = arith.subi %sign3A_386, %sign3A_389 : i32
        %ne3A_391 = arith.cmpi ne, %sign3A_383, %sign3A_390 : i32
        %rem3A_392 = arith.remsi %add3A_374, %jit3A_375 : i32
        %ne3A_393 = arith.constant 0 : i32
        %ne3A_394 = arith.cmpi ne, %rem3A_392, %ne3A_393 : i32
        %and3A_395 = arith.andi %ne3A_391, %ne3A_394 : i1
        %sub3A_396 = arith.constant 1 : i32
        %sub3A_397 = arith.subi %div3A_376, %sub3A_396 : i32
        %select_n3A_398 = arith.select %and3A_395, %sub3A_397, %div3A_376 : i32
        %jit3A_399 = arith.constant 32 : i32
        %eq3A_400 = arith.constant 0 : i32
        %eq3A_401 = arith.cmpi eq, %jit3A_399, %eq3A_400 : i32
        %jit3A_402 = arith.constant 1 : i32
        %select_n3A_403 = arith.select %eq3A_401, %jit3A_402, %jit3A_399 : i32
        %rem3A_404 = arith.remsi %add3A_374, %select_n3A_403 : i32
        %ne3A_405 = arith.constant 0 : i32
        %ne3A_406 = arith.cmpi ne, %rem3A_404, %ne3A_405 : i32
        %lt3A_407 = arith.constant 0 : i32
        %lt3A_408 = arith.cmpi slt, %rem3A_404, %lt3A_407 : i32
        %lt3A_409 = arith.constant 0 : i32
        %lt3A_410 = arith.cmpi slt, %select_n3A_403, %lt3A_409 : i32
        %ne3A_411 = arith.xori %lt3A_408, %lt3A_410 : i1
        %and3A_412 = arith.andi %ne3A_411, %ne3A_406 : i1
        %add3A_413 = arith.addi %rem3A_404, %select_n3A_403 : i32
        %select_n3A_414 = arith.select %and3A_412, %add3A_413, %rem3A_404 : i32
        %mul3A_415 = arith.constant 128 : i32
        %mul3A_416 = arith.muli %select_n3A_414, %mul3A_415 : i32
        %dma_wait3A_417 = arith.constant 0 : i32
        %dma_wait3A_418 = tpu.memref_slice %arg4[%select_n3A_398, %dma_wait3A_417, %mul3A_416] : memref<200x64x4096xf32, #tpu.memory_space<hbm>> -> memref<1x64x128xf32, #tpu.memory_space<hbm>>
        %dma_wait3A_419 = tpu.memref_squeeze %dma_wait3A_418 : memref<1x64x128xf32, #tpu.memory_space<hbm>> -> memref<64x128xf32, #tpu.memory_space<hbm>>
        %dma_wait3A_420 = arith.constant 0 : i32
        %dma_wait3A_421 = tpu.memref_slice %arg4[%select_n3A_398, %dma_wait3A_420, %mul3A_416] : memref<200x64x4096xf32, #tpu.memory_space<hbm>> -> memref<1x64x128xf32, #tpu.memory_space<hbm>>
        %dma_wait3A_422 = tpu.memref_squeeze %dma_wait3A_421 : memref<1x64x128xf32, #tpu.memory_space<hbm>> -> memref<64x128xf32, #tpu.memory_space<hbm>>
        tpu.wait_dma2 semaphore(%arg14 : memref<!tpu.dma_semaphore, #tpu.memory_space<semaphore_mem>>) src(%arg10 : memref<64x128xf32, #tpu.memory_space<vmem>>) dst(%dma_wait3A_422 : memref<64x128xf32, #tpu.memory_space<hbm>>)
      } else {
      }
      %parallel_loop3A_313 = arith.constant 0 : i32
      %parallel_loop3A_314 = arith.constant 32 : i32
      %parallel_loop3A_315 = arith.constant 1 : i32
      scf.for %parallel_loop3A_372 = %parallel_loop3A_313 to %parallel_loop3A_314 step %parallel_loop3A_315  : i32 {
        %parallel_loop3A_373 = arith.constant 8 : i32
        %parallel_loop3A_374 = arith.divsi %parallel_loop3A_372, %parallel_loop3A_373 : i32
        %parallel_loop3A_375 = arith.constant 0 : i32
        %parallel_loop3A_376 = arith.cmpi sgt, %parallel_loop3A_372, %parallel_loop3A_375 : i32
        %parallel_loop3A_377 = arith.extui %parallel_loop3A_376 : i1 to i32
        %parallel_loop3A_378 = arith.constant 0 : i32
        %parallel_loop3A_379 = arith.cmpi slt, %parallel_loop3A_372, %parallel_loop3A_378 : i32
        %parallel_loop3A_380 = arith.extui %parallel_loop3A_379 : i1 to i32
        %parallel_loop3A_381 = arith.subi %parallel_loop3A_377, %parallel_loop3A_380 : i32
        %parallel_loop3A_382 = arith.constant 0 : i32
        %parallel_loop3A_383 = arith.cmpi sgt, %parallel_loop3A_373, %parallel_loop3A_382 : i32
        %parallel_loop3A_384 = arith.extui %parallel_loop3A_383 : i1 to i32
        %parallel_loop3A_385 = arith.constant 0 : i32
        %parallel_loop3A_386 = arith.cmpi slt, %parallel_loop3A_373, %parallel_loop3A_385 : i32
        %parallel_loop3A_387 = arith.extui %parallel_loop3A_386 : i1 to i32
        %parallel_loop3A_388 = arith.subi %parallel_loop3A_384, %parallel_loop3A_387 : i32
        %parallel_loop3A_389 = arith.cmpi ne, %parallel_loop3A_381, %parallel_loop3A_388 : i32
        %parallel_loop3A_390 = arith.remsi %parallel_loop3A_372, %parallel_loop3A_373 : i32
        %parallel_loop3A_391 = arith.constant 0 : i32
        %parallel_loop3A_392 = arith.cmpi ne, %parallel_loop3A_390, %parallel_loop3A_391 : i32
        %parallel_loop3A_393 = arith.andi %parallel_loop3A_389, %parallel_loop3A_392 : i1
        %parallel_loop3A_394 = arith.constant 1 : i32
        %parallel_loop3A_395 = arith.subi %parallel_loop3A_374, %parallel_loop3A_394 : i32
        %parallel_loop3A_396 = arith.select %parallel_loop3A_393, %parallel_loop3A_395, %parallel_loop3A_374 : i32
        %parallel_loop3A_397 = arith.constant 16 : i32
        %parallel_loop3A_398 = arith.muli %parallel_loop3A_396, %parallel_loop3A_397 : i32
        %parallel_loop3A_399 = arith.constant 8 : i32
        %parallel_loop3A_400 = arith.constant 0 : i32
        %parallel_loop3A_401 = arith.cmpi eq, %parallel_loop3A_399, %parallel_loop3A_400 : i32
        %parallel_loop3A_402 = arith.constant 1 : i32
        %parallel_loop3A_403 = arith.select %parallel_loop3A_401, %parallel_loop3A_402, %parallel_loop3A_399 : i32
        %parallel_loop3A_404 = arith.remsi %parallel_loop3A_372, %parallel_loop3A_403 : i32
        %parallel_loop3A_405 = arith.constant 0 : i32
        %parallel_loop3A_406 = arith.cmpi ne, %parallel_loop3A_404, %parallel_loop3A_405 : i32
        %parallel_loop3A_407 = arith.constant 0 : i32
        %parallel_loop3A_408 = arith.cmpi slt, %parallel_loop3A_404, %parallel_loop3A_407 : i32
        %parallel_loop3A_409 = arith.constant 0 : i32
        %parallel_loop3A_410 = arith.cmpi slt, %parallel_loop3A_403, %parallel_loop3A_409 : i32
        %parallel_loop3A_411 = arith.xori %parallel_loop3A_408, %parallel_loop3A_410 : i1
        %parallel_loop3A_412 = arith.andi %parallel_loop3A_411, %parallel_loop3A_406 : i1
        %parallel_loop3A_413 = arith.addi %parallel_loop3A_404, %parallel_loop3A_403 : i32
        %parallel_loop3A_414 = arith.select %parallel_loop3A_412, %parallel_loop3A_413, %parallel_loop3A_404 : i32
        %parallel_loop3A_415 = arith.constant 16 : i32
        %parallel_loop3A_416 = arith.muli %parallel_loop3A_414, %parallel_loop3A_415 : i32
        %parallel_loop3A_417 = vector.broadcast %parallel_loop3A_398 : i32 to vector<16xi32>
        %parallel_loop3A_418 = arith.addi %parallel_loop3A_417, %iota3A : vector<16xi32>
        %parallel_loop3A_419 = vector.broadcast %parallel_loop3A_416 : i32 to vector<16xi32>
        %parallel_loop3A_420 = arith.addi %parallel_loop3A_419, %and3A_7 : vector<16xi32>
        %parallel_loop3A_421 = tpu.vector_load_idx %arg8[%parallel_loop3A_420, %parallel_loop3A_418] : memref<128x64xf32, #tpu.memory_space<vmem>>[vector<16xi32>, vector<16xi32>], vector<16xf32>,
        tpu.vector_store_idx %arg10[%parallel_loop3A_418, %parallel_loop3A_420], %parallel_loop3A_421 : memref<64x128xf32, #tpu.memory_space<vmem>>[vector<16xi32>, vector<16xi32>], vector<16xf32>,
        %parallel_loop3A_422 = vector.broadcast %parallel_loop3A_416 : i32 to vector<16xi32>
        %parallel_loop3A_423 = arith.addi %parallel_loop3A_422, %and3A_13 : vector<16xi32>
        %parallel_loop3A_424 = tpu.vector_load_idx %arg8[%parallel_loop3A_423, %parallel_loop3A_418] : memref<128x64xf32, #tpu.memory_space<vmem>>[vector<16xi32>, vector<16xi32>], vector<16xf32>,
        tpu.vector_store_idx %arg10[%parallel_loop3A_418, %parallel_loop3A_423], %parallel_loop3A_424 : memref<64x128xf32, #tpu.memory_space<vmem>>[vector<16xi32>, vector<16xi32>], vector<16xf32>,
        %parallel_loop3A_425 = vector.broadcast %parallel_loop3A_416 : i32 to vector<16xi32>
        %parallel_loop3A_426 = arith.addi %parallel_loop3A_425, %and3A_19 : vector<16xi32>
        %parallel_loop3A_427 = tpu.vector_load_idx %arg8[%parallel_loop3A_426, %parallel_loop3A_418] : memref<128x64xf32, #tpu.memory_space<vmem>>[vector<16xi32>, vector<16xi32>], vector<16xf32>,
        tpu.vector_store_idx %arg10[%parallel_loop3A_418, %parallel_loop3A_426], %parallel_loop3A_427 : memref<64x128xf32, #tpu.memory_space<vmem>>[vector<16xi32>, vector<16xi32>], vector<16xf32>,
        %parallel_loop3A_428 = vector.broadcast %parallel_loop3A_416 : i32 to vector<16xi32>
        %parallel_loop3A_429 = arith.addi %parallel_loop3A_428, %and3A_25 : vector<16xi32>
        %parallel_loop3A_430 = tpu.vector_load_idx %arg8[%parallel_loop3A_429, %parallel_loop3A_418] : memref<128x64xf32, #tpu.memory_space<vmem>>[vector<16xi32>, vector<16xi32>], vector<16xf32>,
        tpu.vector_store_idx %arg10[%parallel_loop3A_418, %parallel_loop3A_429], %parallel_loop3A_430 : memref<64x128xf32, #tpu.memory_space<vmem>>[vector<16xi32>, vector<16xi32>], vector<16xf32>,
        %parallel_loop3A_431 = vector.broadcast %parallel_loop3A_416 : i32 to vector<16xi32>
        %parallel_loop3A_432 = arith.addi %parallel_loop3A_431, %and3A_31 : vector<16xi32>
        %parallel_loop3A_433 = tpu.vector_load_idx %arg8[%parallel_loop3A_432, %parallel_loop3A_418] : memref<128x64xf32, #tpu.memory_space<vmem>>[vector<16xi32>, vector<16xi32>], vector<16xf32>,
        tpu.vector_store_idx %arg10[%parallel_loop3A_418, %parallel_loop3A_432], %parallel_loop3A_433 : memref<64x128xf32, #tpu.memory_space<vmem>>[vector<16xi32>, vector<16xi32>], vector<16xf32>,
        %parallel_loop3A_434 = vector.broadcast %parallel_loop3A_416 : i32 to vector<16xi32>
        %parallel_loop3A_435 = arith.addi %parallel_loop3A_434, %and3A_37 : vector<16xi32>
        %parallel_loop3A_436 = tpu.vector_load_idx %arg8[%parallel_loop3A_435, %parallel_loop3A_418] : memref<128x64xf32, #tpu.memory_space<vmem>>[vector<16xi32>, vector<16xi32>], vector<16xf32>,
        tpu.vector_store_idx %arg10[%parallel_loop3A_418, %parallel_loop3A_435], %parallel_loop3A_436 : memref<64x128xf32, #tpu.memory_space<vmem>>[vector<16xi32>, vector<16xi32>], vector<16xf32>,
        %parallel_loop3A_437 = vector.broadcast %parallel_loop3A_416 : i32 to vector<16xi32>
        %parallel_loop3A_438 = arith.addi %parallel_loop3A_437, %and3A_43 : vector<16xi32>
        %parallel_loop3A_439 = tpu.vector_load_idx %arg8[%parallel_loop3A_438, %parallel_loop3A_418] : memref<128x64xf32, #tpu.memory_space<vmem>>[vector<16xi32>, vector<16xi32>], vector<16xf32>,
        tpu.vector_store_idx %arg10[%parallel_loop3A_418, %parallel_loop3A_438], %parallel_loop3A_439 : memref<64x128xf32, #tpu.memory_space<vmem>>[vector<16xi32>, vector<16xi32>], vector<16xf32>,
        %parallel_loop3A_440 = vector.broadcast %parallel_loop3A_416 : i32 to vector<16xi32>
        %parallel_loop3A_441 = arith.addi %parallel_loop3A_440, %and3A_49 : vector<16xi32>
        %parallel_loop3A_442 = tpu.vector_load_idx %arg8[%parallel_loop3A_441, %parallel_loop3A_418] : memref<128x64xf32, #tpu.memory_space<vmem>>[vector<16xi32>, vector<16xi32>], vector<16xf32>,
        tpu.vector_store_idx %arg10[%parallel_loop3A_418, %parallel_loop3A_441], %parallel_loop3A_442 : memref<64x128xf32, #tpu.memory_space<vmem>>[vector<16xi32>, vector<16xi32>], vector<16xf32>,
        %parallel_loop3A_443 = vector.broadcast %parallel_loop3A_416 : i32 to vector<16xi32>
        %parallel_loop3A_444 = arith.addi %parallel_loop3A_443, %and3A_55 : vector<16xi32>
        %parallel_loop3A_445 = tpu.vector_load_idx %arg8[%parallel_loop3A_444, %parallel_loop3A_418] : memref<128x64xf32, #tpu.memory_space<vmem>>[vector<16xi32>, vector<16xi32>], vector<16xf32>,
        tpu.vector_store_idx %arg10[%parallel_loop3A_418, %parallel_loop3A_444], %parallel_loop3A_445 : memref<64x128xf32, #tpu.memory_space<vmem>>[vector<16xi32>, vector<16xi32>], vector<16xf32>,
        %parallel_loop3A_446 = vector.broadcast %parallel_loop3A_416 : i32 to vector<16xi32>
        %parallel_loop3A_447 = arith.addi %parallel_loop3A_446, %and3A_61 : vector<16xi32>
        %parallel_loop3A_448 = tpu.vector_load_idx %arg8[%parallel_loop3A_447, %parallel_loop3A_418] : memref<128x64xf32, #tpu.memory_space<vmem>>[vector<16xi32>, vector<16xi32>], vector<16xf32>,
        tpu.vector_store_idx %arg10[%parallel_loop3A_418, %parallel_loop3A_447], %parallel_loop3A_448 : memref<64x128xf32, #tpu.memory_space<vmem>>[vector<16xi32>, vector<16xi32>], vector<16xf32>,
        %parallel_loop3A_449 = vector.broadcast %parallel_loop3A_416 : i32 to vector<16xi32>
        %parallel_loop3A_450 = arith.addi %parallel_loop3A_449, %and3A_67 : vector<16xi32>
        %parallel_loop3A_451 = tpu.vector_load_idx %arg8[%parallel_loop3A_450, %parallel_loop3A_418] : memref<128x64xf32, #tpu.memory_space<vmem>>[vector<16xi32>, vector<16xi32>], vector<16xf32>,
        tpu.vector_store_idx %arg10[%parallel_loop3A_418, %parallel_loop3A_450], %parallel_loop3A_451 : memref<64x128xf32, #tpu.memory_space<vmem>>[vector<16xi32>, vector<16xi32>], vector<16xf32>,
        %parallel_loop3A_452 = vector.broadcast %parallel_loop3A_416 : i32 to vector<16xi32>
        %parallel_loop3A_453 = arith.addi %parallel_loop3A_452, %and3A_73 : vector<16xi32>
        %parallel_loop3A_454 = tpu.vector_load_idx %arg8[%parallel_loop3A_453, %parallel_loop3A_418] : memref<128x64xf32, #tpu.memory_space<vmem>>[vector<16xi32>, vector<16xi32>], vector<16xf32>,
        tpu.vector_store_idx %arg10[%parallel_loop3A_418, %parallel_loop3A_453], %parallel_loop3A_454 : memref<64x128xf32, #tpu.memory_space<vmem>>[vector<16xi32>, vector<16xi32>], vector<16xf32>,
        %parallel_loop3A_455 = vector.broadcast %parallel_loop3A_416 : i32 to vector<16xi32>
        %parallel_loop3A_456 = arith.addi %parallel_loop3A_455, %and3A_79 : vector<16xi32>
        %parallel_loop3A_457 = tpu.vector_load_idx %arg8[%parallel_loop3A_456, %parallel_loop3A_418] : memref<128x64xf32, #tpu.memory_space<vmem>>[vector<16xi32>, vector<16xi32>], vector<16xf32>,
        tpu.vector_store_idx %arg10[%parallel_loop3A_418, %parallel_loop3A_456], %parallel_loop3A_457 : memref<64x128xf32, #tpu.memory_space<vmem>>[vector<16xi32>, vector<16xi32>], vector<16xf32>,
        %parallel_loop3A_458 = vector.broadcast %parallel_loop3A_416 : i32 to vector<16xi32>
        %parallel_loop3A_459 = arith.addi %parallel_loop3A_458, %and3A_85 : vector<16xi32>
        %parallel_loop3A_460 = tpu.vector_load_idx %arg8[%parallel_loop3A_459, %parallel_loop3A_418] : memref<128x64xf32, #tpu.memory_space<vmem>>[vector<16xi32>, vector<16xi32>], vector<16xf32>,
        tpu.vector_store_idx %arg10[%parallel_loop3A_418, %parallel_loop3A_459], %parallel_loop3A_460 : memref<64x128xf32, #tpu.memory_space<vmem>>[vector<16xi32>, vector<16xi32>], vector<16xf32>,
        %parallel_loop3A_461 = vector.broadcast %parallel_loop3A_416 : i32 to vector<16xi32>
        %parallel_loop3A_462 = arith.addi %parallel_loop3A_461, %and3A_91 : vector<16xi32>
        %parallel_loop3A_463 = tpu.vector_load_idx %arg8[%parallel_loop3A_462, %parallel_loop3A_418] : memref<128x64xf32, #tpu.memory_space<vmem>>[vector<16xi32>, vector<16xi32>], vector<16xf32>,
        tpu.vector_store_idx %arg10[%parallel_loop3A_418, %parallel_loop3A_462], %parallel_loop3A_463 : memref<64x128xf32, #tpu.memory_space<vmem>>[vector<16xi32>, vector<16xi32>], vector<16xf32>,
        %parallel_loop3A_464 = vector.broadcast %parallel_loop3A_416 : i32 to vector<16xi32>
        %parallel_loop3A_465 = arith.addi %parallel_loop3A_464, %and3A_97 : vector<16xi32>
        %parallel_loop3A_466 = tpu.vector_load_idx %arg8[%parallel_loop3A_465, %parallel_loop3A_418] : memref<128x64xf32, #tpu.memory_space<vmem>>[vector<16xi32>, vector<16xi32>], vector<16xf32>,
        tpu.vector_store_idx %arg10[%parallel_loop3A_418, %parallel_loop3A_465], %parallel_loop3A_466 : memref<64x128xf32, #tpu.memory_space<vmem>>[vector<16xi32>, vector<16xi32>], vector<16xf32>,
      } {sc.loop_unroll_factor = 2 : i64, sc.parallel_access}
      %add3A_316 = arith.addi %mul3A_2, %add3A_297 : i32
      %jit3A_317 = arith.constant 32 : i32
      %div3A_318 = arith.divsi %add3A_316, %jit3A_317 : i32
      %sign3A_319 = arith.constant 0 : i32
      %sign3A_320 = arith.cmpi sgt, %add3A_316, %sign3A_319 : i32
      %sign3A_321 = arith.extui %sign3A_320 : i1 to i32
      %sign3A_322 = arith.constant 0 : i32
      %sign3A_323 = arith.cmpi slt, %add3A_316, %sign3A_322 : i32
      %sign3A_324 = arith.extui %sign3A_323 : i1 to i32
      %sign3A_325 = arith.subi %sign3A_321, %sign3A_324 : i32
      %sign3A_326 = arith.constant 0 : i32
      %sign3A_327 = arith.cmpi sgt, %jit3A_317, %sign3A_326 : i32
      %sign3A_328 = arith.extui %sign3A_327 : i1 to i32
      %sign3A_329 = arith.constant 0 : i32
      %sign3A_330 = arith.cmpi slt, %jit3A_317, %sign3A_329 : i32
      %sign3A_331 = arith.extui %sign3A_330 : i1 to i32
      %sign3A_332 = arith.subi %sign3A_328, %sign3A_331 : i32
      %ne3A_333 = arith.cmpi ne, %sign3A_325, %sign3A_332 : i32
      %rem3A_334 = arith.remsi %add3A_316, %jit3A_317 : i32
      %ne3A_335 = arith.constant 0 : i32
      %ne3A_336 = arith.cmpi ne, %rem3A_334, %ne3A_335 : i32
      %and3A_337 = arith.andi %ne3A_333, %ne3A_336 : i1
      %sub3A_338 = arith.constant 1 : i32
      %sub3A_339 = arith.subi %div3A_318, %sub3A_338 : i32
      %select_n3A_340 = arith.select %and3A_337, %sub3A_339, %div3A_318 : i32
      %jit3A_341 = arith.constant 32 : i32
      %eq3A_342 = arith.constant 0 : i32
      %eq3A_343 = arith.cmpi eq, %jit3A_341, %eq3A_342 : i32
      %jit3A_344 = arith.constant 1 : i32
      %select_n3A_345 = arith.select %eq3A_343, %jit3A_344, %jit3A_341 : i32
      %rem3A_346 = arith.remsi %add3A_316, %select_n3A_345 : i32
      %ne3A_347 = arith.constant 0 : i32
      %ne3A_348 = arith.cmpi ne, %rem3A_346, %ne3A_347 : i32
      %lt3A_349 = arith.constant 0 : i32
      %lt3A_350 = arith.cmpi slt, %rem3A_346, %lt3A_349 : i32
      %lt3A_351 = arith.constant 0 : i32
      %lt3A_352 = arith.cmpi slt, %select_n3A_345, %lt3A_351 : i32
      %ne3A_353 = arith.xori %lt3A_350, %lt3A_352 : i1
      %and3A_354 = arith.andi %ne3A_353, %ne3A_348 : i1
      %add3A_355 = arith.addi %rem3A_346, %select_n3A_345 : i32
      %select_n3A_356 = arith.select %and3A_354, %add3A_355, %rem3A_346 : i32
      %mul3A_357 = arith.constant 128 : i32
      %mul3A_358 = arith.muli %select_n3A_356, %mul3A_357 : i32
      %dma_start3A_359 = arith.constant 0 : i32
      %dma_start3A_360 = tpu.memref_slice %arg4[%select_n3A_340, %dma_start3A_359, %mul3A_358] : memref<200x64x4096xf32, #tpu.memory_space<hbm>> -> memref<1x64x128xf32, #tpu.memory_space<hbm>>
      %dma_start3A_361 = tpu.memref_squeeze %dma_start3A_360 : memref<1x64x128xf32, #tpu.memory_space<hbm>> -> memref<64x128xf32, #tpu.memory_space<hbm>>
      %dma_start3A_362 = arith.constant 0 : i32
      %dma_start3A_363 = tpu.memref_slice %arg4[%select_n3A_340, %dma_start3A_362, %mul3A_358] : memref<200x64x4096xf32, #tpu.memory_space<hbm>> -> memref<1x64x128xf32, #tpu.memory_space<hbm>>
      %dma_start3A_364 = tpu.memref_squeeze %dma_start3A_363 : memref<1x64x128xf32, #tpu.memory_space<hbm>> -> memref<64x128xf32, #tpu.memory_space<hbm>>
      tpu.enqueue_dma source(%arg10 : memref<64x128xf32, #tpu.memory_space<vmem>>) target(%dma_start3A_364 : memref<64x128xf32, #tpu.memory_space<hbm>>) target_semaphore(%arg14 : memref<!tpu.dma_semaphore, #tpu.memory_space<semaphore_mem>>)
      %add3A_365 = arith.constant 2 : i32
      %add3A_366 = arith.addi %add3A_297, %add3A_365 : i32
      %lt3A_367 = arith.constant 200 : i32
      %lt3A_368 = arith.cmpi slt, %add3A_366, %lt3A_367 : i32
      %convert_element_type3A_369 = arith.extui %lt3A_368 : i1 to i32
      %cond3A_370 = arith.constant 0 : i32
      %cond3A_371 = arith.cmpi ne, %convert_element_type3A_369, %cond3A_370 : i32
      scf.if %cond3A_371 {
        %add3A_372 = arith.constant 2 : i32
        %add3A_373 = arith.addi %add3A_297, %add3A_372 : i32
        %add3A_374 = arith.addi %mul3A_2, %add3A_373 : i32
        %mul3A_375 = arith.constant 128 : i32
        %mul3A_376 = arith.muli %add3A_374, %mul3A_375 : i32
        %dma_wait3A_377 = tpu.memref_slice %arg2[%mul3A_376] : memref<819200xi32, #tpu.memory_space<hbm>> -> memref<128xi32, #tpu.memory_space<hbm>>
        %dma_wait3A_378 = tpu.memref_slice %arg2[%mul3A_376] : memref<819200xi32, #tpu.memory_space<hbm>> -> memref<128xi32, #tpu.memory_space<hbm>>
        tpu.wait_dma2 semaphore(%arg16 : memref<!tpu.dma_semaphore, #tpu.memory_space<semaphore_mem>>) src(%dma_wait3A_378 : memref<128xi32, #tpu.memory_space<hbm>>) dst(%arg6 : memref<128xi32, #tpu.memory_space<vmem>>)
        %dma_start3A_379 = arith.constant 0 : i32
        %dma_start3A_380 = arith.constant 0 : i32
        %dma_start3A_381 = tpu.memref_slice %arg3[%dma_start3A_379, %dma_start3A_380] : memref<1000000x64xf32, #tpu.memory_space<hbm>> -> memref<1000000x64xf32, #tpu.memory_space<hbm>>
        tpu.enqueue_indirect_dma source(%dma_start3A_381 : memref<1000000x64xf32, #tpu.memory_space<hbm>>) target(%arg8 : memref<128x64xf32, #tpu.memory_space<vmem>>) offsets(%arg6 : memref<128xi32, #tpu.memory_space<vmem>>) semaphore(%arg12 : memref<!tpu.dma_semaphore, #tpu.memory_space<semaphore_mem>>)
      } else {
      }
    }
    %scan3A_129 = arith.constant 100 : i32
    %add3A_130 = arith.constant 198 : i32
    %add3A_131 = arith.addi %mul3A_2, %add3A_130 : i32
    %jit3A = arith.constant 32 : i32
    %div3A = arith.divsi %add3A_131, %jit3A : i32
    %sign3A = arith.constant 0 : i32
    %sign3A_132 = arith.cmpi sgt, %add3A_131, %sign3A : i32
    %sign3A_133 = arith.extui %sign3A_132 : i1 to i32
    %sign3A_134 = arith.constant 0 : i32
    %sign3A_135 = arith.cmpi slt, %add3A_131, %sign3A_134 : i32
    %sign3A_136 = arith.extui %sign3A_135 : i1 to i32
    %sign3A_137 = arith.subi %sign3A_133, %sign3A_136 : i32
    %sign3A_138 = arith.constant 0 : i32
    %sign3A_139 = arith.cmpi sgt, %jit3A, %sign3A_138 : i32
    %sign3A_140 = arith.extui %sign3A_139 : i1 to i32
    %sign3A_141 = arith.constant 0 : i32
    %sign3A_142 = arith.cmpi slt, %jit3A, %sign3A_141 : i32
    %sign3A_143 = arith.extui %sign3A_142 : i1 to i32
    %sign3A_144 = arith.subi %sign3A_140, %sign3A_143 : i32
    %ne3A = arith.cmpi ne, %sign3A_137, %sign3A_144 : i32
    %rem3A = arith.remsi %add3A_131, %jit3A : i32
    %ne3A_145 = arith.constant 0 : i32
    %ne3A_146 = arith.cmpi ne, %rem3A, %ne3A_145 : i32
    %and3A_147 = arith.andi %ne3A, %ne3A_146 : i1
    %sub3A = arith.constant 1 : i32
    %sub3A_148 = arith.subi %div3A, %sub3A : i32
    %select_n3A = arith.select %and3A_147, %sub3A_148, %div3A : i32
    %jit3A_149 = arith.constant 32 : i32
    %eq3A = arith.constant 0 : i32
    %eq3A_150 = arith.cmpi eq, %jit3A_149, %eq3A : i32
    %jit3A_151 = arith.constant 1 : i32
    %select_n3A_152 = arith.select %eq3A_150, %jit3A_151, %jit3A_149 : i32
    %rem3A_153 = arith.remsi %add3A_131, %select_n3A_152 : i32
    %ne3A_154 = arith.constant 0 : i32
    %ne3A_155 = arith.cmpi ne, %rem3A_153, %ne3A_154 : i32
    %lt3A = arith.constant 0 : i32
    %lt3A_156 = arith.cmpi slt, %rem3A_153, %lt3A : i32
    %lt3A_157 = arith.constant 0 : i32
    %lt3A_158 = arith.cmpi slt, %select_n3A_152, %lt3A_157 : i32
    %ne3A_159 = arith.xori %lt3A_156, %lt3A_158 : i1
    %and3A_160 = arith.andi %ne3A_159, %ne3A_155 : i1
    %add3A_161 = arith.addi %rem3A_153, %select_n3A_152 : i32
    %select_n3A_162 = arith.select %and3A_160, %add3A_161, %rem3A_153 : i32
    %mul3A_163 = arith.constant 128 : i32
    %mul3A_164 = arith.muli %select_n3A_162, %mul3A_163 : i32
    %dma_wait3A_165 = arith.constant 0 : i32
    %dma_wait3A_166 = tpu.memref_slice %arg4[%select_n3A, %dma_wait3A_165, %mul3A_164] : memref<200x64x4096xf32, #tpu.memory_space<hbm>> -> memref<1x64x128xf32, #tpu.memory_space<hbm>>
    %dma_wait3A_167 = tpu.memref_squeeze %dma_wait3A_166 : memref<1x64x128xf32, #tpu.memory_space<hbm>> -> memref<64x128xf32, #tpu.memory_space<hbm>>
    %dma_wait3A_168 = arith.constant 0 : i32
    %dma_wait3A_169 = tpu.memref_slice %arg4[%select_n3A, %dma_wait3A_168, %mul3A_164] : memref<200x64x4096xf32, #tpu.memory_space<hbm>> -> memref<1x64x128xf32, #tpu.memory_space<hbm>>
    %dma_wait3A_170 = tpu.memref_squeeze %dma_wait3A_169 : memref<1x64x128xf32, #tpu.memory_space<hbm>> -> memref<64x128xf32, #tpu.memory_space<hbm>>
    tpu.wait_dma2 semaphore(%arg13 : memref<!tpu.dma_semaphore, #tpu.memory_space<semaphore_mem>>) src(%arg9 : memref<64x128xf32, #tpu.memory_space<vmem>>) dst(%dma_wait3A_170 : memref<64x128xf32, #tpu.memory_space<hbm>>)
    %add3A_171 = arith.constant 199 : i32
    %add3A_172 = arith.addi %mul3A_2, %add3A_171 : i32
    %jit3A_173 = arith.constant 32 : i32
    %div3A_174 = arith.divsi %add3A_172, %jit3A_173 : i32
    %sign3A_175 = arith.constant 0 : i32
    %sign3A_176 = arith.cmpi sgt, %add3A_172, %sign3A_175 : i32
    %sign3A_177 = arith.extui %sign3A_176 : i1 to i32
    %sign3A_178 = arith.constant 0 : i32
    %sign3A_179 = arith.cmpi slt, %add3A_172, %sign3A_178 : i32
    %sign3A_180 = arith.extui %sign3A_179 : i1 to i32
    %sign3A_181 = arith.subi %sign3A_177, %sign3A_180 : i32
    %sign3A_182 = arith.constant 0 : i32
    %sign3A_183 = arith.cmpi sgt, %jit3A_173, %sign3A_182 : i32
    %sign3A_184 = arith.extui %sign3A_183 : i1 to i32
    %sign3A_185 = arith.constant 0 : i32
    %sign3A_186 = arith.cmpi slt, %jit3A_173, %sign3A_185 : i32
    %sign3A_187 = arith.extui %sign3A_186 : i1 to i32
    %sign3A_188 = arith.subi %sign3A_184, %sign3A_187 : i32
    %ne3A_189 = arith.cmpi ne, %sign3A_181, %sign3A_188 : i32
    %rem3A_190 = arith.remsi %add3A_172, %jit3A_173 : i32
    %ne3A_191 = arith.constant 0 : i32
    %ne3A_192 = arith.cmpi ne, %rem3A_190, %ne3A_191 : i32
    %and3A_193 = arith.andi %ne3A_189, %ne3A_192 : i1
    %sub3A_194 = arith.constant 1 : i32
    %sub3A_195 = arith.subi %div3A_174, %sub3A_194 : i32
    %select_n3A_196 = arith.select %and3A_193, %sub3A_195, %div3A_174 : i32
    %jit3A_197 = arith.constant 32 : i32
    %eq3A_198 = arith.constant 0 : i32
    %eq3A_199 = arith.cmpi eq, %jit3A_197, %eq3A_198 : i32
    %jit3A_200 = arith.constant 1 : i32
    %select_n3A_201 = arith.select %eq3A_199, %jit3A_200, %jit3A_197 : i32
    %rem3A_202 = arith.remsi %add3A_172, %select_n3A_201 : i32
    %ne3A_203 = arith.constant 0 : i32
    %ne3A_204 = arith.cmpi ne, %rem3A_202, %ne3A_203 : i32
    %lt3A_205 = arith.constant 0 : i32
    %lt3A_206 = arith.cmpi slt, %rem3A_202, %lt3A_205 : i32
    %lt3A_207 = arith.constant 0 : i32
    %lt3A_208 = arith.cmpi slt, %select_n3A_201, %lt3A_207 : i32
    %ne3A_209 = arith.xori %lt3A_206, %lt3A_208 : i1
    %and3A_210 = arith.andi %ne3A_209, %ne3A_204 : i1
    %add3A_211 = arith.addi %rem3A_202, %select_n3A_201 : i32
    %select_n3A_212 = arith.select %and3A_210, %add3A_211, %rem3A_202 : i32
    %mul3A_213 = arith.constant 128 : i32
    %mul3A_214 = arith.muli %select_n3A_212, %mul3A_213 : i32
    %dma_wait3A_215 = arith.constant 0 : i32
    %dma_wait3A_216 = tpu.memref_slice %arg4[%select_n3A_196, %dma_wait3A_215, %mul3A_214] : memref<200x64x4096xf32, #tpu.memory_space<hbm>> -> memref<1x64x128xf32, #tpu.memory_space<hbm>>
    %dma_wait3A_217 = tpu.memref_squeeze %dma_wait3A_216 : memref<1x64x128xf32, #tpu.memory_space<hbm>> -> memref<64x128xf32, #tpu.memory_space<hbm>>
    %dma_wait3A_218 = arith.constant 0 : i32
    %dma_wait3A_219 = tpu.memref_slice %arg4[%select_n3A_196, %dma_wait3A_218, %mul3A_214] : memref<200x64x4096xf32, #tpu.memory_space<hbm>> -> memref<1x64x128xf32, #tpu.memory_space<hbm>>
    %dma_wait3A_220 = tpu.memref_squeeze %dma_wait3A_219 : memref<1x64x128xf32, #tpu.memory_space<hbm>> -> memref<64x128xf32, #tpu.memory_space<hbm>>
    tpu.wait_dma2 semaphore(%arg14 : memref<!tpu.dma_semaphore, #tpu.memory_space<semaphore_mem>>) src(%arg10 : memref<64x128xf32, #tpu.memory_space<vmem>>) dst(%dma_wait3A_220 : memref<64x128xf32, #tpu.memory_space<hbm>>)
    return
  }
}

</mosaic_0001>

<sc_bundles>
// kernel: kernel.4.cloned.1.call-start
scs
__scs_entry_jumppad:
0x0: {  	(pc) =	sbr.rel $0x88, $3  }
0x1: {  	(tag) =	ssettag $0x0;
	lr =	simm.s32 $0x1  }
0x2: {  	[smem:$0x3F9F] =	sst lr;
	_ =	strace $0xD0000000  }
0x3: {  	_ = 	snop  }
0x4: {  	_ = 	snop  }
0x5: {  	_ = 	snop  }
0x6: {  	_ = 	snop  }
0x7: {  	_ = 	snop  }
__scs_overlays_trampoline_lowered:
0x8: {  	[smem:$0x3FAE] =	sst s0  }
0x9: {  	[smem:$0x3FAF] =	sst s1  }
0xa: {  	[smem:$0x3FB0] =	sst s2  }
0xb: {  	[smem:$0x3FB1] =	sst s3  }
0xc: {  	[smem:$0x3FB2] =	sst s4  }
0xd: {  	[smem:$0x3FB3] =	sst s5  }
0xe: {  	[smem:$0x3FB4] =	sst s6  }
0xf: {  	[smem:$0x3FB5] =	sst s7  }
0x10: {  	[smem:$0x3FB6] =	sst s8  }
0x11: {  	[smem:$0x3FB7] =	sst s9;
	s0 =	simm.s32 @!p0 $0x0  }
0x12: {  	s1 =	sld [smem:$0x3F9D];
	s0 =	simm.s32 @p0 $0x1  }
0x13: {  	[smem:$0x3FB8] =	sst s0;
	s0 =	simm.s32 @!p1 $0x0  }
0x14: {  	s2 =	sld [smem:$0x3F9C];
	s0 =	simm.s32 @p1 $0x1  }
0x15: {  	[smem:$0x3FB9] =	sst s0;
	s0 =	simm.s32 @!p2 $0x0  }
0x16: {  	s3 =	sld [smem:$0x3FDB];
	s0 =	simm.s32 @p2 $0x1  }
0x17: {  	s4 =	simm.s32 $0x1BF5;
	[smem:$0x3FBB] =	sst s0  }
0x18: {  	s0 =	sld [smem:$0x3F9E];
	_ =	swait.ge [sflag:s4], $0x0  }
0x19: {  	s7 =	sld [smem:$0x3F9F]  }
0x1a: {  	s8 =	sadd.s32 $0xFFFFE003, lr  }
0x1b: {  	s9 =	sadd.s32 $0xFFFFFEF7, lr;
	s5 =	simm.s32 $0xFFFFFFFF;
	p2 =	slt.u32 s8, $0xFFFFF086  }
0x1c: {  	p1 =	slt.u32 s9, $0xF7A;
	s5 =	simm.s32 @!p2 $0x0  }
0x1d: {  	s5 =	simm.s32 @p1 $0x1;
	p0 =	seq.s32 s7, s2  }
0x1e: {  	s7 =	smul.u32 @!p0 $0xF7A, s2;
	p2 =	seq.s32 @!p0 s5, $0x0  }
0x1f: {  	s9 =	smul.u32 $0xF7A, s1;
	s8 =	simm.s32 @!p0 $0x1BF5;
	p2 =	por !p2, p0  }
0x20: {  	[sflag:s8] =	ssyncset.s32 @!p0 $0xFFFFF086;
	s6 =	sadd.s32 @!p0 s3, s7;
	s7 =	simm.s32 @!p0 $0x108  }
0x21: {  	s3 =	sadd.s32 s3, s9;
	s6 =	sadd.s32 @!p0 $0x88, s6;
	s7 =	simm.s32 @p2 $0x1082  }
0x22: {  	[simem:s7], [sflag:s8] =	dma.local @!p0 [hbm:s6], $0xF7A  }
0x23: {  	s9 =	sor.u32 $0xD0000000, s2;
	s6 =	simm.s32 $0x108;
	_ =	swait.ge @!p0 [sflag:s8], $0x0  }
0x24: {  	s3 =	sadd.s32 $0x88, s3;
	s6 =	simm.s32 @!p1 $0x1082;
	[sflag:s4] =	ssyncset.s32 $0xFFFFF086  }
0x25: {  	[simem:s6], [sflag:s4] =	dma.local [hbm:s3], $0xF7A  }
0x26: {  	[smem:$0x3F9F] =	sst s1;
	(tag) =	ssettag s2;
	_ =	strace s9  }
0x27: {  	s1 =	sld [smem:$0x3FAF]  }
0x28: {  	s2 =	sld [smem:$0x3FB0]  }
0x29: {  	s4 =	sld [smem:$0x3FB2]  }
0x2a: {  	p0 =	seq.s32 s5, $0x0;
	s5 =	sld [smem:$0x3FB3]  }
0x2b: {  	s6 =	sld [smem:$0x3FB4]  }
0x2c: {  	s7 =	sld [smem:$0x3FB5]  }
0x2d: {  	s3 =	simm.s32 $0x108;
	s8 =	sld [smem:$0x3FB6]  }
0x2e: {  	s3 =	simm.s32 @!p0 $0x1082;
	s9 =	sld [smem:$0x3FB7]  }
0x2f: {  	lr =	sadd.s32 s0, s3;
	s0 =	sld [smem:$0x3FAE]  }
0x30: {  	s3 =	sld [smem:$0x3FB1]  }
0x31: {  	[smem:$0x3FBA] =	sst s10  }
0x32: {  	s10 =	sld [smem:$0x3FB8];
	_ =	sdelay $0x3  }
0x33: {  	p0 =	seq.s32 s10, $0x1;
	s10 =	sld [smem:$0x3FBA];
	_ =	sdelay $0x3  }
0x34: {  	[smem:$0x3FBA] =	sst s10  }
0x35: {  	s10 =	sld [smem:$0x3FB9];
	_ =	sdelay $0x3  }
0x36: {  	p1 =	seq.s32 s10, $0x1;
	s10 =	sld [smem:$0x3FBA];
	_ =	sdelay $0x3  }
0x37: {  	[smem:$0x3FBA] =	sst s10  }
0x38: {  	s10 =	sld [smem:$0x3FBB]  }
0x39: {  	_ = 	snop;
	(pc) =	sbr.ind lr, $3  }
0x3a: {  	_ = 	snop  }
0x3b: {  	_ = 	snop  }
0x3c: {  	p2 =	seq.s32 s10, $0x1;
	s10 =	sld [smem:$0x3FBA]  }
0x3d: {  	_ =	shalt  }
0x3e: {  	_ =	shalt  }
0x3f: {  	_ =	shalt  }
0x40: {  	_ =	shalt  }
0x41: {  	_ =	shalt  }
0x42: {  	_ =	shalt  }
0x43: {  	_ =	shalt  }
0x44: {  	_ =	shalt  }
0x45: {  	_ =	shalt  }
0x46: {  	_ =	shalt  }
0x47: {  	_ =	shalt  }
0x48: {  	_ =	shalt  }
0x49: {  	_ =	shalt  }
0x4a: {  	_ =	shalt  }
0x4b: {  	_ =	shalt  }
0x4c: {  	_ =	shalt  }
0x4d: {  	_ =	shalt  }
0x4e: {  	_ =	shalt  }
0x4f: {  	_ =	shalt  }
0x50: {  	_ =	shalt  }
0x51: {  	_ =	shalt  }
0x52: {  	_ =	shalt  }
0x53: {  	_ =	shalt  }
0x54: {  	_ =	shalt  }
0x55: {  	_ =	shalt  }
0x56: {  	_ =	shalt  }
0x57: {  	_ =	shalt  }
0x58: {  	_ =	shalt  }
0x59: {  	_ =	shalt  }
0x5a: {  	_ =	shalt  }
0x5b: {  	_ =	shalt  }
0x5c: {  	_ =	shalt  }
0x5d: {  	_ =	shalt  }
0x5e: {  	_ =	shalt  }
0x5f: {  	_ =	shalt  }
0x60: {  	_ =	shalt  }
0x61: {  	_ =	shalt  }
0x62: {  	_ =	shalt  }
0x63: {  	_ =	shalt  }
0x64: {  	_ =	shalt  }
0x65: {  	_ =	shalt  }
0x66: {  	_ =	shalt  }
0x67: {  	_ =	shalt  }
0x68: {  	_ =	shalt  }
0x69: {  	_ =	shalt  }
0x6a: {  	_ =	shalt  }
0x6b: {  	_ =	shalt  }
0x6c: {  	_ =	shalt  }
0x6d: {  	_ =	shalt  }
0x6e: {  	_ =	shalt  }
0x6f: {  	_ =	shalt  }
0x70: {  	_ =	shalt  }
0x71: {  	_ =	shalt  }
0x72: {  	_ =	shalt  }
0x73: {  	_ =	shalt  }
0x74: {  	_ =	shalt  }
0x75: {  	_ =	shalt  }
0x76: {  	_ =	shalt  }
0x77: {  	_ =	shalt  }
0x78: {  	_ =	shalt  }
0x79: {  	_ =	shalt  }
0x7a: {  	_ =	shalt  }
0x7b: {  	_ =	shalt  }
0x7c: {  	_ =	shalt  }
0x7d: {  	_ =	shalt  }
0x7e: {  	_ =	shalt  }
0x7f: {  	_ =	shalt  }
0x80: {  	_ =	shalt  }
0x81: {  	_ =	shalt  }
0x82: {  	_ =	shalt  }
0x83: {  	_ =	shalt  }
0x84: {  	_ =	shalt  }
0x85: {  	_ =	shalt  }
0x86: {  	_ =	shalt  }
0x87: {  	_ =	shalt  }
.Lfunc_end0:
.L_simem_size_0:
called_computation_lowered:
.L_overlay_start_0:
0x88: {  	s2 =	sld [smem:$0x3FD9]  }
0x89: {  	s3 =	sld [smem:$0x3FFE];
	_ =	sdelay $0x1  }
0x8a: {  	s1 =	srdreg.scid  }
0x8b: {  	s0 =	sand.u32 $0x1, s1  }
0x8c: {  	s17 =	sshll.u32 s0, $0xA;
	s2 =	sadd.s32 s3, s2  }
0x8d: {  	s2 =	sadd.s32 s2, s17  }
0x8e: {  	[smem:$0x3FC6] =	sst s2  }
0x8f: {  	_ = 	snop  }
0x90: {  	s2 =	sld [smem:$0x3FC8];
	(tm) =	ssettm $0x1  }
0x91: {  	s18 =	sld [smem:$0x3FFB];
	_ =	sdelay $0x3  }
0x92: {  	_ =	strace s18  }
0x93: {  	s3 =	sld [smem:$0x3FFC];
	_ =	sdelay $0x3  }
0x94: {  	_ =	strace s3  }
0x95: {  	s3 =	sld [smem:$0x3FFD];
	_ =	sdelay $0x3  }
0x96: {  	_ =	strace s3  }
0x97: {  	_ =	strace $0x8FFFFFFF  }
0x98: {  	s19 =	sld [smem:$0x3FDB];
	_ =	sdelay $0x1  }
0x99: {  	s4 =	simm.s32 $_scs_section_size  }
0x9a: {  	s5 =	simm.s32 $_size__tile_overlayer_lowered;
	s6 =	simm.s32 $_tile_overlayer_lowered  }
0x9b: {  	s22 =	simm.s32 $0x1BFF;
	s21 =	sshll.u32 s6, $0x1;
	s3 =	sadd.s32 s4, s19  }
0x9c: {  	s7 =	simm.s32 $0x0;
	s20 =	sshll.u32 s5, $0x1;
	s5 =	sadd.s32 s21, s3  }
0x9d: {  	[timem:s7], [sflag:s22] =	dma.local [hbm:s5], s20  }
0x9e: {  	_ =	swait.ge [sflag:s22], s20  }
0x9f: {  	s4 =	ssub.s32 $0x0, s20;
	[sflag:s22] =	ssyncset.done $0x0  }
0xa0: {  	[sflag:s22] =	ssyncadd.s32 s4;
	_ =	sdelay $0x1  }
0xa1: {  	s23 =	simm.s32 $0x1B8B  }
0xa2: {  	_ =	swait.ge [sflag:s23], $0x1  }
0xa3: {  	[sflag:s23] =	ssyncset.done $0x0  }
0xa4: {  	s25 =	simm.s32 $0x1B8E;
	s24 =	sld [smem:$0x3FFE];
	[sflag:s23] =	ssyncadd.s32 $0xFFFFFFFF  }
0xa5: {  	s26 =	simm.s32 $execute0_lowered;
	[smem:$0x3FD2] =	sst s25  }
0xa6: {  	s5 =	sshll.u32 s26, $0x1;
	_ =	strace $0x80000046;
	[dreg:$0x1] =	wrdreg $0xFFFFFFFF  }
0xa7: {  	s28 =	simm.s32 $_size_execute0_lowered;
	s3 =	sadd.s32 s3, s5;
	[dreg:$0x0] =	wrdreg $0x0  }
0xa8: {  	s5 =	sshll.u32 s28, $0x1;
	[dreg:$0x2] =	wrdreg s3  }
0xa9: {  	[dreg:$0x3] =	wrdreg s5  }
0xaa: {  	[dreg:$0x4] =	wrdreg $0xC0  }
0xab: {  	_ =	task [dreg:s7], $0x5FFFF  }
0xac: {  	[dreg:$0x1] =	wrdreg $0xFFFFFFFF  }
0xad: {  	[dreg:$0x0] =	wrdreg $0x60  }
0xae: {  	[dreg:$0x2] =	wrdreg s2  }
0xaf: {  	[dreg:$0x3] =	wrdreg s24  }
0xb0: {  	[dreg:$0x4] =	wrdreg $0x9  }
0xb1: {  	_ =	task.clear_ibuf [dreg:s7], $0x5FFFF;
	_ =	strace $0x90000046  }
0xb2: {  	s29 =	simm.s32 $0x9;
	_ =	strace $0x80000048  }
0xb3: {  	_ =	swait.ge [sflag:s29], $0x1  }
0xb4: {  	[sflag:s29] =	ssyncadd.s32 $0xFFFFFFFF  }
0xb5: {  	_ =	strace $0x90000048  }
0xb6: {  	_ =	sfence  }
0xb7: {  	s30 =	sld [smem:$0x0];
	_ =	sdelay $0x2  }
0xb8: {  	s31 =	sshll.u32 s1, $0xD;
	s1 =	sshrl.u32 s1, $0x2  }
0xb9: {  	s3 =	sand.u32 $0x4000, s31;
	s1 =	sadd.s32 s1, s30  }
0xba: {  	s0 =	sor.u32 s3, s0;
	s1 =	sshll.u32 s1, $0x11  }
0xbb: {  	s0 =	sor.u32 s1, s0  }
0xbc: {  	s0 =	sadd.s32 $0x8F2B, s0  }
0xbd: {  	[sflag:s0] =	ssyncadd.remote.s32 $0x1  }
0xbe: {  	_ =	sfence.sel $0xFFFF  }
0xbf: {  	[dreg:$0x0] =	wrdreg $0xFFFFFFFF;
	(pc) =	sbr.abs _section_cstart, $3  }
0xc0: {  	[dreg:$0x1] =	wrdreg $0xFFFFFFFF  }
0xc1: {  	_ =	task.clear_ibuf [dreg:s7], $0x2FFFF;
	_ =	strace $0x9FFFFFFF  }
0xc2: {  	(tm) =	ssettm $0x7FFFFFFF  }
0xc3: {  	_ =	shalt  }
tec
execute0_lowered:
.L_overlay_start_1:
0x0: {  	(tag) =	ssettag $0x1  }
0x1: {  	v0 =	vlaneseq.u32;
	v1 =	vimm.s32 $0x4B0A4908  }
0x2: {  	v2 =	vimm.s32 $0x4F0E4D0C;
	v4 =	vimm.s32 $0x43024100;
	v5 =	vimm.s32 $0xFEDCBA9  }
0x3: {  	v6 =	vimm.s32 $0x87654321;
	v7 =	vimm.s32 $0x47064504;
	vm0 =	vcmask $0x1F10  }
0x4: {  	v47 =	vimm.s32 $0x10FEDCBA;
	v9 =	vimm.s32 $0x98765432;
	v10 =	vimm.s32 $0x210FEDCB  }
0x5: {  	v13 =	vimm.s32 $0xA9876543;
	v49 =	vimm.s32 $0x3210FEDC;
	v51 =	vimm.s32 $0xBA987654  }
0x6: {  	v52 =	vimm.s32 $0x43210FED;
	v53 =	vimm.s32 $0xCBA98765;
	v55 =	vimm.s32 $0x543210FE  }
0x7: {  	v56 =	vimm.s32 $0xDCBA9876;
	v21 =	vimm.s32 $0x6543210F;
	v22 =	vimm.s32 $0xEDCBA987  }
0x8: {  	v23 =	vimm.s32 $0xFEDCBA98;
	v24 =	vimm.s32 $0x76543210;
	v3 =	vand.u32 $0x7, v0  }
0x9: {  	v1 =	vunpack.c.0.s8.s32 v1;
	v2 =	vunpack.c.0.s8.s32 v2;
	v5 =	vunpack.c.l.s4.s8 v5  }
0xa: {  	v6 =	vunpack.c.l.s4.s8 v6;
	v4 =	vunpack.c.0.s8.s32 v4;
	v7 =	vunpack.c.0.s8.s32 v7  }
0xb: {  	v0 =	vmul.u32 $0x100, v0;
	v9 =	vunpack.c.l.s4.s8 v9;
	v10 =	vunpack.c.l.s4.s8 v10  }
0xc: {  	v48 =	vunpack.c.l.s4.s8 v13;
	v50 =	vunpack.c.l.s4.s8 v49;
	v21 =	vunpack.c.l.s4.s8 v21  }
0xd: {  	v22 =	vunpack.c.l.s4.s8 v22;
	v23 =	vunpack.c.l.s4.s8 v23;
	v57 =	vunpack.c.l.s4.s8 v24  }
0xe: {  	v8 =	vsel vm0, v2, v1;
	v11 =	vunpack.c.0.s8.s32 v5;
	v12 =	vunpack.c.0.s8.s32 v6  }
0xf: {  	v4 =	vsel vm0, v7, v4;
	v1 =	vimm.s32 $0xB4A0948;
	v2 =	vimm.s32 $0xF4E0D4C  }
0x10: {  	[tilespmem:$0x1FEE0] =	vst v0;
	v0 =	vmul.u32 $0x80, v3;
	v13 =	vunpack.c.0.s8.s32 v9;
	v15 =	vunpack.c.0.s8.s32 v10  }
0x11: {  	v16 =	vunpack.c.0.s8.s32 v48;
	v9 =	vunpack.c.l.s4.s8 v51;
	v17 =	vunpack.c.0.s8.s32 v50  }
0x12: {  	s0 =	rddreg [dreg:$0x0];
	s2 =	srdreg.scid;
	v21 =	vunpack.c.0.s8.s32 v21;
	v22 =	vunpack.c.0.s8.s32 v22;
	v23 =	vunpack.c.0.s8.s32 v23  }
0x13: {  	s1 =	stileid.u32;
	s5 =	rddreg [dreg:$0x1];
	s28 =	simm.s32 $0x4800;
	v24 =	vunpack.c.0.s8.s32 v57;
	v6 =	vunpack.c.0.s8.s32 v1;
	v7 =	vunpack.c.0.s8.s32 v2  }
0x14: {  	s29 =	simm.s32 $0x5000;
	s30 =	simm.s32 $0x5800;
	s31 =	simm.s32 $0x6000;
	v3 =	vcombine.low v4, v8;
	v8 =	vunpack.c.l.s4.s8 v47;
	v5 =	vcombine.low v12, v11  }
0x15: {  	s15 =	simm.s32 $0x7000;
	s6 =	sand.u32 $0x1, s2;
	s3 =	sshll.u32 s1, $0x1;
	v10 =	vcombine.low v16, v15;
	v18 =	vunpack.c.0.s8.s32 v9;
	v9 =	vunpack.c.l.s4.s8 v53  }
0x16: {  	s2 =	simm.s32 $0x0;
	s20 =	sadd.s32 $0xA00, s5;
	s4 =	sor.u32 s6, s3;
	v28 =	vcombine.low v22, v21;
	v23 =	vand.u32 $0xF, v23;
	v59 =	vcombine.low v11, v12  }
0x17: {  	p1 =	seq.s32 s1, $0x0;
	p0 =	sne.s32 s1, $0x0;
	s7 =	sshll.u32 s4, $0xB;
	v15 =	vcombine.low v15, v16;
	v14 =	vunpack.c.0.s8.s32 v8;
	v8 =	vunpack.c.l.s4.s8 v52  }
0x18: {  	s1 =	simm.s32 $0x6800;
	[smem:$0x7FF] =	sst s2;
	s8 =	sshrl.u32 s7, $0x3;
	[tilespmem:$0x1FEF0] =	vst v0;
	v62 =	vcombine.low v23, v24;
	v0 =	vand.u32 $0xF, v5;
	v5 =	vsel vm0, v7, v6  }
0x19: {  	s8 =	sadd.s32 s0, s8;
	v6 =	vimm.s32 $0x3420140;
	v7 =	vimm.s32 $0x7460544;
	v54 =	vcombine.low v18, v17;
	[tilespmem:$0x1FF00] =	vst v0  }
0x1a: {  	s11 =	sadd.s32 $0x1E8500, s8;
	v20 =	vunpack.c.0.s8.s32 v9;
	v9 =	vunpack.c.l.s4.s8 v56;
	v16 =	vcombine.low v17, v18;
	_ =	strace $0x80000047;
	[tilespmem:$0x1FF80] =	vst v3  }
0x1b: {  	s3 =	sadd.s32 $0xC00, s5;
	s19 =	sadd.s32 $0x2DC780, s8;
	v18 =	vand.u32 $0xF, v15;
	v6 =	vunpack.c.0.s8.s32 v6;
	v7 =	vunpack.c.0.s8.s32 v7;
	[dreg:$0x3] =	wrdreg s11;
	[tilespmem:$0x1FFB0] =	vst v62  }
0x1c: {  	s9 =	ssub.s32 $0x2, s6;
	s6 =	sshll.u32 s6, $0xB;
	v63 =	vand.u32 $0xF, v28;
	v61 =	vand.u32 $0xF, v59;
	v19 =	vunpack.c.0.s8.s32 v8;
	[dreg:$0x4] =	wrdreg s19;
	[tilespmem:$0x1FFC0] =	vst v18  }
0x1d: {  	s5 =	sadd.s32 $0x7A1C00, s5;
	s21 =	sadd.s32 $0x3D0A00, s8;
	v8 =	vunpack.c.l.s4.s8 v55;
	[dreg:$0x5] =	wrdreg s20;
	[tilespmem:$0x1FFD0] =	vst v61;
	v6 =	vsel vm0, v7, v6;
	v7 =	vcombine.low v13, v14  }
0x1e: {  	s10 =	sshrl.u32 s9, $0x1;
	s23 =	sadd.s32 $0x4C4C80, s8;
	[dreg:$0x6] =	wrdreg s21;
	v56 =	vand.u32 $0xF, v16;
	[tilespmem:$0x1FFE0] =	vst v63;
	v17 =	vcombine.low v19, v20  }
0x1f: {  	s22 =	sshll.u32 s4, $0x8;
	s24 =	sadd.s32 $0x5B8F00, s8;
	[dreg:$0x7] =	wrdreg s23;
	v26 =	vunpack.c.0.s8.s32 v9;
	v25 =	vunpack.c.0.s8.s32 v8;
	[tilespmem:$0x1FFA0] =	vst v56;
	v0 =	vand.u32 $0xF, v7  }
0x20: {  	s9 =	ssub.s32 s9, s10;
	s10 =	sadd.s32 s0, s22;
	[dreg:$0x8] =	wrdreg s24;
	v15 =	vand.u32 $0xF, v17;
	[tilespmem:$0x1FF10] =	vst v0  }
0x21: {  	s13 =	sor.u32 $0x40, s4;
	s25 =	sadd.s32 $0xF4280, s8;
	[dreg:$0x9] =	wrdreg s10;
	v27 =	vcombine.low v26, v25;
	v0 =	vand.u32 $0xF, v10;
	[tilespmem:$0x1FFF0] =	vst v15  }
0x22: {  	s6 =	sadd.s32 s6, s3;
	s8 =	sadd.s32 $0x6AD180, s8;
	[dreg:$0xa] =	wrdreg s25;
	v2 =	vcombine.low v25, v26;
	[tilespmem:$0x1FF20] =	vst v0;
	v0 =	vand.u32 $0xF, v54  }
0x23: {  	s18 =	sor.u32 $0x20, s4;
	s6 =	sadd.s32 $0x7A0000, s6;
	[dreg:$0xb] =	wrdreg s8;
	v58 =	vcombine.low v20, v19;
	v1 =	vand.u32 $0xF, v27;
	[tilespmem:$0x1FF30] =	vst v0  }
.Ltmp0:
0x24: {  	p2 =	sne.s32 s4, $0x2;
	[dreg:$0xc] =	wrdreg s6;
	v14 =	vcombine.low v14, v13;
	v13 =	vand.u32 $0xF, v2;
	[tilespmem:$0x1FF50] =	vst v1;
	(pc) =	sbr.rel .LBB2_1-.Ltmp0, $4  }
0x25: {  	s4 =	simm.s32 $0x7800;
	s26 =	smax.u32 s9, $0x1;
	[dreg:$0xd] =	wrdreg s5;
	v19 =	vcombine.low v21, v22;
	v0 =	vand.u32 $0xF, v58;
	[tilespmem:$0x1FF90] =	vst v13  }
0x26: {  	s14 =	sadd.s32 s3, s7;
	s7 =	simm.s32 $0x2;
	[dreg:$0xe] =	wrdreg s26;
	v1 =	vand.u32 $0xF, v14;
	[tilespmem:$0x1FF40] =	vst v0  }
0x27: {  	s25 =	simm.s32 $0x3800;
	s26 =	simm.s32 $0x4000;
	s5 =	simm.s32 $0x1;
	[tilespmem:$0x1FF60] =	vst v1;
	v0 =	vand.u32 $0xF, v19  }
0x28: {  	s6 =	simm.s32 $0x8000;
	s8 =	simm.s32 $0xC000;
	s11 =	simm.s32 $0x0;
	v5 =	vcombine.low v6, v5;
	[tilespmem:$0x1FF70] =	vst v0  }
.LBB2_11:
0x29: {  	s9 =	simm.s32 $0x3  }
0x2a: {  	_ =	swait.ge [sflag:s9], $0x4000  }
0x2b: {  	[sflag:s9] =	ssyncset.done $0x0  }
0x2c: {  	s23 =	simm.s32 $0x4;
	[sflag:s9] =	ssyncadd.s32 $0xFFFFC000  }
0x2d: {  	_ =	swait.ge [sflag:s23], $0x4000  }
0x2e: {  	s10 =	simm.s32 @!p2 $0x8000;
	[sflag:s23] =	ssyncset.done $0x0  }
0x2f: {  	s9 =	simm.s32 @!p2 $0x0;
	s12 =	rddreg [dreg:$0x5];
	[sflag:s23] =	ssyncadd.s32 $0xFFFFC000  }
0x30: {  	[tilespmem:s10], [sflag:$0x5] =	stream.linear.gather @!p2 [hbm4b:s12+s9], $0x1000, $0x38;
	[tilespmem:$0x10000] =	vst v63  }
0x31: {  	s12 =	simm.s32 @!p2 $0x5  }
0x32: {  	_ =	swait.ge @!p2 [sflag:s12], $0x1000  }
0x33: {  	[sflag:s12] =	ssyncset.done @!p2 $0x0  }
0x34: {  	s16 =	rddreg [dreg:$0xd];
	[sflag:s12] =	ssyncadd.s32 @!p2 $0xFFFFF000  }
0x35: {  	[hbm4b:s16+s9] =	stream.linear.scatter @!p2 [tilespmem:s10], [sflag:$0x5], $0x1000, $0x38;
	[tilespmem:$0x10000] =	vst v63  }
0x36: {  	_ =	swait.ge @!p2 [sflag:s12], $0x1000  }
0x37: {  	s11 =	sadd.s32 $0x1, s11;
	s24 =	rddreg [dreg:$0xe]  }
0x38: {  	p3 =	sne.s32 s11, s24  }
.Ltmp1:
0x39: {  	_ = 	snop;
	(pc) =	sbr.rel @!p3 .LBB2_12-.Ltmp1, $3  }
0x3a: {  	_ =	sdelay $0x1  }
0x3b: {  	[sflag:s12] =	ssyncset.done @!p2 $0x0  }
0x3c: {  	[sflag:s12] =	ssyncadd.s32 @!p2 $0xFFFFF000  }
.LBB2_1:
0x3d: {  	s9 =	rddreg [dreg:$0x9]  }
0x3e: {  	[tilespmem:s2], [sflag:$0x1] =	stream.linear.gather [hbm4b:s9+s2], $0x800, $0x38;
	[tilespmem:$0x10000] =	vst v63  }
0x3f: {  	s22 =	rddreg [dreg:$0xa];
	s10 =	simm.s32 $0x800  }
0x40: {  	[tilespmem:s10], [sflag:$0x1] =	stream.linear.gather [hbm4b:s22+s2], $0x800, $0x38;
	[tilespmem:$0x10000] =	vst v63  }
0x41: {  	s23 =	rddreg [dreg:$0x3];
	s24 =	simm.s32 $0x1000  }
0x42: {  	[tilespmem:s24], [sflag:$0x1] =	stream.linear.gather [hbm4b:s23+s2], $0x800, $0x38;
	[tilespmem:$0x10000] =	vst v63  }
0x43: {  	s12 =	rddreg [dreg:$0x4];
	s16 =	simm.s32 $0x1800  }
0x44: {  	[tilespmem:s16], [sflag:$0x1] =	stream.linear.gather [hbm4b:s12+s2], $0x800, $0x38;
	[tilespmem:$0x10000] =	vst v63  }
0x45: {  	s17 =	rddreg [dreg:$0x6];
	s19 =	simm.s32 $0x2000  }
0x46: {  	[tilespmem:s19], [sflag:$0x1] =	stream.linear.gather [hbm4b:s17+s2], $0x800, $0x38;
	[tilespmem:$0x10000] =	vst v63  }
0x47: {  	s20 =	rddreg [dreg:$0x7];
	s21 =	simm.s32 $0x2800  }
0x48: {  	[tilespmem:s21], [sflag:$0x1] =	stream.linear.gather [hbm4b:s20+s2], $0x800, $0x38;
	[tilespmem:$0x10000] =	vst v63  }
0x49: {  	s22 =	rddreg [dreg:$0x8];
	s23 =	simm.s32 $0x3000  }
0x4a: {  	[tilespmem:s23], [sflag:$0x1] =	stream.linear.gather [hbm4b:s22+s2], $0x800, $0x38;
	[tilespmem:$0x10000] =	vst v63  }
0x4b: {  	s24 =	rddreg [dreg:$0xb];
	s12 =	simm.s32 $0x0  }
0x4c: {  	v2 =	vld [tilespmem:$0x1FF60];
	[tilespmem:s25], [sflag:$0x1] =	stream.linear.gather [hbm4b:s24+s2], $0x800, $0x38  }
.LBB2_2:
0x4d: {  	s17 =	sshll.u32 s12, $0x6  }
0x4e: {  	s9 =	sor.u32 s18, s17  }
0x4f: {  	s10 =	sshll.u32 s9, $0x8;
	s16 =	sshll.u32 s9, $0xB  }
0x50: {  	s20 =	sadd.s32 s0, s10;
	s21 =	sshrl.u32 s16, $0x3  }
0x51: {  	[tilespmem:s26], [sflag:$0x2] =	stream.linear.gather [hbm4b:s20+s2], $0x800, $0x38;
	[tilespmem:$0x10000] =	vst v63  }
0x52: {  	s9 =	sadd.s32 s0, s21  }
0x53: {  	s22 =	sadd.s32 $0xF4280, s9  }
0x54: {  	[tilespmem:s28], [sflag:$0x2] =	stream.linear.gather [hbm4b:s22+s2], $0x800, $0x38;
	[tilespmem:$0x10000] =	vst v63  }
0x55: {  	s23 =	sadd.s32 $0x1E8500, s9  }
0x56: {  	[tilespmem:s29], [sflag:$0x2] =	stream.linear.gather [hbm4b:s23+s2], $0x800, $0x38;
	[tilespmem:$0x10000] =	vst v63  }
0x57: {  	s24 =	sadd.s32 $0x2DC780, s9  }
0x58: {  	[tilespmem:s30], [sflag:$0x2] =	stream.linear.gather [hbm4b:s24+s2], $0x800, $0x38;
	[tilespmem:$0x10000] =	vst v63  }
0x59: {  	s19 =	sadd.s32 $0x3D0A00, s9  }
0x5a: {  	[tilespmem:s31], [sflag:$0x2] =	stream.linear.gather [hbm4b:s19+s2], $0x800, $0x38;
	[tilespmem:$0x10000] =	vst v63  }
0x5b: {  	s20 =	sadd.s32 $0x4C4C80, s9  }
0x5c: {  	[tilespmem:s1], [sflag:$0x2] =	stream.linear.gather [hbm4b:s20+s2], $0x800, $0x38;
	[tilespmem:$0x10000] =	vst v63  }
0x5d: {  	s21 =	sadd.s32 $0x5B8F00, s9  }
0x5e: {  	[tilespmem:s15], [sflag:$0x2] =	stream.linear.gather [hbm4b:s21+s2], $0x800, $0x38;
	[tilespmem:$0x10000] =	vst v63  }
0x5f: {  	s9 =	sadd.s32 $0x6AD180, s9  }
0x60: {  	[tilespmem:s4], [sflag:$0x2] =	stream.linear.gather [hbm4b:s9+s2], $0x800, $0x38;
	[tilespmem:$0x10000] =	vst v63  }
0x61: {  	_ =	swait.ge [sflag:s5], $0x800  }
0x62: {  	[sflag:s5] =	ssyncset.done $0x0  }
0x63: {  	[sflag:s5] =	ssyncadd.s32 $0xFFFFF800  }
0x64: {  	_ =	swait.ge [sflag:s5], $0x800  }
0x65: {  	[sflag:s5] =	ssyncset.done $0x0  }
0x66: {  	[sflag:s5] =	ssyncadd.s32 $0xFFFFF800  }
0x67: {  	_ =	swait.ge [sflag:s5], $0x800  }
0x68: {  	[sflag:s5] =	ssyncset.done $0x0  }
0x69: {  	[sflag:s5] =	ssyncadd.s32 $0xFFFFF800  }
0x6a: {  	_ =	swait.ge [sflag:s5], $0x800  }
0x6b: {  	[sflag:s5] =	ssyncset.done $0x0  }
0x6c: {  	[sflag:s5] =	ssyncadd.s32 $0xFFFFF800  }
0x6d: {  	_ =	swait.ge [sflag:s5], $0x800  }
0x6e: {  	[sflag:s5] =	ssyncset.done $0x0  }
0x6f: {  	[sflag:s5] =	ssyncadd.s32 $0xFFFFF800  }
0x70: {  	_ =	swait.ge [sflag:s5], $0x800  }
0x71: {  	[sflag:s5] =	ssyncset.done $0x0  }
0x72: {  	[sflag:s5] =	ssyncadd.s32 $0xFFFFF800  }
0x73: {  	_ =	swait.ge [sflag:s5], $0x800  }
0x74: {  	s22 =	simm.s32 $0x0;
	v19 =	vld [tilespmem:$0x1FEE0]  }
0x75: {  	s23 =	sand.u32 $0x20, s22;
	[sflag:s5] =	ssyncset.done $0x0;
	v0 =	vld [tilespmem:$0x1FEF0]  }
0x76: {  	s24 =	sor.u32 $0x10, s23;
	s20 =	sand.u32 $0xF0, s22;
	[sflag:s5] =	ssyncadd.s32 $0xFFFFF800  }
0x77: {  	v21 =	vmov s24;
	v20 =	vmov s20;
	_ =	swait.ge [sflag:s5], $0x800  }
0x78: {  	p3 =	seq.s32 s12, $0x0;
	v21 =	vshll.u32 v21, $0x8;
	v20 =	vshll.u32 v20, $0x3;
	[sflag:s5] =	ssyncset.done $0x0  }
0x79: {  	v1 =	vlaneseq.u32;
	s19 =	simm.s32 @!p3 $0x3;
	v20 =	vand.u32 $0x400, v20;
	[sflag:s5] =	ssyncadd.s32 $0xFFFFF800;
	v21 =	vor.u32 v19, v21  }
0x7a: {  	v22 =	vor.u32 s20, v1;
	v20 =	vor.u32 v0, v20;
	_ =	swait.ge @!p3 [sflag:s19], $0x4000;
	v21 =	vand.u32 $0x3800, v21  }
0x7b: {  	v23 =	vand.u32 $0x7F, v22;
	v6 =	vld [tilespmem:$0x1FF00];
	v30 =	vor.u32 v21, v20  }
0x7c: {  	v21 =	vor.u32 v23, v30;
	_ =	sdelay $0x2  }
0x7d: {  	v22 =	vshll.u32 v22, $0x6;
	[sflag:s19] =	ssyncset.done @!p3 $0x0  }
0x7e: {  	v55 =	vor.u32 s24, v3;
	v22 =	vand.u32 $0x3F80, v22;
	v7 =	vld [tilespmem:$0x1FF10];
	[sflag:s19] =	ssyncadd.s32 @!p3 $0xFFFFC000;
	v24 =	vor.u32 s20, v6  }
0x7f: {  	v26 =	vor.u32 v55, v22;
	v25 =	vand.u32 $0x7F, v24;
	v21 =	vld.idx.msk [tilespmem:v21+s2+$0x0], $0xffff  }
0x80: {  	v31 =	vmov s23;
	v27 =	vor.u32 v25, v30  }
0x81: {  	v31 =	vshll.u32 v31, $0x8  }
0x82: {  	v31 =	vor.u32 v19, v31  }
0x83: {  	v54 =	vor.u32 s24, v5;
	v31 =	vand.u32 $0x2800, v31;
	v24 =	vshll.u32 v24, $0x6  }
0x84: {  	v60 =	vor.u32 v31, v20;
	v28 =	vor.u32 s20, v7;
	[tilespmem:v26+s6+$0x0] =	vst.idx.msk $0xffff, v21;
	v21 =	vand.u32 $0x3F80, v24  }
0x85: {  	v23 =	vor.u32 v23, v60;
	v26 =	vand.u32 $0x7F, v28;
	v24 =	vld.idx.msk [tilespmem:v27+s2+$0x0], $0xffff;
	v27 =	vor.u32 v54, v21  }
0x86: {  	v33 =	vor.u32 v26, v30;
	v9 =	vld [tilespmem:$0x1FF20];
	_ =	sdelay $0x3  }
0x87: {  	v57 =	vor.u32 s23, v3;
	v23 =	vld.idx.msk [tilespmem:v23+s2+$0x0], $0xffff;
	v28 =	vshll.u32 v28, $0x6;
	[tilespmem:v27+s6+$0x0] =	vst.idx.msk $0xffff, v24  }
0x88: {  	v22 =	vor.u32 v57, v22;
	v20 =	vor.u32 s20, v9;
	v24 =	vand.u32 $0x3F80, v28;
	v27 =	vld.idx.msk [tilespmem:v33+s2+$0x0], $0xffff  }
0x89: {  	v25 =	vor.u32 v25, v60;
	v28 =	vand.u32 $0x7F, v20;
	v31 =	vor.u32 v55, v24;
	v10 =	vld [tilespmem:$0x1FF30]  }
0x8a: {  	v50 =	vor.u32 v28, v30;
	_ =	sdelay $0x2  }
0x8b: {  	v20 =	vshll.u32 v20, $0x6;
	[tilespmem:v22+s6+$0x0] =	vst.idx.msk $0xffff, v23  }
0x8c: {  	v20 =	vand.u32 $0x3F80, v20;
	v23 =	vld.idx.msk [tilespmem:v25+s2+$0x0], $0xffff;
	v36 =	vor.u32 s20, v10;
	[tilespmem:v31+s6+$0x0] =	vst.idx.msk $0xffff, v27  }
0x8d: {  	v4 =	vor.u32 s23, v5;
	v37 =	vor.u32 v54, v20;
	v27 =	vld.idx.msk [tilespmem:v50+s2+$0x0], $0xffff;
	v31 =	vand.u32 $0x7F, v36  }
0x8e: {  	v21 =	vor.u32 v4, v21;
	v12 =	vld [tilespmem:$0x1FF40];
	v38 =	vor.u32 v31, v30;
	_ =	sdelay $0x3  }
0x8f: {  	v22 =	vshll.u32 v36, $0x6;
	[tilespmem:v37+s6+$0x0] =	vst.idx.msk $0xffff, v27  }
0x90: {  	[tilespmem:v21+s6+$0x0] =	vst.idx.msk $0xffff, v23;
	v22 =	vand.u32 $0x3F80, v22;
	v25 =	vor.u32 s20, v12;
	v27 =	vld.idx.msk [tilespmem:v38+s2+$0x0], $0xffff  }
0x91: {  	v26 =	vor.u32 v26, v60;
	v52 =	vor.u32 v55, v22;
	v51 =	vand.u32 $0x7F, v25;
	v11 =	vld [tilespmem:$0x1FF50]  }
0x92: {  	v53 =	vor.u32 v51, v30;
	_ =	sdelay $0x2  }
0x93: {  	v21 =	vshll.u32 v25, $0x6  }
0x94: {  	v23 =	vor.u32 v57, v24;
	v24 =	vld.idx.msk [tilespmem:v26+s2+$0x0], $0xffff;
	v26 =	vand.u32 $0x3F80, v21;
	v25 =	vor.u32 s20, v11;
	[tilespmem:v52+s6+$0x0] =	vst.idx.msk $0xffff, v27  }
0x95: {  	s22 =	simm.s32 $0x20;
	s21 =	simm.s32 $0x8;
	v21 =	vor.u32 v28, v60;
	v58 =	vor.u32 v54, v26;
	v27 =	vld.idx.msk [tilespmem:v53+s2+$0x0], $0xffff;
	v28 =	vand.u32 $0x7F, v25  }
0x96: {  	s23 =	sand.u32 $0x20, s22;
	v39 =	vor.u32 s20, v63;
	s10 =	sand.u32 $0xF0, s21;
	v59 =	vor.u32 v4, v20;
	v20 =	vor.u32 v28, v30  }
0x97: {  	v34 =	vor.u32 s20, v62;
	v43 =	vand.u32 $0x7F, v39;
	v40 =	vmov s10;
	s19 =	sor.u32 $0x10, s23  }
0x98: {  	v41 =	vor.u32 s10, v1;
	v42 =	vmov s19;
	v31 =	vor.u32 v31, v60  }
0x99: {  	[tilespmem:v23+s6+$0x0] =	vst.idx.msk $0xffff, v24;
	v23 =	vshll.u32 v40, $0x3;
	v24 =	vshll.u32 v42, $0x8;
	v25 =	vshll.u32 v25, $0x6  }
0x9a: {  	v23 =	vand.u32 $0x400, v23;
	v24 =	vor.u32 v19, v24;
	v21 =	vld.idx.msk [tilespmem:v21+s2+$0x0], $0xffff;
	v40 =	vand.u32 $0x3F80, v25;
	[tilespmem:v58+s6+$0x0] =	vst.idx.msk $0xffff, v27  }
0x9b: {  	v37 =	vor.u32 v0, v23;
	v27 =	vor.u32 v55, v40;
	v25 =	vld.idx.msk [tilespmem:v20+s2+$0x0], $0xffff;
	v20 =	vand.u32 $0x3800, v24  }
0x9c: {  	v42 =	vand.u32 $0x7F, v41;
	v24 =	vor.u32 v43, v30;
	v20 =	vor.u32 v20, v37  }
0x9d: {  	v46 =	vand.u32 $0x7F, v34;
	v44 =	vor.u32 v42, v20  }
0x9e: {  	v49 =	vor.u32 v46, v30  }
0x9f: {  	v33 =	vor.u32 s10, v6;
	v45 =	vor.u32 v57, v22;
	v23 =	vshll.u32 v39, $0x6;
	[tilespmem:v59+s6+$0x0] =	vst.idx.msk $0xffff, v21  }
0xa0: {  	v36 =	vor.u32 v51, v60;
	v31 =	vld.idx.msk [tilespmem:v31+s2+$0x0], $0xffff;
	[tilespmem:v27+s6+$0x0] =	vst.idx.msk $0xffff, v25;
	v25 =	vshll.u32 v41, $0x6;
	v27 =	vand.u32 $0x3F80, v23  }
0xa1: {  	v23 =	vor.u32 s19, v3;
	v24 =	vld.idx.msk [tilespmem:v24+s2+$0x0], $0xffff;
	v25 =	vand.u32 $0x3F80, v25;
	v35 =	vor.u32 v54, v27  }
0xa2: {  	v47 =	vand.u32 $0x7F, v33;
	v21 =	vor.u32 s23, v3;
	v44 =	vld.idx.msk [tilespmem:v44+s2+$0x0], $0xffff;
	v48 =	vor.u32 v23, v25  }
0xa3: {  	v22 =	vmov s23;
	v50 =	vor.u32 v21, v25;
	v25 =	vor.u32 v47, v20  }
0xa4: {  	v22 =	vshll.u32 v22, $0x8;
	v39 =	vshll.u32 v34, $0x6  }
0xa5: {  	v51 =	vor.u32 v19, v22;
	v26 =	vor.u32 v4, v26;
	v38 =	vand.u32 $0x3F80, v39;
	[tilespmem:v45+s6+$0x0] =	vst.idx.msk $0xffff, v31  }
0xa6: {  	v22 =	vor.u32 s23, v5;
	v32 =	vor.u32 v55, v38;
	v36 =	vld.idx.msk [tilespmem:v36+s2+$0x0], $0xffff;
	[tilespmem:v35+s6+$0x0] =	vst.idx.msk $0xffff, v24;
	v24 =	vshll.u32 v33, $0x6  }
0xa7: {  	v31 =	vor.u32 s10, v7;
	[tilespmem:v48+s6+$0x0] =	vst.idx.msk $0xffff, v44;
	v59 =	vand.u32 $0x3F80, v24;
	v24 =	vor.u32 s19, v5;
	v41 =	vld.idx.msk [tilespmem:v49+s2+$0x0], $0xffff  }
0xa8: {  	v58 =	vor.u32 s20, v61;
	v33 =	vand.u32 $0x7F, v31;
	v34 =	vor.u32 v24, v59;
	v53 =	vld.idx.msk [tilespmem:v25+s2+$0x0], $0xffff  }
0xa9: {  	v28 =	vor.u32 v28, v60;
	v52 =	vand.u32 $0x7F, v58;
	v35 =	vor.u32 v33, v20  }
0xaa: {  	v29 =	vor.u32 v52, v30;
	v45 =	vor.u32 s20, v2;
	v31 =	vshll.u32 v31, $0x6  }
0xab: {  	[tilespmem:v26+s6+$0x0] =	vst.idx.msk $0xffff, v36;
	v48 =	vshll.u32 v58, $0x6;
	v31 =	vand.u32 $0x3F80, v31;
	v25 =	vand.u32 $0x2800, v51  }
0xac: {  	v39 =	vor.u32 v22, v59;
	v36 =	vand.u32 $0x3F80, v48;
	v51 =	vor.u32 v23, v31;
	[tilespmem:v32+s6+$0x0] =	vst.idx.msk $0xffff, v41  }
0xad: {  	v25 =	vor.u32 v25, v37;
	v37 =	vor.u32 v57, v40;
	v41 =	vor.u32 s10, v9;
	[tilespmem:v34+s6+$0x0] =	vst.idx.msk $0xffff, v53  }
0xae: {  	v8 =	vor.u32 v4, v36;
	v40 =	vor.u32 v42, v25;
	v59 =	vand.u32 $0x7F, v41;
	v48 =	vld.idx.msk [tilespmem:v35+s2+$0x0], $0xffff  }
0xaf: {  	v26 =	vor.u32 v33, v25;
	v33 =	vor.u32 v21, v31;
	v31 =	vor.u32 v59, v20  }
0xb0: {  	v58 =	vand.u32 $0x7F, v45;
	v42 =	vor.u32 v47, v25;
	v47 =	vor.u32 v54, v36;
	v49 =	vld.idx.msk [tilespmem:v29+s2+$0x0], $0xffff;
	[tilespmem:$0x1FE50] =	vst v8  }
0xb1: {  	v43 =	vor.u32 v43, v60;
	v32 =	vshll.u32 v45, $0x6;
	v8 =	vor.u32 v58, v60;
	v28 =	vld.idx.msk [tilespmem:v28+s2+$0x0], $0xffff  }
0xb2: {  	v45 =	vor.u32 s20, v18;
	v53 =	vor.u32 v58, v30;
	v34 =	vshll.u32 v41, $0x6;
	[tilespmem:$0x1FE60] =	vst v8  }
0xb3: {  	v29 =	vor.u32 v57, v38;
	v58 =	vor.u32 s10, v10;
	v38 =	vand.u32 $0x3F80, v34;
	v41 =	vld.idx.msk [tilespmem:v40+s2+$0x0], $0xffff;
	[tilespmem:v51+s6+$0x0] =	vst.idx.msk $0xffff, v48  }
0xb4: {  	v35 =	vor.u32 v59, v25;
	v51 =	vor.u32 v24, v38;
	v48 =	vld.idx.msk [tilespmem:v31+s2+$0x0], $0xffff;
	v31 =	vand.u32 $0x7F, v58  }
0xb5: {  	v36 =	vand.u32 $0x3F80, v32;
	v44 =	vor.u32 v22, v38;
	[tilespmem:v47+s6+$0x0] =	vst.idx.msk $0xffff, v49;
	v49 =	vor.u32 v31, v20  }
0xb6: {  	v40 =	vand.u32 $0x7F, v45;
	v8 =	vmov v13;
	v13 =	vor.u32 v57, v36;
	[tilespmem:v37+s6+$0x0] =	vst.idx.msk $0xffff, v28  }
0xb7: {  	v59 =	vor.u32 v40, v30;
	v47 =	vor.u32 v55, v36;
	v58 =	vshll.u32 v58, $0x6;
	[tilespmem:$0x1FE90] =	vst v13  }
0xb8: {  	v28 =	vshll.u32 v45, $0x6;
	v45 =	vor.u32 s10, v12;
	v36 =	vand.u32 $0x3F80, v58;
	v37 =	vld.idx.msk [tilespmem:v53+s2+$0x0], $0xffff;
	[tilespmem:v50+s6+$0x0] =	vst.idx.msk $0xffff, v41  }
0xb9: {  	v38 =	vor.u32 s20, v56;
	v32 =	vand.u32 $0x7F, v45;
	v13 =	vor.u32 v21, v36;
	v42 =	vld.idx.msk [tilespmem:v42+s2+$0x0], $0xffff;
	[tilespmem:v51+s6+$0x0] =	vst.idx.msk $0xffff, v48  }
0xba: {  	v14 =	vor.u32 v32, v25;
	v48 =	vand.u32 $0x7F, v38;
	v49 =	vld.idx.msk [tilespmem:v49+s2+$0x0], $0xffff;
	[tilespmem:$0x1FE70] =	vst v13  }
0xbb: {  	v28 =	vand.u32 $0x3F80, v28;
	v43 =	vld.idx.msk [tilespmem:v43+s2+$0x0], $0xffff;
	[tilespmem:$0x1FE80] =	vst v14;
	v14 =	vor.u32 v48, v60  }
0xbc: {  	v27 =	vor.u32 v4, v27;
	v50 =	vor.u32 v54, v28;
	v51 =	vor.u32 v23, v36;
	[tilespmem:$0x1FEA0] =	vst v14  }
0xbd: {  	v58 =	vor.u32 v32, v20;
	v17 =	vor.u32 v4, v28;
	v28 =	vshll.u32 v38, $0x6;
	[tilespmem:v47+s6+$0x0] =	vst.idx.msk $0xffff, v37  }
0xbe: {  	v46 =	vor.u32 v46, v60;
	v32 =	vshll.u32 v45, $0x6;
	v14 =	vand.u32 $0x3F80, v28;
	[tilespmem:v39+s6+$0x0] =	vst.idx.msk $0xffff, v42;
	v45 =	vld.idx.msk [tilespmem:v59+s2+$0x0], $0xffff  }
0xbf: {  	v53 =	vor.u32 v48, v30;
	[tilespmem:$0x1FEB0] =	vst v14  }
0xc0: {  	v34 =	vor.u32 v31, v25;
	v31 =	vld.idx.msk [tilespmem:v26+s2+$0x0], $0xffff  }
0xc1: {  	v48 =	vand.u32 $0x3F80, v32;
	[tilespmem:v51+s6+$0x0] =	vst.idx.msk $0xffff, v49  }
0xc2: {  	v42 =	vor.u32 s10, v11;
	v59 =	vor.u32 v24, v48;
	v51 =	vld.idx.msk [tilespmem:v58+s2+$0x0], $0xffff;
	[tilespmem:v27+s6+$0x0] =	vst.idx.msk $0xffff, v43  }
0xc3: {  	s24 =	simm.s32 $0x10;
	v47 =	vor.u32 s20, v15;
	v36 =	vor.u32 v55, v14;
	v49 =	vand.u32 $0x7F, v42;
	v46 =	vld.idx.msk [tilespmem:v46+s2+$0x0], $0xffff;
	[tilespmem:v50+s6+$0x0] =	vst.idx.msk $0xffff, v45  }
0xc4: {  	s9 =	sand.u32 $0xF0, s24;
	s19 =	simm.s32 $0x40;
	v11 =	vand.u32 $0x7F, v47;
	v47 =	vshll.u32 v47, $0x6;
	v27 =	vor.u32 v49, v20;
	v53 =	vld.idx.msk [tilespmem:v53+s2+$0x0], $0xffff  }
0xc5: {  	s21 =	sand.u32 $0x20, s19;
	v32 =	vor.u32 s9, v1;
	v1 =	vand.u32 $0x3F80, v47;
	[tilespmem:v33+s6+$0x0] =	vst.idx.msk $0xffff, v31  }
0xc6: {  	s22 =	sor.u32 $0x10, s21;
	[tilespmem:$0x1FED0] =	vst v1  }
0xc7: {  	v26 =	vmov s9;
	v42 =	vshll.u32 v42, $0x6;
	v45 =	vmov s22;
	[tilespmem:v59+s6+$0x0] =	vst.idx.msk $0xffff, v51  }
0xc8: {  	v26 =	vshll.u32 v26, $0x3;
	v31 =	vshll.u32 v45, $0x8;
	v45 =	vand.u32 $0x3F80, v42;
	v47 =	vld.idx.msk [tilespmem:v35+s2+$0x0], $0xffff;
	[tilespmem:v29+s6+$0x0] =	vst.idx.msk $0xffff, v46  }
0xc9: {  	v26 =	vand.u32 $0x400, v26;
	v51 =	vor.u32 v23, v45;
	v50 =	vld.idx.msk [tilespmem:v27+s2+$0x0], $0xffff;
	[tilespmem:v36+s6+$0x0] =	vst.idx.msk $0xffff, v53  }
0xca: {  	v28 =	vor.u32 s20, v8;
	v8 =	vmov v56;
	v56 =	vor.u32 v0, v26;
	v0 =	vld [tilespmem:$0x1FF70];
	_ =	sdelay $0x2  }
0xcb: {  	v52 =	vor.u32 v52, v60;
	[tilespmem:v44+s6+$0x0] =	vst.idx.msk $0xffff, v47  }
0xcc: {  	[tilespmem:v51+s6+$0x0] =	vst.idx.msk $0xffff, v50  }
0xcd: {  	v53 =	vor.u32 s20, v0;
	v0 =	vld [tilespmem:$0x1FE50];
	_ =	sdelay $0x2  }
0xce: {  	v52 =	vld.idx.msk [tilespmem:v52+s2+$0x0], $0xffff;
	_ =	sdelay $0x4  }
0xcf: {  	v37 =	vor.u32 s10, v63;
	[tilespmem:v0+s6+$0x0] =	vst.idx.msk $0xffff, v52  }
0xd0: {  	v13 =	vmov v62;
	v62 =	vor.u32 v11, v30;
	v58 =	vand.u32 $0x7F, v37;
	v0 =	vld [tilespmem:$0x1FE60]  }
0xd1: {  	v46 =	vor.u32 v58, v20;
	_ =	sdelay $0x2  }
0xd2: {  	v37 =	vshll.u32 v37, $0x6  }
0xd3: {  	v42 =	vand.u32 $0x3F80, v37;
	v59 =	vor.u32 v54, v1;
	v62 =	vld.idx.msk [tilespmem:v62+s2+$0x0], $0xffff  }
0xd4: {  	v16 =	vor.u32 v40, v60;
	v31 =	vor.u32 v19, v31;
	v44 =	vld.idx.msk [tilespmem:v46+s2+$0x0], $0xffff;
	v46 =	vor.u32 v24, v42  }
0xd5: {  	v26 =	vand.u32 $0x3800, v31;
	v31 =	vor.u32 s9, v6;
	v6 =	vand.u32 $0x7F, v53  }
0xd6: {  	v40 =	vand.u32 $0x7F, v32;
	v27 =	vor.u32 v26, v56;
	v52 =	vld.idx.msk [tilespmem:v0+s2+$0x0], $0xffff;
	v0 =	vor.u32 v6, v30  }
0xd7: {  	v33 =	vor.u32 v40, v27;
	v50 =	vld.idx.msk [tilespmem:v34+s2+$0x0], $0xffff;
	[tilespmem:$0x1FEC0] =	vst v0  }
0xd8: {  	[tilespmem:v59+s6+$0x0] =	vst.idx.msk $0xffff, v62  }
0xd9: {  	v29 =	vshll.u32 v28, $0x6;
	[tilespmem:v46+s6+$0x0] =	vst.idx.msk $0xffff, v44  }
0xda: {  	v47 =	vand.u32 $0x3F80, v29;
	v29 =	vshll.u32 v32, $0x6;
	v0 =	vld [tilespmem:$0x1FE70]  }
0xdb: {  	v14 =	vmovc v11;
	v11 =	vand.u32 $0x7F, v28;
	v28 =	vor.u32 s22, v3;
	v29 =	vand.u32 $0x3F80, v29  }
0xdc: {  	v38 =	vor.u32 v11, v30;
	v30 =	vor.u32 v28, v29;
	v33 =	vld.idx.msk [tilespmem:v33+s2+$0x0], $0xffff;
	_ =	sdelay $0x4  }
0xdd: {  	[tilespmem:v30+s6+$0x0] =	vst.idx.msk $0xffff, v33  }
0xde: {  	[tilespmem:v0+s6+$0x0] =	vst.idx.msk $0xffff, v50  }
0xdf: {  	v0 =	vld [tilespmem:$0x1FE80];
	_ =	sdelay $0x2  }
0xe0: {  	v36 =	vor.u32 s10, v13  }
0xe1: {  	v43 =	vand.u32 $0x7F, v36  }
0xe2: {  	v32 =	vor.u32 v43, v20  }
0xe3: {  	v35 =	vmov s21;
	v26 =	vor.u32 s21, v3  }
0xe4: {  	v35 =	vshll.u32 v35, $0x8;
	v59 =	vor.u32 v26, v29;
	v29 =	vshll.u32 v36, $0x6;
	v36 =	vld.idx.msk [tilespmem:v38+s2+$0x0], $0xffff  }
0xe5: {  	v39 =	vand.u32 $0x7F, v31;
	v35 =	vor.u32 v19, v35;
	v30 =	vld.idx.msk [tilespmem:v0+s2+$0x0], $0xffff  }
0xe6: {  	v55 =	vor.u32 v55, v47;
	v38 =	vor.u32 s10, v61;
	v44 =	vand.u32 $0x3F80, v29;
	v0 =	vld [tilespmem:$0x1FE90]  }
0xe7: {  	v46 =	vor.u32 v22, v48;
	v37 =	vld.idx.msk [tilespmem:v32+s2+$0x0], $0xffff;
	v41 =	vand.u32 $0x7F, v38;
	v48 =	vor.u32 v23, v44  }
0xe8: {  	v29 =	vshll.u32 v31, $0x6;
	v31 =	vand.u32 $0x2800, v35;
	v32 =	vor.u32 v41, v20  }
0xe9: {  	v62 =	vor.u32 v39, v27;
	v31 =	vor.u32 v31, v56  }
0xea: {  	v33 =	vshll.u32 v53, $0x6;
	v53 =	vand.u32 $0x3F80, v29;
	v29 =	vor.u32 s22, v5  }
0xeb: {  	v34 =	vor.u32 v29, v53;
	v51 =	vand.u32 $0x3F80, v33;
	[tilespmem:v55+s6+$0x0] =	vst.idx.msk $0xffff, v36;
	v36 =	vshll.u32 v38, $0x6  }
0xec: {  	v50 =	vor.u32 s9, v7;
	v55 =	vor.u32 s10, v2;
	[tilespmem:v48+s6+$0x0] =	vst.idx.msk $0xffff, v37;
	v36 =	vand.u32 $0x3F80, v36  }
0xed: {  	v37 =	vor.u32 v40, v31;
	v32 =	vld.idx.msk [tilespmem:v32+s2+$0x0], $0xffff;
	v40 =	vand.u32 $0x7F, v55;
	v48 =	vor.u32 v24, v36  }
0xee: {  	v33 =	vshll.u32 v50, $0x6;
	[tilespmem:v0+s6+$0x0] =	vst.idx.msk $0xffff, v52;
	v52 =	vld.idx.msk [tilespmem:v62+s2+$0x0], $0xffff;
	v62 =	vand.u32 $0x7F, v50;
	v50 =	vor.u32 v40, v20  }
0xef: {  	v35 =	vor.u32 v62, v27  }
0xf0: {  	v49 =	vor.u32 v49, v25;
	v38 =	vld.idx.msk [tilespmem:v16+s2+$0x0], $0xffff  }
0xf1: {  	v55 =	vshll.u32 v55, $0x6;
	[tilespmem:v46+s6+$0x0] =	vst.idx.msk $0xffff, v30  }
0xf2: {  	v55 =	vand.u32 $0x3F80, v55;
	v37 =	vld.idx.msk [tilespmem:v37+s2+$0x0], $0xffff;
	[tilespmem:v48+s6+$0x0] =	vst.idx.msk $0xffff, v32  }
0xf3: {  	v56 =	vor.u32 v23, v55;
	v30 =	vor.u32 s21, v5;
	[tilespmem:v34+s6+$0x0] =	vst.idx.msk $0xffff, v52;
	v34 =	vand.u32 $0x3F80, v33;
	v50 =	vld.idx.msk [tilespmem:v50+s2+$0x0], $0xffff  }
0xf4: {  	v33 =	vor.u32 v30, v53;
	v35 =	vld.idx.msk [tilespmem:v35+s2+$0x0], $0xffff;
	v53 =	vor.u32 v28, v34  }
0xf5: {  	v49 =	vld.idx.msk [tilespmem:v49+s2+$0x0], $0xffff;
	[tilespmem:v17+s6+$0x0] =	vst.idx.msk $0xffff, v38;
	v38 =	vor.u32 v21, v45;
	_ =	sdelay $0x1  }
0xf6: {  	[tilespmem:v59+s6+$0x0] =	vst.idx.msk $0xffff, v37  }
0xf7: {  	[tilespmem:v56+s6+$0x0] =	vst.idx.msk $0xffff, v50  }
0xf8: {  	[tilespmem:v53+s6+$0x0] =	vst.idx.msk $0xffff, v35  }
0xf9: {  	[tilespmem:v38+s6+$0x0] =	vst.idx.msk $0xffff, v49  }
0xfa: {  	v0 =	vld [tilespmem:$0x1FEA0];
	_ =	sdelay $0x3  }
0xfb: {  	v52 =	vor.u32 s9, v9  }
0xfc: {  	v45 =	vand.u32 $0x7F, v52  }
0xfd: {  	v32 =	vor.u32 v45, v27  }
0xfe: {  	v39 =	vor.u32 v39, v31  }
0xff: {  	v7 =	vor.u32 v26, v34;
	v34 =	vor.u32 v58, v25;
	v46 =	vld.idx.msk [tilespmem:v0+s2+$0x0], $0xffff  }
0x100: {  	v53 =	vshll.u32 v52, $0x6;
	v0 =	vld [tilespmem:$0x1FEB0]  }
0x101: {  	v52 =	vand.u32 $0x3F80, v53  }
0x102: {  	v32 =	vld.idx.msk [tilespmem:v32+s2+$0x0], $0xffff;
	v37 =	vor.u32 v29, v52  }
0x103: {  	v39 =	vld.idx.msk [tilespmem:v39+s2+$0x0], $0xffff  }
0x104: {  	v35 =	vor.u32 v22, v42;
	v34 =	vld.idx.msk [tilespmem:v34+s2+$0x0], $0xffff  }
0x105: {  	v2 =	vor.u32 v54, v51;
	v54 =	vor.u32 v57, v0;
	_ =	sdelay $0x1  }
0x106: {  	[tilespmem:v37+s6+$0x0] =	vst.idx.msk $0xffff, v32  }
0x107: {  	[tilespmem:v33+s6+$0x0] =	vst.idx.msk $0xffff, v39  }
0x108: {  	[tilespmem:v35+s6+$0x0] =	vst.idx.msk $0xffff, v34  }
0x109: {  	v1 =	vmov v18;
	[tilespmem:v54+s6+$0x0] =	vst.idx.msk $0xffff, v46  }
0x10a: {  	v15 =	vmov v61;
	v61 =	vor.u32 v43, v25;
	v43 =	vor.u32 s10, v1;
	v0 =	vld [tilespmem:$0x1FEC0]  }
0x10b: {  	v53 =	vand.u32 $0x7F, v43  }
0x10c: {  	v59 =	vor.u32 v53, v20  }
0x10d: {  	v49 =	vor.u32 s9, v10  }
0x10e: {  	v38 =	vand.u32 $0x7F, v49  }
0x10f: {  	v17 =	vmov v63;
	v63 =	vor.u32 v62, v31;
	v62 =	vor.u32 v38, v27  }
0x110: {  	v50 =	vor.u32 v38, v31;
	v38 =	vor.u32 v21, v55;
	v55 =	vshll.u32 v43, $0x6  }
0x111: {  	v56 =	vshll.u32 v49, $0x6;
	v49 =	vld.idx.msk [tilespmem:v59+s2+$0x0], $0xffff;
	v32 =	vand.u32 $0x3F80, v55  }
0x112: {  	v37 =	vand.u32 $0x3F80, v56;
	v34 =	vor.u32 v24, v32;
	v56 =	vld.idx.msk [tilespmem:v0+s2+$0x0], $0xffff  }
0x113: {  	v0 =	vld [tilespmem:$0x1FED0];
	_ =	sdelay $0x3  }
0x114: {  	v59 =	vld.idx.msk [tilespmem:v62+s2+$0x0], $0xffff;
	v62 =	vor.u32 v28, v37;
	[tilespmem:v34+s6+$0x0] =	vst.idx.msk $0xffff, v49  }
0x115: {  	v44 =	vor.u32 v21, v44;
	v46 =	vor.u32 v4, v0;
	v0 =	vld [tilespmem:$0x1FFF0]  }
0x116: {  	v58 =	vor.u32 v14, v60;
	v48 =	vor.u32 v45, v31;
	v45 =	vor.u32 v41, v25  }
0x117: {  	v41 =	vor.u32 v22, v36;
	v36 =	vor.u32 v57, v47;
	v33 =	vor.u32 s9, v12  }
0x118: {  	v16 =	vmovc v1;
	v42 =	vor.u32 v40, v25;
	v35 =	vand.u32 $0x7F, v33;
	v57 =	vor.u32 s10, v8  }
0x119: {  	v55 =	vor.u32 v26, v37;
	v37 =	vor.u32 v22, v32;
	v47 =	vand.u32 $0x7F, v57;
	[tilespmem:v62+s6+$0x0] =	vst.idx.msk $0xffff, v59  }
0x11a: {  	v1 =	vmovc v12;
	v32 =	vor.u32 v4, v51;
	v54 =	vor.u32 v47, v20;
	v12 =	vmovc v0;
	v51 =	vor.u32 s10, v0;
	v0 =	vld [tilespmem:$0x1FF50]  }
0x11b: {  	v43 =	vor.u32 v11, v60;
	v39 =	vor.u32 v6, v60;
	v63 =	vld.idx.msk [tilespmem:v63+s2+$0x0], $0xffff;
	v60 =	vor.u32 v35, v27  }
0x11c: {  	v40 =	vor.u32 v53, v25;
	v53 =	vor.u32 v35, v31;
	v34 =	vshll.u32 v57, $0x6  }
0x11d: {  	v18 =	vmovc v9;
	v13 =	vmovc v10;
	v35 =	vor.u32 v47, v25;
	v47 =	vld.idx.msk [tilespmem:v61+s2+$0x0], $0xffff;
	v57 =	vshll.u32 v33, $0x6;
	v33 =	vand.u32 $0x3F80, v34  }
0x11e: {  	v14 =	vmovc v8;
	v52 =	vor.u32 v30, v52;
	v49 =	vld.idx.msk [tilespmem:v58+s2+$0x0], $0xffff;
	v59 =	vand.u32 $0x3F80, v57;
	v57 =	vor.u32 v23, v33  }
0x11f: {  	v54 =	vld.idx.msk [tilespmem:v54+s2+$0x0], $0xffff;
	v62 =	vor.u32 v29, v59;
	[tilespmem:v2+s6+$0x0] =	vst.idx.msk $0xffff, v56;
	v34 =	vand.u32 $0x7F, v51;
	v61 =	vor.u32 s9, v0  }
0x120: {  	s20 =	simm.s32 $0x4;
	s21 =	simm.s32 $0x18;
	v60 =	vld.idx.msk [tilespmem:v60+s2+$0x0], $0xffff;
	[tilespmem:v7+s6+$0x0] =	vst.idx.msk $0xffff, v63;
	v58 =	vor.u32 v34, v20;
	v11 =	vmov v0;
	v56 =	vand.u32 $0x7F, v61  }
.LBB2_3:
0x121: {  	v48 =	vld.idx.msk [tilespmem:v48+s2+$0x0], $0xffff  }
0x122: {  	v9 =	vld [tilespmem:$0x1FF00];
	[tilespmem:v44+s6+$0x0] =	vst.idx.msk $0xffff, v47  }
0x123: {  	v45 =	vld.idx.msk [tilespmem:v45+s2+$0x0], $0xffff  }
0x124: {  	v2 =	vld [tilespmem:$0x1FF90];
	[tilespmem:v46+s6+$0x0] =	vst.idx.msk $0xffff, v49  }
0x125: {  	s24 =	sand.u32 $0xF0, s21;
	v63 =	vor.u32 s9, v17;
	v0 =	vor.u32 v56, v27;
	v6 =	vlaneseq.u32;
	v7 =	vld [tilespmem:$0x1FEF0];
	[tilespmem:v57+s6+$0x0] =	vst.idx.msk $0xffff, v54  }
0x126: {  	s19 =	sadd.s32 $0x20, s19;
	v61 =	vshll.u32 v61, $0x6;
	v51 =	vshll.u32 v51, $0x6;
	v4 =	vmov s24;
	v43 =	vld.idx.msk [tilespmem:v43+s2+$0x0], $0xffff;
	[tilespmem:v52+s6+$0x0] =	vst.idx.msk $0xffff, v48  }
0x127: {  	s23 =	sand.u32 $0x20, s19;
	v6 =	vor.u32 s24, v6;
	v44 =	vand.u32 $0x7F, v63;
	v61 =	vand.u32 $0x3F80, v61;
	[tilespmem:v62+s6+$0x0] =	vst.idx.msk $0xffff, v60;
	v50 =	vld.idx.msk [tilespmem:v50+s2+$0x0], $0xffff  }
0x128: {  	s22 =	sor.u32 $0x10, s23;
	v4 =	vshll.u32 v4, $0x3;
	v46 =	vand.u32 $0x3F80, v51;
	[tilespmem:v41+s6+$0x0] =	vst.idx.msk $0xffff, v45;
	v41 =	vor.u32 s24, v9;
	v9 =	vld [tilespmem:$0x1FFB0]  }
0x129: {  	v49 =	vmov s22;
	v4 =	vand.u32 $0x400, v4;
	v54 =	vld.idx.msk [tilespmem:v58+s2+$0x0], $0xffff;
	v58 =	vor.u32 v24, v46  }
0x12a: {  	v49 =	vshll.u32 v49, $0x8;
	v57 =	vor.u32 v28, v61;
	v2 =	vor.u32 s10, v2  }
0x12b: {  	v49 =	vor.u32 v19, v49;
	v4 =	vor.u32 v7, v4;
	v47 =	vand.u32 $0x7F, v2;
	v0 =	vld.idx.msk [tilespmem:v0+s2+$0x0], $0xffff  }
0x12c: {  	v52 =	vand.u32 $0x7F, v6;
	v49 =	vand.u32 $0x3800, v49;
	v48 =	vor.u32 v47, v20;
	v42 =	vld.idx.msk [tilespmem:v42+s2+$0x0], $0xffff  }
0x12d: {  	v62 =	vor.u32 v44, v27;
	v60 =	vor.u32 v49, v4;
	[tilespmem:v36+s6+$0x0] =	vst.idx.msk $0xffff, v43;
	v45 =	vor.u32 s9, v9;
	v9 =	vld [tilespmem:$0x1FF70]  }
0x12e: {  	v8 =	vor.u32 v52, v60;
	[tilespmem:v58+s6+$0x0] =	vst.idx.msk $0xffff, v54  }
0x12f: {  	v39 =	vld.idx.msk [tilespmem:v39+s2+$0x0], $0xffff;
	[tilespmem:v55+s6+$0x0] =	vst.idx.msk $0xffff, v50  }
0x130: {  	v63 =	vshll.u32 v63, $0x6;
	v2 =	vshll.u32 v2, $0x6;
	[tilespmem:v57+s6+$0x0] =	vst.idx.msk $0xffff, v0;
	v53 =	vld.idx.msk [tilespmem:v53+s2+$0x0], $0xffff  }
0x131: {  	v36 =	vand.u32 $0x3F80, v2;
	v2 =	vshll.u32 v6, $0x6;
	v6 =	vand.u32 $0x3F80, v63;
	v0 =	vld.idx.msk [tilespmem:v48+s2+$0x0], $0xffff  }
0x132: {  	v54 =	vor.u32 s22, v3;
	v57 =	vor.u32 v23, v36;
	v48 =	vld.idx.msk [tilespmem:v62+s2+$0x0], $0xffff;
	v9 =	vor.u32 s10, v9  }
0x133: {  	v2 =	vand.u32 $0x3F80, v2;
	v58 =	vor.u32 v29, v6;
	v23 =	vmovc v28;
	v28 =	vmovc v54;
	v8 =	vld.idx.msk [tilespmem:v8+s2+$0x0], $0xffff;
	v49 =	vand.u32 $0x7F, v9  }
0x134: {  	v7 =	vmov s23;
	v10 =	vor.u32 v28, v2;
	[tilespmem:v38+s6+$0x0] =	vst.idx.msk $0xffff, v42;
	v42 =	vld [tilespmem:$0x1FF10];
	v62 =	vor.u32 v49, v20  }
0x135: {  	v59 =	vor.u32 v30, v59;
	v7 =	vshll.u32 v7, $0x8  }
0x136: {  	v7 =	vor.u32 v19, v7;
	v63 =	vand.u32 $0x7F, v41;
	v43 =	vand.u32 $0x7F, v45;
	v20 =	vmovc v27  }
0x137: {  	v41 =	vshll.u32 v41, $0x6;
	v9 =	vshll.u32 v9, $0x6;
	[tilespmem:v57+s6+$0x0] =	vst.idx.msk $0xffff, v0;
	v50 =	vor.u32 v43, v20  }
0x138: {  	v7 =	vand.u32 $0x2800, v7;
	v55 =	vor.u32 v63, v60;
	s10 =	smov.u32 s9;
	s9 =	smov.u32 s24;
	[tilespmem:v58+s6+$0x0] =	vst.idx.msk $0xffff, v48;
	v57 =	vand.u32 $0x3F80, v9  }
0x139: {  	v38 =	vor.u32 s9, v42;
	v42 =	vor.u32 s10, v15;
	v9 =	vld.idx.msk [tilespmem:v62+s2+$0x0], $0xffff;
	[tilespmem:v10+s6+$0x0] =	vst.idx.msk $0xffff, v8;
	v10 =	vor.u32 v24, v57  }
0x13a: {  	v54 =	vor.u32 s23, v5;
	v40 =	vld.idx.msk [tilespmem:v40+s2+$0x0], $0xffff;
	[tilespmem:v32+s6+$0x0] =	vst.idx.msk $0xffff, v39;
	v0 =	vshll.u32 v45, $0x6;
	v45 =	vand.u32 $0x7F, v42  }
0x13b: {  	[tilespmem:v59+s6+$0x0] =	vst.idx.msk $0xffff, v53;
	v27 =	vmovc v60;
	v0 =	vand.u32 $0x3F80, v0;
	v60 =	vand.u32 $0x3F80, v41;
	v48 =	vor.u32 s22, v5  }
0x13c: {  	v58 =	vor.u32 v7, v4;
	v39 =	vor.u32 v48, v60;
	v8 =	vld.idx.msk [tilespmem:v50+s2+$0x0], $0xffff;
	v50 =	vor.u32 v23, v0  }
0x13d: {  	v53 =	vor.u32 v45, v20;
	v62 =	vand.u32 $0x7F, v38;
	v41 =	vld.idx.msk [tilespmem:v55+s2+$0x0], $0xffff;
	v55 =	vor.u32 v54, v60  }
0x13e: {  	v60 =	vor.u32 v62, v27;
	[tilespmem:v10+s6+$0x0] =	vst.idx.msk $0xffff, v9;
	v9 =	vor.u32 v62, v58;
	v62 =	vld [tilespmem:$0x1FF60]  }
0x13f: {  	v51 =	vor.u32 s23, v3;
	v46 =	vor.u32 v22, v46  }
0x140: {  	v6 =	vor.u32 v30, v6;
	v36 =	vor.u32 v21, v36;
	v4 =	vor.u32 v56, v31  }
0x141: {  	v7 =	vor.u32 v26, v61;
	v61 =	vor.u32 v52, v58;
	v10 =	vshll.u32 v42, $0x6;
	[tilespmem:v50+s6+$0x0] =	vst.idx.msk $0xffff, v8  }
0x142: {  	v2 =	vor.u32 v51, v2;
	v24 =	vmovc v29;
	v8 =	vshll.u32 v38, $0x6;
	v10 =	vand.u32 $0x3F80, v10;
	[tilespmem:v39+s6+$0x0] =	vst.idx.msk $0xffff, v41  }
0x143: {  	v8 =	vand.u32 $0x3F80, v8;
	v39 =	vld.idx.msk [tilespmem:v53+s2+$0x0], $0xffff;
	v53 =	vor.u32 v24, v10;
	v32 =	vor.u32 s10, v62  }
0x144: {  	[tilespmem:v37+s6+$0x0] =	vst.idx.msk $0xffff, v40;
	v38 =	vor.u32 s9, v18;
	v50 =	vld.idx.msk [tilespmem:v60+s2+$0x0], $0xffff;
	v40 =	vor.u32 v28, v8;
	v42 =	vand.u32 $0x7F, v32  }
0x145: {  	v52 =	vor.u32 v63, v58;
	v4 =	vld.idx.msk [tilespmem:v4+s2+$0x0], $0xffff;
	v63 =	vand.u32 $0x7F, v38;
	v56 =	vor.u32 v42, v20  }
0x146: {  	v45 =	vor.u32 v45, v31;
	v59 =	vld.idx.msk [tilespmem:v61+s2+$0x0], $0xffff;
	v61 =	vor.u32 v43, v31;
	v37 =	vor.u32 v63, v27  }
0x147: {  	v29 =	vmovc v48;
	v43 =	vor.u32 v47, v25;
	v41 =	vor.u32 v30, v10;
	v8 =	vor.u32 v51, v8  }
0x148: {  	v60 =	vor.u32 v44, v31;
	v44 =	vor.u32 v26, v0;
	v0 =	vshll.u32 v32, $0x6;
	[tilespmem:v53+s6+$0x0] =	vst.idx.msk $0xffff, v39  }
0x149: {  	v48 =	vor.u32 v63, v58;
	v62 =	vld.idx.msk [tilespmem:v35+s2+$0x0], $0xffff;
	v0 =	vand.u32 $0x3F80, v0;
	v53 =	vshll.u32 v38, $0x6;
	[tilespmem:v40+s6+$0x0] =	vst.idx.msk $0xffff, v50  }
0x14a: {  	v10 =	vor.u32 s10, v16;
	[tilespmem:v7+s6+$0x0] =	vst.idx.msk $0xffff, v4;
	v7 =	vor.u32 v23, v0;
	v32 =	vand.u32 $0x3F80, v53;
	v39 =	vld.idx.msk [tilespmem:v56+s2+$0x0], $0xffff  }
0x14b: {  	v35 =	vor.u32 s9, v13;
	v4 =	vand.u32 $0x7F, v10;
	v37 =	vld.idx.msk [tilespmem:v37+s2+$0x0], $0xffff;
	v53 =	vor.u32 v29, v32  }
0x14c: {  	v10 =	vshll.u32 v10, $0x6;
	[tilespmem:v2+s6+$0x0] =	vst.idx.msk $0xffff, v59;
	v2 =	vand.u32 $0x7F, v35;
	v63 =	vor.u32 v4, v20  }
0x14d: {  	v42 =	vor.u32 v42, v31;
	v59 =	vld.idx.msk [tilespmem:v52+s2+$0x0], $0xffff;
	v50 =	vor.u32 v2, v58;
	v2 =	vor.u32 v2, v27  }
0x14e: {  	v38 =	vor.u32 v26, v0;
	v0 =	vor.u32 v21, v33;
	v52 =	vor.u32 v54, v32;
	v32 =	vld.idx.msk [tilespmem:v60+s2+$0x0], $0xffff  }
0x14f: {  	v10 =	vand.u32 $0x3F80, v10;
	v33 =	vor.u32 s10, v14;
	v21 =	vmovc v26;
	v26 =	vmovc v51;
	v51 =	vor.u32 s10, v12;
	[tilespmem:v7+s6+$0x0] =	vst.idx.msk $0xffff, v39  }
0x150: {  	v40 =	vor.u32 v4, v31;
	v4 =	vor.u32 v34, v25;
	v7 =	vshll.u32 v35, $0x6;
	[tilespmem:v53+s6+$0x0] =	vst.idx.msk $0xffff, v37  }
0x151: {  	v34 =	vor.u32 s9, v1;
	v60 =	vor.u32 v24, v10;
	v7 =	vand.u32 $0x3F80, v7;
	v56 =	vld.idx.msk [tilespmem:v63+s2+$0x0], $0xffff  }
0x152: {  	v47 =	vand.u32 $0x7F, v34;
	[tilespmem:v55+s6+$0x0] =	vst.idx.msk $0xffff, v59;
	v35 =	vand.u32 $0x7F, v33;
	v2 =	vld.idx.msk [tilespmem:v2+s2+$0x0], $0xffff;
	v59 =	vor.u32 v28, v7  }
0x153: {  	s20 =	sadd.s32 $0x2, s20;
	v9 =	vld.idx.msk [tilespmem:v9+s2+$0x0], $0xffff;
	[tilespmem:v6+s6+$0x0] =	vst.idx.msk $0xffff, v32;
	v32 =	vor.u32 v22, v57;
	v63 =	vor.u32 v35, v20  }
0x154: {  	p4 =	slt.u32 s20, $0x3E;
	v39 =	vor.u32 v49, v25;
	v55 =	vor.u32 v26, v7;
	v7 =	vor.u32 v47, v27  }
.Ltmp2:
0x155: {  	v22 =	vmov v30;
	v25 =	vmov v31;
	v53 =	vor.u32 v47, v58;
	v47 =	vld.idx.msk [tilespmem:v61+s2+$0x0], $0xffff;
	[tilespmem:v0+s6+$0x0] =	vst.idx.msk $0xffff, v62;
	(pc) =	sbr.rel @p4 .LBB2_3-.Ltmp2, $4  }
0x156: {  	v37 =	vor.u32 v30, v10;
	v35 =	vor.u32 v35, v31;
	v0 =	vshll.u32 v33, $0x6;
	[tilespmem:v60+s6+$0x0] =	vst.idx.msk $0xffff, v56  }
0x157: {  	v30 =	vmovc v54;
	v61 =	vor.u32 s9, v11;
	v49 =	vld.idx.msk [tilespmem:v4+s2+$0x0], $0xffff;
	v4 =	vshll.u32 v34, $0x6;
	v33 =	vand.u32 $0x3F80, v0;
	[tilespmem:v59+s6+$0x0] =	vst.idx.msk $0xffff, v2  }
0x158: {  	v34 =	vand.u32 $0x7F, v51;
	[tilespmem:v8+s6+$0x0] =	vst.idx.msk $0xffff, v9;
	v57 =	vor.u32 v23, v33;
	v59 =	vand.u32 $0x3F80, v4;
	v54 =	vld.idx.msk [tilespmem:v63+s2+$0x0], $0xffff  }
0x159: {  	s21 =	sadd.s32 $0x8, s21;
	v31 =	vmovc v58;
	v58 =	vor.u32 v34, v20;
	v56 =	vand.u32 $0x7F, v61;
	v60 =	vld.idx.msk [tilespmem:v7+s2+$0x0], $0xffff;
	v62 =	vor.u32 v29, v59  }
0x15a: {  	_ =	sdelay $0x3  }
0x15b: {  	v0 =	vld.idx.msk [tilespmem:v48+s2+$0x0], $0xffff;
	_ =	sdelay $0x2  }
0x15c: {  	v13 =	vld [tilespmem:$0x1FF10]  }
0x15d: {  	v3 =	vld [tilespmem:$0x1FF00]  }
0x15e: {  	v1 =	vld [tilespmem:$0x1FEF0];
	[tilespmem:v52+s6+$0x0] =	vst.idx.msk $0xffff, v0  }
0x15f: {  	v0 =	vld.idx.msk [tilespmem:v50+s2+$0x0], $0xffff;
	_ =	sdelay $0x4  }
0x160: {  	[tilespmem:v55+s6+$0x0] =	vst.idx.msk $0xffff, v0  }
0x161: {  	v4 =	vor.u32 v30, v59;
	v0 =	vor.u32 v56, v27;
	v2 =	vld.idx.msk [tilespmem:v53+s2+$0x0], $0xffff;
	_ =	sdelay $0x1  }
0x162: {  	v6 =	vor.u32 v56, v31;
	_ =	sdelay $0x1  }
0x163: {  	v7 =	vshll.u32 v61, $0x6;
	[tilespmem:v62+s6+$0x0] =	vst.idx.msk $0xffff, v60  }
0x164: {  	v8 =	vor.u32 s9, v17;
	v7 =	vand.u32 $0x3F80, v7;
	v0 =	vld.idx.msk [tilespmem:v0+s2+$0x0], $0xffff;
	[tilespmem:v4+s6+$0x0] =	vst.idx.msk $0xffff, v2  }
0x165: {  	v9 =	vand.u32 $0x7F, v8;
	v10 =	vor.u32 v28, v7;
	v62 =	vld [tilespmem:$0x1FFB0]  }
0x166: {  	v2 =	vor.u32 v9, v27;
	v4 =	vor.u32 v26, v7;
	v6 =	vld.idx.msk [tilespmem:v6+s2+$0x0], $0xffff  }
0x167: {  	v7 =	vor.u32 v9, v31;
	_ =	sdelay $0x1  }
0x168: {  	v8 =	vshll.u32 v8, $0x6  }
0x169: {  	[tilespmem:v10+s6+$0x0] =	vst.idx.msk $0xffff, v0;
	v0 =	vand.u32 $0x3F80, v8;
	v59 =	vor.u32 s9, v62  }
0x16a: {  	v2 =	vld.idx.msk [tilespmem:v2+s2+$0x0], $0xffff;
	v61 =	vor.u32 v29, v0;
	[tilespmem:v4+s6+$0x0] =	vst.idx.msk $0xffff, v6;
	v60 =	vand.u32 $0x7F, v59  }
0x16b: {  	v0 =	vor.u32 v30, v0;
	v6 =	vld.idx.msk [tilespmem:v7+s2+$0x0], $0xffff;
	v4 =	vor.u32 v60, v27;
	_ =	sdelay $0x1  }
0x16c: {  	v7 =	vor.u32 v60, v31  }
0x16d: {  	[tilespmem:v44+s6+$0x0] =	vst.idx.msk $0xffff, v47  }
0x16e: {  	v63 =	vshll.u32 v59, $0x6;
	[tilespmem:v61+s6+$0x0] =	vst.idx.msk $0xffff, v2  }
0x16f: {  	v48 =	vor.u32 s9, v15;
	v2 =	vand.u32 $0x3F80, v63;
	[tilespmem:v0+s6+$0x0] =	vst.idx.msk $0xffff, v6;
	v4 =	vld.idx.msk [tilespmem:v4+s2+$0x0], $0xffff  }
0x170: {  	v50 =	vand.u32 $0x7F, v48;
	v52 =	vor.u32 v28, v2;
	v63 =	vld [tilespmem:$0x1FF60]  }
0x171: {  	v2 =	vor.u32 v26, v2;
	v0 =	vor.u32 v50, v27;
	v6 =	vld.idx.msk [tilespmem:v7+s2+$0x0], $0xffff  }
0x172: {  	v7 =	vor.u32 v50, v31;
	_ =	sdelay $0x1  }
0x173: {  	v53 =	vshll.u32 v48, $0x6  }
0x174: {  	v55 =	vld.idx.msk [tilespmem:v45+s2+$0x0], $0xffff;
	v56 =	vor.u32 s9, v63;
	[tilespmem:v52+s6+$0x0] =	vst.idx.msk $0xffff, v4;
	v4 =	vand.u32 $0x3F80, v53  }
0x175: {  	[tilespmem:v2+s6+$0x0] =	vst.idx.msk $0xffff, v6;
	v0 =	vld.idx.msk [tilespmem:v0+s2+$0x0], $0xffff;
	v59 =	vand.u32 $0x7F, v56;
	v60 =	vor.u32 v29, v4  }
0x176: {  	v4 =	vor.u32 v30, v4;
	v6 =	vld.idx.msk [tilespmem:v7+s2+$0x0], $0xffff;
	v2 =	vor.u32 v59, v27  }
0x177: {  	v7 =	vor.u32 v59, v31;
	_ =	sdelay $0x1  }
0x178: {  	[tilespmem:v41+s6+$0x0] =	vst.idx.msk $0xffff, v55;
	v61 =	vshll.u32 v56, $0x6  }
0x179: {  	v44 =	vor.u32 s9, v16;
	v9 =	vld.idx.msk [tilespmem:v42+s2+$0x0], $0xffff;
	[tilespmem:v60+s6+$0x0] =	vst.idx.msk $0xffff, v0;
	v0 =	vand.u32 $0x3F80, v61  }
0x17a: {  	v45 =	vand.u32 $0x7F, v44;
	[tilespmem:v4+s6+$0x0] =	vst.idx.msk $0xffff, v6;
	v2 =	vld.idx.msk [tilespmem:v2+s2+$0x0], $0xffff;
	v47 =	vor.u32 v28, v0  }
0x17b: {  	v4 =	vor.u32 v45, v27;
	v0 =	vor.u32 v26, v0;
	v6 =	vld.idx.msk [tilespmem:v7+s2+$0x0], $0xffff  }
0x17c: {  	v7 =	vor.u32 v45, v31;
	_ =	sdelay $0x1  }
0x17d: {  	v48 =	vshll.u32 v44, $0x6;
	[tilespmem:v38+s6+$0x0] =	vst.idx.msk $0xffff, v9  }
0x17e: {  	v50 =	vor.u32 s9, v14;
	v9 =	vld.idx.msk [tilespmem:v40+s2+$0x0], $0xffff;
	[tilespmem:v47+s6+$0x0] =	vst.idx.msk $0xffff, v2;
	v2 =	vand.u32 $0x3F80, v48  }
0x17f: {  	v52 =	vand.u32 $0x7F, v50;
	[tilespmem:v0+s6+$0x0] =	vst.idx.msk $0xffff, v6;
	v4 =	vld.idx.msk [tilespmem:v4+s2+$0x0], $0xffff;
	v53 =	vor.u32 v29, v2  }
0x180: {  	v0 =	vor.u32 v52, v27;
	v2 =	vor.u32 v30, v2;
	v6 =	vld.idx.msk [tilespmem:v7+s2+$0x0], $0xffff  }
0x181: {  	v7 =	vor.u32 v52, v31;
	_ =	sdelay $0x1  }
0x182: {  	[tilespmem:v37+s6+$0x0] =	vst.idx.msk $0xffff, v9  }
0x183: {  	v59 =	vshll.u32 v50, $0x6;
	v60 =	vld.idx.msk [tilespmem:v35+s2+$0x0], $0xffff;
	[tilespmem:v53+s6+$0x0] =	vst.idx.msk $0xffff, v4  }
0x184: {  	v55 =	vor.u32 v21, v33;
	v4 =	vand.u32 $0x3F80, v59;
	[tilespmem:v2+s6+$0x0] =	vst.idx.msk $0xffff, v6;
	v0 =	vld.idx.msk [tilespmem:v0+s2+$0x0], $0xffff  }
0x185: {  	v45 =	vor.u32 v28, v4;
	v7 =	vld.idx.msk [tilespmem:v7+s2+$0x0], $0xffff  }
0x186: {  	v34 =	vor.u32 v34, v25;
	v4 =	vor.u32 v26, v4;
	v59 =	vld [tilespmem:$0x1FF90]  }
0x187: {  	v61 =	vor.u32 s9, v12;
	[tilespmem:v57+s6+$0x0] =	vst.idx.msk $0xffff, v54  }
0x188: {  	v44 =	vand.u32 $0x7F, v61;
	v2 =	vshll.u32 v51, $0x6;
	[tilespmem:v46+s6+$0x0] =	vst.idx.msk $0xffff, v49  }
0x189: {  	v6 =	vor.u32 v44, v27;
	v2 =	vand.u32 $0x3F80, v2;
	[tilespmem:v55+s6+$0x0] =	vst.idx.msk $0xffff, v60  }
0x18a: {  	v9 =	vor.u32 v44, v31;
	v50 =	vld.idx.msk [tilespmem:v58+s2+$0x0], $0xffff;
	v51 =	vor.u32 v24, v2;
	[tilespmem:v45+s6+$0x0] =	vst.idx.msk $0xffff, v0  }
0x18b: {  	v2 =	vor.u32 v22, v2;
	v34 =	vld.idx.msk [tilespmem:v34+s2+$0x0], $0xffff;
	v47 =	vor.u32 s10, v59;
	[tilespmem:v4+s6+$0x0] =	vst.idx.msk $0xffff, v7  }
0x18c: {  	v53 =	vshll.u32 v61, $0x6;
	v48 =	vand.u32 $0x7F, v47;
	v11 =	vld [tilespmem:$0x1FF70]  }
0x18d: {  	v8 =	vand.u32 $0x3F80, v53;
	v55 =	vor.u32 s9, v59;
	v52 =	vor.u32 v48, v20  }
0x18e: {  	v56 =	vor.u32 v29, v8;
	v0 =	vand.u32 $0x7F, v55;
	v6 =	vld.idx.msk [tilespmem:v6+s2+$0x0], $0xffff;
	v54 =	vor.u32 v48, v25  }
0x18f: {  	v8 =	vor.u32 v30, v8;
	v4 =	vshll.u32 v47, $0x6;
	v9 =	vld.idx.msk [tilespmem:v9+s2+$0x0], $0xffff;
	v7 =	vor.u32 v0, v27  }
0x190: {  	[tilespmem:v2+s6+$0x0] =	vst.idx.msk $0xffff, v34;
	v2 =	vshll.u32 v55, $0x6;
	v4 =	vand.u32 $0x3F80, v4;
	v0 =	vor.u32 v0, v31  }
0x191: {  	v57 =	vld.idx.msk [tilespmem:v43+s2+$0x0], $0xffff;
	[tilespmem:v51+s6+$0x0] =	vst.idx.msk $0xffff, v50;
	v2 =	vand.u32 $0x3F80, v2;
	v23 =	vor.u32 v23, v4;
	v58 =	vor.u32 s10, v11  }
0x192: {  	v4 =	vor.u32 v21, v4;
	v61 =	vor.u32 s9, v11;
	v60 =	vand.u32 $0x7F, v58;
	v41 =	vld.idx.msk [tilespmem:v52+s2+$0x0], $0xffff  }
0x193: {  	[tilespmem:v56+s6+$0x0] =	vst.idx.msk $0xffff, v6;
	v20 =	vor.u32 v60, v20;
	v21 =	vor.u32 v60, v25;
	v25 =	vld.idx.msk [tilespmem:v54+s2+$0x0], $0xffff  }
0x194: {  	v34 =	vor.u32 v28, v2;
	[tilespmem:v8+s6+$0x0] =	vst.idx.msk $0xffff, v9;
	v6 =	vand.u32 $0x7F, v61;
	v7 =	vld.idx.msk [tilespmem:v7+s2+$0x0], $0xffff  }
0x195: {  	v2 =	vor.u32 v26, v2;
	v0 =	vld.idx.msk [tilespmem:v0+s2+$0x0], $0xffff;
	v35 =	vor.u32 v6, v27  }
0x196: {  	[tilespmem:v36+s6+$0x0] =	vst.idx.msk $0xffff, v57;
	v40 =	vshll.u32 v58, $0x6;
	v6 =	vor.u32 v6, v31  }
0x197: {  	v26 =	vld.idx.msk [tilespmem:v39+s2+$0x0], $0xffff;
	v9 =	vand.u32 $0x3F80, v40;
	[tilespmem:v23+s6+$0x0] =	vst.idx.msk $0xffff, v41  }
0x198: {  	v23 =	vor.u32 v24, v9;
	v20 =	vld.idx.msk [tilespmem:v20+s2+$0x0], $0xffff;
	[tilespmem:v4+s6+$0x0] =	vst.idx.msk $0xffff, v25;
	v4 =	vshll.u32 v61, $0x6  }
0x199: {  	v9 =	vor.u32 v22, v9;
	[tilespmem:v34+s6+$0x0] =	vst.idx.msk $0xffff, v7;
	v21 =	vld.idx.msk [tilespmem:v21+s2+$0x0], $0xffff;
	v4 =	vand.u32 $0x3F80, v4  }
0x19a: {  	[tilespmem:v2+s6+$0x0] =	vst.idx.msk $0xffff, v0;
	v7 =	vld.idx.msk [tilespmem:v35+s2+$0x0], $0xffff;
	v42 =	vor.u32 v29, v4  }
0x19b: {  	v2 =	vld.idx.msk [tilespmem:v6+s2+$0x0], $0xffff;
	v0 =	vor.u32 v30, v4  }
0x19c: {  	[tilespmem:v32+s6+$0x0] =	vst.idx.msk $0xffff, v26  }
0x19d: {  	[tilespmem:v23+s6+$0x0] =	vst.idx.msk $0xffff, v20  }
0x19e: {  	[tilespmem:v9+s6+$0x0] =	vst.idx.msk $0xffff, v21  }
0x19f: {  	s22 =	sshll.u32 s12, $0x11;
	p4 =	seq.s32 @!p1 s12, $0x3C;
	[tilespmem:v42+s6+$0x0] =	vst.idx.msk $0xffff, v7  }
0x1a0: {  	p4 =	por p1, !p4;
	s9 =	sadd.s32 s22, s14;
	[tilespmem:v0+s6+$0x0] =	vst.idx.msk $0xffff, v2  }
0x1a1: {  	[hbm4b:s9+s2] =	stream.linear.scatter [tilespmem:s6], [sflag:$0x3], $0x4000, $0x38;
	[tilespmem:$0x10000] =	vst v63  }
0x1a2: {  	s9 =	sadd.s32 @p4 s13, s17  }
0x1a3: {  	s9 =	sshll.u32 @p4 s9, $0x8  }
0x1a4: {  	s10 =	sadd.s32 @p4 s0, s9;
	s9 =	sand.u32 @p4 $0x1FFFFF00, s9  }
0x1a5: {  	[tilespmem:s2], [sflag:$0x1] =	stream.linear.gather @p4 [hbm4b:s10+s2], $0x800, $0x38;
	[tilespmem:$0x10000] =	vst v63  }
0x1a6: {  	s9 =	sadd.s32 @p4 s0, s9  }
0x1a7: {  	s17 =	simm.s32 @p4 $0x800;
	s10 =	sadd.s32 @p4 $0xF4280, s9  }
0x1a8: {  	[tilespmem:s17], [sflag:$0x1] =	stream.linear.gather @p4 [hbm4b:s10+s2], $0x800, $0x38;
	[tilespmem:$0x10000] =	vst v63  }
0x1a9: {  	s10 =	sadd.s32 @p4 $0x1E8500, s9;
	s17 =	simm.s32 @p4 $0x1000  }
0x1aa: {  	[tilespmem:s17], [sflag:$0x1] =	stream.linear.gather @p4 [hbm4b:s10+s2], $0x800, $0x38;
	[tilespmem:$0x10000] =	vst v63  }
0x1ab: {  	s10 =	sadd.s32 @p4 $0x2DC780, s9;
	s17 =	simm.s32 @p4 $0x1800  }
0x1ac: {  	[tilespmem:s17], [sflag:$0x1] =	stream.linear.gather @p4 [hbm4b:s10+s2], $0x800, $0x38;
	[tilespmem:$0x10000] =	vst v63  }
0x1ad: {  	s10 =	sadd.s32 @p4 $0x3D0A00, s9;
	s17 =	simm.s32 @p4 $0x2000  }
0x1ae: {  	[tilespmem:s17], [sflag:$0x1] =	stream.linear.gather @p4 [hbm4b:s10+s2], $0x800, $0x38;
	[tilespmem:$0x10000] =	vst v63  }
0x1af: {  	s10 =	sadd.s32 @p4 $0x4C4C80, s9;
	s17 =	simm.s32 @p4 $0x2800  }
0x1b0: {  	[tilespmem:s17], [sflag:$0x1] =	stream.linear.gather @p4 [hbm4b:s10+s2], $0x800, $0x38;
	[tilespmem:$0x10000] =	vst v63  }
0x1b1: {  	s10 =	sadd.s32 @p4 $0x5B8F00, s9;
	s17 =	simm.s32 @p4 $0x3000  }
0x1b2: {  	[tilespmem:s17], [sflag:$0x1] =	stream.linear.gather @p4 [hbm4b:s10+s2], $0x800, $0x38;
	[tilespmem:$0x10000] =	vst v63  }
0x1b3: {  	s9 =	sadd.s32 @p4 $0x6AD180, s9  }
0x1b4: {  	[tilespmem:s25], [sflag:$0x1] =	stream.linear.gather @p4 [hbm4b:s9+s2], $0x800, $0x38;
	[tilespmem:$0x10000] =	vst v63  }
0x1b5: {  	_ =	swait.ge [sflag:s7], $0x800  }
0x1b6: {  	[sflag:s7] =	ssyncset.done $0x0  }
0x1b7: {  	[sflag:s7] =	ssyncadd.s32 $0xFFFFF800  }
0x1b8: {  	_ =	swait.ge [sflag:s7], $0x800  }
0x1b9: {  	[sflag:s7] =	ssyncset.done $0x0  }
0x1ba: {  	[sflag:s7] =	ssyncadd.s32 $0xFFFFF800  }
0x1bb: {  	_ =	swait.ge [sflag:s7], $0x800  }
0x1bc: {  	[sflag:s7] =	ssyncset.done $0x0  }
0x1bd: {  	[sflag:s7] =	ssyncadd.s32 $0xFFFFF800  }
0x1be: {  	_ =	swait.ge [sflag:s7], $0x800  }
0x1bf: {  	[sflag:s7] =	ssyncset.done $0x0  }
0x1c0: {  	[sflag:s7] =	ssyncadd.s32 $0xFFFFF800  }
0x1c1: {  	_ =	swait.ge [sflag:s7], $0x800  }
0x1c2: {  	[sflag:s7] =	ssyncset.done $0x0  }
0x1c3: {  	[sflag:s7] =	ssyncadd.s32 $0xFFFFF800  }
0x1c4: {  	_ =	swait.ge [sflag:s7], $0x800  }
0x1c5: {  	[sflag:s7] =	ssyncset.done $0x0  }
0x1c6: {  	[sflag:s7] =	ssyncadd.s32 $0xFFFFF800  }
0x1c7: {  	s23 =	simm.s32 $0x0;
	_ =	swait.ge [sflag:s7], $0x800  }
0x1c8: {  	s24 =	sand.u32 $0x20, s23;
	[sflag:s7] =	ssyncset.done $0x0  }
0x1c9: {  	s19 =	sand.u32 $0xF0, s23;
	s20 =	sor.u32 $0x10, s24;
	[sflag:s7] =	ssyncadd.s32 $0xFFFFF800  }
0x1ca: {  	v0 =	vmov s19;
	v2 =	vmov s20;
	_ =	swait.ge [sflag:s7], $0x800  }
0x1cb: {  	v0 =	vshll.u32 v0, $0x3;
	v2 =	vshll.u32 v2, $0x8;
	[sflag:s7] =	ssyncset.done $0x0  }
0x1cc: {  	v58 =	vlaneseq.u32;
	v0 =	vand.u32 $0x400, v0;
	v2 =	vor.u32 v19, v2;
	s17 =	simm.s32 @!p3 $0x4;
	[sflag:s7] =	ssyncadd.s32 $0xFFFFF800  }
0x1cd: {  	v4 =	vor.u32 s19, v58;
	v0 =	vor.u32 v1, v0;
	v2 =	vand.u32 $0x3800, v2;
	_ =	swait.ge @!p3 [sflag:s17], $0x4000  }
0x1ce: {  	v6 =	vand.u32 $0x7F, v4;
	v29 =	vor.u32 v2, v0;
	v11 =	vld [tilespmem:$0x1FF80]  }
0x1cf: {  	v2 =	vor.u32 v6, v29;
	_ =	sdelay $0x2  }
0x1d0: {  	v4 =	vshll.u32 v4, $0x6;
	[sflag:s17] =	ssyncset.done @!p3 $0x0  }
0x1d1: {  	v4 =	vand.u32 $0x3F80, v4;
	v7 =	vor.u32 s19, v3;
	[sflag:s17] =	ssyncadd.s32 @!p3 $0xFFFFC000;
	v30 =	vor.u32 s20, v11  }
0x1d2: {  	v43 =	vand.u32 $0x7F, v7;
	v2 =	vld.idx.msk [tilespmem:v2+s26+$0x0], $0xffff;
	v46 =	vor.u32 v30, v4  }
0x1d3: {  	v21 =	vmov s24;
	v47 =	vor.u32 v43, v29  }
0x1d4: {  	v21 =	vshll.u32 v21, $0x8  }
0x1d5: {  	v21 =	vor.u32 v19, v21  }
0x1d6: {  	v35 =	vor.u32 s20, v5;
	v7 =	vshll.u32 v7, $0x6;
	v21 =	vand.u32 $0x2800, v21  }
0x1d7: {  	v20 =	vor.u32 s19, v13;
	v32 =	vor.u32 v21, v0;
	[tilespmem:v46+s8+$0x0] =	vst.idx.msk $0xffff, v2;
	v2 =	vand.u32 $0x3F80, v7  }
0x1d8: {  	v48 =	vand.u32 $0x7F, v20;
	v6 =	vor.u32 v6, v32;
	v7 =	vld.idx.msk [tilespmem:v47+s26+$0x0], $0xffff;
	v49 =	vor.u32 v35, v2  }
0x1d9: {  	v22 =	vor.u32 v48, v29;
	v47 =	vld [tilespmem:$0x1FF20];
	_ =	sdelay $0x3  }
0x1da: {  	v20 =	vshll.u32 v20, $0x6;
	v6 =	vld.idx.msk [tilespmem:v6+s26+$0x0], $0xffff;
	v34 =	vor.u32 s24, v11;
	[tilespmem:v49+s8+$0x0] =	vst.idx.msk $0xffff, v7  }
0x1db: {  	v4 =	vor.u32 v34, v4;
	v0 =	vor.u32 s19, v47;
	v7 =	vand.u32 $0x3F80, v20;
	v10 =	vld.idx.msk [tilespmem:v22+s26+$0x0], $0xffff  }
0x1dc: {  	v18 =	vmovc v16;
	v8 =	vor.u32 v43, v32;
	v20 =	vand.u32 $0x7F, v0;
	v21 =	vor.u32 v30, v7;
	v16 =	vld [tilespmem:$0x1FF30]  }
0x1dd: {  	v22 =	vor.u32 v20, v29;
	_ =	sdelay $0x2  }
0x1de: {  	v0 =	vshll.u32 v0, $0x6;
	[tilespmem:v4+s8+$0x0] =	vst.idx.msk $0xffff, v6  }
0x1df: {  	v0 =	vand.u32 $0x3F80, v0;
	v6 =	vld.idx.msk [tilespmem:v8+s26+$0x0], $0xffff;
	v23 =	vor.u32 s19, v16;
	[tilespmem:v21+s8+$0x0] =	vst.idx.msk $0xffff, v10  }
0x1e0: {  	v33 =	vor.u32 s24, v5;
	v10 =	vld.idx.msk [tilespmem:v22+s26+$0x0], $0xffff;
	v21 =	vand.u32 $0x7F, v23;
	v22 =	vor.u32 v35, v0  }
0x1e1: {  	v25 =	vmov v17;
	v2 =	vor.u32 v33, v2;
	v17 =	vld [tilespmem:$0x1FF40];
	v24 =	vor.u32 v21, v29;
	_ =	sdelay $0x3  }
0x1e2: {  	v4 =	vshll.u32 v23, $0x6;
	[tilespmem:v22+s8+$0x0] =	vst.idx.msk $0xffff, v10  }
0x1e3: {  	v9 =	vor.u32 v48, v32;
	[tilespmem:v2+s8+$0x0] =	vst.idx.msk $0xffff, v6;
	v4 =	vand.u32 $0x3F80, v4;
	v50 =	vor.u32 s19, v17;
	v10 =	vld.idx.msk [tilespmem:v24+s26+$0x0], $0xffff  }
0x1e4: {  	v56 =	vmovc v14;
	v14 =	vmov v3;
	v23 =	vor.u32 v30, v4;
	v22 =	vand.u32 $0x7F, v50;
	v3 =	vld [tilespmem:$0x1FF50]  }
0x1e5: {  	v24 =	vor.u32 v22, v29;
	_ =	sdelay $0x2  }
0x1e6: {  	v6 =	vor.u32 v34, v7;
	v7 =	vld.idx.msk [tilespmem:v9+s26+$0x0], $0xffff;
	v2 =	vshll.u32 v50, $0x6  }
0x1e7: {  	s22 =	simm.s32 $0x20;
	v2 =	vand.u32 $0x3F80, v2;
	v51 =	vor.u32 s19, v3;
	[tilespmem:v23+s8+$0x0] =	vst.idx.msk $0xffff, v10  }
0x1e8: {  	s21 =	simm.s32 $0x8;
	s23 =	sand.u32 $0x20, s22;
	v52 =	vor.u32 v20, v32;
	v20 =	vor.u32 v35, v2;
	v10 =	vld.idx.msk [tilespmem:v24+s26+$0x0], $0xffff;
	v26 =	vand.u32 $0x7F, v51  }
0x1e9: {  	v61 =	vmovc v15;
	v15 =	vmov v25;
	v25 =	vor.u32 s19, v25;
	s10 =	sand.u32 $0xF0, s21;
	s17 =	sor.u32 $0x10, s23;
	v23 =	vor.u32 v26, v29  }
0x1ea: {  	v27 =	vor.u32 s10, v58;
	v28 =	vmov s17;
	v0 =	vor.u32 v33, v0  }
0x1eb: {  	[tilespmem:v6+s8+$0x0] =	vst.idx.msk $0xffff, v7;
	v6 =	vand.u32 $0x7F, v25;
	v24 =	vor.u32 v21, v32;
	v21 =	vmov s10  }
0x1ec: {  	v8 =	vshll.u32 v51, $0x6;
	v7 =	vshll.u32 v21, $0x3;
	v21 =	vshll.u32 v28, $0x8  }
0x1ed: {  	v9 =	vld.idx.msk [tilespmem:v52+s26+$0x0], $0xffff;
	v8 =	vand.u32 $0x3F80, v8;
	v7 =	vand.u32 $0x400, v7;
	v53 =	vor.u32 v19, v21;
	[tilespmem:v20+s8+$0x0] =	vst.idx.msk $0xffff, v10  }
0x1ee: {  	v28 =	vor.u32 v30, v8;
	v7 =	vor.u32 v1, v7;
	v10 =	vand.u32 $0x3800, v53;
	v23 =	vld.idx.msk [tilespmem:v23+s26+$0x0], $0xffff  }
0x1ef: {  	v31 =	vand.u32 $0x7F, v27;
	v54 =	vor.u32 v6, v29;
	v20 =	vor.u32 v10, v7  }
0x1f0: {  	v37 =	vor.u32 s19, v18;
	v27 =	vshll.u32 v27, $0x6;
	v57 =	vor.u32 v31, v20  }
0x1f1: {  	v48 =	vshll.u32 v25, $0x6;
	v27 =	vand.u32 $0x3F80, v27;
	v4 =	vor.u32 v34, v4  }
0x1f2: {  	v25 =	vor.u32 s19, v62;
	v60 =	vor.u32 v22, v32;
	v22 =	vmov s23;
	[tilespmem:v0+s8+$0x0] =	vst.idx.msk $0xffff, v9  }
0x1f3: {  	v38 =	vand.u32 $0x7F, v25;
	v6 =	vor.u32 v6, v32;
	v9 =	vand.u32 $0x3F80, v48;
	v24 =	vld.idx.msk [tilespmem:v24+s26+$0x0], $0xffff;
	[tilespmem:v28+s8+$0x0] =	vst.idx.msk $0xffff, v23  }
0x1f4: {  	v0 =	vor.u32 s10, v14;
	v23 =	vor.u32 s17, v11;
	v28 =	vor.u32 v35, v9;
	v10 =	vld.idx.msk [tilespmem:v54+s26+$0x0], $0xffff  }
0x1f5: {  	v50 =	vor.u32 v38, v29;
	v39 =	vand.u32 $0x7F, v0;
	v36 =	vld.idx.msk [tilespmem:v57+s26+$0x0], $0xffff;
	v49 =	vor.u32 v23, v27  }
0x1f6: {  	v22 =	vshll.u32 v22, $0x8;
	v2 =	vor.u32 v33, v2;
	v51 =	vor.u32 v39, v20  }
0x1f7: {  	v52 =	vor.u32 v19, v22;
	v22 =	vor.u32 s23, v5;
	v0 =	vshll.u32 v0, $0x6  }
0x1f8: {  	v0 =	vand.u32 $0x3F80, v0;
	[tilespmem:v4+s8+$0x0] =	vst.idx.msk $0xffff, v24;
	v24 =	vshll.u32 v25, $0x6;
	v25 =	vand.u32 $0x2800, v52  }
0x1f9: {  	v53 =	vor.u32 s19, v61;
	v25 =	vor.u32 v25, v7;
	v57 =	vld.idx.msk [tilespmem:v60+s26+$0x0], $0xffff;
	[tilespmem:v28+s8+$0x0] =	vst.idx.msk $0xffff, v10;
	v28 =	vand.u32 $0x3F80, v24  }
0x1fa: {  	v4 =	vor.u32 s10, v13;
	[tilespmem:v49+s8+$0x0] =	vst.idx.msk $0xffff, v36;
	v24 =	vor.u32 s17, v5;
	v60 =	vld.idx.msk [tilespmem:v50+s26+$0x0], $0xffff;
	v48 =	vor.u32 v30, v28  }
0x1fb: {  	v7 =	vor.u32 v26, v32;
	v49 =	vand.u32 $0x7F, v4;
	v50 =	vor.u32 v24, v0;
	v42 =	vld.idx.msk [tilespmem:v51+s26+$0x0], $0xffff  }
0x1fc: {  	v21 =	vor.u32 s23, v11;
	v45 =	vand.u32 $0x7F, v53;
	v54 =	vor.u32 v49, v20  }
0x1fd: {  	v8 =	vor.u32 v34, v8;
	v9 =	vor.u32 v33, v9;
	v51 =	vor.u32 v45, v29  }
0x1fe: {  	v27 =	vor.u32 v21, v27;
	v26 =	vor.u32 v31, v25;
	v31 =	vor.u32 s19, v63;
	[tilespmem:v2+s8+$0x0] =	vst.idx.msk $0xffff, v57  }
0x1ff: {  	v39 =	vor.u32 v39, v25;
	v52 =	vand.u32 $0x7F, v31;
	v4 =	vshll.u32 v4, $0x6;
	[tilespmem:v48+s8+$0x0] =	vst.idx.msk $0xffff, v60  }
0x200: {  	v57 =	vshll.u32 v53, $0x6;
	v4 =	vand.u32 $0x3F80, v4;
	v7 =	vld.idx.msk [tilespmem:v7+s26+$0x0], $0xffff;
	v60 =	vor.u32 s10, v47;
	[tilespmem:v50+s8+$0x0] =	vst.idx.msk $0xffff, v42  }
0x201: {  	v10 =	vand.u32 $0x3F80, v57;
	v57 =	vor.u32 v23, v4;
	v41 =	vld.idx.msk [tilespmem:v54+s26+$0x0], $0xffff;
	v54 =	vand.u32 $0x7F, v60  }
0x202: {  	v31 =	vshll.u32 v31, $0x6;
	v53 =	vor.u32 v35, v10;
	v46 =	vld.idx.msk [tilespmem:v51+s26+$0x0], $0xffff;
	v42 =	vor.u32 v54, v20  }
0x203: {  	v44 =	vor.u32 v52, v29;
	v0 =	vor.u32 v22, v0;
	v2 =	vor.u32 v49, v25  }
0x204: {  	v26 =	vld.idx.msk [tilespmem:v26+s26+$0x0], $0xffff;
	v28 =	vor.u32 v34, v28;
	v45 =	vor.u32 v45, v32;
	v49 =	vor.u32 v52, v32  }
0x205: {  	v4 =	vor.u32 v21, v4;
	v10 =	vor.u32 v33, v10;
	[tilespmem:v8+s8+$0x0] =	vst.idx.msk $0xffff, v7;
	v36 =	vshll.u32 v60, $0x6  }
0x206: {  	v48 =	vor.u32 v38, v32;
	v38 =	vor.u32 s10, v16;
	v36 =	vand.u32 $0x3F80, v36;
	[tilespmem:v57+s8+$0x0] =	vst.idx.msk $0xffff, v41  }
0x207: {  	v31 =	vand.u32 $0x3F80, v31;
	v43 =	vor.u32 v24, v36;
	[tilespmem:v53+s8+$0x0] =	vst.idx.msk $0xffff, v46;
	v41 =	vld.idx.msk [tilespmem:v42+s26+$0x0], $0xffff;
	v42 =	vand.u32 $0x7F, v38  }
0x208: {  	v60 =	vand.u32 $0x7F, v37;
	v46 =	vor.u32 v30, v31;
	v8 =	vld.idx.msk [tilespmem:v44+s26+$0x0], $0xffff;
	v57 =	vor.u32 v42, v20  }
0x209: {  	[tilespmem:v27+s8+$0x0] =	vst.idx.msk $0xffff, v26;
	v26 =	vor.u32 s19, v56;
	v7 =	vshll.u32 v37, $0x6;
	v51 =	vor.u32 v60, v29  }
0x20a: {  	v27 =	vshll.u32 v38, $0x6;
	v37 =	vor.u32 s10, v17;
	v7 =	vand.u32 $0x3F80, v7;
	v6 =	vld.idx.msk [tilespmem:v6+s26+$0x0], $0xffff  }
0x20b: {  	v55 =	vmovc v12;
	v47 =	vor.u32 v54, v25;
	v40 =	vor.u32 v60, v32;
	v27 =	vand.u32 $0x3F80, v27;
	v38 =	vld.idx.msk [tilespmem:v39+s26+$0x0], $0xffff  }
0x20c: {  	v12 =	vmovc v56;
	v60 =	vand.u32 $0x7F, v37;
	v52 =	vor.u32 v22, v36;
	v36 =	vand.u32 $0x7F, v26;
	[tilespmem:v43+s8+$0x0] =	vst.idx.msk $0xffff, v41  }
0x20d: {  	s24 =	simm.s32 $0x10;
	v54 =	vor.u32 v60, v25;
	[tilespmem:v46+s8+$0x0] =	vst.idx.msk $0xffff, v8;
	v39 =	vld.idx.msk [tilespmem:v57+s26+$0x0], $0xffff;
	v57 =	vor.u32 v23, v27  }
0x20e: {  	s9 =	sand.u32 $0xF0, s24;
	v53 =	vor.u32 v21, v27;
	v43 =	vor.u32 v35, v7;
	v27 =	vor.u32 v60, v20;
	v46 =	vld.idx.msk [tilespmem:v51+s26+$0x0], $0xffff  }
0x20f: {  	v58 =	vor.u32 s9, v58;
	v50 =	vor.u32 v36, v29;
	v31 =	vor.u32 v34, v31;
	[tilespmem:v9+s8+$0x0] =	vst.idx.msk $0xffff, v6  }
0x210: {  	v56 =	vor.u32 s10, v15;
	v9 =	vor.u32 s19, v59;
	v48 =	vld.idx.msk [tilespmem:v48+s26+$0x0], $0xffff;
	v42 =	vor.u32 v42, v25;
	[tilespmem:v0+s8+$0x0] =	vst.idx.msk $0xffff, v38  }
0x211: {  	v41 =	vor.u32 v33, v7;
	v7 =	vshll.u32 v26, $0x6;
	v26 =	vshll.u32 v37, $0x6;
	v2 =	vld.idx.msk [tilespmem:v2+s26+$0x0], $0xffff  }
0x212: {  	v0 =	vor.u32 s10, v3;
	v38 =	vand.u32 $0x3F80, v7;
	v7 =	vand.u32 $0x3F80, v26;
	[tilespmem:v57+s8+$0x0] =	vst.idx.msk $0xffff, v39  }
0x213: {  	s17 =	simm.s32 $0x40;
	v60 =	vor.u32 s19, v55;
	v51 =	vand.u32 $0x7F, v0;
	[tilespmem:v43+s8+$0x0] =	vst.idx.msk $0xffff, v46;
	v26 =	vld.idx.msk [tilespmem:v27+s26+$0x0], $0xffff;
	v27 =	vor.u32 v24, v7  }
0x214: {  	s20 =	sand.u32 $0x20, s17;
	v0 =	vshll.u32 v0, $0x6;
	v44 =	vor.u32 v30, v38;
	v6 =	vor.u32 v51, v20;
	v50 =	vld.idx.msk [tilespmem:v50+s26+$0x0], $0xffff  }
0x215: {  	s21 =	sor.u32 $0x10, s20;
	[tilespmem:v28+s8+$0x0] =	vst.idx.msk $0xffff, v48;
	v8 =	vshll.u32 v60, $0x6;
	v3 =	vand.u32 $0x3F80, v0;
	v39 =	vand.u32 $0x7F, v60  }
0x216: {  	v45 =	vld.idx.msk [tilespmem:v45+s26+$0x0], $0xffff;
	v57 =	vmov s9;
	v60 =	vmov s21;
	[tilespmem:v4+s8+$0x0] =	vst.idx.msk $0xffff, v2;
	v46 =	vand.u32 $0x3F80, v8  }
0x217: {  	v13 =	vmovc v55;
	v55 =	vor.u32 v39, v29;
	v2 =	vshll.u32 v57, $0x3;
	v4 =	vshll.u32 v60, $0x8;
	v8 =	vld.idx.msk [tilespmem:v47+s26+$0x0], $0xffff  }
0x218: {  	v47 =	vor.u32 v23, v3;
	v2 =	vand.u32 $0x400, v2;
	v4 =	vor.u32 v19, v4;
	[tilespmem:v27+s8+$0x0] =	vst.idx.msk $0xffff, v26  }
0x219: {  	v43 =	vand.u32 $0x7F, v56;
	v2 =	vor.u32 v1, v2;
	v1 =	vmov v62;
	[tilespmem:v44+s8+$0x0] =	vst.idx.msk $0xffff, v50;
	v6 =	vld.idx.msk [tilespmem:v6+s26+$0x0], $0xffff  }
0x21a: {  	v59 =	vor.u32 v43, v20;
	v4 =	vand.u32 $0x3800, v4;
	v44 =	vor.u32 s10, v1;
	v1 =	vld [tilespmem:$0x1FF70]  }
0x21b: {  	v37 =	vand.u32 $0x7F, v9;
	v60 =	vand.u32 $0x7F, v58;
	v27 =	vor.u32 v4, v2  }
0x21c: {  	v48 =	vor.u32 v37, v29;
	v0 =	vor.u32 v60, v27;
	[tilespmem:v52+s8+$0x0] =	vst.idx.msk $0xffff, v8  }
0x21d: {  	v28 =	vshll.u32 v56, $0x6;
	v57 =	vor.u32 v35, v46;
	v55 =	vld.idx.msk [tilespmem:v55+s26+$0x0], $0xffff;
	v56 =	vand.u32 $0x7F, v44;
	[tilespmem:v10+s8+$0x0] =	vst.idx.msk $0xffff, v45  }
0x21e: {  	v62 =	vor.u32 s9, v14;
	v42 =	vld.idx.msk [tilespmem:v42+s26+$0x0], $0xffff;
	v45 =	vor.u32 v56, v20;
	[tilespmem:v47+s8+$0x0] =	vst.idx.msk $0xffff, v6;
	v6 =	vand.u32 $0x3F80, v28  }
0x21f: {  	v50 =	vor.u32 s19, v1;
	v8 =	vld.idx.msk [tilespmem:v59+s26+$0x0], $0xffff;
	v52 =	vor.u32 v24, v6;
	v59 =	vshll.u32 v58, $0x6  }
0x220: {  	v28 =	vor.u32 s21, v11;
	v47 =	vand.u32 $0x7F, v50;
	v10 =	vand.u32 $0x3F80, v59  }
0x221: {  	v58 =	vor.u32 v47, v29;
	v29 =	vld.idx.msk [tilespmem:v0+s26+$0x0], $0xffff;
	v59 =	vand.u32 $0x7F, v62;
	v0 =	vor.u32 v28, v10  }
0x222: {  	v9 =	vshll.u32 v9, $0x6;
	v49 =	vld.idx.msk [tilespmem:v49+s26+$0x0], $0xffff;
	[tilespmem:v57+s8+$0x0] =	vst.idx.msk $0xffff, v55;
	v55 =	vor.u32 v59, v27  }
0x223: {  	v9 =	vand.u32 $0x3F80, v9;
	v48 =	vld.idx.msk [tilespmem:v48+s26+$0x0], $0xffff;
	[tilespmem:v53+s8+$0x0] =	vst.idx.msk $0xffff, v42  }
0x224: {  	v30 =	vor.u32 v30, v9;
	v44 =	vshll.u32 v44, $0x6;
	v54 =	vld.idx.msk [tilespmem:v54+s26+$0x0], $0xffff;
	[tilespmem:v52+s8+$0x0] =	vst.idx.msk $0xffff, v8  }
0x225: {  	v7 =	vor.u32 v22, v7;
	v53 =	vshll.u32 v62, $0x6;
	v8 =	vand.u32 $0x3F80, v44;
	v44 =	vld.idx.msk [tilespmem:v45+s26+$0x0], $0xffff  }
0x226: {  	v53 =	vand.u32 $0x3F80, v53;
	v45 =	vor.u32 v23, v8;
	v14 =	vld [tilespmem:$0x1FF10];
	[tilespmem:v0+s8+$0x0] =	vst.idx.msk $0xffff, v29;
	v29 =	vor.u32 s21, v5  }
0x227: {  	v57 =	vor.u32 s10, v61;
	[tilespmem:v31+s8+$0x0] =	vst.idx.msk $0xffff, v49;
	v49 =	vld.idx.msk [tilespmem:v55+s26+$0x0], $0xffff;
	v61 =	vor.u32 v29, v53;
	_ =	sdelay $0x1  }
0x228: {  	v4 =	vmov s20;
	v52 =	vand.u32 $0x7F, v57;
	[tilespmem:v30+s8+$0x0] =	vst.idx.msk $0xffff, v48  }
0x229: {  	v4 =	vshll.u32 v4, $0x8;
	v62 =	vor.u32 v52, v20;
	[tilespmem:v7+s8+$0x0] =	vst.idx.msk $0xffff, v54  }
0x22a: {  	v4 =	vor.u32 v19, v4;
	v42 =	vor.u32 s9, v14;
	[tilespmem:v45+s8+$0x0] =	vst.idx.msk $0xffff, v44  }
0x22b: {  	v36 =	vor.u32 v36, v32;
	v4 =	vand.u32 $0x2800, v4;
	v55 =	vand.u32 $0x7F, v42;
	[tilespmem:v61+s8+$0x0] =	vst.idx.msk $0xffff, v49  }
0x22c: {  	v31 =	vor.u32 v4, v2;
	v2 =	vshll.u32 v57, $0x6;
	v48 =	vor.u32 v55, v27;
	v15 =	vld [tilespmem:$0x1FF20]  }
0x22d: {  	v26 =	vor.u32 s20, v11;
	v4 =	vld.idx.msk [tilespmem:v40+s26+$0x0], $0xffff;
	v40 =	vor.u32 v51, v25;
	v2 =	vand.u32 $0x3F80, v2  }
0x22e: {  	v50 =	vshll.u32 v50, $0x6;
	v44 =	vor.u32 v60, v31;
	v60 =	vor.u32 v24, v2;
	v45 =	vld.idx.msk [tilespmem:v62+s26+$0x0], $0xffff  }
0x22f: {  	v10 =	vor.u32 v26, v10;
	v51 =	vor.u32 s10, v63;
	v7 =	vshll.u32 v42, $0x6  }
0x230: {  	v0 =	vor.u32 v21, v3;
	v57 =	vand.u32 $0x7F, v51;
	v7 =	vand.u32 $0x3F80, v7  }
0x231: {  	v62 =	vand.u32 $0x3F80, v50;
	v61 =	vor.u32 v28, v7;
	v50 =	vld.idx.msk [tilespmem:v48+s26+$0x0], $0xffff;
	v49 =	vor.u32 s9, v15  }
0x232: {  	v42 =	vor.u32 v57, v20;
	v40 =	vld.idx.msk [tilespmem:v40+s26+$0x0], $0xffff;
	[tilespmem:v41+s8+$0x0] =	vst.idx.msk $0xffff, v4;
	v4 =	vand.u32 $0x7F, v49  }
0x233: {  	v54 =	vshll.u32 v51, $0x6;
	v51 =	vld.idx.msk [tilespmem:v44+s26+$0x0], $0xffff;
	[tilespmem:v60+s8+$0x0] =	vst.idx.msk $0xffff, v45;
	v45 =	vor.u32 v4, v27  }
0x234: {  	v6 =	vor.u32 v22, v6;
	v48 =	vor.u32 v4, v31;
	v4 =	vor.u32 v43, v25  }
0x235: {  	v30 =	vor.u32 s20, v5;
	v54 =	vand.u32 $0x3F80, v54;
	v41 =	vor.u32 v59, v31  }
0x236: {  	v59 =	vor.u32 v23, v54;
	[tilespmem:v61+s8+$0x0] =	vst.idx.msk $0xffff, v50;
	v61 =	vor.u32 v56, v25;
	v56 =	vshll.u32 v49, $0x6  }
0x237: {  	v44 =	vor.u32 v21, v8;
	v8 =	vor.u32 s10, v18;
	[tilespmem:v0+s8+$0x0] =	vst.idx.msk $0xffff, v40;
	v42 =	vld.idx.msk [tilespmem:v42+s26+$0x0], $0xffff;
	v43 =	vand.u32 $0x3F80, v56  }
0x238: {  	v0 =	vor.u32 s9, v16;
	[tilespmem:v10+s8+$0x0] =	vst.idx.msk $0xffff, v51;
	v49 =	vand.u32 $0x7F, v8;
	v10 =	vor.u32 v29, v43;
	v40 =	vld.idx.msk [tilespmem:v45+s26+$0x0], $0xffff  }
0x239: {  	v63 =	vor.u32 v35, v62;
	v50 =	vand.u32 $0x7F, v0;
	v51 =	vor.u32 v49, v20;
	v4 =	vld.idx.msk [tilespmem:v4+s26+$0x0], $0xffff  }
0x23a: {  	v35 =	vor.u32 v30, v53;
	v53 =	vld.idx.msk [tilespmem:v41+s26+$0x0], $0xffff;
	v41 =	vor.u32 v22, v2;
	v2 =	vor.u32 v50, v27  }
0x23b: {  	v55 =	vor.u32 v55, v31;
	v60 =	vor.u32 v34, v38;
	v38 =	vor.u32 v21, v54  }
0x23c: {  	v54 =	vor.u32 v39, v32;
	[tilespmem:v59+s8+$0x0] =	vst.idx.msk $0xffff, v42;
	v59 =	vld.idx.msk [tilespmem:v36+s26+$0x0], $0xffff;
	v8 =	vshll.u32 v8, $0x6  }
0x23d: {  	v36 =	vor.u32 v34, v9;
	v0 =	vshll.u32 v0, $0x6;
	v8 =	vand.u32 $0x3F80, v8;
	[tilespmem:v10+s8+$0x0] =	vst.idx.msk $0xffff, v40  }
0x23e: {  	v0 =	vand.u32 $0x3F80, v0;
	v34 =	vld.idx.msk [tilespmem:v51+s26+$0x0], $0xffff;
	[tilespmem:v6+s8+$0x0] =	vst.idx.msk $0xffff, v4;
	v4 =	vor.u32 v24, v8  }
0x23f: {  	v42 =	vor.u32 v57, v25;
	v9 =	vor.u32 s10, v12;
	v57 =	vor.u32 v28, v0;
	v2 =	vld.idx.msk [tilespmem:v2+s26+$0x0], $0xffff  }
0x240: {  	[tilespmem:v35+s8+$0x0] =	vst.idx.msk $0xffff, v53;
	v35 =	vand.u32 $0x7F, v9;
	v10 =	vor.u32 s9, v17  }
0x241: {  	v58 =	vld.idx.msk [tilespmem:v58+s26+$0x0], $0xffff;
	[tilespmem:v60+s8+$0x0] =	vst.idx.msk $0xffff, v59;
	v59 =	vor.u32 v35, v20;
	v6 =	vand.u32 $0x7F, v10  }
0x242: {  	v7 =	vor.u32 v26, v7;
	v56 =	vld.idx.msk [tilespmem:v55+s26+$0x0], $0xffff;
	v60 =	vor.u32 v6, v27  }
0x243: {  	v46 =	vor.u32 v33, v46;
	v40 =	vor.u32 v49, v25;
	v49 =	vld.idx.msk [tilespmem:v54+s26+$0x0], $0xffff;
	[tilespmem:v4+s8+$0x0] =	vst.idx.msk $0xffff, v34  }
0x244: {  	v39 =	vor.u32 v47, v32;
	v50 =	vor.u32 v50, v31;
	v47 =	vld.idx.msk [tilespmem:v61+s26+$0x0], $0xffff;
	[tilespmem:v57+s8+$0x0] =	vst.idx.msk $0xffff, v2  }
0x245: {  	v45 =	vor.u32 v52, v25;
	v52 =	vor.u32 v30, v43;
	v43 =	vor.u32 v37, v32;
	v19 =	vld [tilespmem:$0x1FF50]  }
0x246: {  	v37 =	vor.u32 v22, v8;
	v32 =	vor.u32 v33, v62;
	v54 =	vld.idx.msk [tilespmem:v59+s26+$0x0], $0xffff;
	[tilespmem:v63+s8+$0x0] =	vst.idx.msk $0xffff, v58  }
0x247: {  	v55 =	vor.u32 v26, v0;
	v0 =	vshll.u32 v9, $0x6;
	v60 =	vld.idx.msk [tilespmem:v60+s26+$0x0], $0xffff;
	[tilespmem:v7+s8+$0x0] =	vst.idx.msk $0xffff, v56  }
0x248: {  	v35 =	vor.u32 v35, v25;
	v51 =	vor.u32 s10, v13;
	v33 =	vand.u32 $0x3F80, v0;
	v12 =	vld [tilespmem:$0x1FEF0]  }
0x249: {  	v53 =	vor.u32 v6, v31;
	v4 =	vshll.u32 v10, $0x6;
	v34 =	vand.u32 $0x7F, v51;
	v13 =	vld [tilespmem:$0x1FF00]  }
0x24a: {  	v59 =	vand.u32 $0x3F80, v4;
	v57 =	vor.u32 v23, v33;
	v18 =	vld [tilespmem:$0x1FFB0];
	v61 =	vor.u32 s9, v19  }
0x24b: {  	s19 =	simm.s32 $0x4;
	s20 =	simm.s32 $0x18;
	v3 =	vmovc v11;
	v62 =	vor.u32 v29, v59;
	v58 =	vor.u32 v34, v20;
	v1 =	vld [tilespmem:$0x1FEE0];
	v56 =	vand.u32 $0x7F, v61  }
.LBB2_5:
0x24c: {  	v2 =	vld [tilespmem:$0x1FFE0];
	v4 =	vor.u32 v56, v27;
	s17 =	sadd.s32 $0x20, s17  }
0x24d: {  	s23 =	sand.u32 $0xF0, s20;
	v6 =	vld [tilespmem:$0x1FF90];
	v8 =	vlaneseq.u32;
	v9 =	vshll.u32 v61, $0x6;
	v63 =	vshll.u32 v51, $0x6;
	s22 =	sand.u32 $0x20, s17  }
0x24e: {  	v0 =	vld.idx.msk [tilespmem:v48+s26+$0x0], $0xffff;
	v59 =	vor.u32 v30, v59;
	v7 =	vmov s23;
	v8 =	vor.u32 s23, v8;
	[tilespmem:v44+s8+$0x0] =	vst.idx.msk $0xffff, v47;
	s21 =	sor.u32 $0x10, s22  }
0x24f: {  	v9 =	vand.u32 $0x3F80, v9;
	v7 =	vshll.u32 v7, $0x3;
	v10 =	vld.idx.msk [tilespmem:v45+s26+$0x0], $0xffff;
	v11 =	vmov s21;
	[tilespmem:v46+s8+$0x0] =	vst.idx.msk $0xffff, v49  }
0x250: {  	v7 =	vand.u32 $0x400, v7;
	[tilespmem:v57+s8+$0x0] =	vst.idx.msk $0xffff, v54;
	v61 =	vshll.u32 v11, $0x8;
	v54 =	vor.u32 v28, v9;
	v11 =	vld [tilespmem:$0x1FF70]  }
0x251: {  	v46 =	vand.u32 $0x3F80, v63;
	v7 =	vor.u32 v12, v7;
	v63 =	vor.u32 s21, v3;
	v43 =	vld.idx.msk [tilespmem:v43+s26+$0x0], $0xffff;
	[tilespmem:v62+s8+$0x0] =	vst.idx.msk $0xffff, v60  }
0x252: {  	v2 =	vor.u32 s9, v2;
	v6 =	vor.u32 s10, v6;
	v57 =	vor.u32 v24, v46;
	v48 =	vld.idx.msk [tilespmem:v58+s26+$0x0], $0xffff  }
0x253: {  	v45 =	vor.u32 v1, v61;
	[tilespmem:v52+s8+$0x0] =	vst.idx.msk $0xffff, v0;
	v52 =	vand.u32 $0x7F, v8;
	v47 =	vand.u32 $0x7F, v6;
	v4 =	vld.idx.msk [tilespmem:v4+s26+$0x0], $0xffff  }
0x254: {  	v44 =	vand.u32 $0x7F, v2;
	v45 =	vand.u32 $0x3800, v45;
	v0 =	vor.u32 v47, v20  }
0x255: {  	v50 =	vld.idx.msk [tilespmem:v50+s26+$0x0], $0xffff;
	v45 =	vor.u32 v45, v7;
	v58 =	vor.u32 v44, v27;
	[tilespmem:v41+s8+$0x0] =	vst.idx.msk $0xffff, v10  }
0x256: {  	v9 =	vor.u32 v26, v9;
	v61 =	vor.u32 v52, v45;
	v42 =	vld.idx.msk [tilespmem:v42+s26+$0x0], $0xffff;
	[tilespmem:v36+s8+$0x0] =	vst.idx.msk $0xffff, v43  }
0x257: {  	v60 =	vmov s22;
	v6 =	vshll.u32 v6, $0x6;
	v2 =	vshll.u32 v2, $0x6;
	[tilespmem:v57+s8+$0x0] =	vst.idx.msk $0xffff, v48  }
0x258: {  	v62 =	vor.u32 s10, v11;
	v11 =	vshll.u32 v60, $0x8;
	v60 =	vld [tilespmem:$0x1FFD0];
	v36 =	vand.u32 $0x3F80, v6;
	[tilespmem:v54+s8+$0x0] =	vst.idx.msk $0xffff, v4  }
0x259: {  	v2 =	vand.u32 $0x3F80, v2;
	v4 =	vshll.u32 v8, $0x6;
	v8 =	vor.u32 v23, v36;
	v0 =	vld.idx.msk [tilespmem:v0+s26+$0x0], $0xffff  }
0x25a: {  	v49 =	vand.u32 $0x7F, v62;
	v57 =	vor.u32 v29, v2;
	v23 =	vmovc v28;
	v28 =	vmovc v63;
	v6 =	vld.idx.msk [tilespmem:v58+s26+$0x0], $0xffff;
	v4 =	vand.u32 $0x3F80, v4  }
0x25b: {  	v41 =	vor.u32 s9, v18;
	v48 =	vld.idx.msk [tilespmem:v61+s26+$0x0], $0xffff;
	v58 =	vor.u32 v49, v20;
	v63 =	vor.u32 v28, v4  }
0x25c: {  	v10 =	vor.u32 s23, v13;
	v43 =	vand.u32 $0x7F, v41;
	v39 =	vld.idx.msk [tilespmem:v39+s26+$0x0], $0xffff;
	[tilespmem:v55+s8+$0x0] =	vst.idx.msk $0xffff, v50;
	v20 =	vmov v27  }
0x25d: {  	s10 =	smov.u32 s9;
	v53 =	vld.idx.msk [tilespmem:v53+s26+$0x0], $0xffff;
	v61 =	vand.u32 $0x7F, v10;
	v10 =	vshll.u32 v10, $0x6;
	v50 =	vor.u32 v43, v20;
	[tilespmem:v38+s8+$0x0] =	vst.idx.msk $0xffff, v42  }
0x25e: {  	s9 =	smov.u32 s23;
	v55 =	vor.u32 v61, v45;
	v42 =	vor.u32 s10, v60;
	v60 =	vshll.u32 v62, $0x6;
	[tilespmem:v8+s8+$0x0] =	vst.idx.msk $0xffff, v0  }
0x25f: {  	v27 =	vmovc v45;
	v45 =	vor.u32 v1, v11;
	v38 =	vor.u32 s9, v14;
	[tilespmem:v57+s8+$0x0] =	vst.idx.msk $0xffff, v6;
	v57 =	vand.u32 $0x3F80, v60  }
0x260: {  	v10 =	vand.u32 $0x3F80, v10;
	v0 =	vshll.u32 v41, $0x6;
	v6 =	vld.idx.msk [tilespmem:v58+s26+$0x0], $0xffff;
	[tilespmem:v63+s8+$0x0] =	vst.idx.msk $0xffff, v48;
	v48 =	vor.u32 v24, v57  }
0x261: {  	v40 =	vld.idx.msk [tilespmem:v40+s26+$0x0], $0xffff;
	v45 =	vand.u32 $0x2800, v45;
	[tilespmem:v32+s8+$0x0] =	vst.idx.msk $0xffff, v39;
	v8 =	vand.u32 $0x7F, v42;
	v0 =	vand.u32 $0x3F80, v0  }
0x262: {  	[tilespmem:v59+s8+$0x0] =	vst.idx.msk $0xffff, v53;
	v53 =	vor.u32 v8, v20;
	v60 =	vor.u32 v23, v0;
	v41 =	vld.idx.msk [tilespmem:v50+s26+$0x0], $0xffff  }
0x263: {  	v58 =	vor.u32 v45, v7;
	v7 =	vor.u32 v56, v31;
	v50 =	vld.idx.msk [tilespmem:v55+s26+$0x0], $0xffff;
	v55 =	vor.u32 s21, v5  }
0x264: {  	v63 =	vand.u32 $0x7F, v38;
	v45 =	vor.u32 v52, v58;
	v39 =	vor.u32 v55, v10  }
0x265: {  	v51 =	vor.u32 s22, v3;
	v59 =	vor.u32 v63, v27;
	[tilespmem:v48+s8+$0x0] =	vst.idx.msk $0xffff, v6;
	v6 =	vor.u32 v63, v58;
	v63 =	vld [tilespmem:$0x1FF60]  }
0x266: {  	v46 =	vor.u32 v22, v46;
	v2 =	vor.u32 v30, v2;
	v54 =	vor.u32 s22, v5  }
0x267: {  	v36 =	vor.u32 v21, v36;
	v4 =	vor.u32 v51, v4;
	v62 =	vshll.u32 v42, $0x6;
	[tilespmem:v37+s8+$0x0] =	vst.idx.msk $0xffff, v40  }
0x268: {  	v32 =	vand.u32 $0x3F80, v62;
	v24 =	vmovc v29;
	v38 =	vshll.u32 v38, $0x6;
	v56 =	vor.u32 s9, v15;
	v7 =	vld.idx.msk [tilespmem:v7+s26+$0x0], $0xffff;
	[tilespmem:v60+s8+$0x0] =	vst.idx.msk $0xffff, v41  }
0x269: {  	v52 =	vor.u32 v61, v58;
	v38 =	vand.u32 $0x3F80, v38;
	v11 =	vand.u32 $0x7F, v56;
	v60 =	vld.idx.msk [tilespmem:v45+s26+$0x0], $0xffff;
	[tilespmem:v39+s8+$0x0] =	vst.idx.msk $0xffff, v50  }
0x26a: {  	v29 =	vmovc v55;
	v40 =	vor.u32 v28, v38;
	v39 =	vld.idx.msk [tilespmem:v53+s26+$0x0], $0xffff;
	v53 =	vor.u32 v24, v32;
	v55 =	vor.u32 s10, v63  }
0x26b: {  	v62 =	vor.u32 v51, v38;
	v38 =	vor.u32 v44, v31;
	v50 =	vld.idx.msk [tilespmem:v59+s26+$0x0], $0xffff;
	v42 =	vand.u32 $0x7F, v55  }
0x26c: {  	v44 =	vor.u32 v26, v0;
	v0 =	vshll.u32 v55, $0x6;
	v55 =	vld [tilespmem:$0x1FFC0];
	v59 =	vor.u32 v42, v20  }
0x26d: {  	v61 =	vor.u32 v43, v31;
	v37 =	vor.u32 v11, v27;
	v63 =	vld.idx.msk [tilespmem:v35+s26+$0x0], $0xffff;
	[tilespmem:v9+s8+$0x0] =	vst.idx.msk $0xffff, v7  }
0x26e: {  	v56 =	vshll.u32 v56, $0x6;
	v10 =	vor.u32 v54, v10;
	v45 =	vor.u32 v8, v31;
	[tilespmem:v4+s8+$0x0] =	vst.idx.msk $0xffff, v60  }
0x26f: {  	v41 =	vor.u32 v30, v32;
	v32 =	vand.u32 $0x3F80, v56;
	v0 =	vand.u32 $0x3F80, v0;
	v56 =	vld.idx.msk [tilespmem:v52+s26+$0x0], $0xffff;
	[tilespmem:v53+s8+$0x0] =	vst.idx.msk $0xffff, v39  }
0x270: {  	v52 =	vor.u32 v54, v32;
	v53 =	vor.u32 v29, v32;
	v32 =	vld.idx.msk [tilespmem:v38+s26+$0x0], $0xffff;
	[tilespmem:v40+s8+$0x0] =	vst.idx.msk $0xffff, v50  }
0x271: {  	v35 =	vor.u32 s9, v16;
	v9 =	vor.u32 v23, v0;
	v8 =	vor.u32 s10, v55;
	v39 =	vld.idx.msk [tilespmem:v59+s26+$0x0], $0xffff  }
0x272: {  	v43 =	vor.u32 v47, v25;
	v4 =	vand.u32 $0x7F, v35;
	v37 =	vld.idx.msk [tilespmem:v37+s26+$0x0], $0xffff;
	v7 =	vand.u32 $0x7F, v8  }
0x273: {  	v60 =	vor.u32 v7, v20;
	v40 =	vor.u32 v7, v31;
	v7 =	vor.u32 v34, v25;
	v34 =	vld [tilespmem:$0x1FFA0]  }
0x274: {  	v50 =	vor.u32 v4, v58;
	v4 =	vor.u32 v4, v27;
	[tilespmem:v10+s8+$0x0] =	vst.idx.msk $0xffff, v56  }
0x275: {  	v48 =	vor.u32 v11, v58;
	v42 =	vor.u32 v42, v31;
	v6 =	vld.idx.msk [tilespmem:v6+s26+$0x0], $0xffff;
	[tilespmem:v2+s8+$0x0] =	vst.idx.msk $0xffff, v32  }
0x276: {  	v38 =	vor.u32 v26, v0;
	v0 =	vor.u32 v21, v33;
	v8 =	vshll.u32 v8, $0x6;
	[tilespmem:v9+s8+$0x0] =	vst.idx.msk $0xffff, v39  }
0x277: {  	v8 =	vand.u32 $0x3F80, v8;
	v32 =	vor.u32 v22, v57;
	v2 =	vld [tilespmem:$0x1FFF0];
	v39 =	vshll.u32 v35, $0x6;
	[tilespmem:v53+s8+$0x0] =	vst.idx.msk $0xffff, v37  }
0x278: {  	v33 =	vor.u32 s10, v34;
	v9 =	vand.u32 $0x3F80, v39;
	v59 =	vld.idx.msk [tilespmem:v60+s26+$0x0], $0xffff;
	v60 =	vor.u32 v24, v8  }
0x279: {  	v34 =	vor.u32 s9, v17;
	v4 =	vld.idx.msk [tilespmem:v4+s26+$0x0], $0xffff;
	v35 =	vand.u32 $0x7F, v33;
	v56 =	vor.u32 v28, v9  }
0x27a: {  	s19 =	sadd.s32 $0x2, s19;
	v21 =	vmovc v26;
	v26 =	vmovc v51;
	v37 =	vor.u32 v30, v8;
	v47 =	vand.u32 $0x7F, v34;
	v11 =	vor.u32 v35, v20  }
0x27b: {  	p3 =	slt.u32 s19, $0x3E;
	v39 =	vor.u32 v49, v25;
	v55 =	vor.u32 v26, v9;
	v9 =	vor.u32 v47, v27  }
.Ltmp3:
0x27c: {  	v22 =	vmov v30;
	v51 =	vor.u32 s10, v2;
	v53 =	vor.u32 v47, v58;
	v47 =	vld.idx.msk [tilespmem:v61+s26+$0x0], $0xffff;
	[tilespmem:v0+s8+$0x0] =	vst.idx.msk $0xffff, v63;
	(pc) =	sbr.rel @p3 .LBB2_5-.Ltmp3, $4  }
0x27d: {  	v30 =	vmovc v54;
	v25 =	vmov v31;
	v2 =	vshll.u32 v34, $0x6;
	v35 =	vor.u32 v35, v31;
	[tilespmem:v60+s8+$0x0] =	vst.idx.msk $0xffff, v59  }
0x27e: {  	v34 =	vand.u32 $0x7F, v51;
	v0 =	vshll.u32 v33, $0x6;
	v61 =	vor.u32 s9, v19;
	v31 =	vmovc v58;
	v49 =	vld.idx.msk [tilespmem:v7+s26+$0x0], $0xffff;
	[tilespmem:v56+s8+$0x0] =	vst.idx.msk $0xffff, v4  }
0x27f: {  	v58 =	vor.u32 v34, v20;
	v33 =	vand.u32 $0x3F80, v0;
	[tilespmem:v62+s8+$0x0] =	vst.idx.msk $0xffff, v6;
	v59 =	vand.u32 $0x3F80, v2;
	v54 =	vld.idx.msk [tilespmem:v11+s26+$0x0], $0xffff  }
0x280: {  	s20 =	sadd.s32 $0x8, s20;
	v57 =	vor.u32 v23, v33;
	v56 =	vand.u32 $0x7F, v61;
	v62 =	vor.u32 v29, v59;
	v60 =	vld.idx.msk [tilespmem:v9+s26+$0x0], $0xffff  }
0x281: {  	_ =	sdelay $0x3  }
0x282: {  	v0 =	vld.idx.msk [tilespmem:v48+s26+$0x0], $0xffff;
	_ =	sdelay $0x4  }
0x283: {  	[tilespmem:v52+s8+$0x0] =	vst.idx.msk $0xffff, v0  }
0x284: {  	v0 =	vld.idx.msk [tilespmem:v50+s26+$0x0], $0xffff;
	_ =	sdelay $0x4  }
0x285: {  	[tilespmem:v55+s8+$0x0] =	vst.idx.msk $0xffff, v0  }
0x286: {  	v63 =	vld [tilespmem:$0x1FFE0]  }
0x287: {  	v4 =	vor.u32 v30, v59;
	v0 =	vor.u32 v56, v27;
	v2 =	vld.idx.msk [tilespmem:v53+s26+$0x0], $0xffff  }
0x288: {  	v6 =	vor.u32 v56, v31;
	_ =	sdelay $0x1  }
0x289: {  	v7 =	vshll.u32 v61, $0x6  }
0x28a: {  	v7 =	vand.u32 $0x3F80, v7;
	[tilespmem:v62+s8+$0x0] =	vst.idx.msk $0xffff, v60;
	v8 =	vor.u32 s9, v63  }
0x28b: {  	v10 =	vor.u32 v28, v7;
	v0 =	vld.idx.msk [tilespmem:v0+s26+$0x0], $0xffff;
	[tilespmem:v4+s8+$0x0] =	vst.idx.msk $0xffff, v2;
	v9 =	vand.u32 $0x7F, v8  }
0x28c: {  	v4 =	vor.u32 v26, v7;
	v6 =	vld.idx.msk [tilespmem:v6+s26+$0x0], $0xffff;
	v2 =	vor.u32 v9, v27  }
0x28d: {  	v7 =	vor.u32 v9, v31;
	_ =	sdelay $0x2  }
0x28e: {  	v8 =	vshll.u32 v8, $0x6;
	[tilespmem:v10+s8+$0x0] =	vst.idx.msk $0xffff, v0  }
0x28f: {  	v50 =	vor.u32 s9, v18;
	v0 =	vand.u32 $0x3F80, v8;
	[tilespmem:v4+s8+$0x0] =	vst.idx.msk $0xffff, v6;
	v2 =	vld.idx.msk [tilespmem:v2+s26+$0x0], $0xffff  }
0x290: {  	v52 =	vand.u32 $0x7F, v50;
	v53 =	vor.u32 v29, v0;
	v6 =	vld.idx.msk [tilespmem:v7+s26+$0x0], $0xffff  }
0x291: {  	v0 =	vor.u32 v30, v0;
	v4 =	vor.u32 v52, v27;
	v61 =	vld [tilespmem:$0x1FFD0]  }
0x292: {  	v7 =	vor.u32 v52, v31;
	_ =	sdelay $0x1  }
0x293: {  	[tilespmem:v44+s8+$0x0] =	vst.idx.msk $0xffff, v47  }
0x294: {  	v55 =	vshll.u32 v50, $0x6;
	v50 =	vld.idx.msk [tilespmem:v45+s26+$0x0], $0xffff;
	[tilespmem:v53+s8+$0x0] =	vst.idx.msk $0xffff, v2  }
0x295: {  	v56 =	vor.u32 s9, v61;
	v2 =	vand.u32 $0x3F80, v55;
	[tilespmem:v0+s8+$0x0] =	vst.idx.msk $0xffff, v6;
	v4 =	vld.idx.msk [tilespmem:v4+s26+$0x0], $0xffff  }
0x296: {  	v59 =	vand.u32 $0x7F, v56;
	v60 =	vor.u32 v28, v2;
	v6 =	vld.idx.msk [tilespmem:v7+s26+$0x0], $0xffff  }
0x297: {  	v2 =	vor.u32 v26, v2;
	v14 =	vld [tilespmem:$0x1FF60];
	v0 =	vor.u32 v59, v27  }
0x298: {  	v7 =	vor.u32 v59, v31;
	_ =	sdelay $0x1  }
0x299: {  	[tilespmem:v41+s8+$0x0] =	vst.idx.msk $0xffff, v50  }
0x29a: {  	v48 =	vshll.u32 v56, $0x6;
	v9 =	vld.idx.msk [tilespmem:v42+s26+$0x0], $0xffff;
	[tilespmem:v60+s8+$0x0] =	vst.idx.msk $0xffff, v4  }
0x29b: {  	v11 =	vor.u32 s9, v14;
	v4 =	vand.u32 $0x3F80, v48;
	[tilespmem:v2+s8+$0x0] =	vst.idx.msk $0xffff, v6;
	v0 =	vld.idx.msk [tilespmem:v0+s26+$0x0], $0xffff  }
0x29c: {  	v52 =	vand.u32 $0x7F, v11;
	v53 =	vor.u32 v29, v4;
	v6 =	vld.idx.msk [tilespmem:v7+s26+$0x0], $0xffff  }
0x29d: {  	v62 =	vmov v18;
	v4 =	vor.u32 v30, v4;
	v18 =	vld [tilespmem:$0x1FFC0];
	v2 =	vor.u32 v52, v27;
	_ =	sdelay $0x1  }
0x29e: {  	v7 =	vor.u32 v52, v31  }
0x29f: {  	[tilespmem:v38+s8+$0x0] =	vst.idx.msk $0xffff, v9  }
0x2a0: {  	v55 =	vshll.u32 v11, $0x6;
	[tilespmem:v53+s8+$0x0] =	vst.idx.msk $0xffff, v0  }
0x2a1: {  	v56 =	vor.u32 s9, v18;
	v0 =	vand.u32 $0x3F80, v55;
	[tilespmem:v4+s8+$0x0] =	vst.idx.msk $0xffff, v6;
	v2 =	vld.idx.msk [tilespmem:v2+s26+$0x0], $0xffff  }
0x2a2: {  	v59 =	vand.u32 $0x7F, v56;
	v60 =	vor.u32 v28, v0;
	v38 =	vshll.u32 v56, $0x6;
	v56 =	vld [tilespmem:$0x1FFA0]  }
0x2a3: {  	v0 =	vor.u32 v26, v0;
	v6 =	vld.idx.msk [tilespmem:v7+s26+$0x0], $0xffff;
	v4 =	vor.u32 v59, v27  }
0x2a4: {  	v7 =	vor.u32 v59, v31;
	_ =	sdelay $0x1  }
0x2a5: {  	v9 =	vld.idx.msk [tilespmem:v40+s26+$0x0], $0xffff  }
0x2a6: {  	v41 =	vor.u32 s9, v56;
	[tilespmem:v60+s8+$0x0] =	vst.idx.msk $0xffff, v2;
	v2 =	vand.u32 $0x3F80, v38  }
0x2a7: {  	[tilespmem:v0+s8+$0x0] =	vst.idx.msk $0xffff, v6;
	v4 =	vld.idx.msk [tilespmem:v4+s26+$0x0], $0xffff;
	v42 =	vand.u32 $0x7F, v41;
	v44 =	vor.u32 v29, v2  }
0x2a8: {  	v2 =	vor.u32 v30, v2;
	v6 =	vld.idx.msk [tilespmem:v7+s26+$0x0], $0xffff;
	v0 =	vor.u32 v42, v27  }
0x2a9: {  	v7 =	vor.u32 v42, v31  }
0x2aa: {  	[tilespmem:v37+s8+$0x0] =	vst.idx.msk $0xffff, v9  }
0x2ab: {  	v15 =	vld [tilespmem:$0x1FFF0]  }
0x2ac: {  	v47 =	vld.idx.msk [tilespmem:v35+s26+$0x0], $0xffff;
	v45 =	vshll.u32 v41, $0x6;
	[tilespmem:v44+s8+$0x0] =	vst.idx.msk $0xffff, v4  }
0x2ad: {  	v8 =	vor.u32 v21, v33;
	v4 =	vand.u32 $0x3F80, v45;
	[tilespmem:v2+s8+$0x0] =	vst.idx.msk $0xffff, v6;
	v0 =	vld.idx.msk [tilespmem:v0+s26+$0x0], $0xffff  }
0x2ae: {  	v53 =	vor.u32 v28, v4;
	v7 =	vld.idx.msk [tilespmem:v7+s26+$0x0], $0xffff  }
0x2af: {  	v48 =	vor.u32 v34, v25;
	v4 =	vor.u32 v26, v4;
	v13 =	vld [tilespmem:$0x1FF90]  }
0x2b0: {  	v50 =	vor.u32 s9, v15;
	[tilespmem:v57+s8+$0x0] =	vst.idx.msk $0xffff, v54  }
0x2b1: {  	v2 =	vshll.u32 v51, $0x6;
	v52 =	vand.u32 $0x7F, v50;
	[tilespmem:v46+s8+$0x0] =	vst.idx.msk $0xffff, v49  }
0x2b2: {  	v2 =	vand.u32 $0x3F80, v2;
	[tilespmem:v8+s8+$0x0] =	vst.idx.msk $0xffff, v47;
	v6 =	vor.u32 v52, v27  }
0x2b3: {  	v9 =	vor.u32 v52, v31;
	v59 =	vld.idx.msk [tilespmem:v58+s26+$0x0], $0xffff;
	v60 =	vor.u32 v24, v2;
	[tilespmem:v53+s8+$0x0] =	vst.idx.msk $0xffff, v0  }
0x2b4: {  	v2 =	vor.u32 v22, v2;
	v33 =	vld.idx.msk [tilespmem:v48+s26+$0x0], $0xffff;
	v55 =	vor.u32 s10, v13;
	[tilespmem:v4+s8+$0x0] =	vst.idx.msk $0xffff, v7  }
0x2b5: {  	v45 =	vshll.u32 v50, $0x6;
	v57 =	vand.u32 $0x7F, v55;
	v1 =	vld [tilespmem:$0x1FF70]  }
0x2b6: {  	v8 =	vand.u32 $0x3F80, v45;
	v47 =	vor.u32 s9, v13;
	v44 =	vor.u32 v57, v20  }
0x2b7: {  	v48 =	vor.u32 v29, v8;
	v0 =	vand.u32 $0x7F, v47;
	v6 =	vld.idx.msk [tilespmem:v6+s26+$0x0], $0xffff;
	v46 =	vor.u32 v57, v25  }
0x2b8: {  	v8 =	vor.u32 v30, v8;
	v4 =	vshll.u32 v55, $0x6;
	v9 =	vld.idx.msk [tilespmem:v9+s26+$0x0], $0xffff;
	v7 =	vor.u32 v0, v27  }
0x2b9: {  	[tilespmem:v2+s8+$0x0] =	vst.idx.msk $0xffff, v33;
	v2 =	vshll.u32 v47, $0x6;
	v4 =	vand.u32 $0x3F80, v4;
	v0 =	vor.u32 v0, v31  }
0x2ba: {  	v49 =	vld.idx.msk [tilespmem:v43+s26+$0x0], $0xffff;
	[tilespmem:v60+s8+$0x0] =	vst.idx.msk $0xffff, v59;
	v2 =	vand.u32 $0x3F80, v2;
	v23 =	vor.u32 v23, v4;
	v50 =	vor.u32 s10, v1  }
0x2bb: {  	v4 =	vor.u32 v21, v4;
	v54 =	vor.u32 v28, v2;
	v51 =	vand.u32 $0x7F, v50;
	v40 =	vld.idx.msk [tilespmem:v44+s26+$0x0], $0xffff  }
0x2bc: {  	v53 =	vor.u32 s9, v1;
	[tilespmem:v48+s8+$0x0] =	vst.idx.msk $0xffff, v6;
	v11 =	vld.idx.msk [tilespmem:v46+s26+$0x0], $0xffff;
	v20 =	vor.u32 v51, v20  }
0x2bd: {  	[tilespmem:v8+s8+$0x0] =	vst.idx.msk $0xffff, v9;
	v6 =	vand.u32 $0x7F, v53;
	v7 =	vld.idx.msk [tilespmem:v7+s26+$0x0], $0xffff;
	v52 =	vor.u32 v51, v25  }
0x2be: {  	v2 =	vor.u32 v26, v2;
	v0 =	vld.idx.msk [tilespmem:v0+s26+$0x0], $0xffff;
	v55 =	vor.u32 v6, v27  }
0x2bf: {  	[tilespmem:v36+s8+$0x0] =	vst.idx.msk $0xffff, v49;
	v57 =	vshll.u32 v50, $0x6;
	v6 =	vor.u32 v6, v31  }
0x2c0: {  	v58 =	vld.idx.msk [tilespmem:v39+s26+$0x0], $0xffff;
	v9 =	vand.u32 $0x3F80, v57;
	[tilespmem:v23+s8+$0x0] =	vst.idx.msk $0xffff, v40  }
0x2c1: {  	v59 =	vor.u32 v24, v9;
	[tilespmem:v4+s8+$0x0] =	vst.idx.msk $0xffff, v11;
	v4 =	vshll.u32 v53, $0x6;
	v20 =	vld.idx.msk [tilespmem:v20+s26+$0x0], $0xffff  }
0x2c2: {  	v9 =	vor.u32 v22, v9;
	[tilespmem:v54+s8+$0x0] =	vst.idx.msk $0xffff, v7;
	v11 =	vld.idx.msk [tilespmem:v52+s26+$0x0], $0xffff;
	v4 =	vand.u32 $0x3F80, v4  }
0x2c3: {  	[tilespmem:v2+s8+$0x0] =	vst.idx.msk $0xffff, v0;
	v7 =	vld.idx.msk [tilespmem:v55+s26+$0x0], $0xffff;
	v60 =	vor.u32 v29, v4  }
0x2c4: {  	s12 =	sadd.s32 $0x1, s12;
	v2 =	vld.idx.msk [tilespmem:v6+s26+$0x0], $0xffff;
	v0 =	vor.u32 v30, v4  }
0x2c5: {  	p3 =	sne.s32 s12, $0x3D;
	[tilespmem:v32+s8+$0x0] =	vst.idx.msk $0xffff, v58  }
.Ltmp4:
0x2c6: {  	[tilespmem:v59+s8+$0x0] =	vst.idx.msk $0xffff, v20;
	(pc) =	sbr.rel @p3 .LBB2_2-.Ltmp4, $4  }
0x2c7: {  	[tilespmem:v9+s8+$0x0] =	vst.idx.msk $0xffff, v11  }
0x2c8: {  	[tilespmem:v60+s8+$0x0] =	vst.idx.msk $0xffff, v7  }
0x2c9: {  	s24 =	sadd.s32 s3, s16;
	[tilespmem:v0+s8+$0x0] =	vst.idx.msk $0xffff, v2  }
0x2ca: {  	v2 =	vmov v14;
	[hbm4b:s24+s2] =	stream.linear.scatter [tilespmem:s8], [sflag:$0x4], $0x4000, $0x38;
	[tilespmem:$0x10000] =	vst v63  }
.Ltmp5:
0x2cb: {  	(pc) =	sbr.rel @p0 .LBB2_11-.Ltmp5, $1  }
0x2cc: {  	_ =	sdelay $0x3  }
0x2cd: {  	_ =	swait.ge [sflag:s5], $0x800  }
0x2ce: {  	[sflag:s5] =	ssyncset.done $0x0  }
0x2cf: {  	[sflag:s5] =	ssyncadd.s32 $0xFFFFF800  }
0x2d0: {  	_ =	swait.ge [sflag:s5], $0x800  }
0x2d1: {  	[sflag:s5] =	ssyncset.done $0x0  }
0x2d2: {  	[sflag:s5] =	ssyncadd.s32 $0xFFFFF800  }
0x2d3: {  	_ =	swait.ge [sflag:s5], $0x800  }
0x2d4: {  	[sflag:s5] =	ssyncset.done $0x0  }
0x2d5: {  	[sflag:s5] =	ssyncadd.s32 $0xFFFFF800  }
0x2d6: {  	_ =	swait.ge [sflag:s5], $0x800  }
0x2d7: {  	[sflag:s5] =	ssyncset.done $0x0  }
0x2d8: {  	[sflag:s5] =	ssyncadd.s32 $0xFFFFF800  }
0x2d9: {  	_ =	swait.ge [sflag:s5], $0x800  }
0x2da: {  	[sflag:s5] =	ssyncset.done $0x0  }
0x2db: {  	[sflag:s5] =	ssyncadd.s32 $0xFFFFF800  }
0x2dc: {  	_ =	swait.ge [sflag:s5], $0x800  }
0x2dd: {  	[sflag:s5] =	ssyncset.done $0x0  }
0x2de: {  	[sflag:s5] =	ssyncadd.s32 $0xFFFFF800  }
0x2df: {  	_ =	swait.ge [sflag:s5], $0x800  }
0x2e0: {  	s10 =	simm.s32 $0x0;
	v1 =	vld [tilespmem:$0x1FEE0]  }
0x2e1: {  	s9 =	sand.u32 $0x20, s10;
	[sflag:s5] =	ssyncset.done $0x0;
	v17 =	vld [tilespmem:$0x1FEF0]  }
0x2e2: {  	s16 =	sand.u32 $0xF0, s10;
	s20 =	sor.u32 $0x10, s9;
	[sflag:s5] =	ssyncadd.s32 $0xFFFFF800  }
0x2e3: {  	v0 =	vmov s16;
	v2 =	vmov s20;
	_ =	swait.ge [sflag:s5], $0x800  }
0x2e4: {  	v0 =	vshll.u32 v0, $0x3;
	v2 =	vshll.u32 v2, $0x8;
	[sflag:s5] =	ssyncset.done $0x0  }
0x2e5: {  	v57 =	vlaneseq.u32;
	s12 =	simm.s32 $0x3;
	v0 =	vand.u32 $0x400, v0;
	[sflag:s5] =	ssyncadd.s32 $0xFFFFF800;
	v2 =	vor.u32 v1, v2  }
0x2e6: {  	v4 =	vor.u32 s16, v57;
	v0 =	vor.u32 v17, v0;
	_ =	swait.ge [sflag:s12], $0x4000;
	v2 =	vand.u32 $0x3800, v2  }
0x2e7: {  	v6 =	vand.u32 $0x7F, v4;
	v19 =	vld [tilespmem:$0x1FF00];
	v29 =	vor.u32 v2, v0  }
0x2e8: {  	v2 =	vor.u32 v6, v29;
	_ =	sdelay $0x2  }
0x2e9: {  	v4 =	vshll.u32 v4, $0x6;
	[sflag:s12] =	ssyncset.done $0x0  }
0x2ea: {  	v30 =	vor.u32 s20, v3;
	v4 =	vand.u32 $0x3F80, v4;
	v16 =	vld [tilespmem:$0x1FF10];
	[sflag:s12] =	ssyncadd.s32 $0xFFFFC000;
	v7 =	vor.u32 s16, v19  }
0x2eb: {  	v9 =	vor.u32 v30, v4;
	v8 =	vand.u32 $0x7F, v7;
	v2 =	vld.idx.msk [tilespmem:v2+s2+$0x0], $0xffff  }
0x2ec: {  	v20 =	vmov s9;
	v10 =	vor.u32 v8, v29  }
0x2ed: {  	v20 =	vshll.u32 v20, $0x8  }
0x2ee: {  	v20 =	vor.u32 v1, v20  }
0x2ef: {  	v35 =	vor.u32 s20, v5;
	v20 =	vand.u32 $0x2800, v20;
	v7 =	vshll.u32 v7, $0x6  }
0x2f0: {  	v32 =	vor.u32 v20, v0;
	v11 =	vor.u32 s16, v16;
	[tilespmem:v9+s6+$0x0] =	vst.idx.msk $0xffff, v2;
	v2 =	vand.u32 $0x3F80, v7  }
0x2f1: {  	v6 =	vor.u32 v6, v32;
	v42 =	vand.u32 $0x7F, v11;
	v7 =	vld.idx.msk [tilespmem:v10+s2+$0x0], $0xffff;
	v43 =	vor.u32 v35, v2  }
0x2f2: {  	v21 =	vor.u32 v42, v29;
	v46 =	vld [tilespmem:$0x1FF20];
	_ =	sdelay $0x3  }
0x2f3: {  	v34 =	vor.u32 s9, v3;
	v11 =	vshll.u32 v11, $0x6;
	v6 =	vld.idx.msk [tilespmem:v6+s2+$0x0], $0xffff;
	[tilespmem:v43+s6+$0x0] =	vst.idx.msk $0xffff, v7  }
0x2f4: {  	v4 =	vor.u32 v34, v4;
	v0 =	vor.u32 s16, v46;
	v7 =	vand.u32 $0x3F80, v11;
	v10 =	vld.idx.msk [tilespmem:v21+s2+$0x0], $0xffff  }
0x2f5: {  	v8 =	vor.u32 v8, v32;
	v47 =	vand.u32 $0x7F, v0;
	v20 =	vor.u32 v30, v7;
	v49 =	vld [tilespmem:$0x1FF30]  }
0x2f6: {  	v21 =	vor.u32 v47, v29;
	_ =	sdelay $0x2  }
0x2f7: {  	v0 =	vshll.u32 v0, $0x6;
	[tilespmem:v4+s6+$0x0] =	vst.idx.msk $0xffff, v6  }
0x2f8: {  	v0 =	vand.u32 $0x3F80, v0;
	v6 =	vld.idx.msk [tilespmem:v8+s2+$0x0], $0xffff;
	v22 =	vor.u32 s16, v49;
	[tilespmem:v20+s6+$0x0] =	vst.idx.msk $0xffff, v10  }
0x2f9: {  	v33 =	vor.u32 s9, v5;
	v10 =	vld.idx.msk [tilespmem:v21+s2+$0x0], $0xffff;
	v20 =	vand.u32 $0x7F, v22;
	v21 =	vor.u32 v35, v0  }
0x2fa: {  	v2 =	vor.u32 v33, v2;
	v52 =	vld [tilespmem:$0x1FF40];
	v23 =	vor.u32 v20, v29;
	_ =	sdelay $0x2  }
0x2fb: {  	v9 =	vor.u32 v42, v32  }
0x2fc: {  	v4 =	vshll.u32 v22, $0x6;
	[tilespmem:v21+s6+$0x0] =	vst.idx.msk $0xffff, v10  }
0x2fd: {  	[tilespmem:v2+s6+$0x0] =	vst.idx.msk $0xffff, v6;
	v4 =	vand.u32 $0x3F80, v4;
	v55 =	vor.u32 s16, v52;
	v10 =	vld.idx.msk [tilespmem:v23+s2+$0x0], $0xffff  }
0x2fe: {  	v22 =	vor.u32 v30, v4;
	v21 =	vand.u32 $0x7F, v55;
	v12 =	vld [tilespmem:$0x1FF50]  }
0x2ff: {  	v23 =	vor.u32 v21, v29  }
0x300: {  	v6 =	vor.u32 v34, v7;
	v7 =	vld.idx.msk [tilespmem:v9+s2+$0x0], $0xffff  }
0x301: {  	v59 =	vor.u32 v47, v32  }
0x302: {  	s21 =	simm.s32 $0x8;
	v2 =	vshll.u32 v55, $0x6  }
0x303: {  	s22 =	simm.s32 $0x20;
	s10 =	sand.u32 $0xF0, s21;
	v25 =	vor.u32 s16, v63;
	v2 =	vand.u32 $0x3F80, v2;
	v58 =	vor.u32 s16, v12;
	[tilespmem:v22+s6+$0x0] =	vst.idx.msk $0xffff, v10  }
0x304: {  	s23 =	sand.u32 $0x20, s22;
	v26 =	vor.u32 s10, v57;
	v22 =	vor.u32 v35, v2;
	v10 =	vld.idx.msk [tilespmem:v23+s2+$0x0], $0xffff;
	v60 =	vand.u32 $0x7F, v58  }
0x305: {  	v36 =	vmov s23;
	v48 =	vshll.u32 v25, $0x6;
	s12 =	sor.u32 $0x10, s23;
	[tilespmem:v6+s6+$0x0] =	vst.idx.msk $0xffff, v7;
	v23 =	vor.u32 v60, v29  }
0x306: {  	v36 =	vshll.u32 v36, $0x8;
	v27 =	vmov s12;
	v0 =	vor.u32 v33, v0;
	v9 =	vld.idx.msk [tilespmem:v59+s2+$0x0], $0xffff  }
0x307: {  	v24 =	vor.u32 v20, v32;
	v20 =	vmov s10;
	v6 =	vand.u32 $0x7F, v25  }
0x308: {  	v7 =	vshll.u32 v20, $0x3;
	v20 =	vshll.u32 v27, $0x8;
	v8 =	vshll.u32 v58, $0x6  }
0x309: {  	v7 =	vand.u32 $0x400, v7;
	v45 =	vor.u32 v1, v20;
	v8 =	vand.u32 $0x3F80, v8;
	[tilespmem:v22+s6+$0x0] =	vst.idx.msk $0xffff, v10  }
0x30a: {  	v7 =	vor.u32 v17, v7;
	v10 =	vand.u32 $0x3800, v45;
	v22 =	vld.idx.msk [tilespmem:v23+s2+$0x0], $0xffff;
	v23 =	vor.u32 v30, v8  }
0x30b: {  	s24 =	simm.s32 $0x10;
	v27 =	vand.u32 $0x7F, v26;
	v47 =	vor.u32 v6, v29;
	[tilespmem:v0+s6+$0x0] =	vst.idx.msk $0xffff, v9;
	v20 =	vor.u32 v10, v7  }
0x30c: {  	s9 =	sand.u32 $0xF0, s24;
	v4 =	vor.u32 v34, v4;
	v25 =	vor.u32 s16, v62;
	v24 =	vld.idx.msk [tilespmem:v24+s2+$0x0], $0xffff;
	v28 =	vor.u32 v27, v20  }
0x30d: {  	v57 =	vor.u32 s9, v57;
	v31 =	vor.u32 v21, v32;
	v37 =	vand.u32 $0x7F, v25  }
0x30e: {  	v36 =	vor.u32 v1, v36;
	v43 =	vor.u32 s16, v61;
	v40 =	vor.u32 v37, v29  }
0x30f: {  	v0 =	vor.u32 s10, v19;
	v9 =	vand.u32 $0x3F80, v48;
	[tilespmem:v23+s6+$0x0] =	vst.idx.msk $0xffff, v22;
	v22 =	vshll.u32 v26, $0x6  }
0x310: {  	v23 =	vor.u32 s12, v3;
	v26 =	vor.u32 v35, v9;
	v10 =	vld.idx.msk [tilespmem:v47+s2+$0x0], $0xffff;
	v22 =	vand.u32 $0x3F80, v22  }
0x311: {  	v44 =	vand.u32 $0x7F, v43;
	v38 =	vand.u32 $0x7F, v0;
	[tilespmem:v4+s6+$0x0] =	vst.idx.msk $0xffff, v24;
	v28 =	vld.idx.msk [tilespmem:v28+s2+$0x0], $0xffff;
	v39 =	vor.u32 v23, v22  }
0x312: {  	v6 =	vor.u32 v6, v32;
	v2 =	vor.u32 v33, v2;
	v42 =	vor.u32 v38, v20;
	v50 =	vld.idx.msk [tilespmem:v31+s2+$0x0], $0xffff  }
0x313: {  	v0 =	vshll.u32 v0, $0x6;
	v24 =	vshll.u32 v25, $0x6;
	v25 =	vand.u32 $0x2800, v36  }
0x314: {  	v37 =	vor.u32 v37, v32;
	v0 =	vand.u32 $0x3F80, v0;
	v25 =	vor.u32 v25, v7  }
0x315: {  	v7 =	vor.u32 v60, v32;
	v55 =	vor.u32 v27, v25;
	[tilespmem:v26+s6+$0x0] =	vst.idx.msk $0xffff, v10;
	v26 =	vand.u32 $0x3F80, v24  }
0x316: {  	v4 =	vor.u32 s10, v16;
	v24 =	vor.u32 s12, v5;
	[tilespmem:v39+s6+$0x0] =	vst.idx.msk $0xffff, v28;
	v28 =	vld.idx.msk [tilespmem:v40+s2+$0x0], $0xffff;
	v31 =	vor.u32 v30, v26  }
0x317: {  	v21 =	vor.u32 s23, v3;
	v51 =	vand.u32 $0x7F, v4;
	[tilespmem:v2+s6+$0x0] =	vst.idx.msk $0xffff, v50;
	v53 =	vor.u32 v24, v0;
	v42 =	vld.idx.msk [tilespmem:v42+s2+$0x0], $0xffff  }
0x318: {  	v58 =	vshll.u32 v43, $0x6;
	v45 =	vor.u32 v44, v29;
	v54 =	vor.u32 v51, v20;
	v14 =	vld [tilespmem:$0x1FF60]  }
0x319: {  	v44 =	vor.u32 v44, v32;
	v8 =	vor.u32 v34, v8;
	v4 =	vshll.u32 v4, $0x6  }
0x31a: {  	v27 =	vor.u32 v38, v25;
	v4 =	vand.u32 $0x3F80, v4;
	v9 =	vor.u32 v33, v9;
	v7 =	vld.idx.msk [tilespmem:v7+s2+$0x0], $0xffff  }
0x31b: {  	v2 =	vor.u32 v51, v25;
	v41 =	vor.u32 v21, v22;
	v11 =	vld.idx.msk [tilespmem:v55+s2+$0x0], $0xffff;
	[tilespmem:v31+s6+$0x0] =	vst.idx.msk $0xffff, v28  }
0x31c: {  	v22 =	vor.u32 s23, v5;
	v10 =	vand.u32 $0x3F80, v58;
	v28 =	vor.u32 s10, v46;
	[tilespmem:v53+s6+$0x0] =	vst.idx.msk $0xffff, v42  }
0x31d: {  	v59 =	vor.u32 s16, v14;
	v51 =	vand.u32 $0x7F, v28;
	v53 =	vor.u32 v23, v4;
	v36 =	vld.idx.msk [tilespmem:v54+s2+$0x0], $0xffff  }
0x31e: {  	v60 =	vor.u32 v35, v10;
	v45 =	vld.idx.msk [tilespmem:v45+s2+$0x0], $0xffff;
	v31 =	vand.u32 $0x7F, v59;
	v40 =	vor.u32 v51, v20  }
0x31f: {  	v38 =	vor.u32 s16, v18;
	v0 =	vor.u32 v22, v0;
	[tilespmem:v8+s6+$0x0] =	vst.idx.msk $0xffff, v7;
	v43 =	vor.u32 v31, v29  }
0x320: {  	v26 =	vor.u32 v34, v26;
	v10 =	vor.u32 v33, v10;
	v7 =	vshll.u32 v38, $0x6;
	[tilespmem:v41+s6+$0x0] =	vst.idx.msk $0xffff, v11  }
0x321: {  	v27 =	vld.idx.msk [tilespmem:v27+s2+$0x0], $0xffff;
	v7 =	vand.u32 $0x3F80, v7;
	v28 =	vshll.u32 v28, $0x6;
	v54 =	vor.u32 s10, v49  }
0x322: {  	v6 =	vld.idx.msk [tilespmem:v6+s2+$0x0], $0xffff;
	v28 =	vand.u32 $0x3F80, v28;
	v48 =	vor.u32 v31, v32;
	v31 =	vshll.u32 v59, $0x6;
	[tilespmem:v53+s6+$0x0] =	vst.idx.msk $0xffff, v36  }
0x323: {  	v55 =	vand.u32 $0x7F, v54;
	v58 =	vor.u32 v24, v28;
	v31 =	vand.u32 $0x3F80, v31;
	[tilespmem:v60+s6+$0x0] =	vst.idx.msk $0xffff, v45;
	v36 =	vld.idx.msk [tilespmem:v40+s2+$0x0], $0xffff  }
0x324: {  	v59 =	vand.u32 $0x7F, v38;
	v45 =	vor.u32 v30, v31;
	v60 =	vor.u32 v55, v20;
	v8 =	vld.idx.msk [tilespmem:v43+s2+$0x0], $0xffff  }
0x325: {  	v39 =	vor.u32 s10, v52;
	v41 =	vor.u32 v33, v7;
	v50 =	vor.u32 v59, v29  }
0x326: {  	v11 =	vor.u32 s16, v56;
	v4 =	vor.u32 v21, v4;
	v47 =	vor.u32 v51, v25;
	[tilespmem:v0+s6+$0x0] =	vst.idx.msk $0xffff, v27  }
0x327: {  	v0 =	vor.u32 s10, v12;
	[tilespmem:v9+s6+$0x0] =	vst.idx.msk $0xffff, v6;
	v9 =	vor.u32 s16, v13;
	v13 =	vmovc v61;
	v54 =	vshll.u32 v54, $0x6;
	v2 =	vld.idx.msk [tilespmem:v2+s2+$0x0], $0xffff  }
0x328: {  	v51 =	vor.u32 v55, v25;
	v55 =	vand.u32 $0x3F80, v54;
	v40 =	vor.u32 v59, v32;
	[tilespmem:v58+s6+$0x0] =	vst.idx.msk $0xffff, v36  }
0x329: {  	v61 =	vor.u32 s9, v19;
	v58 =	vor.u32 v23, v55;
	[tilespmem:v45+s6+$0x0] =	vst.idx.msk $0xffff, v8;
	v42 =	vld.idx.msk [tilespmem:v60+s2+$0x0], $0xffff;
	v60 =	vand.u32 $0x7F, v39  }
0x32a: {  	v59 =	vand.u32 $0x7F, v11;
	v43 =	vor.u32 v35, v7;
	v45 =	vld.idx.msk [tilespmem:v50+s2+$0x0], $0xffff;
	v53 =	vor.u32 v60, v20  }
0x32b: {  	v28 =	vor.u32 v22, v28;
	v31 =	vor.u32 v34, v31;
	v49 =	vor.u32 v59, v29  }
0x32c: {  	v7 =	vshll.u32 v11, $0x6;
	v36 =	vor.u32 v59, v32;
	v59 =	vshll.u32 v39, $0x6  }
0x32d: {  	v12 =	vmovc v15;
	v52 =	vor.u32 v21, v55;
	[tilespmem:v4+s6+$0x0] =	vst.idx.msk $0xffff, v2;
	v38 =	vand.u32 $0x3F80, v7;
	v7 =	vand.u32 $0x3F80, v59  }
0x32e: {  	v46 =	vmov s9;
	v54 =	vor.u32 v60, v25;
	v60 =	vor.u32 s16, v15;
	v15 =	vmovc v56;
	v56 =	vld.idx.msk [tilespmem:v37+s2+$0x0], $0xffff;
	[tilespmem:v58+s6+$0x0] =	vst.idx.msk $0xffff, v42  }
0x32f: {  	s12 =	simm.s32 $0x40;
	v2 =	vshll.u32 v46, $0x3;
	v50 =	vor.u32 v24, v7;
	v42 =	vand.u32 $0x7F, v0;
	[tilespmem:v43+s6+$0x0] =	vst.idx.msk $0xffff, v45;
	v27 =	vld.idx.msk [tilespmem:v53+s2+$0x0], $0xffff  }
0x330: {  	s17 =	sand.u32 $0x20, s12;
	v2 =	vand.u32 $0x400, v2;
	v11 =	vor.u32 v30, v38;
	v6 =	vor.u32 v42, v20;
	v49 =	vld.idx.msk [tilespmem:v49+s2+$0x0], $0xffff  }
0x331: {  	s19 =	sor.u32 $0x10, s17;
	v2 =	vor.u32 v17, v2;
	v55 =	vor.u32 s10, v63;
	v8 =	vshll.u32 v60, $0x6  }
0x332: {  	v39 =	vand.u32 $0x7F, v60;
	v60 =	vmov s19;
	v46 =	vand.u32 $0x3F80, v8  }
0x333: {  	v4 =	vshll.u32 v60, $0x8;
	v8 =	vld.idx.msk [tilespmem:v47+s2+$0x0], $0xffff;
	v0 =	vshll.u32 v0, $0x6;
	v53 =	vor.u32 v39, v29;
	[tilespmem:v26+s6+$0x0] =	vst.idx.msk $0xffff, v56  }
0x334: {  	v59 =	vand.u32 $0x7F, v57;
	v4 =	vor.u32 v1, v4;
	v0 =	vand.u32 $0x3F80, v0;
	v44 =	vld.idx.msk [tilespmem:v44+s2+$0x0], $0xffff;
	[tilespmem:v50+s6+$0x0] =	vst.idx.msk $0xffff, v27  }
0x335: {  	v37 =	vand.u32 $0x7F, v9;
	v43 =	vand.u32 $0x7F, v55;
	v45 =	vor.u32 v23, v0;
	[tilespmem:v11+s6+$0x0] =	vst.idx.msk $0xffff, v49;
	v6 =	vld.idx.msk [tilespmem:v6+s2+$0x0], $0xffff  }
0x336: {  	v9 =	vshll.u32 v9, $0x6;
	v4 =	vand.u32 $0x3800, v4;
	v58 =	vor.u32 v43, v20;
	v17 =	vld [tilespmem:$0x1FF70]  }
0x337: {  	v7 =	vor.u32 v22, v7;
	v56 =	vor.u32 v37, v29;
	v27 =	vor.u32 v4, v2  }
0x338: {  	v47 =	vshll.u32 v55, $0x6;
	v11 =	vor.u32 s10, v62;
	v60 =	vor.u32 v59, v27;
	v53 =	vld.idx.msk [tilespmem:v53+s2+$0x0], $0xffff;
	[tilespmem:v28+s6+$0x0] =	vst.idx.msk $0xffff, v8  }
0x339: {  	v50 =	vor.u32 v35, v46;
	v4 =	vmov s17;
	v55 =	vand.u32 $0x7F, v11;
	[tilespmem:v10+s6+$0x0] =	vst.idx.msk $0xffff, v44;
	v51 =	vld.idx.msk [tilespmem:v51+s2+$0x0], $0xffff  }
0x33a: {  	v28 =	vor.u32 s19, v3;
	v4 =	vshll.u32 v4, $0x8;
	v44 =	vor.u32 v55, v20;
	v48 =	vld.idx.msk [tilespmem:v48+s2+$0x0], $0xffff;
	[tilespmem:v45+s6+$0x0] =	vst.idx.msk $0xffff, v6  }
0x33b: {  	v49 =	vor.u32 s16, v17;
	v6 =	vand.u32 $0x3F80, v47;
	v8 =	vld.idx.msk [tilespmem:v58+s2+$0x0], $0xffff;
	v58 =	vshll.u32 v57, $0x6  }
0x33c: {  	v47 =	vand.u32 $0x7F, v49;
	v45 =	vor.u32 v24, v6;
	v10 =	vand.u32 $0x3F80, v58  }
0x33d: {  	v57 =	vor.u32 v47, v29;
	v29 =	vld.idx.msk [tilespmem:v60+s2+$0x0], $0xffff;
	v58 =	vand.u32 $0x7F, v61;
	v60 =	vor.u32 v28, v10  }
0x33e: {  	v9 =	vand.u32 $0x3F80, v9;
	v4 =	vor.u32 v1, v4;
	[tilespmem:v50+s6+$0x0] =	vst.idx.msk $0xffff, v53;
	v50 =	vor.u32 v58, v27  }
0x33f: {  	v30 =	vor.u32 v30, v9;
	v11 =	vshll.u32 v11, $0x6;
	v4 =	vand.u32 $0x2800, v4;
	v53 =	vld.idx.msk [tilespmem:v56+s2+$0x0], $0xffff;
	[tilespmem:v52+s6+$0x0] =	vst.idx.msk $0xffff, v51  }
0x340: {  	v56 =	vor.u32 s10, v13;
	v52 =	vshll.u32 v61, $0x6;
	[tilespmem:v31+s6+$0x0] =	vst.idx.msk $0xffff, v48;
	v31 =	vor.u32 v4, v2;
	v54 =	vld.idx.msk [tilespmem:v54+s2+$0x0], $0xffff  }
0x341: {  	v52 =	vand.u32 $0x3F80, v52;
	v4 =	vld.idx.msk [tilespmem:v40+s2+$0x0], $0xffff;
	v40 =	vor.u32 v42, v25;
	[tilespmem:v45+s6+$0x0] =	vst.idx.msk $0xffff, v8;
	v8 =	vand.u32 $0x3F80, v11  }
0x342: {  	v11 =	vand.u32 $0x7F, v56;
	v44 =	vld.idx.msk [tilespmem:v44+s2+$0x0], $0xffff;
	v45 =	vor.u32 v23, v8;
	[tilespmem:v60+s6+$0x0] =	vst.idx.msk $0xffff, v29;
	v29 =	vor.u32 s19, v5  }
0x343: {  	v51 =	vor.u32 s9, v16;
	v61 =	vor.u32 v11, v20;
	v48 =	vld.idx.msk [tilespmem:v50+s2+$0x0], $0xffff;
	v60 =	vor.u32 v29, v52  }
0x344: {  	v50 =	vand.u32 $0x7F, v51  }
0x345: {  	[tilespmem:v30+s6+$0x0] =	vst.idx.msk $0xffff, v53;
	v53 =	vor.u32 v50, v27  }
0x346: {  	[tilespmem:v7+s6+$0x0] =	vst.idx.msk $0xffff, v54  }
0x347: {  	v0 =	vor.u32 v21, v0;
	v2 =	vshll.u32 v56, $0x6;
	v40 =	vld.idx.msk [tilespmem:v40+s2+$0x0], $0xffff;
	[tilespmem:v45+s6+$0x0] =	vst.idx.msk $0xffff, v44  }
0x348: {  	v42 =	vor.u32 s10, v14;
	v2 =	vand.u32 $0x3F80, v2;
	v7 =	vshll.u32 v51, $0x6;
	v45 =	vld.idx.msk [tilespmem:v61+s2+$0x0], $0xffff;
	[tilespmem:v60+s6+$0x0] =	vst.idx.msk $0xffff, v48  }
0x349: {  	v7 =	vand.u32 $0x3F80, v7;
	v44 =	vor.u32 v59, v31;
	v59 =	vor.u32 v24, v2;
	v14 =	vld [tilespmem:$0x1FF20]  }
0x34a: {  	v54 =	vor.u32 v28, v7;
	v53 =	vld.idx.msk [tilespmem:v53+s2+$0x0], $0xffff  }
0x34b: {  	v49 =	vshll.u32 v49, $0x6;
	v56 =	vand.u32 $0x7F, v42  }
0x34c: {  	v26 =	vor.u32 s17, v3;
	v17 =	vmovc v62;
	v49 =	vand.u32 $0x3F80, v49;
	v51 =	vor.u32 v56, v20;
	[tilespmem:v41+s6+$0x0] =	vst.idx.msk $0xffff, v4  }
0x34d: {  	v10 =	vor.u32 v26, v10;
	v62 =	vor.u32 v35, v49;
	v30 =	vor.u32 s17, v5;
	[tilespmem:v0+s6+$0x0] =	vst.idx.msk $0xffff, v40  }
0x34e: {  	v35 =	vor.u32 v30, v52;
	v60 =	vshll.u32 v42, $0x6;
	v42 =	vld.idx.msk [tilespmem:v44+s2+$0x0], $0xffff;
	[tilespmem:v59+s6+$0x0] =	vst.idx.msk $0xffff, v45;
	v52 =	vor.u32 s9, v14  }
0x34f: {  	v41 =	vor.u32 v58, v31;
	[tilespmem:v54+s6+$0x0] =	vst.idx.msk $0xffff, v53;
	v4 =	vand.u32 $0x7F, v52  }
0x350: {  	v58 =	vor.u32 v50, v31;
	v59 =	vand.u32 $0x3F80, v60;
	v0 =	vld [tilespmem:$0x1FF30];
	v45 =	vor.u32 v4, v27  }
0x351: {  	v50 =	vld.idx.msk [tilespmem:v51+s2+$0x0], $0xffff;
	v61 =	vor.u32 v23, v59;
	v48 =	vor.u32 v4, v31;
	v4 =	vor.u32 v43, v25  }
0x352: {  	v6 =	vor.u32 v22, v6  }
0x353: {  	v44 =	vor.u32 v21, v8;
	v8 =	vor.u32 s10, v18;
	v60 =	vshll.u32 v52, $0x6;
	[tilespmem:v10+s6+$0x0] =	vst.idx.msk $0xffff, v42  }
0x354: {  	v54 =	vor.u32 v55, v25;
	v53 =	vand.u32 $0x7F, v8;
	v43 =	vand.u32 $0x3F80, v60;
	v60 =	vld.idx.msk [tilespmem:v41+s2+$0x0], $0xffff  }
0x355: {  	v51 =	vor.u32 v53, v20;
	v10 =	vor.u32 v29, v43;
	v18 =	vmovc v0;
	v0 =	vor.u32 s9, v0;
	v40 =	vld.idx.msk [tilespmem:v45+s2+$0x0], $0xffff  }
0x356: {  	v41 =	vor.u32 v22, v2;
	[tilespmem:v61+s6+$0x0] =	vst.idx.msk $0xffff, v50;
	v55 =	vand.u32 $0x7F, v0;
	v4 =	vld.idx.msk [tilespmem:v4+s2+$0x0], $0xffff  }
0x357: {  	v61 =	vor.u32 v34, v38;
	v45 =	vor.u32 v11, v25;
	v11 =	vld.idx.msk [tilespmem:v36+s2+$0x0], $0xffff;
	v2 =	vor.u32 v55, v27;
	_ =	sdelay $0x1  }
0x358: {  	v8 =	vshll.u32 v8, $0x6;
	[tilespmem:v35+s6+$0x0] =	vst.idx.msk $0xffff, v60  }
0x359: {  	v8 =	vand.u32 $0x3F80, v8;
	v36 =	vor.u32 v34, v9;
	v0 =	vshll.u32 v0, $0x6;
	v34 =	vld.idx.msk [tilespmem:v51+s2+$0x0], $0xffff;
	[tilespmem:v10+s6+$0x0] =	vst.idx.msk $0xffff, v40  }
0x35a: {  	v0 =	vand.u32 $0x3F80, v0;
	v10 =	vld [tilespmem:$0x1FF40];
	[tilespmem:v6+s6+$0x0] =	vst.idx.msk $0xffff, v4;
	v4 =	vor.u32 v24, v8  }
0x35b: {  	v2 =	vld.idx.msk [tilespmem:v2+s2+$0x0], $0xffff;
	[tilespmem:v61+s6+$0x0] =	vst.idx.msk $0xffff, v11;
	v11 =	vor.u32 v28, v0;
	_ =	sdelay $0x1  }
0x35c: {  	v46 =	vor.u32 v33, v46;
	v7 =	vor.u32 v26, v7;
	v42 =	vor.u32 v56, v25  }
0x35d: {  	v57 =	vld.idx.msk [tilespmem:v57+s2+$0x0], $0xffff;
	v56 =	vor.u32 v39, v32;
	v39 =	vor.u32 v47, v32;
	v52 =	vor.u32 v30, v43  }
0x35e: {  	v43 =	vor.u32 v37, v32;
	v37 =	vor.u32 v22, v8;
	v9 =	vor.u32 s10, v15;
	[tilespmem:v4+s6+$0x0] =	vst.idx.msk $0xffff, v34  }
0x35f: {  	v35 =	vand.u32 $0x7F, v9;
	v58 =	vld.idx.msk [tilespmem:v58+s2+$0x0], $0xffff;
	v19 =	vmov v10;
	v10 =	vor.u32 s9, v10;
	[tilespmem:v11+s6+$0x0] =	vst.idx.msk $0xffff, v2  }
0x360: {  	v38 =	vor.u32 v21, v59;
	v59 =	vor.u32 v35, v20;
	v6 =	vand.u32 $0x7F, v10;
	v2 =	vld [tilespmem:$0x1FF50]  }
0x361: {  	v32 =	vor.u32 v33, v49;
	v51 =	vor.u32 s10, v12;
	v60 =	vor.u32 v6, v27  }
0x362: {  	v13 =	vmovc v14;
	v14 =	vmovc v15;
	v50 =	vor.u32 v55, v31;
	v55 =	vor.u32 v26, v0;
	v0 =	vshll.u32 v9, $0x6  }
0x363: {  	v15 =	vmovc v12;
	v35 =	vor.u32 v35, v25;
	v40 =	vor.u32 v53, v25;
	v47 =	vld.idx.msk [tilespmem:v54+s2+$0x0], $0xffff;
	v33 =	vand.u32 $0x3F80, v0  }
0x364: {  	v49 =	vld.idx.msk [tilespmem:v56+s2+$0x0], $0xffff;
	v34 =	vand.u32 $0x7F, v51;
	v4 =	vshll.u32 v10, $0x6;
	[tilespmem:v62+s6+$0x0] =	vst.idx.msk $0xffff, v57;
	v57 =	vor.u32 v23, v33  }
0x365: {  	v54 =	vld.idx.msk [tilespmem:v59+s2+$0x0], $0xffff;
	[tilespmem:v7+s6+$0x0] =	vst.idx.msk $0xffff, v58;
	v58 =	vor.u32 v34, v20;
	v59 =	vand.u32 $0x3F80, v4;
	v61 =	vor.u32 s9, v2  }
0x366: {  	s16 =	simm.s32 $0x4;
	s17 =	simm.s32 $0x18;
	v53 =	vor.u32 v6, v31;
	v62 =	vor.u32 v29, v59;
	v16 =	vmovc v2;
	v60 =	vld.idx.msk [tilespmem:v60+s2+$0x0], $0xffff;
	v56 =	vand.u32 $0x7F, v61  }
.LBB2_9:
0x367: {  	v0 =	vld.idx.msk [tilespmem:v48+s2+$0x0], $0xffff  }
0x368: {  	v12 =	vld [tilespmem:$0x1FEF0]  }
0x369: {  	s21 =	sand.u32 $0xF0, s17;
	v6 =	vld [tilespmem:$0x1FF90];
	[tilespmem:v44+s6+$0x0] =	vst.idx.msk $0xffff, v47  }
0x36a: {  	v2 =	vor.u32 s9, v63;
	v7 =	vmov s21;
	v10 =	vld.idx.msk [tilespmem:v45+s2+$0x0], $0xffff  }
0x36b: {  	v4 =	vor.u32 v56, v27;
	s12 =	sadd.s32 $0x20, s12;
	v11 =	vshll.u32 v51, $0x6;
	v7 =	vshll.u32 v7, $0x3;
	[tilespmem:v46+s6+$0x0] =	vst.idx.msk $0xffff, v49;
	v49 =	vld [tilespmem:$0x1FF00]  }
0x36c: {  	v9 =	vshll.u32 v61, $0x6;
	s20 =	sand.u32 $0x20, s12;
	v7 =	vand.u32 $0x400, v7;
	v46 =	vand.u32 $0x3F80, v11;
	[tilespmem:v57+s6+$0x0] =	vst.idx.msk $0xffff, v54;
	v11 =	vld.idx.msk [tilespmem:v43+s2+$0x0], $0xffff  }
0x36d: {  	v8 =	vlaneseq.u32;
	v9 =	vand.u32 $0x3F80, v9;
	s19 =	sor.u32 $0x10, s20;
	[tilespmem:v62+s6+$0x0] =	vst.idx.msk $0xffff, v60;
	v7 =	vor.u32 v12, v7;
	v12 =	vld [tilespmem:$0x1FF70]  }
0x36e: {  	v44 =	vand.u32 $0x7F, v2;
	v61 =	vmov s19;
	v54 =	vor.u32 v24, v46;
	[tilespmem:v52+s6+$0x0] =	vst.idx.msk $0xffff, v0;
	v45 =	vld.idx.msk [tilespmem:v58+s2+$0x0], $0xffff  }
0x36f: {  	v2 =	vshll.u32 v2, $0x6;
	v48 =	vshll.u32 v61, $0x8;
	v6 =	vor.u32 s10, v6;
	v50 =	vld.idx.msk [tilespmem:v50+s2+$0x0], $0xffff  }
0x370: {  	v43 =	vor.u32 v1, v48;
	v48 =	vor.u32 v28, v9;
	v47 =	vand.u32 $0x7F, v6;
	v4 =	vld.idx.msk [tilespmem:v4+s2+$0x0], $0xffff  }
0x371: {  	v8 =	vor.u32 s21, v8;
	v2 =	vand.u32 $0x3F80, v2;
	v0 =	vor.u32 v47, v20;
	[tilespmem:v41+s6+$0x0] =	vst.idx.msk $0xffff, v10  }
0x372: {  	v57 =	vor.u32 v44, v27;
	v52 =	vand.u32 $0x7F, v8;
	v43 =	vand.u32 $0x3800, v43;
	v42 =	vld.idx.msk [tilespmem:v42+s2+$0x0], $0xffff;
	[tilespmem:v36+s6+$0x0] =	vst.idx.msk $0xffff, v11  }
0x373: {  	v58 =	vmov s20;
	v6 =	vshll.u32 v6, $0x6;
	v43 =	vor.u32 v43, v7;
	[tilespmem:v54+s6+$0x0] =	vst.idx.msk $0xffff, v45  }
0x374: {  	v58 =	vshll.u32 v58, $0x8;
	v60 =	vor.u32 v52, v43;
	v41 =	vor.u32 s9, v17;
	v39 =	vld.idx.msk [tilespmem:v39+s2+$0x0], $0xffff;
	[tilespmem:v55+s6+$0x0] =	vst.idx.msk $0xffff, v50  }
0x375: {  	v10 =	vor.u32 s21, v49;
	v61 =	vor.u32 s10, v12;
	v11 =	vand.u32 $0x7F, v41;
	[tilespmem:v48+s6+$0x0] =	vst.idx.msk $0xffff, v4;
	v53 =	vld.idx.msk [tilespmem:v53+s2+$0x0], $0xffff  }
0x376: {  	v36 =	vand.u32 $0x3F80, v6;
	v62 =	vand.u32 $0x7F, v10;
	v49 =	vand.u32 $0x7F, v61;
	v0 =	vld.idx.msk [tilespmem:v0+s2+$0x0], $0xffff  }
0x377: {  	v54 =	vor.u32 s19, v3;
	v4 =	vshll.u32 v8, $0x6;
	v8 =	vor.u32 v23, v36;
	v6 =	vld.idx.msk [tilespmem:v57+s2+$0x0], $0xffff  }
0x378: {  	v55 =	vor.u32 v62, v43;
	v23 =	vmovc v28;
	v28 =	vmovc v54;
	v48 =	vor.u32 v29, v2;
	v4 =	vand.u32 $0x3F80, v4;
	v57 =	vld [tilespmem:$0x1FF10]  }
0x379: {  	v12 =	vmovc v63;
	v45 =	vld.idx.msk [tilespmem:v60+s2+$0x0], $0xffff;
	v60 =	vor.u32 v49, v20;
	v20 =	vmov v27;
	v63 =	vor.u32 v28, v4  }
0x37a: {  	v27 =	vmov v43;
	v43 =	vor.u32 v1, v58;
	v58 =	vor.u32 v30, v59;
	v59 =	vld [tilespmem:$0x1FFD0];
	[tilespmem:v38+s6+$0x0] =	vst.idx.msk $0xffff, v42  }
0x37b: {  	v50 =	vor.u32 v11, v20;
	v40 =	vld.idx.msk [tilespmem:v40+s2+$0x0], $0xffff;
	[tilespmem:v32+s6+$0x0] =	vst.idx.msk $0xffff, v39  }
0x37c: {  	v9 =	vor.u32 v26, v9;
	s10 =	smov.u32 s9;
	s9 =	smov.u32 s21;
	v61 =	vshll.u32 v61, $0x6;
	[tilespmem:v8+s6+$0x0] =	vst.idx.msk $0xffff, v0  }
0x37d: {  	v10 =	vshll.u32 v10, $0x6;
	v38 =	vor.u32 s9, v57;
	v57 =	vand.u32 $0x3F80, v61;
	[tilespmem:v48+s6+$0x0] =	vst.idx.msk $0xffff, v6  }
0x37e: {  	v10 =	vand.u32 $0x3F80, v10;
	v6 =	vld.idx.msk [tilespmem:v60+s2+$0x0], $0xffff;
	[tilespmem:v63+s6+$0x0] =	vst.idx.msk $0xffff, v45;
	v45 =	vor.u32 v24, v57  }
0x37f: {  	v43 =	vand.u32 $0x2800, v43;
	v42 =	vor.u32 s10, v59;
	v0 =	vshll.u32 v41, $0x6;
	[tilespmem:v58+s6+$0x0] =	vst.idx.msk $0xffff, v53  }
0x380: {  	v58 =	vor.u32 v43, v7;
	v7 =	vor.u32 v56, v31;
	v0 =	vand.u32 $0x3F80, v0;
	v41 =	vld.idx.msk [tilespmem:v50+s2+$0x0], $0xffff  }
0x381: {  	v8 =	vand.u32 $0x7F, v42;
	v48 =	vld.idx.msk [tilespmem:v55+s2+$0x0], $0xffff;
	v50 =	vor.u32 s19, v5;
	v55 =	vor.u32 v23, v0  }
0x382: {  	v63 =	vand.u32 $0x7F, v38;
	v60 =	vor.u32 v8, v20;
	v39 =	vor.u32 v50, v10  }
0x383: {  	v51 =	vor.u32 s20, v3;
	v61 =	vor.u32 v63, v27;
	[tilespmem:v45+s6+$0x0] =	vst.idx.msk $0xffff, v6;
	v6 =	vor.u32 v63, v58;
	v63 =	vld [tilespmem:$0x1FF60]  }
0x384: {  	v46 =	vor.u32 v22, v46;
	v2 =	vor.u32 v30, v2;
	v38 =	vshll.u32 v38, $0x6  }
0x385: {  	v43 =	vor.u32 v52, v58;
	v24 =	vmovc v29;
	[tilespmem:v37+s6+$0x0] =	vst.idx.msk $0xffff, v40;
	v38 =	vand.u32 $0x3F80, v38;
	v29 =	vmov v50  }
0x386: {  	v50 =	vor.u32 v62, v58;
	v62 =	vshll.u32 v42, $0x6;
	v40 =	vor.u32 v28, v38;
	[tilespmem:v55+s6+$0x0] =	vst.idx.msk $0xffff, v41  }
0x387: {  	v54 =	vor.u32 s20, v5;
	v32 =	vand.u32 $0x3F80, v62;
	v7 =	vld.idx.msk [tilespmem:v7+s2+$0x0], $0xffff;
	v62 =	vor.u32 v51, v38;
	[tilespmem:v39+s6+$0x0] =	vst.idx.msk $0xffff, v48  }
0x388: {  	v38 =	vor.u32 v44, v31;
	v56 =	vor.u32 v24, v32;
	v39 =	vld.idx.msk [tilespmem:v60+s2+$0x0], $0xffff;
	v52 =	vor.u32 s10, v63  }
0x389: {  	v44 =	vor.u32 v26, v0;
	v55 =	vor.u32 s9, v13;
	v53 =	vld.idx.msk [tilespmem:v61+s2+$0x0], $0xffff;
	v42 =	vand.u32 $0x7F, v52  }
0x38a: {  	v45 =	vand.u32 $0x7F, v55;
	v0 =	vshll.u32 v52, $0x6;
	v52 =	vld [tilespmem:$0x1FFC0];
	v59 =	vor.u32 v42, v20  }
0x38b: {  	v36 =	vor.u32 v21, v36;
	v4 =	vor.u32 v51, v4;
	v43 =	vld.idx.msk [tilespmem:v43+s2+$0x0], $0xffff;
	v37 =	vor.u32 v45, v27  }
0x38c: {  	v11 =	vor.u32 v11, v31;
	v10 =	vor.u32 v54, v10;
	v41 =	vor.u32 v30, v32  }
0x38d: {  	v48 =	vor.u32 v45, v58;
	v45 =	vor.u32 v8, v31;
	[tilespmem:v56+s6+$0x0] =	vst.idx.msk $0xffff, v39  }
0x38e: {  	v60 =	vld.idx.msk [tilespmem:v35+s2+$0x0], $0xffff;
	v35 =	vor.u32 s9, v18;
	v0 =	vand.u32 $0x3F80, v0;
	v56 =	vshll.u32 v55, $0x6;
	[tilespmem:v40+s6+$0x0] =	vst.idx.msk $0xffff, v53  }
0x38f: {  	[tilespmem:v9+s6+$0x0] =	vst.idx.msk $0xffff, v7;
	v9 =	vor.u32 v23, v0;
	v32 =	vand.u32 $0x3F80, v56;
	v8 =	vor.u32 s10, v52;
	v39 =	vld.idx.msk [tilespmem:v59+s2+$0x0], $0xffff  }
0x390: {  	[tilespmem:v4+s6+$0x0] =	vst.idx.msk $0xffff, v43;
	v4 =	vand.u32 $0x7F, v35;
	v37 =	vld.idx.msk [tilespmem:v37+s2+$0x0], $0xffff;
	v61 =	vor.u32 v29, v32;
	v7 =	vand.u32 $0x7F, v8  }
0x391: {  	v43 =	vor.u32 v47, v25;
	v42 =	vor.u32 v42, v31;
	v63 =	vor.u32 v7, v20  }
0x392: {  	v56 =	vld.idx.msk [tilespmem:v50+s2+$0x0], $0xffff;
	v50 =	vor.u32 v4, v58;
	v4 =	vor.u32 v4, v27;
	v52 =	vor.u32 v54, v32  }
0x393: {  	v32 =	vld.idx.msk [tilespmem:v38+s2+$0x0], $0xffff;
	v38 =	vor.u32 v26, v0;
	v0 =	vor.u32 v21, v33;
	v33 =	vor.u32 s10, v14;
	v21 =	vmovc v26  }
0x394: {  	v26 =	vmovc v51;
	v51 =	vor.u32 s10, v15;
	v8 =	vshll.u32 v8, $0x6;
	v40 =	vor.u32 v7, v31;
	[tilespmem:v9+s6+$0x0] =	vst.idx.msk $0xffff, v39  }
0x395: {  	v7 =	vor.u32 v34, v25;
	v8 =	vand.u32 $0x3F80, v8;
	v39 =	vshll.u32 v35, $0x6;
	[tilespmem:v61+s6+$0x0] =	vst.idx.msk $0xffff, v37  }
0x396: {  	v34 =	vor.u32 s9, v19;
	v9 =	vand.u32 $0x3F80, v39;
	v61 =	vor.u32 v24, v8;
	v59 =	vld.idx.msk [tilespmem:v63+s2+$0x0], $0xffff  }
0x397: {  	[tilespmem:v10+s6+$0x0] =	vst.idx.msk $0xffff, v56;
	v47 =	vand.u32 $0x7F, v34;
	v35 =	vand.u32 $0x7F, v33;
	v4 =	vld.idx.msk [tilespmem:v4+s2+$0x0], $0xffff;
	v56 =	vor.u32 v28, v9  }
0x398: {  	s16 =	sadd.s32 $0x2, s16;
	v6 =	vld.idx.msk [tilespmem:v6+s2+$0x0], $0xffff;
	v53 =	vor.u32 v47, v58;
	[tilespmem:v2+s6+$0x0] =	vst.idx.msk $0xffff, v32;
	v63 =	vor.u32 v35, v20  }
0x399: {  	p3 =	slt.u32 s16, $0x3E;
	v32 =	vor.u32 v22, v57;
	v22 =	vmovc v30;
	v55 =	vor.u32 v26, v9;
	v9 =	vor.u32 v47, v27  }
.Ltmp6:
0x39a: {  	v2 =	vshll.u32 v34, $0x6;
	v34 =	vand.u32 $0x7F, v51;
	v37 =	vor.u32 v30, v8;
	v47 =	vld.idx.msk [tilespmem:v11+s2+$0x0], $0xffff;
	[tilespmem:v0+s6+$0x0] =	vst.idx.msk $0xffff, v60;
	(pc) =	sbr.rel @p3 .LBB2_9-.Ltmp6, $4  }
0x39b: {  	v39 =	vor.u32 v49, v25;
	v25 =	vmov v31;
	v35 =	vor.u32 v35, v31;
	[tilespmem:v61+s6+$0x0] =	vst.idx.msk $0xffff, v59  }
0x39c: {  	v0 =	vshll.u32 v33, $0x6;
	v31 =	vmov v58;
	v58 =	vor.u32 v34, v20;
	v49 =	vld.idx.msk [tilespmem:v7+s2+$0x0], $0xffff;
	[tilespmem:v56+s6+$0x0] =	vst.idx.msk $0xffff, v4  }
0x39d: {  	v30 =	vmovc v54;
	v33 =	vand.u32 $0x3F80, v0;
	[tilespmem:v62+s6+$0x0] =	vst.idx.msk $0xffff, v6;
	v61 =	vor.u32 s9, v16;
	v59 =	vand.u32 $0x3F80, v2;
	v54 =	vld.idx.msk [tilespmem:v63+s2+$0x0], $0xffff  }
0x39e: {  	s17 =	sadd.s32 $0x8, s17;
	v57 =	vor.u32 v23, v33;
	v56 =	vand.u32 $0x7F, v61;
	v62 =	vor.u32 v29, v59;
	v63 =	vmovc v12;
	v60 =	vld.idx.msk [tilespmem:v9+s2+$0x0], $0xffff  }
0x39f: {  	_ =	sdelay $0x3  }
0x3a0: {  	v0 =	vld.idx.msk [tilespmem:v48+s2+$0x0], $0xffff;
	_ =	sdelay $0x4  }
0x3a1: {  	[tilespmem:v52+s6+$0x0] =	vst.idx.msk $0xffff, v0  }
0x3a2: {  	v0 =	vld.idx.msk [tilespmem:v50+s2+$0x0], $0xffff;
	_ =	sdelay $0x4  }
0x3a3: {  	[tilespmem:v55+s6+$0x0] =	vst.idx.msk $0xffff, v0  }
0x3a4: {  	v4 =	vor.u32 v30, v59;
	v0 =	vor.u32 v56, v27;
	v2 =	vld.idx.msk [tilespmem:v53+s2+$0x0], $0xffff  }
0x3a5: {  	v6 =	vor.u32 v56, v31;
	_ =	sdelay $0x1  }
0x3a6: {  	v7 =	vshll.u32 v61, $0x6  }
0x3a7: {  	v8 =	vor.u32 s9, v63;
	v7 =	vand.u32 $0x3F80, v7;
	[tilespmem:v62+s6+$0x0] =	vst.idx.msk $0xffff, v60  }
0x3a8: {  	v9 =	vand.u32 $0x7F, v8;
	v10 =	vor.u32 v28, v7;
	v0 =	vld.idx.msk [tilespmem:v0+s2+$0x0], $0xffff;
	[tilespmem:v4+s6+$0x0] =	vst.idx.msk $0xffff, v2  }
0x3a9: {  	v2 =	vor.u32 v9, v27;
	v4 =	vor.u32 v26, v7;
	v6 =	vld.idx.msk [tilespmem:v6+s2+$0x0], $0xffff  }
0x3aa: {  	v7 =	vor.u32 v9, v31;
	_ =	sdelay $0x2  }
0x3ab: {  	v8 =	vshll.u32 v8, $0x6;
	[tilespmem:v10+s6+$0x0] =	vst.idx.msk $0xffff, v0  }
0x3ac: {  	v53 =	vor.u32 s9, v17;
	v0 =	vand.u32 $0x3F80, v8;
	v2 =	vld.idx.msk [tilespmem:v2+s2+$0x0], $0xffff;
	[tilespmem:v4+s6+$0x0] =	vst.idx.msk $0xffff, v6  }
0x3ad: {  	v55 =	vand.u32 $0x7F, v53;
	v56 =	vor.u32 v29, v0;
	v6 =	vld.idx.msk [tilespmem:v7+s2+$0x0], $0xffff  }
0x3ae: {  	v0 =	vor.u32 v30, v0;
	v4 =	vor.u32 v55, v27;
	v61 =	vld [tilespmem:$0x1FFD0]  }
0x3af: {  	v7 =	vor.u32 v55, v31;
	_ =	sdelay $0x1  }
0x3b0: {  	[tilespmem:v44+s6+$0x0] =	vst.idx.msk $0xffff, v47  }
0x3b1: {  	v59 =	vshll.u32 v53, $0x6;
	v53 =	vld.idx.msk [tilespmem:v45+s2+$0x0], $0xffff;
	[tilespmem:v56+s6+$0x0] =	vst.idx.msk $0xffff, v2  }
0x3b2: {  	v2 =	vand.u32 $0x3F80, v59;
	v4 =	vld.idx.msk [tilespmem:v4+s2+$0x0], $0xffff;
	v62 =	vor.u32 s9, v61;
	[tilespmem:v0+s6+$0x0] =	vst.idx.msk $0xffff, v6  }
0x3b3: {  	v50 =	vor.u32 v28, v2;
	v48 =	vand.u32 $0x7F, v62;
	v6 =	vld.idx.msk [tilespmem:v7+s2+$0x0], $0xffff  }
0x3b4: {  	v2 =	vor.u32 v26, v2;
	v1 =	vld [tilespmem:$0x1FF60];
	v0 =	vor.u32 v48, v27;
	_ =	sdelay $0x1  }
0x3b5: {  	v7 =	vor.u32 v48, v31  }
0x3b6: {  	[tilespmem:v41+s6+$0x0] =	vst.idx.msk $0xffff, v53  }
0x3b7: {  	v52 =	vshll.u32 v62, $0x6;
	[tilespmem:v50+s6+$0x0] =	vst.idx.msk $0xffff, v4  }
0x3b8: {  	v4 =	vand.u32 $0x3F80, v52;
	v11 =	vor.u32 s9, v1;
	[tilespmem:v2+s6+$0x0] =	vst.idx.msk $0xffff, v6;
	v0 =	vld.idx.msk [tilespmem:v0+s2+$0x0], $0xffff  }
0x3b9: {  	v56 =	vor.u32 v29, v4;
	v55 =	vand.u32 $0x7F, v11;
	v18 =	vld [tilespmem:$0x1FFC0]  }
0x3ba: {  	v4 =	vor.u32 v30, v4;
	v6 =	vld.idx.msk [tilespmem:v7+s2+$0x0], $0xffff;
	v2 =	vor.u32 v55, v27  }
0x3bb: {  	v7 =	vor.u32 v55, v31;
	_ =	sdelay $0x1  }
0x3bc: {  	v59 =	vshll.u32 v11, $0x6  }
0x3bd: {  	v9 =	vld.idx.msk [tilespmem:v42+s2+$0x0], $0xffff;
	v60 =	vor.u32 s9, v18;
	[tilespmem:v56+s6+$0x0] =	vst.idx.msk $0xffff, v0;
	v0 =	vand.u32 $0x3F80, v59  }
0x3be: {  	[tilespmem:v4+s6+$0x0] =	vst.idx.msk $0xffff, v6;
	v2 =	vld.idx.msk [tilespmem:v2+s2+$0x0], $0xffff;
	v62 =	vand.u32 $0x7F, v60;
	v41 =	vor.u32 v28, v0  }
0x3bf: {  	v0 =	vor.u32 v26, v0;
	v6 =	vld.idx.msk [tilespmem:v7+s2+$0x0], $0xffff;
	v4 =	vor.u32 v62, v27  }
0x3c0: {  	v7 =	vor.u32 v62, v31;
	_ =	sdelay $0x1  }
0x3c1: {  	[tilespmem:v38+s6+$0x0] =	vst.idx.msk $0xffff, v9;
	v42 =	vshll.u32 v60, $0x6  }
0x3c2: {  	v44 =	vor.u32 s9, v14;
	v9 =	vld.idx.msk [tilespmem:v40+s2+$0x0], $0xffff;
	[tilespmem:v41+s6+$0x0] =	vst.idx.msk $0xffff, v2;
	v2 =	vand.u32 $0x3F80, v42  }
0x3c3: {  	v45 =	vand.u32 $0x7F, v44;
	[tilespmem:v0+s6+$0x0] =	vst.idx.msk $0xffff, v6;
	v4 =	vld.idx.msk [tilespmem:v4+s2+$0x0], $0xffff;
	v47 =	vor.u32 v29, v2  }
0x3c4: {  	v0 =	vor.u32 v45, v27;
	v2 =	vor.u32 v30, v2;
	v6 =	vld.idx.msk [tilespmem:v7+s2+$0x0], $0xffff  }
0x3c5: {  	v7 =	vor.u32 v45, v31;
	_ =	sdelay $0x1  }
0x3c6: {  	[tilespmem:v37+s6+$0x0] =	vst.idx.msk $0xffff, v9  }
0x3c7: {  	v50 =	vshll.u32 v44, $0x6;
	v52 =	vld.idx.msk [tilespmem:v35+s2+$0x0], $0xffff;
	[tilespmem:v47+s6+$0x0] =	vst.idx.msk $0xffff, v4  }
0x3c8: {  	v48 =	vor.u32 v21, v33;
	v4 =	vand.u32 $0x3F80, v50;
	[tilespmem:v2+s6+$0x0] =	vst.idx.msk $0xffff, v6;
	v0 =	vld.idx.msk [tilespmem:v0+s2+$0x0], $0xffff  }
0x3c9: {  	v59 =	vor.u32 v28, v4;
	v7 =	vld.idx.msk [tilespmem:v7+s2+$0x0], $0xffff  }
0x3ca: {  	v53 =	vor.u32 v34, v25;
	v4 =	vor.u32 v26, v4;
	v13 =	vld [tilespmem:$0x1FF90]  }
0x3cb: {  	v55 =	vor.u32 s9, v15;
	[tilespmem:v57+s6+$0x0] =	vst.idx.msk $0xffff, v54  }
0x3cc: {  	v56 =	vand.u32 $0x7F, v55;
	v2 =	vshll.u32 v51, $0x6;
	[tilespmem:v46+s6+$0x0] =	vst.idx.msk $0xffff, v49  }
0x3cd: {  	v6 =	vor.u32 v56, v27;
	v2 =	vand.u32 $0x3F80, v2;
	[tilespmem:v48+s6+$0x0] =	vst.idx.msk $0xffff, v52  }
0x3ce: {  	v9 =	vor.u32 v56, v31;
	v44 =	vld.idx.msk [tilespmem:v58+s2+$0x0], $0xffff;
	v45 =	vor.u32 v24, v2;
	[tilespmem:v59+s6+$0x0] =	vst.idx.msk $0xffff, v0  }
0x3cf: {  	v2 =	vor.u32 v22, v2;
	v33 =	vld.idx.msk [tilespmem:v53+s2+$0x0], $0xffff;
	v60 =	vor.u32 s10, v13;
	[tilespmem:v4+s6+$0x0] =	vst.idx.msk $0xffff, v7  }
0x3d0: {  	v47 =	vshll.u32 v55, $0x6;
	v62 =	vand.u32 $0x7F, v60;
	v1 =	vld [tilespmem:$0x1FF70]  }
0x3d1: {  	v8 =	vand.u32 $0x3F80, v47;
	v49 =	vor.u32 s9, v13;
	v46 =	vor.u32 v62, v20  }
0x3d2: {  	v50 =	vor.u32 v29, v8;
	v0 =	vand.u32 $0x7F, v49;
	v6 =	vld.idx.msk [tilespmem:v6+s2+$0x0], $0xffff;
	v48 =	vor.u32 v62, v25  }
0x3d3: {  	v8 =	vor.u32 v30, v8;
	v4 =	vshll.u32 v60, $0x6;
	v9 =	vld.idx.msk [tilespmem:v9+s2+$0x0], $0xffff;
	v7 =	vor.u32 v0, v27  }
0x3d4: {  	[tilespmem:v2+s6+$0x0] =	vst.idx.msk $0xffff, v33;
	v2 =	vshll.u32 v49, $0x6;
	v4 =	vand.u32 $0x3F80, v4;
	v0 =	vor.u32 v0, v31  }
0x3d5: {  	v51 =	vld.idx.msk [tilespmem:v43+s2+$0x0], $0xffff;
	[tilespmem:v45+s6+$0x0] =	vst.idx.msk $0xffff, v44;
	v2 =	vand.u32 $0x3F80, v2;
	v23 =	vor.u32 v23, v4;
	v52 =	vor.u32 s10, v1  }
0x3d6: {  	v4 =	vor.u32 v21, v4;
	v56 =	vor.u32 v28, v2;
	v53 =	vand.u32 $0x7F, v52;
	v40 =	vld.idx.msk [tilespmem:v46+s2+$0x0], $0xffff  }
0x3d7: {  	v55 =	vor.u32 s9, v1;
	[tilespmem:v50+s6+$0x0] =	vst.idx.msk $0xffff, v6;
	v11 =	vld.idx.msk [tilespmem:v48+s2+$0x0], $0xffff;
	v20 =	vor.u32 v53, v20  }
0x3d8: {  	[tilespmem:v8+s6+$0x0] =	vst.idx.msk $0xffff, v9;
	v6 =	vand.u32 $0x7F, v55;
	v7 =	vld.idx.msk [tilespmem:v7+s2+$0x0], $0xffff;
	v54 =	vor.u32 v53, v25  }
0x3d9: {  	v2 =	vor.u32 v26, v2;
	v0 =	vld.idx.msk [tilespmem:v0+s2+$0x0], $0xffff;
	v57 =	vor.u32 v6, v27  }
0x3da: {  	[tilespmem:v36+s6+$0x0] =	vst.idx.msk $0xffff, v51;
	v58 =	vshll.u32 v52, $0x6;
	v6 =	vor.u32 v6, v31  }
0x3db: {  	v59 =	vld.idx.msk [tilespmem:v39+s2+$0x0], $0xffff;
	v9 =	vand.u32 $0x3F80, v58;
	[tilespmem:v23+s6+$0x0] =	vst.idx.msk $0xffff, v40  }
0x3dc: {  	v60 =	vor.u32 v24, v9;
	[tilespmem:v4+s6+$0x0] =	vst.idx.msk $0xffff, v11;
	v4 =	vshll.u32 v55, $0x6;
	v20 =	vld.idx.msk [tilespmem:v20+s2+$0x0], $0xffff  }
0x3dd: {  	v9 =	vor.u32 v22, v9;
	[tilespmem:v56+s6+$0x0] =	vst.idx.msk $0xffff, v7;
	v11 =	vld.idx.msk [tilespmem:v54+s2+$0x0], $0xffff;
	v4 =	vand.u32 $0x3F80, v4  }
0x3de: {  	[tilespmem:v2+s6+$0x0] =	vst.idx.msk $0xffff, v0;
	v7 =	vld.idx.msk [tilespmem:v57+s2+$0x0], $0xffff;
	v62 =	vor.u32 v29, v4  }
0x3df: {  	v2 =	vld.idx.msk [tilespmem:v6+s2+$0x0], $0xffff;
	v0 =	vor.u32 v30, v4  }
0x3e0: {  	[tilespmem:v32+s6+$0x0] =	vst.idx.msk $0xffff, v59  }
0x3e1: {  	[tilespmem:v60+s6+$0x0] =	vst.idx.msk $0xffff, v20  }
.Ltmp7:
0x3e2: {  	[tilespmem:v9+s6+$0x0] =	vst.idx.msk $0xffff, v11;
	(pc) =	sbr.rel .LBB2_11-.Ltmp7, $4  }
0x3e3: {  	[tilespmem:v62+s6+$0x0] =	vst.idx.msk $0xffff, v7  }
0x3e4: {  	[tilespmem:v0+s6+$0x0] =	vst.idx.msk $0xffff, v2  }
0x3e5: {  	s24 =	rddreg [dreg:$0xc]  }
0x3e6: {  	v56 =	vmov v14;
	v62 =	vmov v17;
	[hbm4b:s24+s2] =	stream.linear.scatter [tilespmem:s6], [sflag:$0x3], $0x4000, $0x38;
	[tilespmem:$0x10000] =	vst v63  }
.LBB2_12:
0x3e7: {  	_ =	sfence.sel $0x180000  }
0x3e8: {  	[bflag:$0x0] =	sbarrier.arrive $0xFFFF  }
0x3e9: {  	_ =	strace $0x90000047  }
0x3ea: {  	[bflag:$0x2] =	sbarrier.arrive $0xFFFF  }
0x3eb: {  	s0 =	rddreg [dreg:$0x2]  }
0x3ec: {  	s0 =	sadd.s32 @!p0 $0x100000, s0  }
0x3ed: {  	[sflag:s0] =	ssyncadd.tile.s32 @!p0 $0x1;
	_ =	shalt  }
.Lfunc_end2:
_tile_overlayer_lowered:
.L_overlay_start_2:
0x3ee: {  	(tag) =	ssettag $0x2  }
0x3ef: {  	s0 =	rddreg [dreg:$0x0];
	s2 =	stileid.u32  }
0x3f0: {  	s1 =	rddreg [dreg:$0x1];
	p0 =	sne.s32 s2, $0x0  }
0x3f1: {  	s3 =	rddreg [dreg:$0x2];
	[bflag:$0x3] =	sbarrier.arrive $0xFFFF;
	s2 =	simm.s32 @!p0 $0x1C05  }
0x3f2: {  	[timem:s3], [sflag:s2] =	dma.local @!p0 [hbm:s0], s1  }
0x3f3: {  	s0 =	simm.s32 @!p0 $0x5  }
0x3f4: {  	_ =	swait.ge @!p0 [sflag:s0], s1  }
0x3f5: {  	s1 =	ssub.s32 @!p0 $0x0, s1;
	[sflag:s0] =	ssyncset.done @!p0 $0x0  }
0x3f6: {  	[sflag:s0] =	ssyncadd.s32 @!p0 s1  }
0x3f7: {  	[bflag:$0x3] =	sbarrier.arrive $0xFFFF  }
0x3f8: {  	_ =	shalt  }

// kernel: kernel.7.cloned.1.call-start
scs
__scs_entry_jumppad:
0x0: {  	(pc) =	sbr.rel $0x88, $3  }
0x1: {  	(tag) =	ssettag $0x0;
	lr =	simm.s32 $0x1  }
0x2: {  	[smem:$0x3F9F] =	sst lr;
	_ =	strace $0xD0000000  }
0x3: {  	_ = 	snop  }
0x4: {  	_ = 	snop  }
0x5: {  	_ = 	snop  }
0x6: {  	_ = 	snop  }
0x7: {  	_ = 	snop  }
__scs_overlays_trampoline_lowered:
0x8: {  	[smem:$0x3FAE] =	sst s0  }
0x9: {  	[smem:$0x3FAF] =	sst s1  }
0xa: {  	[smem:$0x3FB0] =	sst s2  }
0xb: {  	[smem:$0x3FB1] =	sst s3  }
0xc: {  	[smem:$0x3FB2] =	sst s4  }
0xd: {  	[smem:$0x3FB3] =	sst s5  }
0xe: {  	[smem:$0x3FB4] =	sst s6  }
0xf: {  	[smem:$0x3FB5] =	sst s7  }
0x10: {  	[smem:$0x3FB6] =	sst s8  }
0x11: {  	[smem:$0x3FB7] =	sst s9;
	s0 =	simm.s32 @!p0 $0x0  }
0x12: {  	s1 =	sld [smem:$0x3F9D];
	s0 =	simm.s32 @p0 $0x1  }
0x13: {  	[smem:$0x3FB8] =	sst s0;
	s0 =	simm.s32 @!p1 $0x0  }
0x14: {  	s2 =	sld [smem:$0x3F9C];
	s0 =	simm.s32 @p1 $0x1  }
0x15: {  	[smem:$0x3FB9] =	sst s0;
	s0 =	simm.s32 @!p2 $0x0  }
0x16: {  	s3 =	sld [smem:$0x3FDB];
	s0 =	simm.s32 @p2 $0x1  }
0x17: {  	s4 =	simm.s32 $0x1BF5;
	[smem:$0x3FBB] =	sst s0  }
0x18: {  	s0 =	sld [smem:$0x3F9E];
	_ =	swait.ge [sflag:s4], $0x0  }
0x19: {  	s7 =	sld [smem:$0x3F9F]  }
0x1a: {  	s8 =	sadd.s32 $0xFFFFE003, lr  }
0x1b: {  	s9 =	sadd.s32 $0xFFFFFEF7, lr;
	s5 =	simm.s32 $0xFFFFFFFF;
	p2 =	slt.u32 s8, $0xFFFFF086  }
0x1c: {  	p1 =	slt.u32 s9, $0xF7A;
	s5 =	simm.s32 @!p2 $0x0  }
0x1d: {  	s5 =	simm.s32 @p1 $0x1;
	p0 =	seq.s32 s7, s2  }
0x1e: {  	s7 =	smul.u32 @!p0 $0xF7A, s2;
	p2 =	seq.s32 @!p0 s5, $0x0  }
0x1f: {  	s9 =	smul.u32 $0xF7A, s1;
	s8 =	simm.s32 @!p0 $0x1BF5;
	p2 =	por !p2, p0  }
0x20: {  	[sflag:s8] =	ssyncset.s32 @!p0 $0xFFFFF086;
	s6 =	sadd.s32 @!p0 s3, s7;
	s7 =	simm.s32 @!p0 $0x108  }
0x21: {  	s3 =	sadd.s32 s3, s9;
	s6 =	sadd.s32 @!p0 $0x88, s6;
	s7 =	simm.s32 @p2 $0x1082  }
0x22: {  	[simem:s7], [sflag:s8] =	dma.local @!p0 [hbm:s6], $0xF7A  }
0x23: {  	s9 =	sor.u32 $0xD0000000, s2;
	s6 =	simm.s32 $0x108;
	_ =	swait.ge @!p0 [sflag:s8], $0x0  }
0x24: {  	s3 =	sadd.s32 $0x88, s3;
	s6 =	simm.s32 @!p1 $0x1082;
	[sflag:s4] =	ssyncset.s32 $0xFFFFF086  }
0x25: {  	[simem:s6], [sflag:s4] =	dma.local [hbm:s3], $0xF7A  }
0x26: {  	[smem:$0x3F9F] =	sst s1;
	(tag) =	ssettag s2;
	_ =	strace s9  }
0x27: {  	s1 =	sld [smem:$0x3FAF]  }
0x28: {  	s2 =	sld [smem:$0x3FB0]  }
0x29: {  	s4 =	sld [smem:$0x3FB2]  }
0x2a: {  	p0 =	seq.s32 s5, $0x0;
	s5 =	sld [smem:$0x3FB3]  }
0x2b: {  	s6 =	sld [smem:$0x3FB4]  }
0x2c: {  	s7 =	sld [smem:$0x3FB5]  }
0x2d: {  	s3 =	simm.s32 $0x108;
	s8 =	sld [smem:$0x3FB6]  }
0x2e: {  	s3 =	simm.s32 @!p0 $0x1082;
	s9 =	sld [smem:$0x3FB7]  }
0x2f: {  	lr =	sadd.s32 s0, s3;
	s0 =	sld [smem:$0x3FAE]  }
0x30: {  	s3 =	sld [smem:$0x3FB1]  }
0x31: {  	[smem:$0x3FBA] =	sst s10  }
0x32: {  	s10 =	sld [smem:$0x3FB8];
	_ =	sdelay $0x3  }
0x33: {  	p0 =	seq.s32 s10, $0x1;
	s10 =	sld [smem:$0x3FBA];
	_ =	sdelay $0x3  }
0x34: {  	[smem:$0x3FBA] =	sst s10  }
0x35: {  	s10 =	sld [smem:$0x3FB9];
	_ =	sdelay $0x3  }
0x36: {  	p1 =	seq.s32 s10, $0x1;
	s10 =	sld [smem:$0x3FBA];
	_ =	sdelay $0x3  }
0x37: {  	[smem:$0x3FBA] =	sst s10  }
0x38: {  	s10 =	sld [smem:$0x3FBB]  }
0x39: {  	_ = 	snop;
	(pc) =	sbr.ind lr, $3  }
0x3a: {  	_ = 	snop  }
0x3b: {  	_ = 	snop  }
0x3c: {  	p2 =	seq.s32 s10, $0x1;
	s10 =	sld [smem:$0x3FBA]  }
0x3d: {  	_ =	shalt  }
0x3e: {  	_ =	shalt  }
0x3f: {  	_ =	shalt  }
0x40: {  	_ =	shalt  }
0x41: {  	_ =	shalt  }
0x42: {  	_ =	shalt  }
0x43: {  	_ =	shalt  }
0x44: {  	_ =	shalt  }
0x45: {  	_ =	shalt  }
0x46: {  	_ =	shalt  }
0x47: {  	_ =	shalt  }
0x48: {  	_ =	shalt  }
0x49: {  	_ =	shalt  }
0x4a: {  	_ =	shalt  }
0x4b: {  	_ =	shalt  }
0x4c: {  	_ =	shalt  }
0x4d: {  	_ =	shalt  }
0x4e: {  	_ =	shalt  }
0x4f: {  	_ =	shalt  }
0x50: {  	_ =	shalt  }
0x51: {  	_ =	shalt  }
0x52: {  	_ =	shalt  }
0x53: {  	_ =	shalt  }
0x54: {  	_ =	shalt  }
0x55: {  	_ =	shalt  }
0x56: {  	_ =	shalt  }
0x57: {  	_ =	shalt  }
0x58: {  	_ =	shalt  }
0x59: {  	_ =	shalt  }
0x5a: {  	_ =	shalt  }
0x5b: {  	_ =	shalt  }
0x5c: {  	_ =	shalt  }
0x5d: {  	_ =	shalt  }
0x5e: {  	_ =	shalt  }
0x5f: {  	_ =	shalt  }
0x60: {  	_ =	shalt  }
0x61: {  	_ =	shalt  }
0x62: {  	_ =	shalt  }
0x63: {  	_ =	shalt  }
0x64: {  	_ =	shalt  }
0x65: {  	_ =	shalt  }
0x66: {  	_ =	shalt  }
0x67: {  	_ =	shalt  }
0x68: {  	_ =	shalt  }
0x69: {  	_ =	shalt  }
0x6a: {  	_ =	shalt  }
0x6b: {  	_ =	shalt  }
0x6c: {  	_ =	shalt  }
0x6d: {  	_ =	shalt  }
0x6e: {  	_ =	shalt  }
0x6f: {  	_ =	shalt  }
0x70: {  	_ =	shalt  }
0x71: {  	_ =	shalt  }
0x72: {  	_ =	shalt  }
0x73: {  	_ =	shalt  }
0x74: {  	_ =	shalt  }
0x75: {  	_ =	shalt  }
0x76: {  	_ =	shalt  }
0x77: {  	_ =	shalt  }
0x78: {  	_ =	shalt  }
0x79: {  	_ =	shalt  }
0x7a: {  	_ =	shalt  }
0x7b: {  	_ =	shalt  }
0x7c: {  	_ =	shalt  }
0x7d: {  	_ =	shalt  }
0x7e: {  	_ =	shalt  }
0x7f: {  	_ =	shalt  }
0x80: {  	_ =	shalt  }
0x81: {  	_ =	shalt  }
0x82: {  	_ =	shalt  }
0x83: {  	_ =	shalt  }
0x84: {  	_ =	shalt  }
0x85: {  	_ =	shalt  }
0x86: {  	_ =	shalt  }
0x87: {  	_ =	shalt  }
.Lfunc_end0:
.L_simem_size_0:
called_computation.1_lowered:
.L_overlay_start_0:
0x88: {  	s2 =	sld [smem:$0x3FD9]  }
0x89: {  	s3 =	sld [smem:$0x3FFE];
	_ =	sdelay $0x1  }
0x8a: {  	s1 =	srdreg.scid  }
0x8b: {  	s0 =	sand.u32 $0x1, s1  }
0x8c: {  	s17 =	sshll.u32 s0, $0xA;
	s2 =	sadd.s32 s3, s2  }
0x8d: {  	s2 =	sadd.s32 s2, s17  }
0x8e: {  	[smem:$0x3FC6] =	sst s2  }
0x8f: {  	_ = 	snop  }
0x90: {  	s2 =	sld [smem:$0x3FD0];
	(tm) =	ssettm $0x1  }
0x91: {  	s18 =	sld [smem:$0x3FFB];
	_ =	sdelay $0x3  }
0x92: {  	_ =	strace s18  }
0x93: {  	s3 =	sld [smem:$0x3FFC];
	_ =	sdelay $0x3  }
0x94: {  	_ =	strace s3  }
0x95: {  	s3 =	sld [smem:$0x3FFD];
	_ =	sdelay $0x3  }
0x96: {  	_ =	strace s3  }
0x97: {  	_ =	strace $0x8FFFFFFF  }
0x98: {  	s19 =	sld [smem:$0x3FDB];
	_ =	sdelay $0x1  }
0x99: {  	s4 =	simm.s32 $_scs_section_size  }
0x9a: {  	s5 =	simm.s32 $_size__tile_overlayer_lowered;
	s6 =	simm.s32 $_tile_overlayer_lowered  }
0x9b: {  	s22 =	simm.s32 $0x1BFF;
	s21 =	sshll.u32 s6, $0x1;
	s3 =	sadd.s32 s4, s19  }
0x9c: {  	s7 =	simm.s32 $0x0;
	s20 =	sshll.u32 s5, $0x1;
	s5 =	sadd.s32 s21, s3  }
0x9d: {  	[timem:s7], [sflag:s22] =	dma.local [hbm:s5], s20  }
0x9e: {  	_ =	swait.ge [sflag:s22], s20  }
0x9f: {  	s4 =	ssub.s32 $0x0, s20;
	[sflag:s22] =	ssyncset.done $0x0  }
0xa0: {  	[sflag:s22] =	ssyncadd.s32 s4;
	_ =	sdelay $0x1  }
0xa1: {  	s23 =	simm.s32 $0x1B8B  }
0xa2: {  	_ =	swait.ge [sflag:s23], $0x1  }
0xa3: {  	[sflag:s23] =	ssyncset.done $0x0  }
0xa4: {  	s25 =	simm.s32 $0x1B8E;
	s24 =	sld [smem:$0x3FFE];
	[sflag:s23] =	ssyncadd.s32 $0xFFFFFFFF  }
0xa5: {  	s26 =	simm.s32 $execute0_lowered;
	[smem:$0x3FD2] =	sst s25  }
0xa6: {  	s5 =	sshll.u32 s26, $0x1;
	_ =	strace $0x80000049;
	[dreg:$0x1] =	wrdreg $0xFFFFFFFF  }
0xa7: {  	s28 =	simm.s32 $_size_execute0_lowered;
	s3 =	sadd.s32 s3, s5;
	[dreg:$0x0] =	wrdreg $0x0  }
0xa8: {  	s5 =	sshll.u32 s28, $0x1;
	[dreg:$0x2] =	wrdreg s3  }
0xa9: {  	[dreg:$0x3] =	wrdreg s5  }
0xaa: {  	[dreg:$0x4] =	wrdreg $0xC0  }
0xab: {  	_ =	task [dreg:s7], $0x5FFFF  }
0xac: {  	[dreg:$0x1] =	wrdreg $0xFFFFFFFF  }
0xad: {  	[dreg:$0x0] =	wrdreg $0x60  }
0xae: {  	[dreg:$0x2] =	wrdreg s2  }
0xaf: {  	[dreg:$0x3] =	wrdreg s24  }
0xb0: {  	[dreg:$0x4] =	wrdreg $0x9  }
0xb1: {  	_ =	task.clear_ibuf [dreg:s7], $0x5FFFF;
	_ =	strace $0x90000049  }
0xb2: {  	s29 =	simm.s32 $0x9;
	_ =	strace $0x8000004B  }
0xb3: {  	_ =	swait.ge [sflag:s29], $0x1  }
0xb4: {  	[sflag:s29] =	ssyncadd.s32 $0xFFFFFFFF  }
0xb5: {  	_ =	strace $0x9000004B  }
0xb6: {  	_ =	sfence  }
0xb7: {  	s30 =	sld [smem:$0x0];
	_ =	sdelay $0x2  }
0xb8: {  	s31 =	sshll.u32 s1, $0xD;
	s1 =	sshrl.u32 s1, $0x2  }
0xb9: {  	s3 =	sand.u32 $0x4000, s31;
	s1 =	sadd.s32 s1, s30  }
0xba: {  	s0 =	sor.u32 s3, s0;
	s1 =	sshll.u32 s1, $0x11  }
0xbb: {  	s0 =	sor.u32 s1, s0  }
0xbc: {  	s0 =	sadd.s32 $0x8F2B, s0  }
0xbd: {  	[sflag:s0] =	ssyncadd.remote.s32 $0x1  }
0xbe: {  	_ =	sfence.sel $0xFFFF  }
0xbf: {  	[dreg:$0x0] =	wrdreg $0xFFFFFFFF;
	(pc) =	sbr.abs _section_cstart, $3  }
0xc0: {  	[dreg:$0x1] =	wrdreg $0xFFFFFFFF  }
0xc1: {  	_ =	task.clear_ibuf [dreg:s7], $0x2FFFF;
	_ =	strace $0x9FFFFFFF  }
0xc2: {  	(tm) =	ssettm $0x7FFFFFFF  }
0xc3: {  	_ =	shalt  }
tec
execute0_lowered:
.L_overlay_start_1:
0x0: {  	(tag) =	ssettag $0x1  }
0x1: {  	v0 =	vimm.s32 $0xFEDCBA9;
	v1 =	vimm.s32 $0x87654321  }
0x2: {  	v3 =	vimm.s32 $0x98765432;
	v4 =	vimm.s32 $0x210FEDCB;
	v5 =	vimm.s32 $0xA9876543  }
0x3: {  	v6 =	vimm.s32 $0x7654321;
	v7 =	vimm.s32 $0x3210FEDC;
	v8 =	vimm.s32 $0xBA987654  }
0x4: {  	v9 =	vimm.s32 $0x43210FED;
	v10 =	vimm.s32 $0xCBA98765;
	v11 =	vimm.s32 $0x21076543  }
0x5: {  	v12 =	vimm.s32 $0x543210FE;
	v14 =	vimm.s32 $0xDCBA9876;
	v27 =	vimm.s32 $0xFEDCBA98  }
0x6: {  	v28 =	vimm.s32 $0x76543210;
	v62 =	vimm.s32 $0x65432107;
	v0 =	vunpack.c.l.s4.s8 v0  }
0x7: {  	v1 =	vunpack.c.l.s4.s8 v1;
	v3 =	vunpack.c.l.s4.s8 v3;
	v4 =	vunpack.c.l.s4.s8 v4  }
0x8: {  	v5 =	vunpack.c.l.s4.s8 v5;
	v6 =	vunpack.c.l.s4.s8 v6;
	v7 =	vunpack.c.l.s4.s8 v7  }
0x9: {  	v8 =	vunpack.c.l.s4.s8 v8;
	v9 =	vunpack.c.l.s4.s8 v9;
	v10 =	vunpack.c.l.s4.s8 v10  }
0xa: {  	v11 =	vunpack.c.l.s4.s8 v11;
	v12 =	vunpack.c.l.s4.s8 v12;
	v14 =	vunpack.c.l.s4.s8 v14  }
0xb: {  	v27 =	vunpack.c.l.s4.s8 v27;
	v28 =	vunpack.c.l.s4.s8 v28;
	v15 =	vunpack.c.0.s8.s32 v0  }
0xc: {  	v16 =	vunpack.c.0.s8.s32 v1;
	v0 =	vlaneseq.u32;
	v1 =	vimm.s32 $0x10FEDCBA  }
0xd: {  	v18 =	vunpack.c.0.s8.s32 v3;
	v3 =	vimm.s32 $0x10765432;
	v19 =	vunpack.c.0.s8.s32 v4  }
0xe: {  	v20 =	vunpack.c.0.s8.s32 v5;
	v21 =	vunpack.c.0.s8.s32 v7;
	v22 =	vunpack.c.0.s8.s32 v8  }
0xf: {  	v8 =	vimm.s32 $0x32107654;
	v23 =	vunpack.c.0.s8.s32 v9;
	v24 =	vunpack.c.0.s8.s32 v10  }
0x10: {  	v7 =	vunpack.c.0.s8.s32 v11;
	v25 =	vunpack.c.0.s8.s32 v12;
	v26 =	vunpack.c.0.s8.s32 v14  }
0x11: {  	v12 =	vimm.s32 $0x54321076;
	v14 =	vimm.s32 $0xEDCBA987;
	v60 =	vunpack.c.0.s8.s32 v28  }
0x12: {  	v1 =	vunpack.c.l.s4.s8 v1;
	v5 =	vunpack.c.l.s4.s8 v3;
	v3 =	vunpack.c.0.s8.s32 v6  }
0x13: {  	v10 =	vunpack.c.l.s4.s8 v8;
	v2 =	vcombine.low v16, v15;
	v6 =	vcombine.low v20, v19  }
0x14: {  	v8 =	vimm.s32 $0x43210765;
	v9 =	vcombine.low v22, v21;
	v11 =	vcombine.low v24, v23  }
0x15: {  	s0 =	rddreg [dreg:$0x0];
	v14 =	vunpack.c.l.s4.s8 v14;
	v29 =	vcombine.low v26, v25;
	v63 =	vcombine.low v15, v16  }
0x16: {  	s1 =	rddreg [dreg:$0x1];
	v30 =	vunpack.c.l.s4.s8 v12;
	v19 =	vcombine.low v19, v20;
	v20 =	vcombine.low v21, v22  }
0x17: {  	s2 =	srdreg.scid;
	s4 =	stileid.u32;
	v13 =	vunpack.c.l.s4.s8 v8;
	v21 =	vcombine.low v23, v24;
	v22 =	vcombine.low v25, v26  }
0x18: {  	s3 =	simm.s32 $0x0;
	s12 =	simm.s32 $0x5;
	s13 =	simm.s32 $0x80;
	v17 =	vunpack.c.0.s8.s32 v1;
	v1 =	vand.u32 $0x7, v0;
	v5 =	vunpack.c.0.s8.s32 v5  }
0x19: {  	s14 =	simm.s32 $0x100;
	s15 =	simm.s32 $0x6;
	s16 =	simm.s32 $0x2100;
	v32 =	vunpack.c.0.s8.s32 v14;
	v14 =	vunpack.c.0.s8.s32 v27;
	v2 =	vand.u32 $0xF, v2  }
0x1a: {  	s17 =	simm.s32 $0x1;
	s18 =	simm.s32 $0x4100;
	s19 =	simm.s32 $0x1000;
	v6 =	vand.u32 $0xF, v6;
	v8 =	vand.u32 $0xF, v9;
	v9 =	vunpack.c.0.s8.s32 v10  }
0x1b: {  	s20 =	simm.s32 $0x2;
	s2 =	sand.u32 $0x1, s2;
	s4 =	sshll.u32 s4, $0x1;
	v10 =	vand.u32 $0xF, v11;
	v11 =	vunpack.c.0.s8.s32 v13;
	v13 =	vimm.s32 $0x6543210F  }
0x1c: {  	s21 =	simm.s32 $0x6100;
	s22 =	simm.s32 $0x3;
	s5 =	sor.u32 s2, s4;
	v12 =	vand.u32 $0xF, v29;
	v29 =	vunpack.c.l.s4.s8 v62;
	v13 =	vunpack.c.l.s4.s8 v13  }
0x1d: {  	s23 =	simm.s32 $0x4;
	s24 =	simm.s32 $0x0;
	s7 =	smul.u32 $0xC80, s5;
	v19 =	vand.u32 $0xF, v19;
	v20 =	vand.u32 $0xF, v20;
	v21 =	vand.u32 $0xF, v21  }
.Ltmp0:
0x1e: {  	[smem:$0x7FF] =	sst s3;
	s6 =	sadd.s32 $0x7A1E00, s1;
	v4 =	vcombine.low v18, v17;
	v14 =	vand.u32 $0xF, v14;
	v31 =	vunpack.c.0.s8.s32 v13;
	(pc) =	sbr.rel .LBB2_1-.Ltmp0, $4  }
0x1f: {  	_ =	strace $0x8000004A;
	s2 =	ssub.s32 $0x2, s2;
	s5 =	smul.u32 $0xC8, s5;
	v22 =	vand.u32 $0xF, v22;
	v18 =	vcombine.low v17, v18;
	v14 =	vcombine.low v14, v60  }
0x20: {  	s4 =	sadd.s32 $0xC00, s1;
	s30 =	sshrl.u32 s2, $0x1;
	s7 =	sadd.s32 s0, s7;
	v17 =	vand.u32 $0xF, v63;
	v61 =	vcombine.low v32, v31;
	v23 =	vcombine.low v31, v32  }
0x21: {  	s1 =	ssub.s32 s2, s30;
	s9 =	sor.u32 $0x2, s5;
	s31 =	sadd.s32 $0x10, s7;
	v16 =	vunpack.c.0.s8.s32 v29;
	v4 =	vand.u32 $0xF, v4;
	v13 =	vunpack.c.0.s8.s32 v30  }
0x22: {  	s10 =	sor.u32 $0x3, s5;
	s11 =	smax.u32 s1, $0x1;
	[dreg:$0x3] =	wrdreg s31;
	v18 =	vand.u32 $0xF, v18;
	v15 =	vand.u32 $0xF, v61;
	v23 =	vand.u32 $0xF, v23  }
.LBB2_11:
0x23: {  	s24 =	sadd.s32 $0x1, s24  }
0x24: {  	_ =	swait.ge [sflag:s22], $0x2000;
	p0 =	sne.s32 s24, s11  }
.Ltmp1:
0x25: {  	[sflag:s22] =	ssyncset.done $0x0;
	(pc) =	sbr.rel @!p0 .LBB2_12-.Ltmp1, $4  }
0x26: {  	[sflag:s22] =	ssyncadd.s32 $0xFFFFE000  }
0x27: {  	_ =	swait.ge [sflag:s23], $0x2000  }
0x28: {  	[sflag:s23] =	ssyncset.done $0x0  }
0x29: {  	[sflag:s23] =	ssyncadd.s32 $0xFFFFE000  }
.LBB2_1:
0x2a: {  	[tilespmem:s3], [sflag:$0x5] =	stream.linear.gather [hbm4b:s7+s3], $0x80, $0x38;
	[tilespmem:$0x8100] =	vst v63  }
0x2b: {  	_ =	swait.ge [sflag:s12], $0x80  }
0x2c: {  	[sflag:s12] =	ssyncset.done $0x0  }
0x2d: {  	[sflag:s12] =	ssyncadd.s32 $0xFFFFFF80  }
0x2e: {  	[tilespmem:s14], [sflag:$0x1] =	stream.indirect.gather [hbm4b:s4+s13], $0x40, s3, s13, $0xb8;
	[tilespmem:$0x8100] =	vst v63  }
0x2f: {  	s1 =	rddreg [dreg:$0x3]  }
0x30: {  	[tilespmem:s13], [sflag:$0x6] =	stream.linear.gather [hbm4b:s1+s3], $0x80, $0x38;
	[tilespmem:$0x8100] =	vst v63  }
0x31: {  	_ =	swait.ge [sflag:s15], $0x80  }
0x32: {  	[sflag:s15] =	ssyncset.done $0x0  }
0x33: {  	s25 =	simm.s32 $0x0;
	[sflag:s15] =	ssyncadd.s32 $0xFFFFFF80  }
0x34: {  	[tilespmem:s16], [sflag:$0x2] =	stream.indirect.gather [hbm4b:s4+s13], $0x40, s13, s13, $0xb8;
	[tilespmem:$0x8100] =	vst v63  }
.LBB2_2:
0x35: {  	p0 =	seq.s32 s25, $0x63  }
0x36: {  	p1 =	seq.s32 @!p0 s25, $0x0  }
0x37: {  	s26 =	sshll.u32 s25, $0x1;
	p1 =	por p0, !p1  }
.Ltmp2:
0x38: {  	s1 =	sadd.s32 @!p0 s26, s9;
	(pc) =	sbr.rel @!p1 .LBB2_3-.Ltmp2, $4  }
0x39: {  	_ =	swait.ge [sflag:s17], $0x2000;
	s1 =	sshll.u32 @!p0 s1, $0x4  }
0x3a: {  	[sflag:s17] =	ssyncset.done $0x0;
	s1 =	sand.u32 @!p0 $0x1FFFFFE0, s1  }
0x3b: {  	s2 =	simm.s32 @!p0 $0x0;
	[sflag:s17] =	ssyncadd.s32 $0xFFFFE000;
	s1 =	sadd.s32 @!p0 s0, s1  }
0x3c: {  	[tilespmem:s2], [sflag:$0x5] =	stream.linear.gather @!p0 [hbm4b:s1+s2], $0x80, $0x38;
	[tilespmem:$0x8100] =	vst v63  }
.Ltmp3:
0x3d: {  	(pc) =	sbr.rel .LBB2_5-.Ltmp3, $4  }
0x3e: {  	_ = 	snop  }
0x3f: {  	_ =	swait.ge [sflag:s22], $0x2000  }
0x40: {  	[sflag:s22] =	ssyncset.done $0x0  }
0x41: {  	p1 =	por $0x0, $0x0;
	[sflag:s22] =	ssyncadd.s32 $0xFFFFE000  }
.LBB2_3:
0x42: {  	p1 =	por @!p0 $0x1, $0x1  }
.LBB2_5:
0x43: {  	s29 =	simm.s32 $0x0  }
0x44: {  	s1 =	sand.u32 $0x60, s29  }
0x45: {  	s2 =	sand.u32 $0x30, s29;
	s28 =	sor.u32 $0x10, s1  }
0x46: {  	v25 =	vor.u32 s2, v0;
	v26 =	vor.u32 s28, v0  }
0x47: {  	v24 =	vand.u32 $0x38, v25;
	v27 =	vshll.u32 v26, $0x6  }
0x48: {  	v28 =	vor.u32 s1, v0;
	v27 =	vor.u32 v24, v27  }
0x49: {  	v29 =	vshll.u32 v28, $0x6;
	v27 =	vor.u32 v1, v27  }
0x4a: {  	v29 =	vor.u32 v24, v29  }
0x4b: {  	v29 =	vor.u32 v1, v29  }
0x4c: {  	v32 =	vor.u32 s1, v2;
	v31 =	vshll.u32 v25, $0x7;
	v30 =	vor.u32 s28, v2  }
0x4d: {  	v38 =	vor.u32 v1, v31;
	v25 =	vand.u32 $0x78, v26;
	v26 =	vshll.u32 v30, $0x6  }
0x4e: {  	v33 =	vor.u32 s1, v4;
	v25 =	vor.u32 v25, v38;
	v26 =	vor.u32 v24, v26;
	v27 =	vld.idx.msk [tilespmem:v27+s14+$0x0], $0xffff  }
0x4f: {  	v28 =	vand.u32 $0x68, v28;
	v34 =	vshll.u32 v32, $0x6;
	v26 =	vor.u32 v1, v26  }
0x50: {  	v37 =	vor.u32 s1, v6;
	v34 =	vor.u32 v24, v34;
	v28 =	vor.u32 v28, v38;
	v29 =	vld.idx.msk [tilespmem:v29+s14+$0x0], $0xffff  }
0x51: {  	v40 =	vor.u32 s1, v8;
	v41 =	vor.u32 s1, v10;
	v34 =	vor.u32 v1, v34  }
0x52: {  	v44 =	vor.u32 s1, v15;
	v59 =	vor.u32 s1, v14;
	v36 =	vor.u32 s28, v4  }
0x53: {  	[tilespmem:v25+s18+$0x0] =	vst.idx.msk $0xffff, v27;
	v25 =	vor.u32 v3, v31;
	v27 =	vand.u32 $0x78, v30;
	v30 =	vshll.u32 v36, $0x6  }
0x54: {  	v62 =	vor.u32 s1, v17;
	v26 =	vld.idx.msk [tilespmem:v26+s14+$0x0], $0xffff;
	v27 =	vor.u32 v27, v25;
	v30 =	vor.u32 v24, v30  }
0x55: {  	v32 =	vand.u32 $0x68, v32;
	v35 =	vshll.u32 v33, $0x6;
	[tilespmem:v28+s18+$0x0] =	vst.idx.msk $0xffff, v29;
	v30 =	vor.u32 v1, v30  }
0x56: {  	v33 =	vand.u32 $0x68, v33;
	v35 =	vor.u32 v24, v35;
	v29 =	vld.idx.msk [tilespmem:v34+s14+$0x0], $0xffff;
	v28 =	vor.u32 v32, v25  }
0x57: {  	v39 =	vshll.u32 v37, $0x6;
	v37 =	vand.u32 $0x68, v37;
	v35 =	vor.u32 v1, v35  }
0x58: {  	v54 =	vshll.u32 v40, $0x6;
	v55 =	vor.u32 s28, v6;
	v42 =	vshll.u32 v41, $0x6  }
0x59: {  	v56 =	vshll.u32 v55, $0x6;
	[tilespmem:v27+s18+$0x0] =	vst.idx.msk $0xffff, v26;
	v26 =	vor.u32 v5, v31;
	v27 =	vand.u32 $0x78, v36  }
0x5a: {  	v40 =	vand.u32 $0x68, v40;
	v36 =	vor.u32 v24, v56;
	v30 =	vld.idx.msk [tilespmem:v30+s14+$0x0], $0xffff;
	v27 =	vor.u32 v27, v26  }
0x5b: {  	v41 =	vand.u32 $0x68, v41;
	v43 =	vor.u32 s28, v8;
	[tilespmem:v28+s18+$0x0] =	vst.idx.msk $0xffff, v29;
	v36 =	vor.u32 v1, v36  }
0x5c: {  	v60 =	vor.u32 s28, v10;
	v39 =	vor.u32 v24, v39;
	v28 =	vor.u32 v33, v26;
	v35 =	vld.idx.msk [tilespmem:v35+s14+$0x0], $0xffff  }
0x5d: {  	v46 =	vshll.u32 v59, $0x6;
	v63 =	vshll.u32 v62, $0x6;
	v53 =	vor.u32 v1, v39  }
0x5e: {  	v42 =	vor.u32 v24, v42;
	v58 =	vshll.u32 v43, $0x6;
	v47 =	vshll.u32 v60, $0x6  }
0x5f: {  	v39 =	vor.u32 v24, v58;
	[tilespmem:v27+s18+$0x0] =	vst.idx.msk $0xffff, v30;
	v27 =	vor.u32 v7, v31;
	v30 =	vand.u32 $0x78, v55  }
0x60: {  	v61 =	vor.u32 v24, v47;
	v34 =	vor.u32 v24, v54;
	v36 =	vld.idx.msk [tilespmem:v36+s14+$0x0], $0xffff;
	v30 =	vor.u32 v30, v27  }
0x61: {  	v39 =	vor.u32 v1, v39;
	v54 =	vor.u32 s28, v12;
	v34 =	vor.u32 v1, v34;
	[tilespmem:v28+s18+$0x0] =	vst.idx.msk $0xffff, v35  }
0x62: {  	v29 =	vor.u32 s1, v12;
	v56 =	vor.u32 s1, v18;
	v37 =	vor.u32 v37, v27;
	v32 =	vld.idx.msk [tilespmem:v53+s14+$0x0], $0xffff  }
0x63: {  	v57 =	vshll.u32 v29, $0x6;
	v45 =	vand.u32 $0x68, v29;
	v29 =	vshll.u32 v44, $0x6  }
0x64: {  	v33 =	vor.u32 v1, v42;
	v42 =	vor.u32 v24, v57;
	v29 =	vor.u32 v24, v29  }
0x65: {  	v50 =	vor.u32 v1, v42;
	v28 =	vor.u32 v9, v31;
	[tilespmem:v30+s18+$0x0] =	vst.idx.msk $0xffff, v36;
	v30 =	vand.u32 $0x78, v43  }
0x66: {  	v52 =	vor.u32 v1, v29;
	v29 =	vor.u32 v24, v46;
	v39 =	vld.idx.msk [tilespmem:v39+s14+$0x0], $0xffff;
	v30 =	vor.u32 v30, v28  }
0x67: {  	v42 =	vand.u32 $0x68, v59;
	v59 =	vand.u32 $0x68, v56;
	v36 =	vor.u32 v1, v61;
	[tilespmem:v37+s18+$0x0] =	vst.idx.msk $0xffff, v32  }
0x68: {  	v48 =	vor.u32 v1, v29;
	v29 =	vor.u32 v11, v31;
	v40 =	vor.u32 v40, v28;
	v34 =	vld.idx.msk [tilespmem:v34+s14+$0x0], $0xffff  }
0x69: {  	v42 =	vor.u32 v42, v38;
	v46 =	vor.u32 v59, v26;
	v51 =	vor.u32 v41, v29  }
0x6a: {  	v35 =	vand.u32 $0x68, v44;
	v44 =	vand.u32 $0x78, v60;
	v60 =	vor.u32 s1, v19  }
0x6b: {  	v55 =	vshll.u32 v54, $0x6;
	v57 =	vor.u32 v44, v29;
	v41 =	vand.u32 $0x68, v60;
	[tilespmem:v30+s18+$0x0] =	vst.idx.msk $0xffff, v39  }
0x6c: {  	v41 =	vor.u32 v41, v27;
	v43 =	vand.u32 $0x68, v62;
	v30 =	vor.u32 v24, v55;
	v36 =	vld.idx.msk [tilespmem:v36+s14+$0x0], $0xffff  }
0x6d: {  	v61 =	vshll.u32 v60, $0x6;
	v37 =	vand.u32 $0x78, v54;
	[tilespmem:v40+s18+$0x0] =	vst.idx.msk $0xffff, v34;
	v58 =	vor.u32 v1, v30  }
0x6e: {  	v43 =	vor.u32 v43, v25;
	v40 =	vor.u32 s28, v15;
	v30 =	vor.u32 v24, v63;
	v33 =	vld.idx.msk [tilespmem:v33+s14+$0x0], $0xffff  }
0x6f: {  	v55 =	vor.u32 s28, v14;
	v49 =	vor.u32 v1, v30;
	v30 =	vshll.u32 v56, $0x6  }
0x70: {  	v62 =	vshll.u32 v40, $0x6;
	v63 =	vor.u32 s1, v20;
	v30 =	vor.u32 v24, v30  }
0x71: {  	v59 =	vshll.u32 v63, $0x6;
	v47 =	vor.u32 v1, v30;
	v30 =	vor.u32 v13, v31;
	[tilespmem:v57+s18+$0x0] =	vst.idx.msk $0xffff, v36  }
0x72: {  	v60 =	vor.u32 v24, v59;
	v37 =	vor.u32 v37, v30;
	v57 =	vor.u32 v24, v62;
	v44 =	vld.idx.msk [tilespmem:v58+s14+$0x0], $0xffff  }
0x73: {  	v56 =	vor.u32 s1, v23;
	v39 =	vor.u32 v1, v60;
	[tilespmem:v51+s18+$0x0] =	vst.idx.msk $0xffff, v33;
	v54 =	vor.u32 v1, v57  }
0x74: {  	v31 =	vor.u32 v16, v31;
	v53 =	vor.u32 v45, v30;
	v57 =	vand.u32 $0x78, v40;
	v40 =	vld.idx.msk [tilespmem:v50+s14+$0x0], $0xffff  }
0x75: {  	v60 =	vor.u32 s1, v22;
	v62 =	vor.u32 s1, v21;
	v51 =	vor.u32 s28, v17  }
0x76: {  	v58 =	vor.u32 v24, v61;
	v61 =	vand.u32 $0x68, v63;
	v63 =	vshll.u32 v62, $0x6  }
0x77: {  	v50 =	vor.u32 v35, v31;
	v45 =	vor.u32 v1, v58;
	v58 =	vshll.u32 v55, $0x6;
	[tilespmem:v37+s18+$0x0] =	vst.idx.msk $0xffff, v44  }
0x78: {  	v36 =	vor.u32 v61, v28;
	v33 =	vor.u32 v57, v31;
	v59 =	vor.u32 v24, v58;
	v44 =	vld.idx.msk [tilespmem:v54+s14+$0x0], $0xffff  }
0x79: {  	v61 =	vand.u32 $0x68, v62;
	v62 =	vshll.u32 v60, $0x6;
	[tilespmem:v53+s18+$0x0] =	vst.idx.msk $0xffff, v40;
	v54 =	vor.u32 v1, v59  }
0x7a: {  	v32 =	vor.u32 v24, v63;
	v35 =	vor.u32 v61, v29;
	v63 =	vor.u32 v24, v62;
	v53 =	vld.idx.msk [tilespmem:v52+s14+$0x0], $0xffff  }
0x7b: {  	v62 =	vand.u32 $0x78, v55;
	v34 =	vor.u32 v1, v63;
	v37 =	vor.u32 v1, v32  }
0x7c: {  	v40 =	vor.u32 v62, v38;
	v59 =	vand.u32 $0x68, v60;
	v60 =	vshll.u32 v56, $0x6  }
0x7d: {  	v63 =	vshll.u32 v51, $0x6;
	v32 =	vor.u32 v59, v30;
	v61 =	vor.u32 v24, v60;
	[tilespmem:v33+s18+$0x0] =	vst.idx.msk $0xffff, v44  }
0x7e: {  	s30 =	simm.s32 $0x0;
	s31 =	simm.s32 $0x20;
	v33 =	vor.u32 v1, v61;
	v44 =	vand.u32 $0x68, v56;
	v52 =	vld.idx.msk [tilespmem:v54+s14+$0x0], $0xffff;
	v54 =	vor.u32 v24, v63  }
.LBB2_6:
0x7f: {  	s1 =	sand.u32 $0x60, s31;
	s30 =	sadd.s32 $0x2, s30;
	[tilespmem:v50+s18+$0x0] =	vst.idx.msk $0xffff, v53;
	v38 =	vor.u32 v44, v31;
	v44 =	vor.u32 v1, v54;
	s29 =	sadd.s32 $0x4, s29  }
0x80: {  	s8 =	sand.u32 $0x30, s29;
	v50 =	vor.u32 s1, v0;
	v53 =	vor.u32 s1, v2;
	v54 =	vor.u32 s1, v4;
	s2 =	sor.u32 $0x10, s1;
	p2 =	slt.u32 s30, $0x1E;
	v55 =	vld.idx.msk [tilespmem:v48+s14+$0x0], $0xffff  }
0x81: {  	v56 =	vor.u32 s8, v0;
	v57 =	vshll.u32 v50, $0x6;
	v58 =	vor.u32 s2, v0  }
0x82: {  	v50 =	vand.u32 $0x68, v50;
	v48 =	vand.u32 $0x38, v56;
	v59 =	vshll.u32 v58, $0x6  }
0x83: {  	v57 =	vor.u32 v48, v57;
	v59 =	vor.u32 v48, v59;
	[tilespmem:v40+s18+$0x0] =	vst.idx.msk $0xffff, v52;
	v52 =	vor.u32 s28, v18  }
0x84: {  	v40 =	vand.u32 $0x78, v51;
	v59 =	vor.u32 v1, v59;
	v60 =	vld.idx.msk [tilespmem:v44+s14+$0x0], $0xffff;
	v44 =	vshll.u32 v52, $0x6  }
0x85: {  	v51 =	vor.u32 v1, v57;
	v25 =	vor.u32 v40, v25;
	v40 =	vor.u32 v24, v44  }
0x86: {  	v44 =	vshll.u32 v53, $0x6;
	v53 =	vand.u32 $0x68, v53;
	[tilespmem:v42+s18+$0x0] =	vst.idx.msk $0xffff, v55;
	v42 =	vor.u32 v1, v40  }
0x87: {  	v57 =	vor.u32 s1, v6;
	v40 =	vor.u32 v48, v44;
	v55 =	vshll.u32 v54, $0x6;
	v49 =	vld.idx.msk [tilespmem:v49+s14+$0x0], $0xffff  }
0x88: {  	v61 =	vor.u32 s2, v2;
	v44 =	vshll.u32 v56, $0x7;
	v56 =	vor.u32 v1, v40  }
0x89: {  	v58 =	vand.u32 $0x78, v58;
	v62 =	vshll.u32 v61, $0x6;
	v40 =	vor.u32 v1, v44;
	v59 =	vld.idx.msk [tilespmem:v59+s14+$0x0], $0xffff  }
0x8a: {  	v62 =	vor.u32 v48, v62;
	v58 =	vor.u32 v58, v40;
	[tilespmem:v25+s18+$0x0] =	vst.idx.msk $0xffff, v60;
	v60 =	vor.u32 s28, v19  }
0x8b: {  	v62 =	vor.u32 v1, v62;
	v25 =	vand.u32 $0x78, v52;
	v42 =	vld.idx.msk [tilespmem:v42+s14+$0x0], $0xffff;
	v52 =	vshll.u32 v60, $0x6  }
0x8c: {  	v50 =	vor.u32 v50, v40;
	v26 =	vor.u32 v25, v26;
	v51 =	vld.idx.msk [tilespmem:v51+s14+$0x0], $0xffff;
	v25 =	vor.u32 v24, v52  }
0x8d: {  	v54 =	vand.u32 $0x68, v54;
	v52 =	vor.u32 v48, v55;
	[tilespmem:v43+s18+$0x0] =	vst.idx.msk $0xffff, v49;
	v43 =	vor.u32 v1, v25  }
0x8e: {  	v49 =	vor.u32 v1, v52;
	v25 =	vshll.u32 v57, $0x6;
	v52 =	vor.u32 s1, v8;
	v47 =	vld.idx.msk [tilespmem:v47+s14+$0x0], $0xffff  }
0x8f: {  	v57 =	vand.u32 $0x68, v57;
	v55 =	vor.u32 v48, v25;
	[tilespmem:v58+s18+$0x0] =	vst.idx.msk $0xffff, v59;
	v58 =	vor.u32 s2, v4  }
0x90: {  	v61 =	vand.u32 $0x78, v61;
	v25 =	vor.u32 v3, v44;
	v59 =	vld.idx.msk [tilespmem:v62+s14+$0x0], $0xffff;
	v62 =	vshll.u32 v58, $0x6  }
0x91: {  	v61 =	vor.u32 v61, v25;
	v62 =	vor.u32 v48, v62;
	[tilespmem:v26+s18+$0x0] =	vst.idx.msk $0xffff, v42;
	v42 =	vor.u32 s28, v20  }
0x92: {  	v26 =	vand.u32 $0x78, v60;
	[tilespmem:v50+s18+$0x0] =	vst.idx.msk $0xffff, v51;
	v50 =	vor.u32 v1, v62;
	v43 =	vld.idx.msk [tilespmem:v43+s14+$0x0], $0xffff;
	v51 =	vshll.u32 v42, $0x6  }
0x93: {  	v53 =	vor.u32 v53, v25;
	v27 =	vor.u32 v26, v27;
	v56 =	vld.idx.msk [tilespmem:v56+s14+$0x0], $0xffff;
	v26 =	vor.u32 v24, v51  }
0x94: {  	v51 =	vor.u32 v1, v55;
	v55 =	vshll.u32 v52, $0x6;
	[tilespmem:v46+s18+$0x0] =	vst.idx.msk $0xffff, v47;
	v46 =	vor.u32 v1, v26  }
0x95: {  	v26 =	vor.u32 v48, v55;
	v47 =	vand.u32 $0x68, v52;
	v52 =	vor.u32 s1, v10;
	v45 =	vld.idx.msk [tilespmem:v45+s14+$0x0], $0xffff  }
0x96: {  	v55 =	vor.u32 v1, v26;
	v60 =	vshll.u32 v52, $0x6;
	[tilespmem:v61+s18+$0x0] =	vst.idx.msk $0xffff, v59;
	v59 =	vor.u32 s2, v6  }
0x97: {  	v58 =	vand.u32 $0x78, v58;
	v26 =	vor.u32 v5, v44;
	v50 =	vld.idx.msk [tilespmem:v50+s14+$0x0], $0xffff;
	v61 =	vshll.u32 v59, $0x6  }
0x98: {  	v58 =	vor.u32 v58, v26;
	v61 =	vor.u32 v48, v61;
	[tilespmem:v27+s18+$0x0] =	vst.idx.msk $0xffff, v43;
	v43 =	vor.u32 s28, v21  }
0x99: {  	v27 =	vand.u32 $0x78, v42;
	[tilespmem:v53+s18+$0x0] =	vst.idx.msk $0xffff, v56;
	v53 =	vor.u32 v1, v61;
	v46 =	vld.idx.msk [tilespmem:v46+s14+$0x0], $0xffff;
	v42 =	vshll.u32 v43, $0x6  }
0x9a: {  	v54 =	vor.u32 v54, v26;
	v28 =	vor.u32 v27, v28;
	v49 =	vld.idx.msk [tilespmem:v49+s14+$0x0], $0xffff;
	v27 =	vor.u32 v24, v42  }
0x9b: {  	v56 =	vor.u32 s1, v12;
	v42 =	vor.u32 v48, v60;
	[tilespmem:v41+s18+$0x0] =	vst.idx.msk $0xffff, v45;
	v41 =	vor.u32 v1, v27  }
0x9c: {  	v52 =	vand.u32 $0x68, v52;
	v45 =	vor.u32 v1, v42;
	v27 =	vshll.u32 v56, $0x6;
	v39 =	vld.idx.msk [tilespmem:v39+s14+$0x0], $0xffff  }
0x9d: {  	v60 =	vor.u32 s1, v15;
	v42 =	vor.u32 v48, v27;
	[tilespmem:v58+s18+$0x0] =	vst.idx.msk $0xffff, v50;
	v50 =	vor.u32 s2, v8  }
0x9e: {  	v27 =	vor.u32 v7, v44;
	v58 =	vand.u32 $0x78, v59;
	v53 =	vld.idx.msk [tilespmem:v53+s14+$0x0], $0xffff;
	v59 =	vshll.u32 v50, $0x6  }
0x9f: {  	v58 =	vor.u32 v58, v27;
	v59 =	vor.u32 v48, v59;
	[tilespmem:v28+s18+$0x0] =	vst.idx.msk $0xffff, v46;
	v46 =	vor.u32 s28, v22  }
0xa0: {  	v28 =	vand.u32 $0x78, v43;
	[tilespmem:v54+s18+$0x0] =	vst.idx.msk $0xffff, v49;
	v49 =	vor.u32 v1, v59;
	v41 =	vld.idx.msk [tilespmem:v41+s14+$0x0], $0xffff;
	v43 =	vshll.u32 v46, $0x6  }
0xa1: {  	v54 =	vor.u32 v57, v27;
	v29 =	vor.u32 v28, v29;
	v51 =	vld.idx.msk [tilespmem:v51+s14+$0x0], $0xffff;
	v28 =	vor.u32 v24, v43  }
0xa2: {  	v56 =	vand.u32 $0x68, v56;
	v57 =	vor.u32 v1, v42;
	[tilespmem:v36+s18+$0x0] =	vst.idx.msk $0xffff, v39;
	v36 =	vor.u32 v1, v28  }
0xa3: {  	v59 =	vand.u32 $0x68, v60;
	v28 =	vshll.u32 v60, $0x6;
	v39 =	vor.u32 s1, v14;
	v37 =	vld.idx.msk [tilespmem:v37+s14+$0x0], $0xffff  }
0xa4: {  	v42 =	vor.u32 v48, v28;
	v43 =	vshll.u32 v39, $0x6;
	[tilespmem:v58+s18+$0x0] =	vst.idx.msk $0xffff, v53;
	v53 =	vor.u32 s2, v10  }
0xa5: {  	v50 =	vand.u32 $0x78, v50;
	v28 =	vor.u32 v9, v44;
	v49 =	vld.idx.msk [tilespmem:v49+s14+$0x0], $0xffff;
	v58 =	vshll.u32 v53, $0x6  }
0xa6: {  	v50 =	vor.u32 v50, v28;
	v58 =	vor.u32 v48, v58;
	[tilespmem:v29+s18+$0x0] =	vst.idx.msk $0xffff, v41;
	v41 =	vor.u32 s28, v23;
	s28 =	smov.u32 s2  }
0xa7: {  	v29 =	vand.u32 $0x78, v46;
	[tilespmem:v54+s18+$0x0] =	vst.idx.msk $0xffff, v51;
	v51 =	vor.u32 v1, v58;
	v36 =	vld.idx.msk [tilespmem:v36+s14+$0x0], $0xffff;
	v46 =	vshll.u32 v41, $0x6  }
0xa8: {  	v47 =	vor.u32 v47, v28;
	v30 =	vor.u32 v29, v30;
	v54 =	vld.idx.msk [tilespmem:v55+s14+$0x0], $0xffff;
	v46 =	vor.u32 v24, v46  }
0xa9: {  	v29 =	vor.u32 v48, v43;
	v55 =	vor.u32 v1, v42;
	v24 =	vmovc v48;
	v43 =	vor.u32 v1, v46  }
0xaa: {  	v48 =	vor.u32 v1, v29;
	v29 =	vand.u32 $0x68, v39;
	v39 =	vor.u32 s1, v17;
	[tilespmem:v35+s18+$0x0] =	vst.idx.msk $0xffff, v37  }
0xab: {  	v42 =	vor.u32 v29, v40;
	v35 =	vshll.u32 v39, $0x6;
	v37 =	vor.u32 s28, v12;
	[tilespmem:v50+s18+$0x0] =	vst.idx.msk $0xffff, v49;
	v34 =	vld.idx.msk [tilespmem:v34+s14+$0x0], $0xffff  }
0xac: {  	v29 =	vor.u32 v11, v44;
	v49 =	vand.u32 $0x78, v53;
	v50 =	vshll.u32 v37, $0x6;
	v46 =	vld.idx.msk [tilespmem:v51+s14+$0x0], $0xffff  }
0xad: {  	v51 =	vor.u32 s1, v18;
	v53 =	vor.u32 v49, v29;
	v49 =	vor.u32 v24, v50;
	[tilespmem:v30+s18+$0x0] =	vst.idx.msk $0xffff, v36  }
0xae: {  	v41 =	vand.u32 $0x78, v41;
	v30 =	vand.u32 $0x68, v39;
	v36 =	vor.u32 v1, v49;
	[tilespmem:v47+s18+$0x0] =	vst.idx.msk $0xffff, v54;
	v39 =	vld.idx.msk [tilespmem:v43+s14+$0x0], $0xffff  }
0xaf: {  	v31 =	vor.u32 v41, v31;
	v35 =	vor.u32 v24, v35;
	v50 =	vor.u32 v52, v29;
	v45 =	vld.idx.msk [tilespmem:v45+s14+$0x0], $0xffff  }
0xb0: {  	v49 =	vor.u32 v1, v35;
	v43 =	vor.u32 v30, v25;
	v30 =	vshll.u32 v51, $0x6  }
0xb1: {  	v41 =	vor.u32 s1, v19;
	v35 =	vand.u32 $0x68, v51;
	v30 =	vor.u32 v24, v30;
	[tilespmem:v32+s18+$0x0] =	vst.idx.msk $0xffff, v34  }
0xb2: {  	v47 =	vor.u32 v1, v30;
	v32 =	vshll.u32 v41, $0x6;
	v34 =	vor.u32 s28, v15;
	[tilespmem:v53+s18+$0x0] =	vst.idx.msk $0xffff, v46;
	v33 =	vld.idx.msk [tilespmem:v33+s14+$0x0], $0xffff  }
0xb3: {  	v30 =	vor.u32 v13, v44;
	v51 =	vld.idx.msk [tilespmem:v36+s14+$0x0], $0xffff;
	v36 =	vand.u32 $0x78, v37;
	v37 =	vshll.u32 v34, $0x6  }
0xb4: {  	v52 =	vor.u32 s1, v20;
	v53 =	vor.u32 v36, v30;
	v36 =	vor.u32 v24, v37;
	[tilespmem:v31+s18+$0x0] =	vst.idx.msk $0xffff, v39  }
0xb5: {  	v37 =	vor.u32 v56, v30;
	v31 =	vand.u32 $0x68, v41;
	[tilespmem:v50+s18+$0x0] =	vst.idx.msk $0xffff, v45;
	v50 =	vor.u32 v1, v36  }
0xb6: {  	v46 =	vor.u32 v35, v26;
	v32 =	vor.u32 v24, v32;
	v35 =	vshll.u32 v52, $0x6;
	v54 =	vld.idx.msk [tilespmem:v57+s14+$0x0], $0xffff  }
0xb7: {  	v45 =	vor.u32 v1, v32;
	v41 =	vor.u32 v31, v27;
	v31 =	vor.u32 v24, v35  }
0xb8: {  	v32 =	vor.u32 s1, v21;
	v39 =	vor.u32 v1, v31;
	v31 =	vand.u32 $0x68, v52;
	[tilespmem:v38+s18+$0x0] =	vst.idx.msk $0xffff, v33  }
0xb9: {  	v36 =	vor.u32 v31, v28;
	v33 =	vshll.u32 v32, $0x6;
	v38 =	vor.u32 s28, v14;
	[tilespmem:v53+s18+$0x0] =	vst.idx.msk $0xffff, v51  }
0xba: {  	v34 =	vand.u32 $0x78, v34;
	v31 =	vor.u32 v16, v44;
	v35 =	vshll.u32 v38, $0x6;
	v44 =	vld.idx.msk [tilespmem:v50+s14+$0x0], $0xffff  }
0xbb: {  	v51 =	vor.u32 v34, v31;
	v50 =	vor.u32 v59, v31;
	v34 =	vor.u32 v24, v35  }
0xbc: {  	v52 =	vor.u32 s1, v22;
	v33 =	vor.u32 v24, v33;
	[tilespmem:v37+s18+$0x0] =	vst.idx.msk $0xffff, v54;
	v54 =	vor.u32 v1, v34  }
0xbd: {  	v32 =	vand.u32 $0x68, v32;
	v37 =	vor.u32 v1, v33;
	v33 =	vshll.u32 v52, $0x6;
	v53 =	vld.idx.msk [tilespmem:v55+s14+$0x0], $0xffff  }
.Ltmp4:
0xbe: {  	v35 =	vor.u32 v32, v29;
	v32 =	vor.u32 v24, v33;
	v55 =	vor.u32 s1, v23;
	(pc) =	sbr.rel @p2 .LBB2_6-.Ltmp4, $4  }
0xbf: {  	v34 =	vor.u32 v1, v32;
	v32 =	vand.u32 $0x68, v52;
	v33 =	vshll.u32 v55, $0x6  }
0xc0: {  	v32 =	vor.u32 v32, v30;
	v33 =	vor.u32 v24, v33;
	[tilespmem:v51+s18+$0x0] =	vst.idx.msk $0xffff, v44;
	v51 =	vor.u32 s28, v17  }
0xc1: {  	v38 =	vand.u32 $0x78, v38;
	v33 =	vor.u32 v1, v33;
	v52 =	vld.idx.msk [tilespmem:v54+s14+$0x0], $0xffff;
	v54 =	vshll.u32 v51, $0x6  }
0xc2: {  	s31 =	sadd.s32 $0x20, s31;
	v40 =	vor.u32 v38, v40;
	v44 =	vand.u32 $0x68, v55;
	v54 =	vor.u32 v24, v54  }
0xc3: {  	_ =	sdelay $0x3  }
0xc4: {  	[tilespmem:v50+s18+$0x0] =	vst.idx.msk $0xffff, v53  }
0xc5: {  	v38 =	vor.u32 v1, v54;
	v48 =	vld.idx.msk [tilespmem:v48+s14+$0x0], $0xffff;
	_ =	sdelay $0x2  }
0xc6: {  	v59 =	vor.u32 s28, v18  }
0xc7: {  	v60 =	vand.u32 $0x78, v51;
	v61 =	vshll.u32 v59, $0x6;
	[tilespmem:v40+s18+$0x0] =	vst.idx.msk $0xffff, v52  }
0xc8: {  	v25 =	vor.u32 v60, v25;
	v62 =	vor.u32 v24, v61;
	v38 =	vld.idx.msk [tilespmem:v38+s14+$0x0], $0xffff;
	[tilespmem:v42+s18+$0x0] =	vst.idx.msk $0xffff, v48  }
0xc9: {  	v40 =	vor.u32 v1, v62;
	v42 =	vld.idx.msk [tilespmem:v49+s14+$0x0], $0xffff;
	_ =	sdelay $0x2  }
0xca: {  	v63 =	vor.u32 s28, v19  }
0xcb: {  	v49 =	vshll.u32 v63, $0x6;
	[tilespmem:v25+s18+$0x0] =	vst.idx.msk $0xffff, v38;
	v25 =	vand.u32 $0x78, v59  }
0xcc: {  	v40 =	vld.idx.msk [tilespmem:v40+s14+$0x0], $0xffff;
	v25 =	vor.u32 v25, v26;
	v26 =	vor.u32 v24, v49;
	[tilespmem:v43+s18+$0x0] =	vst.idx.msk $0xffff, v42  }
0xcd: {  	v26 =	vor.u32 v1, v26;
	v50 =	vld.idx.msk [tilespmem:v47+s14+$0x0], $0xffff;
	_ =	sdelay $0x2  }
0xce: {  	v51 =	vor.u32 s28, v20  }
0xcf: {  	v52 =	vshll.u32 v51, $0x6;
	[tilespmem:v25+s18+$0x0] =	vst.idx.msk $0xffff, v40;
	v25 =	vand.u32 $0x78, v63  }
0xd0: {  	v26 =	vld.idx.msk [tilespmem:v26+s14+$0x0], $0xffff;
	v25 =	vor.u32 v25, v27;
	v27 =	vor.u32 v24, v52;
	[tilespmem:v46+s18+$0x0] =	vst.idx.msk $0xffff, v50  }
0xd1: {  	v27 =	vor.u32 v1, v27;
	v38 =	vld.idx.msk [tilespmem:v45+s14+$0x0], $0xffff;
	_ =	sdelay $0x2  }
0xd2: {  	v53 =	vor.u32 s28, v21  }
0xd3: {  	[tilespmem:v25+s18+$0x0] =	vst.idx.msk $0xffff, v26;
	v25 =	vand.u32 $0x78, v51;
	v26 =	vshll.u32 v53, $0x6  }
0xd4: {  	v27 =	vld.idx.msk [tilespmem:v27+s14+$0x0], $0xffff;
	v25 =	vor.u32 v25, v28;
	v26 =	vor.u32 v24, v26;
	[tilespmem:v41+s18+$0x0] =	vst.idx.msk $0xffff, v38  }
0xd5: {  	v26 =	vor.u32 v1, v26;
	v28 =	vld.idx.msk [tilespmem:v39+s14+$0x0], $0xffff;
	_ =	sdelay $0x2  }
0xd6: {  	v54 =	vor.u32 s28, v22  }
0xd7: {  	[tilespmem:v25+s18+$0x0] =	vst.idx.msk $0xffff, v27;
	v25 =	vand.u32 $0x78, v53;
	v27 =	vshll.u32 v54, $0x6  }
0xd8: {  	v26 =	vld.idx.msk [tilespmem:v26+s14+$0x0], $0xffff;
	v25 =	vor.u32 v25, v29;
	v27 =	vor.u32 v24, v27;
	[tilespmem:v36+s18+$0x0] =	vst.idx.msk $0xffff, v28  }
0xd9: {  	v27 =	vor.u32 v1, v27;
	v28 =	vld.idx.msk [tilespmem:v37+s14+$0x0], $0xffff;
	_ =	sdelay $0x2  }
0xda: {  	v29 =	vor.u32 s28, v23  }
0xdb: {  	[tilespmem:v25+s18+$0x0] =	vst.idx.msk $0xffff, v26;
	v25 =	vand.u32 $0x78, v54;
	v26 =	vshll.u32 v29, $0x6  }
0xdc: {  	v27 =	vld.idx.msk [tilespmem:v27+s14+$0x0], $0xffff;
	v25 =	vor.u32 v25, v30;
	v24 =	vor.u32 v24, v26;
	[tilespmem:v35+s18+$0x0] =	vst.idx.msk $0xffff, v28  }
0xdd: {  	v24 =	vor.u32 v1, v24;
	v26 =	vld.idx.msk [tilespmem:v34+s14+$0x0], $0xffff;
	_ =	sdelay $0x3  }
0xde: {  	[tilespmem:v25+s18+$0x0] =	vst.idx.msk $0xffff, v27;
	v25 =	vand.u32 $0x78, v29  }
0xdf: {  	v24 =	vld.idx.msk [tilespmem:v24+s14+$0x0], $0xffff;
	v25 =	vor.u32 v25, v31;
	[tilespmem:v32+s18+$0x0] =	vst.idx.msk $0xffff, v26  }
0xe0: {  	v26 =	vor.u32 v44, v31;
	v27 =	vld.idx.msk [tilespmem:v33+s14+$0x0], $0xffff  }
0xe1: {  	s1 =	sadd.s32 s5, s26  }
0xe2: {  	s2 =	sshll.u32 s1, $0x4  }
0xe3: {  	s1 =	sshll.u32 s1, $0xA;
	s2 =	sand.u32 $0x1E0, s2  }
0xe4: {  	s1 =	sand.u32 $0xFFF8000, s1;
	s2 =	sadd.s32 s6, s2;
	[tilespmem:v25+s18+$0x0] =	vst.idx.msk $0xffff, v24  }
0xe5: {  	s1 =	sadd.s32 s1, s2;
	[tilespmem:v26+s18+$0x0] =	vst.idx.msk $0xffff, v27  }
0xe6: {  	[hbm4b:s1+s13] =	stream.strided.scatter [tilespmem:s18], [sflag:$0x3], $0x2000, s19, s13, $0x38;
	[tilespmem:$0x8100] =	vst v63  }
0xe7: {  	s1 =	simm.s32 @!p0 $0x5  }
0xe8: {  	_ =	swait.ge @!p0 [sflag:s1], $0x80  }
0xe9: {  	s8 =	simm.s32 @!p0 $0x0;
	s29 =	simm.s32 $0x0;
	[sflag:s1] =	ssyncset.done @!p0 $0x0  }
0xea: {  	s2 =	simm.s32 @!p0 $0x80;
	[sflag:s1] =	ssyncadd.s32 @!p0 $0xFFFFFF80;
	s1 =	simm.s32 @!p0 $0x100  }
0xeb: {  	[tilespmem:s1], [sflag:$0x1] =	stream.indirect.gather @!p0 [hbm4b:s4+s2], $0x40, s8, s2, $0xb8;
	[tilespmem:$0x8100] =	vst v63  }
0xec: {  	s1 =	sand.u32 $0x60, s29  }
0xed: {  	s30 =	sadd.s32 @!p0 s26, s10;
	s31 =	sand.u32 $0x30, s29;
	s28 =	sor.u32 $0x10, s1  }
0xee: {  	s30 =	sshll.u32 @!p0 s30, $0x4;
	v25 =	vor.u32 s31, v0;
	_ =	swait.ge [sflag:s20], $0x2000;
	v26 =	vor.u32 s28, v0  }
0xef: {  	s30 =	sand.u32 @!p0 $0x1FFFFFF0, s30;
	v24 =	vand.u32 $0x38, v25;
	[sflag:s20] =	ssyncset.done $0x0;
	v27 =	vshll.u32 v26, $0x6  }
0xf0: {  	s30 =	sadd.s32 @!p0 s0, s30;
	[sflag:s20] =	ssyncadd.s32 $0xFFFFE000;
	v27 =	vor.u32 v24, v27  }
0xf1: {  	[tilespmem:s2], [sflag:$0x6] =	stream.linear.gather @!p0 [hbm4b:s30+s8], $0x80, $0x38;
	v27 =	vor.u32 v1, v27;
	[tilespmem:$0x8100] =	vst v63  }
0xf2: {  	v28 =	vor.u32 s1, v0;
	s2 =	simm.s32 @!p1 $0x4  }
0xf3: {  	v31 =	vshll.u32 v25, $0x7;
	v29 =	vshll.u32 v28, $0x6;
	_ =	swait.ge @!p1 [sflag:s2], $0x2000  }
0xf4: {  	v39 =	vor.u32 v1, v31;
	v30 =	vor.u32 s28, v2;
	v29 =	vor.u32 v24, v29;
	[sflag:s2] =	ssyncset.done @!p1 $0x0  }
0xf5: {  	v25 =	vand.u32 $0x78, v26;
	v26 =	vshll.u32 v30, $0x6;
	v29 =	vor.u32 v1, v29;
	[sflag:s2] =	ssyncadd.s32 @!p1 $0xFFFFE000  }
0xf6: {  	v25 =	vor.u32 v25, v39;
	v26 =	vor.u32 v24, v26;
	v27 =	vld.idx.msk [tilespmem:v27+s16+$0x0], $0xffff  }
0xf7: {  	v55 =	vor.u32 s1, v2;
	v26 =	vor.u32 v1, v26  }
0xf8: {  	v57 =	vshll.u32 v55, $0x6  }
0xf9: {  	v28 =	vand.u32 $0x68, v28;
	v34 =	vor.u32 v24, v57  }
0xfa: {  	v59 =	vor.u32 s28, v4;
	v28 =	vor.u32 v28, v39;
	v34 =	vor.u32 v1, v34;
	v29 =	vld.idx.msk [tilespmem:v29+s16+$0x0], $0xffff  }
0xfb: {  	[tilespmem:v25+s21+$0x0] =	vst.idx.msk $0xffff, v27;
	v25 =	vor.u32 v3, v31;
	v27 =	vand.u32 $0x78, v30;
	v30 =	vshll.u32 v59, $0x6  }
0xfc: {  	v56 =	vor.u32 s1, v4;
	v26 =	vld.idx.msk [tilespmem:v26+s16+$0x0], $0xffff;
	v27 =	vor.u32 v27, v25;
	v30 =	vor.u32 v24, v30  }
0xfd: {  	v60 =	vor.u32 s1, v6;
	v62 =	vor.u32 s1, v8;
	v30 =	vor.u32 v1, v30  }
0xfe: {  	v51 =	vor.u32 s1, v17;
	v32 =	vand.u32 $0x68, v55;
	v58 =	vshll.u32 v56, $0x6  }
0xff: {  	v33 =	vand.u32 $0x68, v56;
	v61 =	vshll.u32 v60, $0x6;
	v53 =	vor.u32 s28, v6;
	[tilespmem:v28+s21+$0x0] =	vst.idx.msk $0xffff, v29  }
0x100: {  	v37 =	vand.u32 $0x68, v60;
	v35 =	vor.u32 v24, v58;
	v54 =	vshll.u32 v53, $0x6;
	v29 =	vld.idx.msk [tilespmem:v34+s16+$0x0], $0xffff  }
0x101: {  	v28 =	vor.u32 v32, v25;
	[tilespmem:v27+s21+$0x0] =	vst.idx.msk $0xffff, v26;
	v26 =	vor.u32 v5, v31;
	v27 =	vand.u32 $0x78, v59  }
0x102: {  	v35 =	vor.u32 v1, v35;
	v36 =	vor.u32 v24, v54;
	v30 =	vld.idx.msk [tilespmem:v30+s16+$0x0], $0xffff;
	v27 =	vor.u32 v27, v26  }
0x103: {  	v52 =	vshll.u32 v62, $0x6;
	v55 =	vor.u32 s1, v10;
	v36 =	vor.u32 v1, v36  }
0x104: {  	v40 =	vand.u32 $0x68, v62;
	v60 =	vor.u32 s1, v15;
	v62 =	vor.u32 s28, v10  }
0x105: {  	v43 =	vand.u32 $0x68, v51;
	v38 =	vor.u32 v24, v61;
	v56 =	vshll.u32 v55, $0x6  }
0x106: {  	v41 =	vand.u32 $0x68, v55;
	v58 =	vor.u32 s28, v8;
	[tilespmem:v28+s21+$0x0] =	vst.idx.msk $0xffff, v29;
	v28 =	vor.u32 v33, v26  }
0x107: {  	v59 =	vshll.u32 v58, $0x6;
	v35 =	vld.idx.msk [tilespmem:v35+s16+$0x0], $0xffff;
	[tilespmem:v27+s21+$0x0] =	vst.idx.msk $0xffff, v30;
	v27 =	vor.u32 v7, v31;
	v30 =	vand.u32 $0x78, v53  }
0x108: {  	v63 =	vor.u32 v1, v38;
	v38 =	vor.u32 v24, v59;
	v36 =	vld.idx.msk [tilespmem:v36+s16+$0x0], $0xffff;
	v30 =	vor.u32 v30, v27  }
0x109: {  	v61 =	vor.u32 s1, v14;
	v48 =	vshll.u32 v62, $0x6;
	v38 =	vor.u32 v1, v38  }
0x10a: {  	v44 =	vand.u32 $0x78, v62;
	v42 =	vor.u32 v24, v56;
	v34 =	vor.u32 v24, v52  }
0x10b: {  	v49 =	vor.u32 v24, v48;
	v54 =	vor.u32 s28, v12;
	v34 =	vor.u32 v1, v34  }
0x10c: {  	v56 =	vor.u32 s1, v18;
	v43 =	vor.u32 v43, v25;
	[tilespmem:v28+s21+$0x0] =	vst.idx.msk $0xffff, v35;
	v28 =	vor.u32 v9, v31  }
0x10d: {  	v29 =	vor.u32 s1, v12;
	v37 =	vor.u32 v37, v27;
	v32 =	vld.idx.msk [tilespmem:v63+s16+$0x0], $0xffff;
	[tilespmem:v30+s21+$0x0] =	vst.idx.msk $0xffff, v36;
	v30 =	vand.u32 $0x78, v58  }
0x10e: {  	v33 =	vor.u32 v1, v42;
	v57 =	vshll.u32 v29, $0x6;
	v38 =	vld.idx.msk [tilespmem:v38+s16+$0x0], $0xffff;
	v30 =	vor.u32 v30, v28  }
0x10f: {  	v45 =	vand.u32 $0x68, v29;
	v29 =	vshll.u32 v60, $0x6;
	v36 =	vor.u32 v1, v49  }
0x110: {  	v59 =	vand.u32 $0x68, v56;
	v42 =	vor.u32 v24, v57;
	v29 =	vor.u32 v24, v29  }
0x111: {  	v46 =	vor.u32 v59, v26;
	v52 =	vor.u32 v1, v29;
	v63 =	vshll.u32 v61, $0x6  }
0x112: {  	v55 =	vshll.u32 v54, $0x6;
	v40 =	vor.u32 v40, v28;
	v29 =	vor.u32 v24, v63;
	[tilespmem:v37+s21+$0x0] =	vst.idx.msk $0xffff, v32  }
0x113: {  	v48 =	vor.u32 v1, v29;
	v29 =	vor.u32 v11, v31;
	v34 =	vld.idx.msk [tilespmem:v34+s16+$0x0], $0xffff;
	[tilespmem:v30+s21+$0x0] =	vst.idx.msk $0xffff, v38  }
0x114: {  	v50 =	vor.u32 v1, v42;
	v57 =	vor.u32 v44, v29;
	v30 =	vor.u32 v24, v55;
	v36 =	vld.idx.msk [tilespmem:v36+s16+$0x0], $0xffff  }
0x115: {  	v42 =	vand.u32 $0x68, v61;
	v53 =	vshll.u32 v51, $0x6;
	v58 =	vor.u32 v1, v30  }
0x116: {  	v42 =	vor.u32 v42, v39;
	v35 =	vand.u32 $0x68, v60;
	v30 =	vor.u32 v24, v53  }
0x117: {  	v51 =	vor.u32 s28, v15;
	v49 =	vor.u32 v1, v30;
	v30 =	vshll.u32 v56, $0x6  }
0x118: {  	v41 =	vor.u32 v41, v29;
	v37 =	vand.u32 $0x78, v54;
	[tilespmem:v40+s21+$0x0] =	vst.idx.msk $0xffff, v34;
	v30 =	vor.u32 v24, v30  }
0x119: {  	v33 =	vld.idx.msk [tilespmem:v33+s16+$0x0], $0xffff;
	v47 =	vor.u32 v1, v30;
	v30 =	vor.u32 v13, v31;
	[tilespmem:v57+s21+$0x0] =	vst.idx.msk $0xffff, v36  }
0x11a: {  	v60 =	vor.u32 s1, v19;
	v62 =	vshll.u32 v51, $0x6;
	v37 =	vor.u32 v37, v30;
	v44 =	vld.idx.msk [tilespmem:v58+s16+$0x0], $0xffff  }
0x11b: {  	v61 =	vshll.u32 v60, $0x6;
	v63 =	vor.u32 s1, v20;
	v56 =	vor.u32 v24, v62  }
0x11c: {  	v59 =	vshll.u32 v63, $0x6;
	v62 =	vor.u32 s1, v21;
	v54 =	vor.u32 v1, v56  }
0x11d: {  	v56 =	vor.u32 s1, v23;
	v31 =	vor.u32 v16, v31;
	v53 =	vor.u32 v45, v30  }
0x11e: {  	v57 =	vand.u32 $0x68, v60;
	v60 =	vor.u32 v24, v59;
	[tilespmem:v41+s21+$0x0] =	vst.idx.msk $0xffff, v33;
	v41 =	vor.u32 s28, v14  }
0x11f: {  	v58 =	vor.u32 v24, v61;
	v40 =	vor.u32 v57, v27;
	[tilespmem:v37+s21+$0x0] =	vst.idx.msk $0xffff, v44;
	v44 =	vld.idx.msk [tilespmem:v50+s16+$0x0], $0xffff  }
0x120: {  	v38 =	vor.u32 v1, v60;
	v61 =	vand.u32 $0x68, v63;
	v63 =	vshll.u32 v62, $0x6  }
0x121: {  	v57 =	vand.u32 $0x78, v51;
	v60 =	vor.u32 s1, v22;
	v51 =	vor.u32 s28, v17  }
0x122: {  	v45 =	vor.u32 v1, v58;
	v36 =	vor.u32 v61, v28;
	v58 =	vshll.u32 v41, $0x6  }
0x123: {  	v33 =	vor.u32 v57, v31;
	v32 =	vor.u32 v24, v63;
	v59 =	vor.u32 v24, v58;
	v54 =	vld.idx.msk [tilespmem:v54+s16+$0x0], $0xffff  }
0x124: {  	v61 =	vand.u32 $0x68, v62;
	v62 =	vshll.u32 v60, $0x6;
	v55 =	vor.u32 v1, v59;
	[tilespmem:v53+s21+$0x0] =	vst.idx.msk $0xffff, v44  }
0x125: {  	v41 =	vand.u32 $0x78, v41;
	v63 =	vor.u32 v24, v62;
	v50 =	vor.u32 v35, v31;
	v53 =	vld.idx.msk [tilespmem:v52+s16+$0x0], $0xffff  }
0x126: {  	v60 =	vand.u32 $0x68, v60;
	v41 =	vor.u32 v41, v39;
	v34 =	vor.u32 v1, v63  }
0x127: {  	v37 =	vor.u32 v1, v32;
	v35 =	vor.u32 v61, v29;
	v61 =	vshll.u32 v56, $0x6  }
0x128: {  	v63 =	vshll.u32 v51, $0x6;
	v32 =	vor.u32 v60, v30;
	v62 =	vor.u32 v24, v61;
	[tilespmem:v33+s21+$0x0] =	vst.idx.msk $0xffff, v54  }
0x129: {  	s26 =	sor.u32 $0x1, s26;
	s31 =	simm.s32 $0x20;
	s30 =	simm.s32 $0x0;
	v44 =	vand.u32 $0x68, v56;
	v33 =	vor.u32 v1, v62;
	v54 =	vor.u32 v24, v63;
	v52 =	vld.idx.msk [tilespmem:v55+s16+$0x0], $0xffff  }
.LBB2_8:
0x12a: {  	s1 =	sand.u32 $0x60, s31;
	s30 =	sadd.s32 $0x2, s30;
	[tilespmem:v50+s21+$0x0] =	vst.idx.msk $0xffff, v53;
	v39 =	vor.u32 v44, v31;
	v44 =	vor.u32 v1, v54;
	s29 =	sadd.s32 $0x4, s29  }
0x12b: {  	s8 =	sand.u32 $0x30, s29;
	v50 =	vor.u32 s1, v0;
	v53 =	vor.u32 s1, v2;
	v54 =	vor.u32 s1, v4;
	s2 =	sor.u32 $0x10, s1;
	p1 =	slt.u32 s30, $0x1E;
	v55 =	vld.idx.msk [tilespmem:v48+s16+$0x0], $0xffff  }
0x12c: {  	v56 =	vor.u32 s8, v0;
	v57 =	vshll.u32 v50, $0x6;
	v58 =	vor.u32 s2, v0  }
0x12d: {  	v50 =	vand.u32 $0x68, v50;
	v48 =	vand.u32 $0x38, v56;
	v59 =	vshll.u32 v58, $0x6  }
0x12e: {  	v57 =	vor.u32 v48, v57;
	v59 =	vor.u32 v48, v59;
	[tilespmem:v41+s21+$0x0] =	vst.idx.msk $0xffff, v52;
	v52 =	vor.u32 s28, v18  }
0x12f: {  	v41 =	vand.u32 $0x78, v51;
	v59 =	vor.u32 v1, v59;
	v60 =	vld.idx.msk [tilespmem:v44+s16+$0x0], $0xffff;
	v44 =	vshll.u32 v52, $0x6  }
0x130: {  	v51 =	vor.u32 v1, v57;
	v25 =	vor.u32 v41, v25;
	v41 =	vor.u32 v24, v44  }
0x131: {  	v44 =	vshll.u32 v53, $0x6;
	v53 =	vand.u32 $0x68, v53;
	[tilespmem:v42+s21+$0x0] =	vst.idx.msk $0xffff, v55;
	v42 =	vor.u32 v1, v41  }
0x132: {  	v57 =	vor.u32 s1, v6;
	v41 =	vor.u32 v48, v44;
	v55 =	vshll.u32 v54, $0x6;
	v49 =	vld.idx.msk [tilespmem:v49+s16+$0x0], $0xffff  }
0x133: {  	v61 =	vor.u32 s2, v2;
	v44 =	vshll.u32 v56, $0x7;
	v56 =	vor.u32 v1, v41  }
0x134: {  	v58 =	vand.u32 $0x78, v58;
	v62 =	vshll.u32 v61, $0x6;
	v41 =	vor.u32 v1, v44;
	v59 =	vld.idx.msk [tilespmem:v59+s16+$0x0], $0xffff  }
0x135: {  	v62 =	vor.u32 v48, v62;
	v58 =	vor.u32 v58, v41;
	[tilespmem:v25+s21+$0x0] =	vst.idx.msk $0xffff, v60;
	v60 =	vor.u32 s28, v19  }
0x136: {  	v62 =	vor.u32 v1, v62;
	v25 =	vand.u32 $0x78, v52;
	v42 =	vld.idx.msk [tilespmem:v42+s16+$0x0], $0xffff;
	v52 =	vshll.u32 v60, $0x6  }
0x137: {  	v50 =	vor.u32 v50, v41;
	v26 =	vor.u32 v25, v26;
	v51 =	vld.idx.msk [tilespmem:v51+s16+$0x0], $0xffff;
	v25 =	vor.u32 v24, v52  }
0x138: {  	v54 =	vand.u32 $0x68, v54;
	v52 =	vor.u32 v48, v55;
	[tilespmem:v43+s21+$0x0] =	vst.idx.msk $0xffff, v49;
	v43 =	vor.u32 v1, v25  }
0x139: {  	v49 =	vor.u32 v1, v52;
	v25 =	vshll.u32 v57, $0x6;
	v52 =	vor.u32 s1, v8;
	v47 =	vld.idx.msk [tilespmem:v47+s16+$0x0], $0xffff  }
0x13a: {  	v57 =	vand.u32 $0x68, v57;
	v55 =	vor.u32 v48, v25;
	[tilespmem:v58+s21+$0x0] =	vst.idx.msk $0xffff, v59;
	v58 =	vor.u32 s2, v4  }
0x13b: {  	v61 =	vand.u32 $0x78, v61;
	v25 =	vor.u32 v3, v44;
	v59 =	vld.idx.msk [tilespmem:v62+s16+$0x0], $0xffff;
	v62 =	vshll.u32 v58, $0x6  }
0x13c: {  	v61 =	vor.u32 v61, v25;
	v62 =	vor.u32 v48, v62;
	[tilespmem:v26+s21+$0x0] =	vst.idx.msk $0xffff, v42;
	v42 =	vor.u32 s28, v20  }
0x13d: {  	v26 =	vand.u32 $0x78, v60;
	[tilespmem:v50+s21+$0x0] =	vst.idx.msk $0xffff, v51;
	v50 =	vor.u32 v1, v62;
	v43 =	vld.idx.msk [tilespmem:v43+s16+$0x0], $0xffff;
	v51 =	vshll.u32 v42, $0x6  }
0x13e: {  	v53 =	vor.u32 v53, v25;
	v27 =	vor.u32 v26, v27;
	v56 =	vld.idx.msk [tilespmem:v56+s16+$0x0], $0xffff;
	v26 =	vor.u32 v24, v51  }
0x13f: {  	v51 =	vor.u32 v1, v55;
	v55 =	vshll.u32 v52, $0x6;
	[tilespmem:v46+s21+$0x0] =	vst.idx.msk $0xffff, v47;
	v46 =	vor.u32 v1, v26  }
0x140: {  	v26 =	vor.u32 v48, v55;
	v47 =	vand.u32 $0x68, v52;
	v52 =	vor.u32 s1, v10;
	v45 =	vld.idx.msk [tilespmem:v45+s16+$0x0], $0xffff  }
0x141: {  	v55 =	vor.u32 v1, v26;
	v60 =	vshll.u32 v52, $0x6;
	[tilespmem:v61+s21+$0x0] =	vst.idx.msk $0xffff, v59;
	v59 =	vor.u32 s2, v6  }
0x142: {  	v58 =	vand.u32 $0x78, v58;
	v26 =	vor.u32 v5, v44;
	v50 =	vld.idx.msk [tilespmem:v50+s16+$0x0], $0xffff;
	v61 =	vshll.u32 v59, $0x6  }
0x143: {  	v58 =	vor.u32 v58, v26;
	v61 =	vor.u32 v48, v61;
	[tilespmem:v27+s21+$0x0] =	vst.idx.msk $0xffff, v43;
	v43 =	vor.u32 s28, v21  }
0x144: {  	v27 =	vand.u32 $0x78, v42;
	[tilespmem:v53+s21+$0x0] =	vst.idx.msk $0xffff, v56;
	v53 =	vor.u32 v1, v61;
	v46 =	vld.idx.msk [tilespmem:v46+s16+$0x0], $0xffff;
	v42 =	vshll.u32 v43, $0x6  }
0x145: {  	v54 =	vor.u32 v54, v26;
	v28 =	vor.u32 v27, v28;
	v49 =	vld.idx.msk [tilespmem:v49+s16+$0x0], $0xffff;
	v27 =	vor.u32 v24, v42  }
0x146: {  	v56 =	vor.u32 s1, v12;
	v42 =	vor.u32 v48, v60;
	[tilespmem:v40+s21+$0x0] =	vst.idx.msk $0xffff, v45;
	v40 =	vor.u32 v1, v27  }
0x147: {  	v52 =	vand.u32 $0x68, v52;
	v45 =	vor.u32 v1, v42;
	v27 =	vshll.u32 v56, $0x6;
	v38 =	vld.idx.msk [tilespmem:v38+s16+$0x0], $0xffff  }
0x148: {  	v60 =	vor.u32 s1, v15;
	v42 =	vor.u32 v48, v27;
	[tilespmem:v58+s21+$0x0] =	vst.idx.msk $0xffff, v50;
	v50 =	vor.u32 s2, v8  }
0x149: {  	v27 =	vor.u32 v7, v44;
	v58 =	vand.u32 $0x78, v59;
	v53 =	vld.idx.msk [tilespmem:v53+s16+$0x0], $0xffff;
	v59 =	vshll.u32 v50, $0x6  }
0x14a: {  	v58 =	vor.u32 v58, v27;
	v59 =	vor.u32 v48, v59;
	[tilespmem:v28+s21+$0x0] =	vst.idx.msk $0xffff, v46;
	v46 =	vor.u32 s28, v22  }
0x14b: {  	v28 =	vand.u32 $0x78, v43;
	[tilespmem:v54+s21+$0x0] =	vst.idx.msk $0xffff, v49;
	v49 =	vor.u32 v1, v59;
	v40 =	vld.idx.msk [tilespmem:v40+s16+$0x0], $0xffff;
	v43 =	vshll.u32 v46, $0x6  }
0x14c: {  	v54 =	vor.u32 v57, v27;
	v29 =	vor.u32 v28, v29;
	v51 =	vld.idx.msk [tilespmem:v51+s16+$0x0], $0xffff;
	v28 =	vor.u32 v24, v43  }
0x14d: {  	v56 =	vand.u32 $0x68, v56;
	v57 =	vor.u32 v1, v42;
	[tilespmem:v36+s21+$0x0] =	vst.idx.msk $0xffff, v38;
	v36 =	vor.u32 v1, v28  }
0x14e: {  	v59 =	vand.u32 $0x68, v60;
	v28 =	vshll.u32 v60, $0x6;
	v38 =	vor.u32 s1, v14;
	v37 =	vld.idx.msk [tilespmem:v37+s16+$0x0], $0xffff  }
0x14f: {  	v42 =	vor.u32 v48, v28;
	v43 =	vshll.u32 v38, $0x6;
	[tilespmem:v58+s21+$0x0] =	vst.idx.msk $0xffff, v53;
	v53 =	vor.u32 s2, v10  }
0x150: {  	v50 =	vand.u32 $0x78, v50;
	v28 =	vor.u32 v9, v44;
	v49 =	vld.idx.msk [tilespmem:v49+s16+$0x0], $0xffff;
	v58 =	vshll.u32 v53, $0x6  }
0x151: {  	v50 =	vor.u32 v50, v28;
	v58 =	vor.u32 v48, v58;
	[tilespmem:v29+s21+$0x0] =	vst.idx.msk $0xffff, v40;
	v40 =	vor.u32 s28, v23;
	s28 =	smov.u32 s2  }
0x152: {  	v29 =	vand.u32 $0x78, v46;
	[tilespmem:v54+s21+$0x0] =	vst.idx.msk $0xffff, v51;
	v51 =	vor.u32 v1, v58;
	v36 =	vld.idx.msk [tilespmem:v36+s16+$0x0], $0xffff;
	v46 =	vshll.u32 v40, $0x6  }
0x153: {  	v47 =	vor.u32 v47, v28;
	v30 =	vor.u32 v29, v30;
	v54 =	vld.idx.msk [tilespmem:v55+s16+$0x0], $0xffff;
	v46 =	vor.u32 v24, v46  }
0x154: {  	v29 =	vor.u32 v48, v43;
	v55 =	vor.u32 v1, v42;
	v24 =	vmovc v48;
	v43 =	vor.u32 v1, v46  }
0x155: {  	v48 =	vor.u32 v1, v29;
	v29 =	vand.u32 $0x68, v38;
	v38 =	vor.u32 s1, v17;
	[tilespmem:v35+s21+$0x0] =	vst.idx.msk $0xffff, v37  }
0x156: {  	v42 =	vor.u32 v29, v41;
	v35 =	vshll.u32 v38, $0x6;
	v37 =	vor.u32 s28, v12;
	[tilespmem:v50+s21+$0x0] =	vst.idx.msk $0xffff, v49;
	v34 =	vld.idx.msk [tilespmem:v34+s16+$0x0], $0xffff  }
0x157: {  	v29 =	vor.u32 v11, v44;
	v49 =	vand.u32 $0x78, v53;
	v50 =	vshll.u32 v37, $0x6;
	v46 =	vld.idx.msk [tilespmem:v51+s16+$0x0], $0xffff  }
0x158: {  	v51 =	vor.u32 s1, v18;
	v53 =	vor.u32 v49, v29;
	v49 =	vor.u32 v24, v50;
	[tilespmem:v30+s21+$0x0] =	vst.idx.msk $0xffff, v36  }
0x159: {  	v40 =	vand.u32 $0x78, v40;
	v30 =	vand.u32 $0x68, v38;
	v36 =	vor.u32 v1, v49;
	[tilespmem:v47+s21+$0x0] =	vst.idx.msk $0xffff, v54;
	v38 =	vld.idx.msk [tilespmem:v43+s16+$0x0], $0xffff  }
0x15a: {  	v31 =	vor.u32 v40, v31;
	v35 =	vor.u32 v24, v35;
	v50 =	vor.u32 v52, v29;
	v45 =	vld.idx.msk [tilespmem:v45+s16+$0x0], $0xffff  }
0x15b: {  	v49 =	vor.u32 v1, v35;
	v43 =	vor.u32 v30, v25;
	v30 =	vshll.u32 v51, $0x6  }
0x15c: {  	v40 =	vor.u32 s1, v19;
	v35 =	vand.u32 $0x68, v51;
	v30 =	vor.u32 v24, v30;
	[tilespmem:v32+s21+$0x0] =	vst.idx.msk $0xffff, v34  }
0x15d: {  	v47 =	vor.u32 v1, v30;
	v32 =	vshll.u32 v40, $0x6;
	v34 =	vor.u32 s28, v15;
	[tilespmem:v53+s21+$0x0] =	vst.idx.msk $0xffff, v46;
	v33 =	vld.idx.msk [tilespmem:v33+s16+$0x0], $0xffff  }
0x15e: {  	v30 =	vor.u32 v13, v44;
	v51 =	vld.idx.msk [tilespmem:v36+s16+$0x0], $0xffff;
	v36 =	vand.u32 $0x78, v37;
	v37 =	vshll.u32 v34, $0x6  }
0x15f: {  	v52 =	vor.u32 s1, v20;
	v53 =	vor.u32 v36, v30;
	v36 =	vor.u32 v24, v37;
	[tilespmem:v31+s21+$0x0] =	vst.idx.msk $0xffff, v38  }
0x160: {  	v37 =	vor.u32 v56, v30;
	v31 =	vand.u32 $0x68, v40;
	[tilespmem:v50+s21+$0x0] =	vst.idx.msk $0xffff, v45;
	v50 =	vor.u32 v1, v36  }
0x161: {  	v46 =	vor.u32 v35, v26;
	v32 =	vor.u32 v24, v32;
	v35 =	vshll.u32 v52, $0x6;
	v54 =	vld.idx.msk [tilespmem:v57+s16+$0x0], $0xffff  }
0x162: {  	v45 =	vor.u32 v1, v32;
	v40 =	vor.u32 v31, v27;
	v31 =	vor.u32 v24, v35  }
0x163: {  	v32 =	vor.u32 s1, v21;
	v38 =	vor.u32 v1, v31;
	v31 =	vand.u32 $0x68, v52;
	[tilespmem:v39+s21+$0x0] =	vst.idx.msk $0xffff, v33  }
0x164: {  	v36 =	vor.u32 v31, v28;
	v33 =	vshll.u32 v32, $0x6;
	v39 =	vor.u32 s28, v14;
	[tilespmem:v53+s21+$0x0] =	vst.idx.msk $0xffff, v51  }
0x165: {  	v34 =	vand.u32 $0x78, v34;
	v31 =	vor.u32 v16, v44;
	v35 =	vshll.u32 v39, $0x6;
	v44 =	vld.idx.msk [tilespmem:v50+s16+$0x0], $0xffff  }
0x166: {  	v51 =	vor.u32 v34, v31;
	v50 =	vor.u32 v59, v31;
	v34 =	vor.u32 v24, v35  }
0x167: {  	v52 =	vor.u32 s1, v22;
	v33 =	vor.u32 v24, v33;
	[tilespmem:v37+s21+$0x0] =	vst.idx.msk $0xffff, v54;
	v54 =	vor.u32 v1, v34  }
0x168: {  	v32 =	vand.u32 $0x68, v32;
	v37 =	vor.u32 v1, v33;
	v33 =	vshll.u32 v52, $0x6;
	v53 =	vld.idx.msk [tilespmem:v55+s16+$0x0], $0xffff  }
.Ltmp5:
0x169: {  	v35 =	vor.u32 v32, v29;
	v32 =	vor.u32 v24, v33;
	v55 =	vor.u32 s1, v23;
	(pc) =	sbr.rel @p1 .LBB2_8-.Ltmp5, $4  }
0x16a: {  	v34 =	vor.u32 v1, v32;
	v32 =	vand.u32 $0x68, v52;
	v33 =	vshll.u32 v55, $0x6  }
0x16b: {  	v32 =	vor.u32 v32, v30;
	v33 =	vor.u32 v24, v33;
	[tilespmem:v51+s21+$0x0] =	vst.idx.msk $0xffff, v44;
	v51 =	vor.u32 s28, v17  }
0x16c: {  	v39 =	vand.u32 $0x78, v39;
	v33 =	vor.u32 v1, v33;
	v52 =	vld.idx.msk [tilespmem:v54+s16+$0x0], $0xffff;
	v54 =	vshll.u32 v51, $0x6  }
0x16d: {  	s31 =	sadd.s32 $0x20, s31;
	v41 =	vor.u32 v39, v41;
	v44 =	vand.u32 $0x68, v55;
	v54 =	vor.u32 v24, v54  }
0x16e: {  	_ =	sdelay $0x3  }
0x16f: {  	[tilespmem:v50+s21+$0x0] =	vst.idx.msk $0xffff, v53  }
0x170: {  	v39 =	vor.u32 v1, v54;
	v48 =	vld.idx.msk [tilespmem:v48+s16+$0x0], $0xffff;
	_ =	sdelay $0x2  }
0x171: {  	v63 =	vor.u32 s28, v18  }
0x172: {  	v54 =	vand.u32 $0x78, v51;
	v55 =	vshll.u32 v63, $0x6;
	[tilespmem:v41+s21+$0x0] =	vst.idx.msk $0xffff, v52  }
0x173: {  	v25 =	vor.u32 v54, v25;
	v56 =	vor.u32 v24, v55;
	v39 =	vld.idx.msk [tilespmem:v39+s16+$0x0], $0xffff;
	[tilespmem:v42+s21+$0x0] =	vst.idx.msk $0xffff, v48  }
0x174: {  	v41 =	vor.u32 v1, v56;
	v42 =	vld.idx.msk [tilespmem:v49+s16+$0x0], $0xffff;
	_ =	sdelay $0x2  }
0x175: {  	v57 =	vor.u32 s28, v19  }
0x176: {  	v58 =	vand.u32 $0x78, v63;
	v59 =	vshll.u32 v57, $0x6;
	[tilespmem:v25+s21+$0x0] =	vst.idx.msk $0xffff, v39  }
0x177: {  	v60 =	vor.u32 v24, v59;
	v25 =	vor.u32 v58, v26;
	v41 =	vld.idx.msk [tilespmem:v41+s16+$0x0], $0xffff;
	[tilespmem:v43+s21+$0x0] =	vst.idx.msk $0xffff, v42  }
0x178: {  	v26 =	vor.u32 v1, v60;
	v61 =	vld.idx.msk [tilespmem:v47+s16+$0x0], $0xffff;
	_ =	sdelay $0x2  }
0x179: {  	v62 =	vor.u32 s28, v20  }
0x17a: {  	v63 =	vand.u32 $0x78, v57;
	v47 =	vshll.u32 v62, $0x6;
	[tilespmem:v25+s21+$0x0] =	vst.idx.msk $0xffff, v41  }
0x17b: {  	v48 =	vor.u32 v24, v47;
	v25 =	vor.u32 v63, v27;
	v26 =	vld.idx.msk [tilespmem:v26+s16+$0x0], $0xffff;
	[tilespmem:v46+s21+$0x0] =	vst.idx.msk $0xffff, v61  }
0x17c: {  	v27 =	vor.u32 v1, v48;
	v39 =	vld.idx.msk [tilespmem:v45+s16+$0x0], $0xffff;
	_ =	sdelay $0x2  }
0x17d: {  	v49 =	vor.u32 s28, v21  }
0x17e: {  	v50 =	vand.u32 $0x78, v62;
	v51 =	vshll.u32 v49, $0x6;
	[tilespmem:v25+s21+$0x0] =	vst.idx.msk $0xffff, v26  }
0x17f: {  	v25 =	vor.u32 v50, v28;
	v26 =	vor.u32 v24, v51;
	v27 =	vld.idx.msk [tilespmem:v27+s16+$0x0], $0xffff;
	[tilespmem:v40+s21+$0x0] =	vst.idx.msk $0xffff, v39  }
0x180: {  	v26 =	vor.u32 v1, v26;
	v52 =	vld.idx.msk [tilespmem:v38+s16+$0x0], $0xffff;
	_ =	sdelay $0x2  }
0x181: {  	v53 =	vor.u32 s28, v22  }
0x182: {  	v55 =	vshll.u32 v53, $0x6;
	v54 =	vand.u32 $0x78, v49;
	[tilespmem:v25+s21+$0x0] =	vst.idx.msk $0xffff, v27  }
0x183: {  	v25 =	vor.u32 v54, v29;
	v27 =	vor.u32 v24, v55;
	v26 =	vld.idx.msk [tilespmem:v26+s16+$0x0], $0xffff;
	[tilespmem:v36+s21+$0x0] =	vst.idx.msk $0xffff, v52  }
0x184: {  	v27 =	vor.u32 v1, v27;
	v28 =	vld.idx.msk [tilespmem:v37+s16+$0x0], $0xffff;
	_ =	sdelay $0x2  }
0x185: {  	v56 =	vor.u32 s28, v23  }
0x186: {  	v57 =	vand.u32 $0x78, v53;
	v58 =	vshll.u32 v56, $0x6;
	[tilespmem:v25+s21+$0x0] =	vst.idx.msk $0xffff, v26  }
0x187: {  	v59 =	vor.u32 v24, v58;
	v25 =	vor.u32 v57, v30;
	v27 =	vld.idx.msk [tilespmem:v27+s16+$0x0], $0xffff;
	[tilespmem:v35+s21+$0x0] =	vst.idx.msk $0xffff, v28  }
0x188: {  	v24 =	vor.u32 v1, v59;
	v60 =	vld.idx.msk [tilespmem:v34+s16+$0x0], $0xffff;
	_ =	sdelay $0x3  }
0x189: {  	v61 =	vand.u32 $0x78, v56;
	[tilespmem:v25+s21+$0x0] =	vst.idx.msk $0xffff, v27  }
0x18a: {  	v25 =	vor.u32 v61, v31;
	v24 =	vld.idx.msk [tilespmem:v24+s16+$0x0], $0xffff;
	[tilespmem:v32+s21+$0x0] =	vst.idx.msk $0xffff, v60  }
0x18b: {  	v62 =	vor.u32 v44, v31;
	v63 =	vld.idx.msk [tilespmem:v33+s16+$0x0], $0xffff  }
0x18c: {  	s1 =	sadd.s32 s5, s26  }
.Ltmp6:
0x18d: {  	s2 =	sshll.u32 s1, $0x4;
	(pc) =	sbr.rel @p0 .LBB2_11-.Ltmp6, $4  }
0x18e: {  	s1 =	sshll.u32 s1, $0xA;
	s2 =	sand.u32 $0x1F0, s2  }
0x18f: {  	s1 =	sand.u32 $0xFFF8000, s1;
	s2 =	sadd.s32 s6, s2;
	[tilespmem:v25+s21+$0x0] =	vst.idx.msk $0xffff, v24  }
0x190: {  	s1 =	sadd.s32 s1, s2;
	[tilespmem:v62+s21+$0x0] =	vst.idx.msk $0xffff, v63  }
0x191: {  	[hbm4b:s1+s13] =	stream.strided.scatter [tilespmem:s21], [sflag:$0x4], $0x2000, s19, s13, $0x38;
	[tilespmem:$0x8100] =	vst v63  }
.Ltmp7:
0x192: {  	(pc) =	sbr.rel .LBB2_2-.Ltmp7, $4  }
0x193: {  	_ =	swait.ge [sflag:s15], $0x80  }
0x194: {  	[sflag:s15] =	ssyncset.done $0x0  }
0x195: {  	s25 =	sadd.s32 $0x1, s25;
	[sflag:s15] =	ssyncadd.s32 $0xFFFFFF80  }
0x196: {  	[tilespmem:s16], [sflag:$0x2] =	stream.indirect.gather [hbm4b:s4+s13], $0x40, s13, s13, $0xb8;
	[tilespmem:$0x8100] =	vst v63  }
.LBB2_12:
0x197: {  	_ =	sfence.sel $0x180000  }
0x198: {  	[bflag:$0x0] =	sbarrier.arrive $0xFFFF  }
0x199: {  	_ =	strace $0x9000004A  }
0x19a: {  	s0 =	stileid.u32;
	[bflag:$0x2] =	sbarrier.arrive $0xFFFF  }
0x19b: {  	p0 =	sne.s32 s0, $0x0;
	s0 =	rddreg [dreg:$0x2]  }
0x19c: {  	s0 =	sadd.s32 @!p0 $0x100000, s0  }
0x19d: {  	[sflag:s0] =	ssyncadd.tile.s32 @!p0 $0x1;
	_ =	shalt  }
.Lfunc_end2:
_tile_overlayer_lowered:
.L_overlay_start_2:
0x19e: {  	(tag) =	ssettag $0x2  }
0x19f: {  	s0 =	rddreg [dreg:$0x0];
	s2 =	stileid.u32  }
0x1a0: {  	s1 =	rddreg [dreg:$0x1];
	p0 =	sne.s32 s2, $0x0  }
0x1a1: {  	s3 =	rddreg [dreg:$0x2];
	[bflag:$0x3] =	sbarrier.arrive $0xFFFF;
	s2 =	simm.s32 @!p0 $0x1C07  }
0x1a2: {  	[timem:s3], [sflag:s2] =	dma.local @!p0 [hbm:s0], s1  }
0x1a3: {  	s0 =	simm.s32 @!p0 $0x7  }
0x1a4: {  	_ =	swait.ge @!p0 [sflag:s0], s1  }
0x1a5: {  	s1 =	ssub.s32 @!p0 $0x0, s1;
	[sflag:s0] =	ssyncset.done @!p0 $0x0  }
0x1a6: {  	[sflag:s0] =	ssyncadd.s32 @!p0 s1  }
0x1a7: {  	[bflag:$0x3] =	sbarrier.arrive $0xFFFF  }
0x1a8: {  	_ =	shalt  }

</sc_bundles>
